<compile_context>
chip_gen: v7x
topology: tpu7x:2x2x1
jax: 0.10.2.dev20260603
libtpu: 0.0.44.dev20260713+nightly
codegen_flags: <defaults>
</compile_context>

<pallas_src>
import functools

import jax
import jax.numpy as jnp
from jax import lax
from jax.experimental import pallas as pl
from jax.experimental.pallas import tpu as pltpu
from jax.experimental.pallas import tpu_sc as plsc

_NUM_CORES = 2
_NUM_SUBCORES = 16
_NW = _NUM_CORES * _NUM_SUBCORES
_LANES = 16
_CB = 16
_K = 49


@functools.lru_cache(maxsize=None)
def _emb_lookup(n, d):
    assert d == 16 and n % 128 == 0
    n_cols = n // 128
    per_w = _CB * _K
    span = n_cols - per_w
    cpe = _CB * 128
    half = _CB * 1024
    mesh = plsc.VectorSubcoreMesh(core_axis_name="c", subcore_axis_name="s")

    @functools.partial(
        pl.kernel,
        out_type=jax.ShapeDtypeStruct((n * d,), jnp.float32),
        mesh=mesh,
        scratch_types=(
            [pltpu.VMEM((cpe,), jnp.int32) for _ in range(2)]
            + [pltpu.VMEM((half,), jnp.float32) for _ in range(4)]
            + [pltpu.VMEM((32 * d,), jnp.float32)]
            + [pltpu.SemaphoreType.DMA for _ in range(6)]
        ),
        compiler_params=pltpu.CompilerParams(use_tc_tiling_on_sc=False, needs_layout_passes=False),
    )
    def k(idx_hbm, tblt_hbm, out_hbm, *scratch):
        idx_v = scratch[0:2]
        out_v = (scratch[2:4], scratch[4:6])
        tbl_v = scratch[6]
        sem_a = scratch[7:9]
        sem_c = (scratch[9:11], scratch[11:13])
        wid = lax.axis_index("s") * _NUM_CORES + lax.axis_index("c")
        c_start = wid * span // (_NW - 1)
        pltpu.sync_copy(tblt_hbm, tbl_v)

        def a_copy(j, b):
            off = pl.multiple_of((c_start + j * _CB) * 128, 8)
            return pltpu.make_async_copy(
                idx_hbm.at[pl.ds(off, cpe)], idx_v[b], sem_a[b])

        def c_copy(j, b, r):
            off = pl.multiple_of(r * (n_cols * 1024) + (c_start + j * _CB) * 1024, 8)
            return pltpu.make_async_copy(
                out_v[b][r], out_hbm.at[pl.ds(off, half)], sem_c[b][r])

        def compute(b):
            @plsc.parallel_loop(0, _CB * 8, unroll=2)
            def group(g):
                o_base = (g >> 3) * 1024 + (g & 7) * _LANES
                idxv = idx_v[b][pl.ds(g * _LANES, _LANES)]
                for dd in range(d):
                    r, s = dd // 8, dd % 8
                    vals = plsc.load_gather(tbl_v, [idxv + (dd * 32)])
                    out_v[b][r][pl.ds(o_base + s * 128, _LANES)] = vals

        def step(j, b, do_anext, do_cwait):
            a_copy(j, b).wait()
            if do_anext:
                a_copy(j + 1, 1 - b).start()
            if do_cwait:
                c_copy(j - 2, b, 0).wait()
                c_copy(j - 2, b, 1).wait()
            compute(b)
            c_copy(j, b, 0).start()
            c_copy(j, b, 1).start()

        a_copy(0, 0).start()
        for j in range(3):
            step(j, j % 2, True, j >= 2)

        def body(p, carry):
            step(3 + 2 * p, 1, True, True)
            step(4 + 2 * p, 0, True, True)
            return carry

        n_pairs = (_K - 5) // 2
        lax.fori_loop(0, n_pairs, body, 0)
        for j in range(_K - 2, _K):
            step(j, j % 2, j + 1 < _K, True)
        for j in (_K - 2, _K - 1):
            c_copy(j, j % 2, 0).wait()
            c_copy(j, j % 2, 1).wait()

    return k


def kernel(bond_type, table):
    n = bond_type.shape[0]
    d = table.shape[1]
    tbl0 = table.at[0].set(jnp.zeros((d,), table.dtype))
    tblt = tbl0.T.reshape(-1)
    flat = _emb_lookup(n, d)(bond_type, tblt)
    a = flat.reshape(2, n // 128, 8, 128)
    return a.transpose(1, 3, 0, 2).reshape(n, d)

# --- scband reference (transcript-rebuilt; emitter-appended) ---
"""Pipeline reference for scband-edge-emb-41291815584465 (READ-ONLY COPY).

The authoritative reference and input builder live on the scoring server;
editing this copy changes nothing except your own understanding.
"""

import jax, jax.numpy as jnp
import numpy as np

N_EDGES = 3200000
MAX_EDGE_VALUE = 32
EDGE_EMB_SIZE = 16

def setup_inputs(seed: int = 0) -> dict:
    key = jax.random.key(seed)
    k_idx, k_tbl = jax.random.split(key)
    bond_type = jax.random.randint(k_idx, (N_EDGES,), 0, MAX_EDGE_VALUE, dtype=jnp.int64 if jax.config.jax_enable_x64 else jnp.int32)
    table = jax.random.normal(k_tbl, (MAX_EDGE_VALUE, EDGE_EMB_SIZE), dtype=jnp.float32)
    # padding_idx=0: the padding row is initialized to zeros in torch
    table = table.at[0].set(jnp.zeros((EDGE_EMB_SIZE,), dtype=jnp.float32))
    return {"bond_type": bond_type, "table": table}

def reference(bond_type, table):
    # EdgeEmb with emb_type='bond_type': edge_features = bond_type_emb(graph.bond_type)
    # padding_idx=0 semantics: row 0 contributes zeros and receives no gradient
    tbl = table.at[0].set(jnp.zeros_like(table[0]))
    edge_features = jnp.take(tbl, bond_type, axis=0)
    return edge_features

if __name__ == "__main__":
    import jax
    _d = setup_inputs()
    print(jax.jit(kernel)(*tuple(_d.values())))

</pallas_src>

<mosaic_0001>
#map = affine_map<(d0, d1) -> (0)>
module attributes {stable_mosaic.version = 14 : i64} {
  func.func @k(%arg0: i32, %arg1: i32, %arg2: memref<3200000xi32, #tpu.memory_space<hbm>>, %arg3: memref<512xf32, #tpu.memory_space<hbm>>, %arg4: memref<51200000xf32, #tpu.memory_space<hbm>>, %arg5: memref<2048xi32, #tpu.memory_space<vmem>>, %arg6: memref<2048xi32, #tpu.memory_space<vmem>>, %arg7: memref<16384xf32, #tpu.memory_space<vmem>>, %arg8: memref<16384xf32, #tpu.memory_space<vmem>>, %arg9: memref<16384xf32, #tpu.memory_space<vmem>>, %arg10: memref<16384xf32, #tpu.memory_space<vmem>>, %arg11: memref<512xf32, #tpu.memory_space<vmem>>, %arg12: memref<!tpu.dma_semaphore, #tpu.memory_space<semaphore_mem>>, %arg13: memref<!tpu.dma_semaphore, #tpu.memory_space<semaphore_mem>>, %arg14: memref<!tpu.dma_semaphore, #tpu.memory_space<semaphore_mem>>, %arg15: memref<!tpu.dma_semaphore, #tpu.memory_space<semaphore_mem>>, %arg16: memref<!tpu.dma_semaphore, #tpu.memory_space<semaphore_mem>>, %arg17: memref<!tpu.dma_semaphore, #tpu.memory_space<semaphore_mem>>) attributes {dimension_semantics = [#tpu.dimension_semantics<core_parallel>, #tpu.dimension_semantics<subcore_parallel>], iteration_bounds = array<i64: 2, 16>, scalar_prefetch = 0 : i64, scratch_operands = 13 : i64, tpu.core_type = #tpu.core_type<sc_vector_subcore>, window_params = [{transform_indices = #map}, {transform_indices = #map}, {transform_indices = #map}]} {
    %mul3A = arith.constant 2 : i32
    %mul3A_0 = arith.muli %arg1, %mul3A : i32
    %add3A = arith.addi %mul3A_0, %arg0 : i32
    %mul3A_1 = arith.constant 24216 : i32
    %mul3A_2 = arith.muli %add3A, %mul3A_1 : i32
    %jit3A = arith.constant 31 : i32
    %div3A = arith.divsi %mul3A_2, %jit3A : i32
    %sign3A = arith.constant 0 : i32
    %sign3A_3 = arith.cmpi sgt, %mul3A_2, %sign3A : i32
    %sign3A_4 = arith.extui %sign3A_3 : i1 to i32
    %sign3A_5 = arith.constant 0 : i32
    %sign3A_6 = arith.cmpi slt, %mul3A_2, %sign3A_5 : i32
    %sign3A_7 = arith.extui %sign3A_6 : i1 to i32
    %sign3A_8 = arith.subi %sign3A_4, %sign3A_7 : i32
    %sign3A_9 = arith.constant 0 : i32
    %sign3A_10 = arith.cmpi sgt, %jit3A, %sign3A_9 : i32
    %sign3A_11 = arith.extui %sign3A_10 : i1 to i32
    %sign3A_12 = arith.constant 0 : i32
    %sign3A_13 = arith.cmpi slt, %jit3A, %sign3A_12 : i32
    %sign3A_14 = arith.extui %sign3A_13 : i1 to i32
    %sign3A_15 = arith.subi %sign3A_11, %sign3A_14 : i32
    %ne3A = arith.cmpi ne, %sign3A_8, %sign3A_15 : i32
    %rem3A = arith.remsi %mul3A_2, %jit3A : i32
    %ne3A_16 = arith.constant 0 : i32
    %ne3A_17 = arith.cmpi ne, %rem3A, %ne3A_16 : i32
    %and3A = arith.andi %ne3A, %ne3A_17 : i1
    %sub3A = arith.constant 1 : i32
    %sub3A_18 = arith.subi %div3A, %sub3A : i32
    %select_n3A = arith.select %and3A, %sub3A_18, %div3A : i32
    "tpu.region"() ({
      %run_scoped3A = tpu.sem_alloc : memref<!tpu.dma_semaphore, #tpu.memory_space<semaphore_mem>>
      tpu.enqueue_dma source(%arg3 : memref<512xf32, #tpu.memory_space<hbm>>) target(%arg11 : memref<512xf32, #tpu.memory_space<vmem>>) target_semaphore(%run_scoped3A : memref<!tpu.dma_semaphore, #tpu.memory_space<semaphore_mem>>)
      tpu.wait_dma2 semaphore(%run_scoped3A : memref<!tpu.dma_semaphore, #tpu.memory_space<semaphore_mem>>) src(%arg3 : memref<512xf32, #tpu.memory_space<hbm>>) dst(%arg11 : memref<512xf32, #tpu.memory_space<vmem>>)
      tpu.yield
    }) : () -> ()
    %add3A_19 = arith.constant 0 : i32
    %add3A_20 = arith.addi %select_n3A, %add3A_19 : i32
    %mul3A_21 = arith.constant 128 : i32
    %mul3A_22 = arith.muli %add3A_20, %mul3A_21 : i32
    %multiple_of3A = tpu.assume_multiple %mul3A_22, 8 : i32
    %dma_start3A = tpu.memref_slice %arg2[%multiple_of3A] : memref<3200000xi32, #tpu.memory_space<hbm>> -> memref<2048xi32, #tpu.memory_space<hbm>>
    %dma_start3A_23 = tpu.memref_slice %arg2[%multiple_of3A] : memref<3200000xi32, #tpu.memory_space<hbm>> -> memref<2048xi32, #tpu.memory_space<hbm>>
    tpu.enqueue_dma source(%dma_start3A_23 : memref<2048xi32, #tpu.memory_space<hbm>>) target(%arg5 : memref<2048xi32, #tpu.memory_space<vmem>>) target_semaphore(%arg12 : memref<!tpu.dma_semaphore, #tpu.memory_space<semaphore_mem>>)
    %add3A_24 = arith.constant 0 : i32
    %add3A_25 = arith.addi %select_n3A, %add3A_24 : i32
    %mul3A_26 = arith.constant 128 : i32
    %mul3A_27 = arith.muli %add3A_25, %mul3A_26 : i32
    %multiple_of3A_28 = tpu.assume_multiple %mul3A_27, 8 : i32
    %dma_wait3A = tpu.memref_slice %arg2[%multiple_of3A_28] : memref<3200000xi32, #tpu.memory_space<hbm>> -> memref<2048xi32, #tpu.memory_space<hbm>>
    %dma_wait3A_29 = tpu.memref_slice %arg2[%multiple_of3A_28] : memref<3200000xi32, #tpu.memory_space<hbm>> -> memref<2048xi32, #tpu.memory_space<hbm>>
    tpu.wait_dma2 semaphore(%arg12 : memref<!tpu.dma_semaphore, #tpu.memory_space<semaphore_mem>>) src(%dma_wait3A_29 : memref<2048xi32, #tpu.memory_space<hbm>>) dst(%arg5 : memref<2048xi32, #tpu.memory_space<vmem>>)
    %add3A_30 = arith.constant 16 : i32
    %add3A_31 = arith.addi %select_n3A, %add3A_30 : i32
    %mul3A_32 = arith.constant 128 : i32
    %mul3A_33 = arith.muli %add3A_31, %mul3A_32 : i32
    %multiple_of3A_34 = tpu.assume_multiple %mul3A_33, 8 : i32
    %dma_start3A_35 = tpu.memref_slice %arg2[%multiple_of3A_34] : memref<3200000xi32, #tpu.memory_space<hbm>> -> memref<2048xi32, #tpu.memory_space<hbm>>
    %dma_start3A_36 = tpu.memref_slice %arg2[%multiple_of3A_34] : memref<3200000xi32, #tpu.memory_space<hbm>> -> memref<2048xi32, #tpu.memory_space<hbm>>
    tpu.enqueue_dma source(%dma_start3A_36 : memref<2048xi32, #tpu.memory_space<hbm>>) target(%arg6 : memref<2048xi32, #tpu.memory_space<vmem>>) target_semaphore(%arg13 : memref<!tpu.dma_semaphore, #tpu.memory_space<semaphore_mem>>)
    %parallel_loop3A = arith.constant 0 : i32
    %parallel_loop3A_37 = arith.constant 128 : i32
    %parallel_loop3A_38 = arith.constant 1 : i32
    scf.for %parallel_loop3A_285 = %parallel_loop3A to %parallel_loop3A_37 step %parallel_loop3A_38  : i32 {
      %parallel_loop3A_286 = arith.constant 3 : i32
      %parallel_loop3A_287 = arith.shrsi %parallel_loop3A_285, %parallel_loop3A_286 : i32
      %parallel_loop3A_288 = arith.constant 1024 : i32
      %parallel_loop3A_289 = arith.muli %parallel_loop3A_287, %parallel_loop3A_288 : i32
      %parallel_loop3A_290 = arith.constant 7 : i32
      %parallel_loop3A_291 = arith.andi %parallel_loop3A_285, %parallel_loop3A_290 : i32
      %parallel_loop3A_292 = arith.constant 16 : i32
      %parallel_loop3A_293 = arith.muli %parallel_loop3A_291, %parallel_loop3A_292 : i32
      %parallel_loop3A_294 = arith.addi %parallel_loop3A_289, %parallel_loop3A_293 : i32
      %parallel_loop3A_295 = arith.constant 16 : i32
      %parallel_loop3A_296 = arith.muli %parallel_loop3A_285, %parallel_loop3A_295 : i32
      %parallel_loop3A_297 = arith.index_cast %parallel_loop3A_296 : i32 to index
      %parallel_loop3A_298 = tpu.vector_load %arg5[%parallel_loop3A_297] {strides = array<i32>} : memref<2048xi32, #tpu.memory_space<vmem>>, vector<16xi32>,
      %parallel_loop3A_299 = arith.constant 0 : i32
      %parallel_loop3A_300 = vector.broadcast %parallel_loop3A_299 : i32 to vector<16xi32>
      %parallel_loop3A_301 = arith.addi %parallel_loop3A_298, %parallel_loop3A_300 : vector<16xi32>
      %parallel_loop3A_302 = tpu.vector_load_idx %arg11[%parallel_loop3A_301] : memref<512xf32, #tpu.memory_space<vmem>>[vector<16xi32>], vector<16xf32>,
      %parallel_loop3A_303 = arith.constant 0 : i32
      %parallel_loop3A_304 = arith.addi %parallel_loop3A_294, %parallel_loop3A_303 : i32
      %parallel_loop3A_305 = arith.index_cast %parallel_loop3A_304 : i32 to index
      %parallel_loop3A_306 = tpu.vector_load %arg7[%parallel_loop3A_305] {strides = array<i32>} : memref<16384xf32, #tpu.memory_space<vmem>>, vector<16xf32>,
      tpu.vector_store %arg7[%parallel_loop3A_305], %parallel_loop3A_302 {strides = array<i32>} : memref<16384xf32, #tpu.memory_space<vmem>>, vector<16xf32>,
      %parallel_loop3A_307 = arith.constant 32 : i32
      %parallel_loop3A_308 = vector.broadcast %parallel_loop3A_307 : i32 to vector<16xi32>
      %parallel_loop3A_309 = arith.addi %parallel_loop3A_298, %parallel_loop3A_308 : vector<16xi32>
      %parallel_loop3A_310 = tpu.vector_load_idx %arg11[%parallel_loop3A_309] : memref<512xf32, #tpu.memory_space<vmem>>[vector<16xi32>], vector<16xf32>,
      %parallel_loop3A_311 = arith.constant 128 : i32
      %parallel_loop3A_312 = arith.addi %parallel_loop3A_294, %parallel_loop3A_311 : i32
      %parallel_loop3A_313 = arith.index_cast %parallel_loop3A_312 : i32 to index
      %parallel_loop3A_314 = tpu.vector_load %arg7[%parallel_loop3A_313] {strides = array<i32>} : memref<16384xf32, #tpu.memory_space<vmem>>, vector<16xf32>,
      tpu.vector_store %arg7[%parallel_loop3A_313], %parallel_loop3A_310 {strides = array<i32>} : memref<16384xf32, #tpu.memory_space<vmem>>, vector<16xf32>,
      %parallel_loop3A_315 = arith.constant 64 : i32
      %parallel_loop3A_316 = vector.broadcast %parallel_loop3A_315 : i32 to vector<16xi32>
      %parallel_loop3A_317 = arith.addi %parallel_loop3A_298, %parallel_loop3A_316 : vector<16xi32>
      %parallel_loop3A_318 = tpu.vector_load_idx %arg11[%parallel_loop3A_317] : memref<512xf32, #tpu.memory_space<vmem>>[vector<16xi32>], vector<16xf32>,
      %parallel_loop3A_319 = arith.constant 256 : i32
      %parallel_loop3A_320 = arith.addi %parallel_loop3A_294, %parallel_loop3A_319 : i32
      %parallel_loop3A_321 = arith.index_cast %parallel_loop3A_320 : i32 to index
      %parallel_loop3A_322 = tpu.vector_load %arg7[%parallel_loop3A_321] {strides = array<i32>} : memref<16384xf32, #tpu.memory_space<vmem>>, vector<16xf32>,
      tpu.vector_store %arg7[%parallel_loop3A_321], %parallel_loop3A_318 {strides = array<i32>} : memref<16384xf32, #tpu.memory_space<vmem>>, vector<16xf32>,
      %parallel_loop3A_323 = arith.constant 96 : i32
      %parallel_loop3A_324 = vector.broadcast %parallel_loop3A_323 : i32 to vector<16xi32>
      %parallel_loop3A_325 = arith.addi %parallel_loop3A_298, %parallel_loop3A_324 : vector<16xi32>
      %parallel_loop3A_326 = tpu.vector_load_idx %arg11[%parallel_loop3A_325] : memref<512xf32, #tpu.memory_space<vmem>>[vector<16xi32>], vector<16xf32>,
      %parallel_loop3A_327 = arith.constant 384 : i32
      %parallel_loop3A_328 = arith.addi %parallel_loop3A_294, %parallel_loop3A_327 : i32
      %parallel_loop3A_329 = arith.index_cast %parallel_loop3A_328 : i32 to index
      %parallel_loop3A_330 = tpu.vector_load %arg7[%parallel_loop3A_329] {strides = array<i32>} : memref<16384xf32, #tpu.memory_space<vmem>>, vector<16xf32>,
      tpu.vector_store %arg7[%parallel_loop3A_329], %parallel_loop3A_326 {strides = array<i32>} : memref<16384xf32, #tpu.memory_space<vmem>>, vector<16xf32>,
      %parallel_loop3A_331 = arith.constant 128 : i32
      %parallel_loop3A_332 = vector.broadcast %parallel_loop3A_331 : i32 to vector<16xi32>
      %parallel_loop3A_333 = arith.addi %parallel_loop3A_298, %parallel_loop3A_332 : vector<16xi32>
      %parallel_loop3A_334 = tpu.vector_load_idx %arg11[%parallel_loop3A_333] : memref<512xf32, #tpu.memory_space<vmem>>[vector<16xi32>], vector<16xf32>,
      %parallel_loop3A_335 = arith.constant 512 : i32
      %parallel_loop3A_336 = arith.addi %parallel_loop3A_294, %parallel_loop3A_335 : i32
      %parallel_loop3A_337 = arith.index_cast %parallel_loop3A_336 : i32 to index
      %parallel_loop3A_338 = tpu.vector_load %arg7[%parallel_loop3A_337] {strides = array<i32>} : memref<16384xf32, #tpu.memory_space<vmem>>, vector<16xf32>,
      tpu.vector_store %arg7[%parallel_loop3A_337], %parallel_loop3A_334 {strides = array<i32>} : memref<16384xf32, #tpu.memory_space<vmem>>, vector<16xf32>,
      %parallel_loop3A_339 = arith.constant 160 : i32
      %parallel_loop3A_340 = vector.broadcast %parallel_loop3A_339 : i32 to vector<16xi32>
      %parallel_loop3A_341 = arith.addi %parallel_loop3A_298, %parallel_loop3A_340 : vector<16xi32>
      %parallel_loop3A_342 = tpu.vector_load_idx %arg11[%parallel_loop3A_341] : memref<512xf32, #tpu.memory_space<vmem>>[vector<16xi32>], vector<16xf32>,
      %parallel_loop3A_343 = arith.constant 640 : i32
      %parallel_loop3A_344 = arith.addi %parallel_loop3A_294, %parallel_loop3A_343 : i32
      %parallel_loop3A_345 = arith.index_cast %parallel_loop3A_344 : i32 to index
      %parallel_loop3A_346 = tpu.vector_load %arg7[%parallel_loop3A_345] {strides = array<i32>} : memref<16384xf32, #tpu.memory_space<vmem>>, vector<16xf32>,
      tpu.vector_store %arg7[%parallel_loop3A_345], %parallel_loop3A_342 {strides = array<i32>} : memref<16384xf32, #tpu.memory_space<vmem>>, vector<16xf32>,
      %parallel_loop3A_347 = arith.constant 192 : i32
      %parallel_loop3A_348 = vector.broadcast %parallel_loop3A_347 : i32 to vector<16xi32>
      %parallel_loop3A_349 = arith.addi %parallel_loop3A_298, %parallel_loop3A_348 : vector<16xi32>
      %parallel_loop3A_350 = tpu.vector_load_idx %arg11[%parallel_loop3A_349] : memref<512xf32, #tpu.memory_space<vmem>>[vector<16xi32>], vector<16xf32>,
      %parallel_loop3A_351 = arith.constant 768 : i32
      %parallel_loop3A_352 = arith.addi %parallel_loop3A_294, %parallel_loop3A_351 : i32
      %parallel_loop3A_353 = arith.index_cast %parallel_loop3A_352 : i32 to index
      %parallel_loop3A_354 = tpu.vector_load %arg7[%parallel_loop3A_353] {strides = array<i32>} : memref<16384xf32, #tpu.memory_space<vmem>>, vector<16xf32>,
      tpu.vector_store %arg7[%parallel_loop3A_353], %parallel_loop3A_350 {strides = array<i32>} : memref<16384xf32, #tpu.memory_space<vmem>>, vector<16xf32>,
      %parallel_loop3A_355 = arith.constant 224 : i32
      %parallel_loop3A_356 = vector.broadcast %parallel_loop3A_355 : i32 to vector<16xi32>
      %parallel_loop3A_357 = arith.addi %parallel_loop3A_298, %parallel_loop3A_356 : vector<16xi32>
      %parallel_loop3A_358 = tpu.vector_load_idx %arg11[%parallel_loop3A_357] : memref<512xf32, #tpu.memory_space<vmem>>[vector<16xi32>], vector<16xf32>,
      %parallel_loop3A_359 = arith.constant 896 : i32
      %parallel_loop3A_360 = arith.addi %parallel_loop3A_294, %parallel_loop3A_359 : i32
      %parallel_loop3A_361 = arith.index_cast %parallel_loop3A_360 : i32 to index
      %parallel_loop3A_362 = tpu.vector_load %arg7[%parallel_loop3A_361] {strides = array<i32>} : memref<16384xf32, #tpu.memory_space<vmem>>, vector<16xf32>,
      tpu.vector_store %arg7[%parallel_loop3A_361], %parallel_loop3A_358 {strides = array<i32>} : memref<16384xf32, #tpu.memory_space<vmem>>, vector<16xf32>,
      %parallel_loop3A_363 = arith.constant 256 : i32
      %parallel_loop3A_364 = vector.broadcast %parallel_loop3A_363 : i32 to vector<16xi32>
      %parallel_loop3A_365 = arith.addi %parallel_loop3A_298, %parallel_loop3A_364 : vector<16xi32>
      %parallel_loop3A_366 = tpu.vector_load_idx %arg11[%parallel_loop3A_365] : memref<512xf32, #tpu.memory_space<vmem>>[vector<16xi32>], vector<16xf32>,
      %parallel_loop3A_367 = arith.constant 0 : i32
      %parallel_loop3A_368 = arith.addi %parallel_loop3A_294, %parallel_loop3A_367 : i32
      %parallel_loop3A_369 = arith.index_cast %parallel_loop3A_368 : i32 to index
      %parallel_loop3A_370 = tpu.vector_load %arg8[%parallel_loop3A_369] {strides = array<i32>} : memref<16384xf32, #tpu.memory_space<vmem>>, vector<16xf32>,
      tpu.vector_store %arg8[%parallel_loop3A_369], %parallel_loop3A_366 {strides = array<i32>} : memref<16384xf32, #tpu.memory_space<vmem>>, vector<16xf32>,
      %parallel_loop3A_371 = arith.constant 288 : i32
      %parallel_loop3A_372 = vector.broadcast %parallel_loop3A_371 : i32 to vector<16xi32>
      %parallel_loop3A_373 = arith.addi %parallel_loop3A_298, %parallel_loop3A_372 : vector<16xi32>
      %parallel_loop3A_374 = tpu.vector_load_idx %arg11[%parallel_loop3A_373] : memref<512xf32, #tpu.memory_space<vmem>>[vector<16xi32>], vector<16xf32>,
      %parallel_loop3A_375 = arith.constant 128 : i32
      %parallel_loop3A_376 = arith.addi %parallel_loop3A_294, %parallel_loop3A_375 : i32
      %parallel_loop3A_377 = arith.index_cast %parallel_loop3A_376 : i32 to index
      %parallel_loop3A_378 = tpu.vector_load %arg8[%parallel_loop3A_377] {strides = array<i32>} : memref<16384xf32, #tpu.memory_space<vmem>>, vector<16xf32>,
      tpu.vector_store %arg8[%parallel_loop3A_377], %parallel_loop3A_374 {strides = array<i32>} : memref<16384xf32, #tpu.memory_space<vmem>>, vector<16xf32>,
      %parallel_loop3A_379 = arith.constant 320 : i32
      %parallel_loop3A_380 = vector.broadcast %parallel_loop3A_379 : i32 to vector<16xi32>
      %parallel_loop3A_381 = arith.addi %parallel_loop3A_298, %parallel_loop3A_380 : vector<16xi32>
      %parallel_loop3A_382 = tpu.vector_load_idx %arg11[%parallel_loop3A_381] : memref<512xf32, #tpu.memory_space<vmem>>[vector<16xi32>], vector<16xf32>,
      %parallel_loop3A_383 = arith.constant 256 : i32
      %parallel_loop3A_384 = arith.addi %parallel_loop3A_294, %parallel_loop3A_383 : i32
      %parallel_loop3A_385 = arith.index_cast %parallel_loop3A_384 : i32 to index
      %parallel_loop3A_386 = tpu.vector_load %arg8[%parallel_loop3A_385] {strides = array<i32>} : memref<16384xf32, #tpu.memory_space<vmem>>, vector<16xf32>,
      tpu.vector_store %arg8[%parallel_loop3A_385], %parallel_loop3A_382 {strides = array<i32>} : memref<16384xf32, #tpu.memory_space<vmem>>, vector<16xf32>,
      %parallel_loop3A_387 = arith.constant 352 : i32
      %parallel_loop3A_388 = vector.broadcast %parallel_loop3A_387 : i32 to vector<16xi32>
      %parallel_loop3A_389 = arith.addi %parallel_loop3A_298, %parallel_loop3A_388 : vector<16xi32>
      %parallel_loop3A_390 = tpu.vector_load_idx %arg11[%parallel_loop3A_389] : memref<512xf32, #tpu.memory_space<vmem>>[vector<16xi32>], vector<16xf32>,
      %parallel_loop3A_391 = arith.constant 384 : i32
      %parallel_loop3A_392 = arith.addi %parallel_loop3A_294, %parallel_loop3A_391 : i32
      %parallel_loop3A_393 = arith.index_cast %parallel_loop3A_392 : i32 to index
      %parallel_loop3A_394 = tpu.vector_load %arg8[%parallel_loop3A_393] {strides = array<i32>} : memref<16384xf32, #tpu.memory_space<vmem>>, vector<16xf32>,
      tpu.vector_store %arg8[%parallel_loop3A_393], %parallel_loop3A_390 {strides = array<i32>} : memref<16384xf32, #tpu.memory_space<vmem>>, vector<16xf32>,
      %parallel_loop3A_395 = arith.constant 384 : i32
      %parallel_loop3A_396 = vector.broadcast %parallel_loop3A_395 : i32 to vector<16xi32>
      %parallel_loop3A_397 = arith.addi %parallel_loop3A_298, %parallel_loop3A_396 : vector<16xi32>
      %parallel_loop3A_398 = tpu.vector_load_idx %arg11[%parallel_loop3A_397] : memref<512xf32, #tpu.memory_space<vmem>>[vector<16xi32>], vector<16xf32>,
      %parallel_loop3A_399 = arith.constant 512 : i32
      %parallel_loop3A_400 = arith.addi %parallel_loop3A_294, %parallel_loop3A_399 : i32
      %parallel_loop3A_401 = arith.index_cast %parallel_loop3A_400 : i32 to index
      %parallel_loop3A_402 = tpu.vector_load %arg8[%parallel_loop3A_401] {strides = array<i32>} : memref<16384xf32, #tpu.memory_space<vmem>>, vector<16xf32>,
      tpu.vector_store %arg8[%parallel_loop3A_401], %parallel_loop3A_398 {strides = array<i32>} : memref<16384xf32, #tpu.memory_space<vmem>>, vector<16xf32>,
      %parallel_loop3A_403 = arith.constant 416 : i32
      %parallel_loop3A_404 = vector.broadcast %parallel_loop3A_403 : i32 to vector<16xi32>
      %parallel_loop3A_405 = arith.addi %parallel_loop3A_298, %parallel_loop3A_404 : vector<16xi32>
      %parallel_loop3A_406 = tpu.vector_load_idx %arg11[%parallel_loop3A_405] : memref<512xf32, #tpu.memory_space<vmem>>[vector<16xi32>], vector<16xf32>,
      %parallel_loop3A_407 = arith.constant 640 : i32
      %parallel_loop3A_408 = arith.addi %parallel_loop3A_294, %parallel_loop3A_407 : i32
      %parallel_loop3A_409 = arith.index_cast %parallel_loop3A_408 : i32 to index
      %parallel_loop3A_410 = tpu.vector_load %arg8[%parallel_loop3A_409] {strides = array<i32>} : memref<16384xf32, #tpu.memory_space<vmem>>, vector<16xf32>,
      tpu.vector_store %arg8[%parallel_loop3A_409], %parallel_loop3A_406 {strides = array<i32>} : memref<16384xf32, #tpu.memory_space<vmem>>, vector<16xf32>,
      %parallel_loop3A_411 = arith.constant 448 : i32
      %parallel_loop3A_412 = vector.broadcast %parallel_loop3A_411 : i32 to vector<16xi32>
      %parallel_loop3A_413 = arith.addi %parallel_loop3A_298, %parallel_loop3A_412 : vector<16xi32>
      %parallel_loop3A_414 = tpu.vector_load_idx %arg11[%parallel_loop3A_413] : memref<512xf32, #tpu.memory_space<vmem>>[vector<16xi32>], vector<16xf32>,
      %parallel_loop3A_415 = arith.constant 768 : i32
      %parallel_loop3A_416 = arith.addi %parallel_loop3A_294, %parallel_loop3A_415 : i32
      %parallel_loop3A_417 = arith.index_cast %parallel_loop3A_416 : i32 to index
      %parallel_loop3A_418 = tpu.vector_load %arg8[%parallel_loop3A_417] {strides = array<i32>} : memref<16384xf32, #tpu.memory_space<vmem>>, vector<16xf32>,
      tpu.vector_store %arg8[%parallel_loop3A_417], %parallel_loop3A_414 {strides = array<i32>} : memref<16384xf32, #tpu.memory_space<vmem>>, vector<16xf32>,
      %parallel_loop3A_419 = arith.constant 480 : i32
      %parallel_loop3A_420 = vector.broadcast %parallel_loop3A_419 : i32 to vector<16xi32>
      %parallel_loop3A_421 = arith.addi %parallel_loop3A_298, %parallel_loop3A_420 : vector<16xi32>
      %parallel_loop3A_422 = tpu.vector_load_idx %arg11[%parallel_loop3A_421] : memref<512xf32, #tpu.memory_space<vmem>>[vector<16xi32>], vector<16xf32>,
      %parallel_loop3A_423 = arith.constant 896 : i32
      %parallel_loop3A_424 = arith.addi %parallel_loop3A_294, %parallel_loop3A_423 : i32
      %parallel_loop3A_425 = arith.index_cast %parallel_loop3A_424 : i32 to index
      %parallel_loop3A_426 = tpu.vector_load %arg8[%parallel_loop3A_425] {strides = array<i32>} : memref<16384xf32, #tpu.memory_space<vmem>>, vector<16xf32>,
      tpu.vector_store %arg8[%parallel_loop3A_425], %parallel_loop3A_422 {strides = array<i32>} : memref<16384xf32, #tpu.memory_space<vmem>>, vector<16xf32>,
    } {sc.loop_unroll_factor = 2 : i64, sc.parallel_access}
    %add3A_39 = arith.constant 0 : i32
    %add3A_40 = arith.addi %select_n3A, %add3A_39 : i32
    %mul3A_41 = arith.constant 1024 : i32
    %mul3A_42 = arith.muli %add3A_40, %mul3A_41 : i32
    %add3A_43 = arith.constant 0 : i32
    %add3A_44 = arith.addi %add3A_43, %mul3A_42 : i32
    %multiple_of3A_45 = tpu.assume_multiple %add3A_44, 8 : i32
    %dma_start3A_46 = tpu.memref_slice %arg4[%multiple_of3A_45] : memref<51200000xf32, #tpu.memory_space<hbm>> -> memref<16384xf32, #tpu.memory_space<hbm>>
    %dma_start3A_47 = tpu.memref_slice %arg4[%multiple_of3A_45] : memref<51200000xf32, #tpu.memory_space<hbm>> -> memref<16384xf32, #tpu.memory_space<hbm>>
    tpu.enqueue_dma source(%arg7 : memref<16384xf32, #tpu.memory_space<vmem>>) target(%dma_start3A_47 : memref<16384xf32, #tpu.memory_space<hbm>>) target_semaphore(%arg14 : memref<!tpu.dma_semaphore, #tpu.memory_space<semaphore_mem>>)
    %add3A_48 = arith.constant 0 : i32
    %add3A_49 = arith.addi %select_n3A, %add3A_48 : i32
    %mul3A_50 = arith.constant 1024 : i32
    %mul3A_51 = arith.muli %add3A_49, %mul3A_50 : i32
    %add3A_52 = arith.constant 25600000 : i32
    %add3A_53 = arith.addi %add3A_52, %mul3A_51 : i32
    %multiple_of3A_54 = tpu.assume_multiple %add3A_53, 8 : i32
    %dma_start3A_55 = tpu.memref_slice %arg4[%multiple_of3A_54] : memref<51200000xf32, #tpu.memory_space<hbm>> -> memref<16384xf32, #tpu.memory_space<hbm>>
    %dma_start3A_56 = tpu.memref_slice %arg4[%multiple_of3A_54] : memref<51200000xf32, #tpu.memory_space<hbm>> -> memref<16384xf32, #tpu.memory_space<hbm>>
    tpu.enqueue_dma source(%arg8 : memref<16384xf32, #tpu.memory_space<vmem>>) target(%dma_start3A_56 : memref<16384xf32, #tpu.memory_space<hbm>>) target_semaphore(%arg15 : memref<!tpu.dma_semaphore, #tpu.memory_space<semaphore_mem>>)
    %add3A_57 = arith.constant 16 : i32
    %add3A_58 = arith.addi %select_n3A, %add3A_57 : i32
    %mul3A_59 = arith.constant 128 : i32
    %mul3A_60 = arith.muli %add3A_58, %mul3A_59 : i32
    %multiple_of3A_61 = tpu.assume_multiple %mul3A_60, 8 : i32
    %dma_wait3A_62 = tpu.memref_slice %arg2[%multiple_of3A_61] : memref<3200000xi32, #tpu.memory_space<hbm>> -> memref<2048xi32, #tpu.memory_space<hbm>>
    %dma_wait3A_63 = tpu.memref_slice %arg2[%multiple_of3A_61] : memref<3200000xi32, #tpu.memory_space<hbm>> -> memref<2048xi32, #tpu.memory_space<hbm>>
    tpu.wait_dma2 semaphore(%arg13 : memref<!tpu.dma_semaphore, #tpu.memory_space<semaphore_mem>>) src(%dma_wait3A_63 : memref<2048xi32, #tpu.memory_space<hbm>>) dst(%arg6 : memref<2048xi32, #tpu.memory_space<vmem>>)
    %add3A_64 = arith.constant 32 : i32
    %add3A_65 = arith.addi %select_n3A, %add3A_64 : i32
    %mul3A_66 = arith.constant 128 : i32
    %mul3A_67 = arith.muli %add3A_65, %mul3A_66 : i32
    %multiple_of3A_68 = tpu.assume_multiple %mul3A_67, 8 : i32
    %dma_start3A_69 = tpu.memref_slice %arg2[%multiple_of3A_68] : memref<3200000xi32, #tpu.memory_space<hbm>> -> memref<2048xi32, #tpu.memory_space<hbm>>
    %dma_start3A_70 = tpu.memref_slice %arg2[%multiple_of3A_68] : memref<3200000xi32, #tpu.memory_space<hbm>> -> memref<2048xi32, #tpu.memory_space<hbm>>
    tpu.enqueue_dma source(%dma_start3A_70 : memref<2048xi32, #tpu.memory_space<hbm>>) target(%arg5 : memref<2048xi32, #tpu.memory_space<vmem>>) target_semaphore(%arg12 : memref<!tpu.dma_semaphore, #tpu.memory_space<semaphore_mem>>)
    %parallel_loop3A_71 = arith.constant 0 : i32
    %parallel_loop3A_72 = arith.constant 128 : i32
    %parallel_loop3A_73 = arith.constant 1 : i32
    scf.for %parallel_loop3A_285 = %parallel_loop3A_71 to %parallel_loop3A_72 step %parallel_loop3A_73  : i32 {
      %parallel_loop3A_286 = arith.constant 3 : i32
      %parallel_loop3A_287 = arith.shrsi %parallel_loop3A_285, %parallel_loop3A_286 : i32
      %parallel_loop3A_288 = arith.constant 1024 : i32
      %parallel_loop3A_289 = arith.muli %parallel_loop3A_287, %parallel_loop3A_288 : i32
      %parallel_loop3A_290 = arith.constant 7 : i32
      %parallel_loop3A_291 = arith.andi %parallel_loop3A_285, %parallel_loop3A_290 : i32
      %parallel_loop3A_292 = arith.constant 16 : i32
      %parallel_loop3A_293 = arith.muli %parallel_loop3A_291, %parallel_loop3A_292 : i32
      %parallel_loop3A_294 = arith.addi %parallel_loop3A_289, %parallel_loop3A_293 : i32
      %parallel_loop3A_295 = arith.constant 16 : i32
      %parallel_loop3A_296 = arith.muli %parallel_loop3A_285, %parallel_loop3A_295 : i32
      %parallel_loop3A_297 = arith.index_cast %parallel_loop3A_296 : i32 to index
      %parallel_loop3A_298 = tpu.vector_load %arg6[%parallel_loop3A_297] {strides = array<i32>} : memref<2048xi32, #tpu.memory_space<vmem>>, vector<16xi32>,
      %parallel_loop3A_299 = arith.constant 0 : i32
      %parallel_loop3A_300 = vector.broadcast %parallel_loop3A_299 : i32 to vector<16xi32>
      %parallel_loop3A_301 = arith.addi %parallel_loop3A_298, %parallel_loop3A_300 : vector<16xi32>
      %parallel_loop3A_302 = tpu.vector_load_idx %arg11[%parallel_loop3A_301] : memref<512xf32, #tpu.memory_space<vmem>>[vector<16xi32>], vector<16xf32>,
      %parallel_loop3A_303 = arith.constant 0 : i32
      %parallel_loop3A_304 = arith.addi %parallel_loop3A_294, %parallel_loop3A_303 : i32
      %parallel_loop3A_305 = arith.index_cast %parallel_loop3A_304 : i32 to index
      %parallel_loop3A_306 = tpu.vector_load %arg9[%parallel_loop3A_305] {strides = array<i32>} : memref<16384xf32, #tpu.memory_space<vmem>>, vector<16xf32>,
      tpu.vector_store %arg9[%parallel_loop3A_305], %parallel_loop3A_302 {strides = array<i32>} : memref<16384xf32, #tpu.memory_space<vmem>>, vector<16xf32>,
      %parallel_loop3A_307 = arith.constant 32 : i32
      %parallel_loop3A_308 = vector.broadcast %parallel_loop3A_307 : i32 to vector<16xi32>
      %parallel_loop3A_309 = arith.addi %parallel_loop3A_298, %parallel_loop3A_308 : vector<16xi32>
      %parallel_loop3A_310 = tpu.vector_load_idx %arg11[%parallel_loop3A_309] : memref<512xf32, #tpu.memory_space<vmem>>[vector<16xi32>], vector<16xf32>,
      %parallel_loop3A_311 = arith.constant 128 : i32
      %parallel_loop3A_312 = arith.addi %parallel_loop3A_294, %parallel_loop3A_311 : i32
      %parallel_loop3A_313 = arith.index_cast %parallel_loop3A_312 : i32 to index
      %parallel_loop3A_314 = tpu.vector_load %arg9[%parallel_loop3A_313] {strides = array<i32>} : memref<16384xf32, #tpu.memory_space<vmem>>, vector<16xf32>,
      tpu.vector_store %arg9[%parallel_loop3A_313], %parallel_loop3A_310 {strides = array<i32>} : memref<16384xf32, #tpu.memory_space<vmem>>, vector<16xf32>,
      %parallel_loop3A_315 = arith.constant 64 : i32
      %parallel_loop3A_316 = vector.broadcast %parallel_loop3A_315 : i32 to vector<16xi32>
      %parallel_loop3A_317 = arith.addi %parallel_loop3A_298, %parallel_loop3A_316 : vector<16xi32>
      %parallel_loop3A_318 = tpu.vector_load_idx %arg11[%parallel_loop3A_317] : memref<512xf32, #tpu.memory_space<vmem>>[vector<16xi32>], vector<16xf32>,
      %parallel_loop3A_319 = arith.constant 256 : i32
      %parallel_loop3A_320 = arith.addi %parallel_loop3A_294, %parallel_loop3A_319 : i32
      %parallel_loop3A_321 = arith.index_cast %parallel_loop3A_320 : i32 to index
      %parallel_loop3A_322 = tpu.vector_load %arg9[%parallel_loop3A_321] {strides = array<i32>} : memref<16384xf32, #tpu.memory_space<vmem>>, vector<16xf32>,
      tpu.vector_store %arg9[%parallel_loop3A_321], %parallel_loop3A_318 {strides = array<i32>} : memref<16384xf32, #tpu.memory_space<vmem>>, vector<16xf32>,
      %parallel_loop3A_323 = arith.constant 96 : i32
      %parallel_loop3A_324 = vector.broadcast %parallel_loop3A_323 : i32 to vector<16xi32>
      %parallel_loop3A_325 = arith.addi %parallel_loop3A_298, %parallel_loop3A_324 : vector<16xi32>
      %parallel_loop3A_326 = tpu.vector_load_idx %arg11[%parallel_loop3A_325] : memref<512xf32, #tpu.memory_space<vmem>>[vector<16xi32>], vector<16xf32>,
      %parallel_loop3A_327 = arith.constant 384 : i32
      %parallel_loop3A_328 = arith.addi %parallel_loop3A_294, %parallel_loop3A_327 : i32
      %parallel_loop3A_329 = arith.index_cast %parallel_loop3A_328 : i32 to index
      %parallel_loop3A_330 = tpu.vector_load %arg9[%parallel_loop3A_329] {strides = array<i32>} : memref<16384xf32, #tpu.memory_space<vmem>>, vector<16xf32>,
      tpu.vector_store %arg9[%parallel_loop3A_329], %parallel_loop3A_326 {strides = array<i32>} : memref<16384xf32, #tpu.memory_space<vmem>>, vector<16xf32>,
      %parallel_loop3A_331 = arith.constant 128 : i32
      %parallel_loop3A_332 = vector.broadcast %parallel_loop3A_331 : i32 to vector<16xi32>
      %parallel_loop3A_333 = arith.addi %parallel_loop3A_298, %parallel_loop3A_332 : vector<16xi32>
      %parallel_loop3A_334 = tpu.vector_load_idx %arg11[%parallel_loop3A_333] : memref<512xf32, #tpu.memory_space<vmem>>[vector<16xi32>], vector<16xf32>,
      %parallel_loop3A_335 = arith.constant 512 : i32
      %parallel_loop3A_336 = arith.addi %parallel_loop3A_294, %parallel_loop3A_335 : i32
      %parallel_loop3A_337 = arith.index_cast %parallel_loop3A_336 : i32 to index
      %parallel_loop3A_338 = tpu.vector_load %arg9[%parallel_loop3A_337] {strides = array<i32>} : memref<16384xf32, #tpu.memory_space<vmem>>, vector<16xf32>,
      tpu.vector_store %arg9[%parallel_loop3A_337], %parallel_loop3A_334 {strides = array<i32>} : memref<16384xf32, #tpu.memory_space<vmem>>, vector<16xf32>,
      %parallel_loop3A_339 = arith.constant 160 : i32
      %parallel_loop3A_340 = vector.broadcast %parallel_loop3A_339 : i32 to vector<16xi32>
      %parallel_loop3A_341 = arith.addi %parallel_loop3A_298, %parallel_loop3A_340 : vector<16xi32>
      %parallel_loop3A_342 = tpu.vector_load_idx %arg11[%parallel_loop3A_341] : memref<512xf32, #tpu.memory_space<vmem>>[vector<16xi32>], vector<16xf32>,
      %parallel_loop3A_343 = arith.constant 640 : i32
      %parallel_loop3A_344 = arith.addi %parallel_loop3A_294, %parallel_loop3A_343 : i32
      %parallel_loop3A_345 = arith.index_cast %parallel_loop3A_344 : i32 to index
      %parallel_loop3A_346 = tpu.vector_load %arg9[%parallel_loop3A_345] {strides = array<i32>} : memref<16384xf32, #tpu.memory_space<vmem>>, vector<16xf32>,
      tpu.vector_store %arg9[%parallel_loop3A_345], %parallel_loop3A_342 {strides = array<i32>} : memref<16384xf32, #tpu.memory_space<vmem>>, vector<16xf32>,
      %parallel_loop3A_347 = arith.constant 192 : i32
      %parallel_loop3A_348 = vector.broadcast %parallel_loop3A_347 : i32 to vector<16xi32>
      %parallel_loop3A_349 = arith.addi %parallel_loop3A_298, %parallel_loop3A_348 : vector<16xi32>
      %parallel_loop3A_350 = tpu.vector_load_idx %arg11[%parallel_loop3A_349] : memref<512xf32, #tpu.memory_space<vmem>>[vector<16xi32>], vector<16xf32>,
      %parallel_loop3A_351 = arith.constant 768 : i32
      %parallel_loop3A_352 = arith.addi %parallel_loop3A_294, %parallel_loop3A_351 : i32
      %parallel_loop3A_353 = arith.index_cast %parallel_loop3A_352 : i32 to index
      %parallel_loop3A_354 = tpu.vector_load %arg9[%parallel_loop3A_353] {strides = array<i32>} : memref<16384xf32, #tpu.memory_space<vmem>>, vector<16xf32>,
      tpu.vector_store %arg9[%parallel_loop3A_353], %parallel_loop3A_350 {strides = array<i32>} : memref<16384xf32, #tpu.memory_space<vmem>>, vector<16xf32>,
      %parallel_loop3A_355 = arith.constant 224 : i32
      %parallel_loop3A_356 = vector.broadcast %parallel_loop3A_355 : i32 to vector<16xi32>
      %parallel_loop3A_357 = arith.addi %parallel_loop3A_298, %parallel_loop3A_356 : vector<16xi32>
      %parallel_loop3A_358 = tpu.vector_load_idx %arg11[%parallel_loop3A_357] : memref<512xf32, #tpu.memory_space<vmem>>[vector<16xi32>], vector<16xf32>,
      %parallel_loop3A_359 = arith.constant 896 : i32
      %parallel_loop3A_360 = arith.addi %parallel_loop3A_294, %parallel_loop3A_359 : i32
      %parallel_loop3A_361 = arith.index_cast %parallel_loop3A_360 : i32 to index
      %parallel_loop3A_362 = tpu.vector_load %arg9[%parallel_loop3A_361] {strides = array<i32>} : memref<16384xf32, #tpu.memory_space<vmem>>, vector<16xf32>,
      tpu.vector_store %arg9[%parallel_loop3A_361], %parallel_loop3A_358 {strides = array<i32>} : memref<16384xf32, #tpu.memory_space<vmem>>, vector<16xf32>,
      %parallel_loop3A_363 = arith.constant 256 : i32
      %parallel_loop3A_364 = vector.broadcast %parallel_loop3A_363 : i32 to vector<16xi32>
      %parallel_loop3A_365 = arith.addi %parallel_loop3A_298, %parallel_loop3A_364 : vector<16xi32>
      %parallel_loop3A_366 = tpu.vector_load_idx %arg11[%parallel_loop3A_365] : memref<512xf32, #tpu.memory_space<vmem>>[vector<16xi32>], vector<16xf32>,
      %parallel_loop3A_367 = arith.constant 0 : i32
      %parallel_loop3A_368 = arith.addi %parallel_loop3A_294, %parallel_loop3A_367 : i32
      %parallel_loop3A_369 = arith.index_cast %parallel_loop3A_368 : i32 to index
      %parallel_loop3A_370 = tpu.vector_load %arg10[%parallel_loop3A_369] {strides = array<i32>} : memref<16384xf32, #tpu.memory_space<vmem>>, vector<16xf32>,
      tpu.vector_store %arg10[%parallel_loop3A_369], %parallel_loop3A_366 {strides = array<i32>} : memref<16384xf32, #tpu.memory_space<vmem>>, vector<16xf32>,
      %parallel_loop3A_371 = arith.constant 288 : i32
      %parallel_loop3A_372 = vector.broadcast %parallel_loop3A_371 : i32 to vector<16xi32>
      %parallel_loop3A_373 = arith.addi %parallel_loop3A_298, %parallel_loop3A_372 : vector<16xi32>
      %parallel_loop3A_374 = tpu.vector_load_idx %arg11[%parallel_loop3A_373] : memref<512xf32, #tpu.memory_space<vmem>>[vector<16xi32>], vector<16xf32>,
      %parallel_loop3A_375 = arith.constant 128 : i32
      %parallel_loop3A_376 = arith.addi %parallel_loop3A_294, %parallel_loop3A_375 : i32
      %parallel_loop3A_377 = arith.index_cast %parallel_loop3A_376 : i32 to index
      %parallel_loop3A_378 = tpu.vector_load %arg10[%parallel_loop3A_377] {strides = array<i32>} : memref<16384xf32, #tpu.memory_space<vmem>>, vector<16xf32>,
      tpu.vector_store %arg10[%parallel_loop3A_377], %parallel_loop3A_374 {strides = array<i32>} : memref<16384xf32, #tpu.memory_space<vmem>>, vector<16xf32>,
      %parallel_loop3A_379 = arith.constant 320 : i32
      %parallel_loop3A_380 = vector.broadcast %parallel_loop3A_379 : i32 to vector<16xi32>
      %parallel_loop3A_381 = arith.addi %parallel_loop3A_298, %parallel_loop3A_380 : vector<16xi32>
      %parallel_loop3A_382 = tpu.vector_load_idx %arg11[%parallel_loop3A_381] : memref<512xf32, #tpu.memory_space<vmem>>[vector<16xi32>], vector<16xf32>,
      %parallel_loop3A_383 = arith.constant 256 : i32
      %parallel_loop3A_384 = arith.addi %parallel_loop3A_294, %parallel_loop3A_383 : i32
      %parallel_loop3A_385 = arith.index_cast %parallel_loop3A_384 : i32 to index
      %parallel_loop3A_386 = tpu.vector_load %arg10[%parallel_loop3A_385] {strides = array<i32>} : memref<16384xf32, #tpu.memory_space<vmem>>, vector<16xf32>,
      tpu.vector_store %arg10[%parallel_loop3A_385], %parallel_loop3A_382 {strides = array<i32>} : memref<16384xf32, #tpu.memory_space<vmem>>, vector<16xf32>,
      %parallel_loop3A_387 = arith.constant 352 : i32
      %parallel_loop3A_388 = vector.broadcast %parallel_loop3A_387 : i32 to vector<16xi32>
      %parallel_loop3A_389 = arith.addi %parallel_loop3A_298, %parallel_loop3A_388 : vector<16xi32>
      %parallel_loop3A_390 = tpu.vector_load_idx %arg11[%parallel_loop3A_389] : memref<512xf32, #tpu.memory_space<vmem>>[vector<16xi32>], vector<16xf32>,
      %parallel_loop3A_391 = arith.constant 384 : i32
      %parallel_loop3A_392 = arith.addi %parallel_loop3A_294, %parallel_loop3A_391 : i32
      %parallel_loop3A_393 = arith.index_cast %parallel_loop3A_392 : i32 to index
      %parallel_loop3A_394 = tpu.vector_load %arg10[%parallel_loop3A_393] {strides = array<i32>} : memref<16384xf32, #tpu.memory_space<vmem>>, vector<16xf32>,
      tpu.vector_store %arg10[%parallel_loop3A_393], %parallel_loop3A_390 {strides = array<i32>} : memref<16384xf32, #tpu.memory_space<vmem>>, vector<16xf32>,
      %parallel_loop3A_395 = arith.constant 384 : i32
      %parallel_loop3A_396 = vector.broadcast %parallel_loop3A_395 : i32 to vector<16xi32>
      %parallel_loop3A_397 = arith.addi %parallel_loop3A_298, %parallel_loop3A_396 : vector<16xi32>
      %parallel_loop3A_398 = tpu.vector_load_idx %arg11[%parallel_loop3A_397] : memref<512xf32, #tpu.memory_space<vmem>>[vector<16xi32>], vector<16xf32>,
      %parallel_loop3A_399 = arith.constant 512 : i32
      %parallel_loop3A_400 = arith.addi %parallel_loop3A_294, %parallel_loop3A_399 : i32
      %parallel_loop3A_401 = arith.index_cast %parallel_loop3A_400 : i32 to index
      %parallel_loop3A_402 = tpu.vector_load %arg10[%parallel_loop3A_401] {strides = array<i32>} : memref<16384xf32, #tpu.memory_space<vmem>>, vector<16xf32>,
      tpu.vector_store %arg10[%parallel_loop3A_401], %parallel_loop3A_398 {strides = array<i32>} : memref<16384xf32, #tpu.memory_space<vmem>>, vector<16xf32>,
      %parallel_loop3A_403 = arith.constant 416 : i32
      %parallel_loop3A_404 = vector.broadcast %parallel_loop3A_403 : i32 to vector<16xi32>
      %parallel_loop3A_405 = arith.addi %parallel_loop3A_298, %parallel_loop3A_404 : vector<16xi32>
      %parallel_loop3A_406 = tpu.vector_load_idx %arg11[%parallel_loop3A_405] : memref<512xf32, #tpu.memory_space<vmem>>[vector<16xi32>], vector<16xf32>,
      %parallel_loop3A_407 = arith.constant 640 : i32
      %parallel_loop3A_408 = arith.addi %parallel_loop3A_294, %parallel_loop3A_407 : i32
      %parallel_loop3A_409 = arith.index_cast %parallel_loop3A_408 : i32 to index
      %parallel_loop3A_410 = tpu.vector_load %arg10[%parallel_loop3A_409] {strides = array<i32>} : memref<16384xf32, #tpu.memory_space<vmem>>, vector<16xf32>,
      tpu.vector_store %arg10[%parallel_loop3A_409], %parallel_loop3A_406 {strides = array<i32>} : memref<16384xf32, #tpu.memory_space<vmem>>, vector<16xf32>,
      %parallel_loop3A_411 = arith.constant 448 : i32
      %parallel_loop3A_412 = vector.broadcast %parallel_loop3A_411 : i32 to vector<16xi32>
      %parallel_loop3A_413 = arith.addi %parallel_loop3A_298, %parallel_loop3A_412 : vector<16xi32>
      %parallel_loop3A_414 = tpu.vector_load_idx %arg11[%parallel_loop3A_413] : memref<512xf32, #tpu.memory_space<vmem>>[vector<16xi32>], vector<16xf32>,
      %parallel_loop3A_415 = arith.constant 768 : i32
      %parallel_loop3A_416 = arith.addi %parallel_loop3A_294, %parallel_loop3A_415 : i32
      %parallel_loop3A_417 = arith.index_cast %parallel_loop3A_416 : i32 to index
      %parallel_loop3A_418 = tpu.vector_load %arg10[%parallel_loop3A_417] {strides = array<i32>} : memref<16384xf32, #tpu.memory_space<vmem>>, vector<16xf32>,
      tpu.vector_store %arg10[%parallel_loop3A_417], %parallel_loop3A_414 {strides = array<i32>} : memref<16384xf32, #tpu.memory_space<vmem>>, vector<16xf32>,
      %parallel_loop3A_419 = arith.constant 480 : i32
      %parallel_loop3A_420 = vector.broadcast %parallel_loop3A_419 : i32 to vector<16xi32>
      %parallel_loop3A_421 = arith.addi %parallel_loop3A_298, %parallel_loop3A_420 : vector<16xi32>
      %parallel_loop3A_422 = tpu.vector_load_idx %arg11[%parallel_loop3A_421] : memref<512xf32, #tpu.memory_space<vmem>>[vector<16xi32>], vector<16xf32>,
      %parallel_loop3A_423 = arith.constant 896 : i32
      %parallel_loop3A_424 = arith.addi %parallel_loop3A_294, %parallel_loop3A_423 : i32
      %parallel_loop3A_425 = arith.index_cast %parallel_loop3A_424 : i32 to index
      %parallel_loop3A_426 = tpu.vector_load %arg10[%parallel_loop3A_425] {strides = array<i32>} : memref<16384xf32, #tpu.memory_space<vmem>>, vector<16xf32>,
      tpu.vector_store %arg10[%parallel_loop3A_425], %parallel_loop3A_422 {strides = array<i32>} : memref<16384xf32, #tpu.memory_space<vmem>>, vector<16xf32>,
    } {sc.loop_unroll_factor = 2 : i64, sc.parallel_access}
    %add3A_74 = arith.constant 16 : i32
    %add3A_75 = arith.addi %select_n3A, %add3A_74 : i32
    %mul3A_76 = arith.constant 1024 : i32
    %mul3A_77 = arith.muli %add3A_75, %mul3A_76 : i32
    %add3A_78 = arith.constant 0 : i32
    %add3A_79 = arith.addi %add3A_78, %mul3A_77 : i32
    %multiple_of3A_80 = tpu.assume_multiple %add3A_79, 8 : i32
    %dma_start3A_81 = tpu.memref_slice %arg4[%multiple_of3A_80] : memref<51200000xf32, #tpu.memory_space<hbm>> -> memref<16384xf32, #tpu.memory_space<hbm>>
    %dma_start3A_82 = tpu.memref_slice %arg4[%multiple_of3A_80] : memref<51200000xf32, #tpu.memory_space<hbm>> -> memref<16384xf32, #tpu.memory_space<hbm>>
    tpu.enqueue_dma source(%arg9 : memref<16384xf32, #tpu.memory_space<vmem>>) target(%dma_start3A_82 : memref<16384xf32, #tpu.memory_space<hbm>>) target_semaphore(%arg16 : memref<!tpu.dma_semaphore, #tpu.memory_space<semaphore_mem>>)
    %add3A_83 = arith.constant 16 : i32
    %add3A_84 = arith.addi %select_n3A, %add3A_83 : i32
    %mul3A_85 = arith.constant 1024 : i32
    %mul3A_86 = arith.muli %add3A_84, %mul3A_85 : i32
    %add3A_87 = arith.constant 25600000 : i32
    %add3A_88 = arith.addi %add3A_87, %mul3A_86 : i32
    %multiple_of3A_89 = tpu.assume_multiple %add3A_88, 8 : i32
    %dma_start3A_90 = tpu.memref_slice %arg4[%multiple_of3A_89] : memref<51200000xf32, #tpu.memory_space<hbm>> -> memref<16384xf32, #tpu.memory_space<hbm>>
    %dma_start3A_91 = tpu.memref_slice %arg4[%multiple_of3A_89] : memref<51200000xf32, #tpu.memory_space<hbm>> -> memref<16384xf32, #tpu.memory_space<hbm>>
    tpu.enqueue_dma source(%arg10 : memref<16384xf32, #tpu.memory_space<vmem>>) target(%dma_start3A_91 : memref<16384xf32, #tpu.memory_space<hbm>>) target_semaphore(%arg17 : memref<!tpu.dma_semaphore, #tpu.memory_space<semaphore_mem>>)
    %add3A_92 = arith.constant 32 : i32
    %add3A_93 = arith.addi %select_n3A, %add3A_92 : i32
    %mul3A_94 = arith.constant 128 : i32
    %mul3A_95 = arith.muli %add3A_93, %mul3A_94 : i32
    %multiple_of3A_96 = tpu.assume_multiple %mul3A_95, 8 : i32
    %dma_wait3A_97 = tpu.memref_slice %arg2[%multiple_of3A_96] : memref<3200000xi32, #tpu.memory_space<hbm>> -> memref<2048xi32, #tpu.memory_space<hbm>>
    %dma_wait3A_98 = tpu.memref_slice %arg2[%multiple_of3A_96] : memref<3200000xi32, #tpu.memory_space<hbm>> -> memref<2048xi32, #tpu.memory_space<hbm>>
    tpu.wait_dma2 semaphore(%arg12 : memref<!tpu.dma_semaphore, #tpu.memory_space<semaphore_mem>>) src(%dma_wait3A_98 : memref<2048xi32, #tpu.memory_space<hbm>>) dst(%arg5 : memref<2048xi32, #tpu.memory_space<vmem>>)
    %add3A_99 = arith.constant 48 : i32
    %add3A_100 = arith.addi %select_n3A, %add3A_99 : i32
    %mul3A_101 = arith.constant 128 : i32
    %mul3A_102 = arith.muli %add3A_100, %mul3A_101 : i32
    %multiple_of3A_103 = tpu.assume_multiple %mul3A_102, 8 : i32
    %dma_start3A_104 = tpu.memref_slice %arg2[%multiple_of3A_103] : memref<3200000xi32, #tpu.memory_space<hbm>> -> memref<2048xi32, #tpu.memory_space<hbm>>
    %dma_start3A_105 = tpu.memref_slice %arg2[%multiple_of3A_103] : memref<3200000xi32, #tpu.memory_space<hbm>> -> memref<2048xi32, #tpu.memory_space<hbm>>
    tpu.enqueue_dma source(%dma_start3A_105 : memref<2048xi32, #tpu.memory_space<hbm>>) target(%arg6 : memref<2048xi32, #tpu.memory_space<vmem>>) target_semaphore(%arg13 : memref<!tpu.dma_semaphore, #tpu.memory_space<semaphore_mem>>)
    %add3A_106 = arith.constant 0 : i32
    %add3A_107 = arith.addi %select_n3A, %add3A_106 : i32
    %mul3A_108 = arith.constant 1024 : i32
    %mul3A_109 = arith.muli %add3A_107, %mul3A_108 : i32
    %add3A_110 = arith.constant 0 : i32
    %add3A_111 = arith.addi %add3A_110, %mul3A_109 : i32
    %multiple_of3A_112 = tpu.assume_multiple %add3A_111, 8 : i32
    %dma_wait3A_113 = tpu.memref_slice %arg4[%multiple_of3A_112] : memref<51200000xf32, #tpu.memory_space<hbm>> -> memref<16384xf32, #tpu.memory_space<hbm>>
    %dma_wait3A_114 = tpu.memref_slice %arg4[%multiple_of3A_112] : memref<51200000xf32, #tpu.memory_space<hbm>> -> memref<16384xf32, #tpu.memory_space<hbm>>
    tpu.wait_dma2 semaphore(%arg14 : memref<!tpu.dma_semaphore, #tpu.memory_space<semaphore_mem>>) src(%arg7 : memref<16384xf32, #tpu.memory_space<vmem>>) dst(%dma_wait3A_114 : memref<16384xf32, #tpu.memory_space<hbm>>)
    %add3A_115 = arith.constant 0 : i32
    %add3A_116 = arith.addi %select_n3A, %add3A_115 : i32
    %mul3A_117 = arith.constant 1024 : i32
    %mul3A_118 = arith.muli %add3A_116, %mul3A_117 : i32
    %add3A_119 = arith.constant 25600000 : i32
    %add3A_120 = arith.addi %add3A_119, %mul3A_118 : i32
    %multiple_of3A_121 = tpu.assume_multiple %add3A_120, 8 : i32
    %dma_wait3A_122 = tpu.memref_slice %arg4[%multiple_of3A_121] : memref<51200000xf32, #tpu.memory_space<hbm>> -> memref<16384xf32, #tpu.memory_space<hbm>>
    %dma_wait3A_123 = tpu.memref_slice %arg4[%multiple_of3A_121] : memref<51200000xf32, #tpu.memory_space<hbm>> -> memref<16384xf32, #tpu.memory_space<hbm>>
    tpu.wait_dma2 semaphore(%arg15 : memref<!tpu.dma_semaphore, #tpu.memory_space<semaphore_mem>>) src(%arg8 : memref<16384xf32, #tpu.memory_space<vmem>>) dst(%dma_wait3A_123 : memref<16384xf32, #tpu.memory_space<hbm>>)
    %parallel_loop3A_124 = arith.constant 0 : i32
    %parallel_loop3A_125 = arith.constant 128 : i32
    %parallel_loop3A_126 = arith.constant 1 : i32
    scf.for %parallel_loop3A_285 = %parallel_loop3A_124 to %parallel_loop3A_125 step %parallel_loop3A_126  : i32 {
      %parallel_loop3A_286 = arith.constant 3 : i32
      %parallel_loop3A_287 = arith.shrsi %parallel_loop3A_285, %parallel_loop3A_286 : i32
      %parallel_loop3A_288 = arith.constant 1024 : i32
      %parallel_loop3A_289 = arith.muli %parallel_loop3A_287, %parallel_loop3A_288 : i32
      %parallel_loop3A_290 = arith.constant 7 : i32
      %parallel_loop3A_291 = arith.andi %parallel_loop3A_285, %parallel_loop3A_290 : i32
      %parallel_loop3A_292 = arith.constant 16 : i32
      %parallel_loop3A_293 = arith.muli %parallel_loop3A_291, %parallel_loop3A_292 : i32
      %parallel_loop3A_294 = arith.addi %parallel_loop3A_289, %parallel_loop3A_293 : i32
      %parallel_loop3A_295 = arith.constant 16 : i32
      %parallel_loop3A_296 = arith.muli %parallel_loop3A_285, %parallel_loop3A_295 : i32
      %parallel_loop3A_297 = arith.index_cast %parallel_loop3A_296 : i32 to index
      %parallel_loop3A_298 = tpu.vector_load %arg5[%parallel_loop3A_297] {strides = array<i32>} : memref<2048xi32, #tpu.memory_space<vmem>>, vector<16xi32>,
      %parallel_loop3A_299 = arith.constant 0 : i32
      %parallel_loop3A_300 = vector.broadcast %parallel_loop3A_299 : i32 to vector<16xi32>
      %parallel_loop3A_301 = arith.addi %parallel_loop3A_298, %parallel_loop3A_300 : vector<16xi32>
      %parallel_loop3A_302 = tpu.vector_load_idx %arg11[%parallel_loop3A_301] : memref<512xf32, #tpu.memory_space<vmem>>[vector<16xi32>], vector<16xf32>,
      %parallel_loop3A_303 = arith.constant 0 : i32
      %parallel_loop3A_304 = arith.addi %parallel_loop3A_294, %parallel_loop3A_303 : i32
      %parallel_loop3A_305 = arith.index_cast %parallel_loop3A_304 : i32 to index
      %parallel_loop3A_306 = tpu.vector_load %arg7[%parallel_loop3A_305] {strides = array<i32>} : memref<16384xf32, #tpu.memory_space<vmem>>, vector<16xf32>,
      tpu.vector_store %arg7[%parallel_loop3A_305], %parallel_loop3A_302 {strides = array<i32>} : memref<16384xf32, #tpu.memory_space<vmem>>, vector<16xf32>,
      %parallel_loop3A_307 = arith.constant 32 : i32
      %parallel_loop3A_308 = vector.broadcast %parallel_loop3A_307 : i32 to vector<16xi32>
      %parallel_loop3A_309 = arith.addi %parallel_loop3A_298, %parallel_loop3A_308 : vector<16xi32>
      %parallel_loop3A_310 = tpu.vector_load_idx %arg11[%parallel_loop3A_309] : memref<512xf32, #tpu.memory_space<vmem>>[vector<16xi32>], vector<16xf32>,
      %parallel_loop3A_311 = arith.constant 128 : i32
      %parallel_loop3A_312 = arith.addi %parallel_loop3A_294, %parallel_loop3A_311 : i32
      %parallel_loop3A_313 = arith.index_cast %parallel_loop3A_312 : i32 to index
      %parallel_loop3A_314 = tpu.vector_load %arg7[%parallel_loop3A_313] {strides = array<i32>} : memref<16384xf32, #tpu.memory_space<vmem>>, vector<16xf32>,
      tpu.vector_store %arg7[%parallel_loop3A_313], %parallel_loop3A_310 {strides = array<i32>} : memref<16384xf32, #tpu.memory_space<vmem>>, vector<16xf32>,
      %parallel_loop3A_315 = arith.constant 64 : i32
      %parallel_loop3A_316 = vector.broadcast %parallel_loop3A_315 : i32 to vector<16xi32>
      %parallel_loop3A_317 = arith.addi %parallel_loop3A_298, %parallel_loop3A_316 : vector<16xi32>
      %parallel_loop3A_318 = tpu.vector_load_idx %arg11[%parallel_loop3A_317] : memref<512xf32, #tpu.memory_space<vmem>>[vector<16xi32>], vector<16xf32>,
      %parallel_loop3A_319 = arith.constant 256 : i32
      %parallel_loop3A_320 = arith.addi %parallel_loop3A_294, %parallel_loop3A_319 : i32
      %parallel_loop3A_321 = arith.index_cast %parallel_loop3A_320 : i32 to index
      %parallel_loop3A_322 = tpu.vector_load %arg7[%parallel_loop3A_321] {strides = array<i32>} : memref<16384xf32, #tpu.memory_space<vmem>>, vector<16xf32>,
      tpu.vector_store %arg7[%parallel_loop3A_321], %parallel_loop3A_318 {strides = array<i32>} : memref<16384xf32, #tpu.memory_space<vmem>>, vector<16xf32>,
      %parallel_loop3A_323 = arith.constant 96 : i32
      %parallel_loop3A_324 = vector.broadcast %parallel_loop3A_323 : i32 to vector<16xi32>
      %parallel_loop3A_325 = arith.addi %parallel_loop3A_298, %parallel_loop3A_324 : vector<16xi32>
      %parallel_loop3A_326 = tpu.vector_load_idx %arg11[%parallel_loop3A_325] : memref<512xf32, #tpu.memory_space<vmem>>[vector<16xi32>], vector<16xf32>,
      %parallel_loop3A_327 = arith.constant 384 : i32
      %parallel_loop3A_328 = arith.addi %parallel_loop3A_294, %parallel_loop3A_327 : i32
      %parallel_loop3A_329 = arith.index_cast %parallel_loop3A_328 : i32 to index
      %parallel_loop3A_330 = tpu.vector_load %arg7[%parallel_loop3A_329] {strides = array<i32>} : memref<16384xf32, #tpu.memory_space<vmem>>, vector<16xf32>,
      tpu.vector_store %arg7[%parallel_loop3A_329], %parallel_loop3A_326 {strides = array<i32>} : memref<16384xf32, #tpu.memory_space<vmem>>, vector<16xf32>,
      %parallel_loop3A_331 = arith.constant 128 : i32
      %parallel_loop3A_332 = vector.broadcast %parallel_loop3A_331 : i32 to vector<16xi32>
      %parallel_loop3A_333 = arith.addi %parallel_loop3A_298, %parallel_loop3A_332 : vector<16xi32>
      %parallel_loop3A_334 = tpu.vector_load_idx %arg11[%parallel_loop3A_333] : memref<512xf32, #tpu.memory_space<vmem>>[vector<16xi32>], vector<16xf32>,
      %parallel_loop3A_335 = arith.constant 512 : i32
      %parallel_loop3A_336 = arith.addi %parallel_loop3A_294, %parallel_loop3A_335 : i32
      %parallel_loop3A_337 = arith.index_cast %parallel_loop3A_336 : i32 to index
      %parallel_loop3A_338 = tpu.vector_load %arg7[%parallel_loop3A_337] {strides = array<i32>} : memref<16384xf32, #tpu.memory_space<vmem>>, vector<16xf32>,
      tpu.vector_store %arg7[%parallel_loop3A_337], %parallel_loop3A_334 {strides = array<i32>} : memref<16384xf32, #tpu.memory_space<vmem>>, vector<16xf32>,
      %parallel_loop3A_339 = arith.constant 160 : i32
      %parallel_loop3A_340 = vector.broadcast %parallel_loop3A_339 : i32 to vector<16xi32>
      %parallel_loop3A_341 = arith.addi %parallel_loop3A_298, %parallel_loop3A_340 : vector<16xi32>
      %parallel_loop3A_342 = tpu.vector_load_idx %arg11[%parallel_loop3A_341] : memref<512xf32, #tpu.memory_space<vmem>>[vector<16xi32>], vector<16xf32>,
      %parallel_loop3A_343 = arith.constant 640 : i32
      %parallel_loop3A_344 = arith.addi %parallel_loop3A_294, %parallel_loop3A_343 : i32
      %parallel_loop3A_345 = arith.index_cast %parallel_loop3A_344 : i32 to index
      %parallel_loop3A_346 = tpu.vector_load %arg7[%parallel_loop3A_345] {strides = array<i32>} : memref<16384xf32, #tpu.memory_space<vmem>>, vector<16xf32>,
      tpu.vector_store %arg7[%parallel_loop3A_345], %parallel_loop3A_342 {strides = array<i32>} : memref<16384xf32, #tpu.memory_space<vmem>>, vector<16xf32>,
      %parallel_loop3A_347 = arith.constant 192 : i32
      %parallel_loop3A_348 = vector.broadcast %parallel_loop3A_347 : i32 to vector<16xi32>
      %parallel_loop3A_349 = arith.addi %parallel_loop3A_298, %parallel_loop3A_348 : vector<16xi32>
      %parallel_loop3A_350 = tpu.vector_load_idx %arg11[%parallel_loop3A_349] : memref<512xf32, #tpu.memory_space<vmem>>[vector<16xi32>], vector<16xf32>,
      %parallel_loop3A_351 = arith.constant 768 : i32
      %parallel_loop3A_352 = arith.addi %parallel_loop3A_294, %parallel_loop3A_351 : i32
      %parallel_loop3A_353 = arith.index_cast %parallel_loop3A_352 : i32 to index
      %parallel_loop3A_354 = tpu.vector_load %arg7[%parallel_loop3A_353] {strides = array<i32>} : memref<16384xf32, #tpu.memory_space<vmem>>, vector<16xf32>,
      tpu.vector_store %arg7[%parallel_loop3A_353], %parallel_loop3A_350 {strides = array<i32>} : memref<16384xf32, #tpu.memory_space<vmem>>, vector<16xf32>,
      %parallel_loop3A_355 = arith.constant 224 : i32
      %parallel_loop3A_356 = vector.broadcast %parallel_loop3A_355 : i32 to vector<16xi32>
      %parallel_loop3A_357 = arith.addi %parallel_loop3A_298, %parallel_loop3A_356 : vector<16xi32>
      %parallel_loop3A_358 = tpu.vector_load_idx %arg11[%parallel_loop3A_357] : memref<512xf32, #tpu.memory_space<vmem>>[vector<16xi32>], vector<16xf32>,
      %parallel_loop3A_359 = arith.constant 896 : i32
      %parallel_loop3A_360 = arith.addi %parallel_loop3A_294, %parallel_loop3A_359 : i32
      %parallel_loop3A_361 = arith.index_cast %parallel_loop3A_360 : i32 to index
      %parallel_loop3A_362 = tpu.vector_load %arg7[%parallel_loop3A_361] {strides = array<i32>} : memref<16384xf32, #tpu.memory_space<vmem>>, vector<16xf32>,
      tpu.vector_store %arg7[%parallel_loop3A_361], %parallel_loop3A_358 {strides = array<i32>} : memref<16384xf32, #tpu.memory_space<vmem>>, vector<16xf32>,
      %parallel_loop3A_363 = arith.constant 256 : i32
      %parallel_loop3A_364 = vector.broadcast %parallel_loop3A_363 : i32 to vector<16xi32>
      %parallel_loop3A_365 = arith.addi %parallel_loop3A_298, %parallel_loop3A_364 : vector<16xi32>
      %parallel_loop3A_366 = tpu.vector_load_idx %arg11[%parallel_loop3A_365] : memref<512xf32, #tpu.memory_space<vmem>>[vector<16xi32>], vector<16xf32>,
      %parallel_loop3A_367 = arith.constant 0 : i32
      %parallel_loop3A_368 = arith.addi %parallel_loop3A_294, %parallel_loop3A_367 : i32
      %parallel_loop3A_369 = arith.index_cast %parallel_loop3A_368 : i32 to index
      %parallel_loop3A_370 = tpu.vector_load %arg8[%parallel_loop3A_369] {strides = array<i32>} : memref<16384xf32, #tpu.memory_space<vmem>>, vector<16xf32>,
      tpu.vector_store %arg8[%parallel_loop3A_369], %parallel_loop3A_366 {strides = array<i32>} : memref<16384xf32, #tpu.memory_space<vmem>>, vector<16xf32>,
      %parallel_loop3A_371 = arith.constant 288 : i32
      %parallel_loop3A_372 = vector.broadcast %parallel_loop3A_371 : i32 to vector<16xi32>
      %parallel_loop3A_373 = arith.addi %parallel_loop3A_298, %parallel_loop3A_372 : vector<16xi32>
      %parallel_loop3A_374 = tpu.vector_load_idx %arg11[%parallel_loop3A_373] : memref<512xf32, #tpu.memory_space<vmem>>[vector<16xi32>], vector<16xf32>,
      %parallel_loop3A_375 = arith.constant 128 : i32
      %parallel_loop3A_376 = arith.addi %parallel_loop3A_294, %parallel_loop3A_375 : i32
      %parallel_loop3A_377 = arith.index_cast %parallel_loop3A_376 : i32 to index
      %parallel_loop3A_378 = tpu.vector_load %arg8[%parallel_loop3A_377] {strides = array<i32>} : memref<16384xf32, #tpu.memory_space<vmem>>, vector<16xf32>,
      tpu.vector_store %arg8[%parallel_loop3A_377], %parallel_loop3A_374 {strides = array<i32>} : memref<16384xf32, #tpu.memory_space<vmem>>, vector<16xf32>,
      %parallel_loop3A_379 = arith.constant 320 : i32
      %parallel_loop3A_380 = vector.broadcast %parallel_loop3A_379 : i32 to vector<16xi32>
      %parallel_loop3A_381 = arith.addi %parallel_loop3A_298, %parallel_loop3A_380 : vector<16xi32>
      %parallel_loop3A_382 = tpu.vector_load_idx %arg11[%parallel_loop3A_381] : memref<512xf32, #tpu.memory_space<vmem>>[vector<16xi32>], vector<16xf32>,
      %parallel_loop3A_383 = arith.constant 256 : i32
      %parallel_loop3A_384 = arith.addi %parallel_loop3A_294, %parallel_loop3A_383 : i32
      %parallel_loop3A_385 = arith.index_cast %parallel_loop3A_384 : i32 to index
      %parallel_loop3A_386 = tpu.vector_load %arg8[%parallel_loop3A_385] {strides = array<i32>} : memref<16384xf32, #tpu.memory_space<vmem>>, vector<16xf32>,
      tpu.vector_store %arg8[%parallel_loop3A_385], %parallel_loop3A_382 {strides = array<i32>} : memref<16384xf32, #tpu.memory_space<vmem>>, vector<16xf32>,
      %parallel_loop3A_387 = arith.constant 352 : i32
      %parallel_loop3A_388 = vector.broadcast %parallel_loop3A_387 : i32 to vector<16xi32>
      %parallel_loop3A_389 = arith.addi %parallel_loop3A_298, %parallel_loop3A_388 : vector<16xi32>
      %parallel_loop3A_390 = tpu.vector_load_idx %arg11[%parallel_loop3A_389] : memref<512xf32, #tpu.memory_space<vmem>>[vector<16xi32>], vector<16xf32>,
      %parallel_loop3A_391 = arith.constant 384 : i32
      %parallel_loop3A_392 = arith.addi %parallel_loop3A_294, %parallel_loop3A_391 : i32
      %parallel_loop3A_393 = arith.index_cast %parallel_loop3A_392 : i32 to index
      %parallel_loop3A_394 = tpu.vector_load %arg8[%parallel_loop3A_393] {strides = array<i32>} : memref<16384xf32, #tpu.memory_space<vmem>>, vector<16xf32>,
      tpu.vector_store %arg8[%parallel_loop3A_393], %parallel_loop3A_390 {strides = array<i32>} : memref<16384xf32, #tpu.memory_space<vmem>>, vector<16xf32>,
      %parallel_loop3A_395 = arith.constant 384 : i32
      %parallel_loop3A_396 = vector.broadcast %parallel_loop3A_395 : i32 to vector<16xi32>
      %parallel_loop3A_397 = arith.addi %parallel_loop3A_298, %parallel_loop3A_396 : vector<16xi32>
      %parallel_loop3A_398 = tpu.vector_load_idx %arg11[%parallel_loop3A_397] : memref<512xf32, #tpu.memory_space<vmem>>[vector<16xi32>], vector<16xf32>,
      %parallel_loop3A_399 = arith.constant 512 : i32
      %parallel_loop3A_400 = arith.addi %parallel_loop3A_294, %parallel_loop3A_399 : i32
      %parallel_loop3A_401 = arith.index_cast %parallel_loop3A_400 : i32 to index
      %parallel_loop3A_402 = tpu.vector_load %arg8[%parallel_loop3A_401] {strides = array<i32>} : memref<16384xf32, #tpu.memory_space<vmem>>, vector<16xf32>,
      tpu.vector_store %arg8[%parallel_loop3A_401], %parallel_loop3A_398 {strides = array<i32>} : memref<16384xf32, #tpu.memory_space<vmem>>, vector<16xf32>,
      %parallel_loop3A_403 = arith.constant 416 : i32
      %parallel_loop3A_404 = vector.broadcast %parallel_loop3A_403 : i32 to vector<16xi32>
      %parallel_loop3A_405 = arith.addi %parallel_loop3A_298, %parallel_loop3A_404 : vector<16xi32>
      %parallel_loop3A_406 = tpu.vector_load_idx %arg11[%parallel_loop3A_405] : memref<512xf32, #tpu.memory_space<vmem>>[vector<16xi32>], vector<16xf32>,
      %parallel_loop3A_407 = arith.constant 640 : i32
      %parallel_loop3A_408 = arith.addi %parallel_loop3A_294, %parallel_loop3A_407 : i32
      %parallel_loop3A_409 = arith.index_cast %parallel_loop3A_408 : i32 to index
      %parallel_loop3A_410 = tpu.vector_load %arg8[%parallel_loop3A_409] {strides = array<i32>} : memref<16384xf32, #tpu.memory_space<vmem>>, vector<16xf32>,
      tpu.vector_store %arg8[%parallel_loop3A_409], %parallel_loop3A_406 {strides = array<i32>} : memref<16384xf32, #tpu.memory_space<vmem>>, vector<16xf32>,
      %parallel_loop3A_411 = arith.constant 448 : i32
      %parallel_loop3A_412 = vector.broadcast %parallel_loop3A_411 : i32 to vector<16xi32>
      %parallel_loop3A_413 = arith.addi %parallel_loop3A_298, %parallel_loop3A_412 : vector<16xi32>
      %parallel_loop3A_414 = tpu.vector_load_idx %arg11[%parallel_loop3A_413] : memref<512xf32, #tpu.memory_space<vmem>>[vector<16xi32>], vector<16xf32>,
      %parallel_loop3A_415 = arith.constant 768 : i32
      %parallel_loop3A_416 = arith.addi %parallel_loop3A_294, %parallel_loop3A_415 : i32
      %parallel_loop3A_417 = arith.index_cast %parallel_loop3A_416 : i32 to index
      %parallel_loop3A_418 = tpu.vector_load %arg8[%parallel_loop3A_417] {strides = array<i32>} : memref<16384xf32, #tpu.memory_space<vmem>>, vector<16xf32>,
      tpu.vector_store %arg8[%parallel_loop3A_417], %parallel_loop3A_414 {strides = array<i32>} : memref<16384xf32, #tpu.memory_space<vmem>>, vector<16xf32>,
      %parallel_loop3A_419 = arith.constant 480 : i32
      %parallel_loop3A_420 = vector.broadcast %parallel_loop3A_419 : i32 to vector<16xi32>
      %parallel_loop3A_421 = arith.addi %parallel_loop3A_298, %parallel_loop3A_420 : vector<16xi32>
      %parallel_loop3A_422 = tpu.vector_load_idx %arg11[%parallel_loop3A_421] : memref<512xf32, #tpu.memory_space<vmem>>[vector<16xi32>], vector<16xf32>,
      %parallel_loop3A_423 = arith.constant 896 : i32
      %parallel_loop3A_424 = arith.addi %parallel_loop3A_294, %parallel_loop3A_423 : i32
      %parallel_loop3A_425 = arith.index_cast %parallel_loop3A_424 : i32 to index
      %parallel_loop3A_426 = tpu.vector_load %arg8[%parallel_loop3A_425] {strides = array<i32>} : memref<16384xf32, #tpu.memory_space<vmem>>, vector<16xf32>,
      tpu.vector_store %arg8[%parallel_loop3A_425], %parallel_loop3A_422 {strides = array<i32>} : memref<16384xf32, #tpu.memory_space<vmem>>, vector<16xf32>,
    } {sc.loop_unroll_factor = 2 : i64, sc.parallel_access}
    %add3A_127 = arith.constant 32 : i32
    %add3A_128 = arith.addi %select_n3A, %add3A_127 : i32
    %mul3A_129 = arith.constant 1024 : i32
    %mul3A_130 = arith.muli %add3A_128, %mul3A_129 : i32
    %add3A_131 = arith.constant 0 : i32
    %add3A_132 = arith.addi %add3A_131, %mul3A_130 : i32
    %multiple_of3A_133 = tpu.assume_multiple %add3A_132, 8 : i32
    %dma_start3A_134 = tpu.memref_slice %arg4[%multiple_of3A_133] : memref<51200000xf32, #tpu.memory_space<hbm>> -> memref<16384xf32, #tpu.memory_space<hbm>>
    %dma_start3A_135 = tpu.memref_slice %arg4[%multiple_of3A_133] : memref<51200000xf32, #tpu.memory_space<hbm>> -> memref<16384xf32, #tpu.memory_space<hbm>>
    tpu.enqueue_dma source(%arg7 : memref<16384xf32, #tpu.memory_space<vmem>>) target(%dma_start3A_135 : memref<16384xf32, #tpu.memory_space<hbm>>) target_semaphore(%arg14 : memref<!tpu.dma_semaphore, #tpu.memory_space<semaphore_mem>>)
    %add3A_136 = arith.constant 32 : i32
    %add3A_137 = arith.addi %select_n3A, %add3A_136 : i32
    %mul3A_138 = arith.constant 1024 : i32
    %mul3A_139 = arith.muli %add3A_137, %mul3A_138 : i32
    %add3A_140 = arith.constant 25600000 : i32
    %add3A_141 = arith.addi %add3A_140, %mul3A_139 : i32
    %multiple_of3A_142 = tpu.assume_multiple %add3A_141, 8 : i32
    %dma_start3A_143 = tpu.memref_slice %arg4[%multiple_of3A_142] : memref<51200000xf32, #tpu.memory_space<hbm>> -> memref<16384xf32, #tpu.memory_space<hbm>>
    %dma_start3A_144 = tpu.memref_slice %arg4[%multiple_of3A_142] : memref<51200000xf32, #tpu.memory_space<hbm>> -> memref<16384xf32, #tpu.memory_space<hbm>>
    tpu.enqueue_dma source(%arg8 : memref<16384xf32, #tpu.memory_space<vmem>>) target(%dma_start3A_144 : memref<16384xf32, #tpu.memory_space<hbm>>) target_semaphore(%arg15 : memref<!tpu.dma_semaphore, #tpu.memory_space<semaphore_mem>>)
    %scan3A = arith.constant 0 : i32
    %scan3A_145 = arith.constant 0 : i32
    %scan3A_146 = arith.constant 22 : i32
    %scan3A_147 = arith.addi %scan3A_145, %scan3A_146 : i32
    %scan3A_148 = arith.constant 1 : i32
    scf.for %scan3A_285 = %scan3A_145 to %scan3A_147 step %scan3A_148  : i32 {
      %mul3A_286 = arith.constant 2 : i32
      %mul3A_287 = arith.muli %mul3A_286, %scan3A_285 : i32
      %add3A_288 = arith.constant 3 : i32
      %add3A_289 = arith.addi %add3A_288, %mul3A_287 : i32
      %mul3A_290 = arith.constant 16 : i32
      %mul3A_291 = arith.muli %add3A_289, %mul3A_290 : i32
      %add3A_292 = arith.addi %select_n3A, %mul3A_291 : i32
      %mul3A_293 = arith.constant 128 : i32
      %mul3A_294 = arith.muli %add3A_292, %mul3A_293 : i32
      %multiple_of3A_295 = tpu.assume_multiple %mul3A_294, 8 : i32
      %dma_wait3A_296 = tpu.memref_slice %arg2[%multiple_of3A_295] : memref<3200000xi32, #tpu.memory_space<hbm>> -> memref<2048xi32, #tpu.memory_space<hbm>>
      %dma_wait3A_297 = tpu.memref_slice %arg2[%multiple_of3A_295] : memref<3200000xi32, #tpu.memory_space<hbm>> -> memref<2048xi32, #tpu.memory_space<hbm>>
      tpu.wait_dma2 semaphore(%arg13 : memref<!tpu.dma_semaphore, #tpu.memory_space<semaphore_mem>>) src(%dma_wait3A_297 : memref<2048xi32, #tpu.memory_space<hbm>>) dst(%arg6 : memref<2048xi32, #tpu.memory_space<vmem>>)
      %add3A_298 = arith.constant 1 : i32
      %add3A_299 = arith.addi %add3A_289, %add3A_298 : i32
      %mul3A_300 = arith.constant 16 : i32
      %mul3A_301 = arith.muli %add3A_299, %mul3A_300 : i32
      %add3A_302 = arith.addi %select_n3A, %mul3A_301 : i32
      %mul3A_303 = arith.constant 128 : i32
      %mul3A_304 = arith.muli %add3A_302, %mul3A_303 : i32
      %multiple_of3A_305 = tpu.assume_multiple %mul3A_304, 8 : i32
      %dma_start3A_306 = tpu.memref_slice %arg2[%multiple_of3A_305] : memref<3200000xi32, #tpu.memory_space<hbm>> -> memref<2048xi32, #tpu.memory_space<hbm>>
      %dma_start3A_307 = tpu.memref_slice %arg2[%multiple_of3A_305] : memref<3200000xi32, #tpu.memory_space<hbm>> -> memref<2048xi32, #tpu.memory_space<hbm>>
      tpu.enqueue_dma source(%dma_start3A_307 : memref<2048xi32, #tpu.memory_space<hbm>>) target(%arg5 : memref<2048xi32, #tpu.memory_space<vmem>>) target_semaphore(%arg12 : memref<!tpu.dma_semaphore, #tpu.memory_space<semaphore_mem>>)
      %sub3A_308 = arith.constant 2 : i32
      %sub3A_309 = arith.subi %add3A_289, %sub3A_308 : i32
      %mul3A_310 = arith.constant 16 : i32
      %mul3A_311 = arith.muli %sub3A_309, %mul3A_310 : i32
      %add3A_312 = arith.addi %select_n3A, %mul3A_311 : i32
      %mul3A_313 = arith.constant 1024 : i32
      %mul3A_314 = arith.muli %add3A_312, %mul3A_313 : i32
      %add3A_315 = arith.constant 0 : i32
      %add3A_316 = arith.addi %add3A_315, %mul3A_314 : i32
      %multiple_of3A_317 = tpu.assume_multiple %add3A_316, 8 : i32
      %dma_wait3A_318 = tpu.memref_slice %arg4[%multiple_of3A_317] : memref<51200000xf32, #tpu.memory_space<hbm>> -> memref<16384xf32, #tpu.memory_space<hbm>>
      %dma_wait3A_319 = tpu.memref_slice %arg4[%multiple_of3A_317] : memref<51200000xf32, #tpu.memory_space<hbm>> -> memref<16384xf32, #tpu.memory_space<hbm>>
      tpu.wait_dma2 semaphore(%arg16 : memref<!tpu.dma_semaphore, #tpu.memory_space<semaphore_mem>>) src(%arg9 : memref<16384xf32, #tpu.memory_space<vmem>>) dst(%dma_wait3A_319 : memref<16384xf32, #tpu.memory_space<hbm>>)
      %sub3A_320 = arith.constant 2 : i32
      %sub3A_321 = arith.subi %add3A_289, %sub3A_320 : i32
      %mul3A_322 = arith.constant 16 : i32
      %mul3A_323 = arith.muli %sub3A_321, %mul3A_322 : i32
      %add3A_324 = arith.addi %select_n3A, %mul3A_323 : i32
      %mul3A_325 = arith.constant 1024 : i32
      %mul3A_326 = arith.muli %add3A_324, %mul3A_325 : i32
      %add3A_327 = arith.constant 25600000 : i32
      %add3A_328 = arith.addi %add3A_327, %mul3A_326 : i32
      %multiple_of3A_329 = tpu.assume_multiple %add3A_328, 8 : i32
      %dma_wait3A_330 = tpu.memref_slice %arg4[%multiple_of3A_329] : memref<51200000xf32, #tpu.memory_space<hbm>> -> memref<16384xf32, #tpu.memory_space<hbm>>
      %dma_wait3A_331 = tpu.memref_slice %arg4[%multiple_of3A_329] : memref<51200000xf32, #tpu.memory_space<hbm>> -> memref<16384xf32, #tpu.memory_space<hbm>>
      tpu.wait_dma2 semaphore(%arg17 : memref<!tpu.dma_semaphore, #tpu.memory_space<semaphore_mem>>) src(%arg10 : memref<16384xf32, #tpu.memory_space<vmem>>) dst(%dma_wait3A_331 : memref<16384xf32, #tpu.memory_space<hbm>>)
      %parallel_loop3A_332 = arith.constant 0 : i32
      %parallel_loop3A_333 = arith.constant 128 : i32
      %parallel_loop3A_334 = arith.constant 1 : i32
      scf.for %parallel_loop3A_424 = %parallel_loop3A_332 to %parallel_loop3A_333 step %parallel_loop3A_334  : i32 {
        %parallel_loop3A_425 = arith.constant 3 : i32
        %parallel_loop3A_426 = arith.shrsi %parallel_loop3A_424, %parallel_loop3A_425 : i32
        %parallel_loop3A_427 = arith.constant 1024 : i32
        %parallel_loop3A_428 = arith.muli %parallel_loop3A_426, %parallel_loop3A_427 : i32
        %parallel_loop3A_429 = arith.constant 7 : i32
        %parallel_loop3A_430 = arith.andi %parallel_loop3A_424, %parallel_loop3A_429 : i32
        %parallel_loop3A_431 = arith.constant 16 : i32
        %parallel_loop3A_432 = arith.muli %parallel_loop3A_430, %parallel_loop3A_431 : i32
        %parallel_loop3A_433 = arith.addi %parallel_loop3A_428, %parallel_loop3A_432 : i32
        %parallel_loop3A_434 = arith.constant 16 : i32
        %parallel_loop3A_435 = arith.muli %parallel_loop3A_424, %parallel_loop3A_434 : i32
        %parallel_loop3A_436 = arith.index_cast %parallel_loop3A_435 : i32 to index
        %parallel_loop3A_437 = tpu.vector_load %arg6[%parallel_loop3A_436] {strides = array<i32>} : memref<2048xi32, #tpu.memory_space<vmem>>, vector<16xi32>,
        %parallel_loop3A_438 = arith.constant 0 : i32
        %parallel_loop3A_439 = vector.broadcast %parallel_loop3A_438 : i32 to vector<16xi32>
        %parallel_loop3A_440 = arith.addi %parallel_loop3A_437, %parallel_loop3A_439 : vector<16xi32>
        %parallel_loop3A_441 = tpu.vector_load_idx %arg11[%parallel_loop3A_440] : memref<512xf32, #tpu.memory_space<vmem>>[vector<16xi32>], vector<16xf32>,
        %parallel_loop3A_442 = arith.constant 0 : i32
        %parallel_loop3A_443 = arith.addi %parallel_loop3A_433, %parallel_loop3A_442 : i32
        %parallel_loop3A_444 = arith.index_cast %parallel_loop3A_443 : i32 to index
        %parallel_loop3A_445 = tpu.vector_load %arg9[%parallel_loop3A_444] {strides = array<i32>} : memref<16384xf32, #tpu.memory_space<vmem>>, vector<16xf32>,
        tpu.vector_store %arg9[%parallel_loop3A_444], %parallel_loop3A_441 {strides = array<i32>} : memref<16384xf32, #tpu.memory_space<vmem>>, vector<16xf32>,
        %parallel_loop3A_446 = arith.constant 32 : i32
        %parallel_loop3A_447 = vector.broadcast %parallel_loop3A_446 : i32 to vector<16xi32>
        %parallel_loop3A_448 = arith.addi %parallel_loop3A_437, %parallel_loop3A_447 : vector<16xi32>
        %parallel_loop3A_449 = tpu.vector_load_idx %arg11[%parallel_loop3A_448] : memref<512xf32, #tpu.memory_space<vmem>>[vector<16xi32>], vector<16xf32>,
        %parallel_loop3A_450 = arith.constant 128 : i32
        %parallel_loop3A_451 = arith.addi %parallel_loop3A_433, %parallel_loop3A_450 : i32
        %parallel_loop3A_452 = arith.index_cast %parallel_loop3A_451 : i32 to index
        %parallel_loop3A_453 = tpu.vector_load %arg9[%parallel_loop3A_452] {strides = array<i32>} : memref<16384xf32, #tpu.memory_space<vmem>>, vector<16xf32>,
        tpu.vector_store %arg9[%parallel_loop3A_452], %parallel_loop3A_449 {strides = array<i32>} : memref<16384xf32, #tpu.memory_space<vmem>>, vector<16xf32>,
        %parallel_loop3A_454 = arith.constant 64 : i32
        %parallel_loop3A_455 = vector.broadcast %parallel_loop3A_454 : i32 to vector<16xi32>
        %parallel_loop3A_456 = arith.addi %parallel_loop3A_437, %parallel_loop3A_455 : vector<16xi32>
        %parallel_loop3A_457 = tpu.vector_load_idx %arg11[%parallel_loop3A_456] : memref<512xf32, #tpu.memory_space<vmem>>[vector<16xi32>], vector<16xf32>,
        %parallel_loop3A_458 = arith.constant 256 : i32
        %parallel_loop3A_459 = arith.addi %parallel_loop3A_433, %parallel_loop3A_458 : i32
        %parallel_loop3A_460 = arith.index_cast %parallel_loop3A_459 : i32 to index
        %parallel_loop3A_461 = tpu.vector_load %arg9[%parallel_loop3A_460] {strides = array<i32>} : memref<16384xf32, #tpu.memory_space<vmem>>, vector<16xf32>,
        tpu.vector_store %arg9[%parallel_loop3A_460], %parallel_loop3A_457 {strides = array<i32>} : memref<16384xf32, #tpu.memory_space<vmem>>, vector<16xf32>,
        %parallel_loop3A_462 = arith.constant 96 : i32
        %parallel_loop3A_463 = vector.broadcast %parallel_loop3A_462 : i32 to vector<16xi32>
        %parallel_loop3A_464 = arith.addi %parallel_loop3A_437, %parallel_loop3A_463 : vector<16xi32>
        %parallel_loop3A_465 = tpu.vector_load_idx %arg11[%parallel_loop3A_464] : memref<512xf32, #tpu.memory_space<vmem>>[vector<16xi32>], vector<16xf32>,
        %parallel_loop3A_466 = arith.constant 384 : i32
        %parallel_loop3A_467 = arith.addi %parallel_loop3A_433, %parallel_loop3A_466 : i32
        %parallel_loop3A_468 = arith.index_cast %parallel_loop3A_467 : i32 to index
        %parallel_loop3A_469 = tpu.vector_load %arg9[%parallel_loop3A_468] {strides = array<i32>} : memref<16384xf32, #tpu.memory_space<vmem>>, vector<16xf32>,
        tpu.vector_store %arg9[%parallel_loop3A_468], %parallel_loop3A_465 {strides = array<i32>} : memref<16384xf32, #tpu.memory_space<vmem>>, vector<16xf32>,
        %parallel_loop3A_470 = arith.constant 128 : i32
        %parallel_loop3A_471 = vector.broadcast %parallel_loop3A_470 : i32 to vector<16xi32>
        %parallel_loop3A_472 = arith.addi %parallel_loop3A_437, %parallel_loop3A_471 : vector<16xi32>
        %parallel_loop3A_473 = tpu.vector_load_idx %arg11[%parallel_loop3A_472] : memref<512xf32, #tpu.memory_space<vmem>>[vector<16xi32>], vector<16xf32>,
        %parallel_loop3A_474 = arith.constant 512 : i32
        %parallel_loop3A_475 = arith.addi %parallel_loop3A_433, %parallel_loop3A_474 : i32
        %parallel_loop3A_476 = arith.index_cast %parallel_loop3A_475 : i32 to index
        %parallel_loop3A_477 = tpu.vector_load %arg9[%parallel_loop3A_476] {strides = array<i32>} : memref<16384xf32, #tpu.memory_space<vmem>>, vector<16xf32>,
        tpu.vector_store %arg9[%parallel_loop3A_476], %parallel_loop3A_473 {strides = array<i32>} : memref<16384xf32, #tpu.memory_space<vmem>>, vector<16xf32>,
        %parallel_loop3A_478 = arith.constant 160 : i32
        %parallel_loop3A_479 = vector.broadcast %parallel_loop3A_478 : i32 to vector<16xi32>
        %parallel_loop3A_480 = arith.addi %parallel_loop3A_437, %parallel_loop3A_479 : vector<16xi32>
        %parallel_loop3A_481 = tpu.vector_load_idx %arg11[%parallel_loop3A_480] : memref<512xf32, #tpu.memory_space<vmem>>[vector<16xi32>], vector<16xf32>,
        %parallel_loop3A_482 = arith.constant 640 : i32
        %parallel_loop3A_483 = arith.addi %parallel_loop3A_433, %parallel_loop3A_482 : i32
        %parallel_loop3A_484 = arith.index_cast %parallel_loop3A_483 : i32 to index
        %parallel_loop3A_485 = tpu.vector_load %arg9[%parallel_loop3A_484] {strides = array<i32>} : memref<16384xf32, #tpu.memory_space<vmem>>, vector<16xf32>,
        tpu.vector_store %arg9[%parallel_loop3A_484], %parallel_loop3A_481 {strides = array<i32>} : memref<16384xf32, #tpu.memory_space<vmem>>, vector<16xf32>,
        %parallel_loop3A_486 = arith.constant 192 : i32
        %parallel_loop3A_487 = vector.broadcast %parallel_loop3A_486 : i32 to vector<16xi32>
        %parallel_loop3A_488 = arith.addi %parallel_loop3A_437, %parallel_loop3A_487 : vector<16xi32>
        %parallel_loop3A_489 = tpu.vector_load_idx %arg11[%parallel_loop3A_488] : memref<512xf32, #tpu.memory_space<vmem>>[vector<16xi32>], vector<16xf32>,
        %parallel_loop3A_490 = arith.constant 768 : i32
        %parallel_loop3A_491 = arith.addi %parallel_loop3A_433, %parallel_loop3A_490 : i32
        %parallel_loop3A_492 = arith.index_cast %parallel_loop3A_491 : i32 to index
        %parallel_loop3A_493 = tpu.vector_load %arg9[%parallel_loop3A_492] {strides = array<i32>} : memref<16384xf32, #tpu.memory_space<vmem>>, vector<16xf32>,
        tpu.vector_store %arg9[%parallel_loop3A_492], %parallel_loop3A_489 {strides = array<i32>} : memref<16384xf32, #tpu.memory_space<vmem>>, vector<16xf32>,
        %parallel_loop3A_494 = arith.constant 224 : i32
        %parallel_loop3A_495 = vector.broadcast %parallel_loop3A_494 : i32 to vector<16xi32>
        %parallel_loop3A_496 = arith.addi %parallel_loop3A_437, %parallel_loop3A_495 : vector<16xi32>
        %parallel_loop3A_497 = tpu.vector_load_idx %arg11[%parallel_loop3A_496] : memref<512xf32, #tpu.memory_space<vmem>>[vector<16xi32>], vector<16xf32>,
        %parallel_loop3A_498 = arith.constant 896 : i32
        %parallel_loop3A_499 = arith.addi %parallel_loop3A_433, %parallel_loop3A_498 : i32
        %parallel_loop3A_500 = arith.index_cast %parallel_loop3A_499 : i32 to index
        %parallel_loop3A_501 = tpu.vector_load %arg9[%parallel_loop3A_500] {strides = array<i32>} : memref<16384xf32, #tpu.memory_space<vmem>>, vector<16xf32>,
        tpu.vector_store %arg9[%parallel_loop3A_500], %parallel_loop3A_497 {strides = array<i32>} : memref<16384xf32, #tpu.memory_space<vmem>>, vector<16xf32>,
        %parallel_loop3A_502 = arith.constant 256 : i32
        %parallel_loop3A_503 = vector.broadcast %parallel_loop3A_502 : i32 to vector<16xi32>
        %parallel_loop3A_504 = arith.addi %parallel_loop3A_437, %parallel_loop3A_503 : vector<16xi32>
        %parallel_loop3A_505 = tpu.vector_load_idx %arg11[%parallel_loop3A_504] : memref<512xf32, #tpu.memory_space<vmem>>[vector<16xi32>], vector<16xf32>,
        %parallel_loop3A_506 = arith.constant 0 : i32
        %parallel_loop3A_507 = arith.addi %parallel_loop3A_433, %parallel_loop3A_506 : i32
        %parallel_loop3A_508 = arith.index_cast %parallel_loop3A_507 : i32 to index
        %parallel_loop3A_509 = tpu.vector_load %arg10[%parallel_loop3A_508] {strides = array<i32>} : memref<16384xf32, #tpu.memory_space<vmem>>, vector<16xf32>,
        tpu.vector_store %arg10[%parallel_loop3A_508], %parallel_loop3A_505 {strides = array<i32>} : memref<16384xf32, #tpu.memory_space<vmem>>, vector<16xf32>,
        %parallel_loop3A_510 = arith.constant 288 : i32
        %parallel_loop3A_511 = vector.broadcast %parallel_loop3A_510 : i32 to vector<16xi32>
        %parallel_loop3A_512 = arith.addi %parallel_loop3A_437, %parallel_loop3A_511 : vector<16xi32>
        %parallel_loop3A_513 = tpu.vector_load_idx %arg11[%parallel_loop3A_512] : memref<512xf32, #tpu.memory_space<vmem>>[vector<16xi32>], vector<16xf32>,
        %parallel_loop3A_514 = arith.constant 128 : i32
        %parallel_loop3A_515 = arith.addi %parallel_loop3A_433, %parallel_loop3A_514 : i32
        %parallel_loop3A_516 = arith.index_cast %parallel_loop3A_515 : i32 to index
        %parallel_loop3A_517 = tpu.vector_load %arg10[%parallel_loop3A_516] {strides = array<i32>} : memref<16384xf32, #tpu.memory_space<vmem>>, vector<16xf32>,
        tpu.vector_store %arg10[%parallel_loop3A_516], %parallel_loop3A_513 {strides = array<i32>} : memref<16384xf32, #tpu.memory_space<vmem>>, vector<16xf32>,
        %parallel_loop3A_518 = arith.constant 320 : i32
        %parallel_loop3A_519 = vector.broadcast %parallel_loop3A_518 : i32 to vector<16xi32>
        %parallel_loop3A_520 = arith.addi %parallel_loop3A_437, %parallel_loop3A_519 : vector<16xi32>
        %parallel_loop3A_521 = tpu.vector_load_idx %arg11[%parallel_loop3A_520] : memref<512xf32, #tpu.memory_space<vmem>>[vector<16xi32>], vector<16xf32>,
        %parallel_loop3A_522 = arith.constant 256 : i32
        %parallel_loop3A_523 = arith.addi %parallel_loop3A_433, %parallel_loop3A_522 : i32
        %parallel_loop3A_524 = arith.index_cast %parallel_loop3A_523 : i32 to index
        %parallel_loop3A_525 = tpu.vector_load %arg10[%parallel_loop3A_524] {strides = array<i32>} : memref<16384xf32, #tpu.memory_space<vmem>>, vector<16xf32>,
        tpu.vector_store %arg10[%parallel_loop3A_524], %parallel_loop3A_521 {strides = array<i32>} : memref<16384xf32, #tpu.memory_space<vmem>>, vector<16xf32>,
        %parallel_loop3A_526 = arith.constant 352 : i32
        %parallel_loop3A_527 = vector.broadcast %parallel_loop3A_526 : i32 to vector<16xi32>
        %parallel_loop3A_528 = arith.addi %parallel_loop3A_437, %parallel_loop3A_527 : vector<16xi32>
        %parallel_loop3A_529 = tpu.vector_load_idx %arg11[%parallel_loop3A_528] : memref<512xf32, #tpu.memory_space<vmem>>[vector<16xi32>], vector<16xf32>,
        %parallel_loop3A_530 = arith.constant 384 : i32
        %parallel_loop3A_531 = arith.addi %parallel_loop3A_433, %parallel_loop3A_530 : i32
        %parallel_loop3A_532 = arith.index_cast %parallel_loop3A_531 : i32 to index
        %parallel_loop3A_533 = tpu.vector_load %arg10[%parallel_loop3A_532] {strides = array<i32>} : memref<16384xf32, #tpu.memory_space<vmem>>, vector<16xf32>,
        tpu.vector_store %arg10[%parallel_loop3A_532], %parallel_loop3A_529 {strides = array<i32>} : memref<16384xf32, #tpu.memory_space<vmem>>, vector<16xf32>,
        %parallel_loop3A_534 = arith.constant 384 : i32
        %parallel_loop3A_535 = vector.broadcast %parallel_loop3A_534 : i32 to vector<16xi32>
        %parallel_loop3A_536 = arith.addi %parallel_loop3A_437, %parallel_loop3A_535 : vector<16xi32>
        %parallel_loop3A_537 = tpu.vector_load_idx %arg11[%parallel_loop3A_536] : memref<512xf32, #tpu.memory_space<vmem>>[vector<16xi32>], vector<16xf32>,
        %parallel_loop3A_538 = arith.constant 512 : i32
        %parallel_loop3A_539 = arith.addi %parallel_loop3A_433, %parallel_loop3A_538 : i32
        %parallel_loop3A_540 = arith.index_cast %parallel_loop3A_539 : i32 to index
        %parallel_loop3A_541 = tpu.vector_load %arg10[%parallel_loop3A_540] {strides = array<i32>} : memref<16384xf32, #tpu.memory_space<vmem>>, vector<16xf32>,
        tpu.vector_store %arg10[%parallel_loop3A_540], %parallel_loop3A_537 {strides = array<i32>} : memref<16384xf32, #tpu.memory_space<vmem>>, vector<16xf32>,
        %parallel_loop3A_542 = arith.constant 416 : i32
        %parallel_loop3A_543 = vector.broadcast %parallel_loop3A_542 : i32 to vector<16xi32>
        %parallel_loop3A_544 = arith.addi %parallel_loop3A_437, %parallel_loop3A_543 : vector<16xi32>
        %parallel_loop3A_545 = tpu.vector_load_idx %arg11[%parallel_loop3A_544] : memref<512xf32, #tpu.memory_space<vmem>>[vector<16xi32>], vector<16xf32>,
        %parallel_loop3A_546 = arith.constant 640 : i32
        %parallel_loop3A_547 = arith.addi %parallel_loop3A_433, %parallel_loop3A_546 : i32
        %parallel_loop3A_548 = arith.index_cast %parallel_loop3A_547 : i32 to index
        %parallel_loop3A_549 = tpu.vector_load %arg10[%parallel_loop3A_548] {strides = array<i32>} : memref<16384xf32, #tpu.memory_space<vmem>>, vector<16xf32>,
        tpu.vector_store %arg10[%parallel_loop3A_548], %parallel_loop3A_545 {strides = array<i32>} : memref<16384xf32, #tpu.memory_space<vmem>>, vector<16xf32>,
        %parallel_loop3A_550 = arith.constant 448 : i32
        %parallel_loop3A_551 = vector.broadcast %parallel_loop3A_550 : i32 to vector<16xi32>
        %parallel_loop3A_552 = arith.addi %parallel_loop3A_437, %parallel_loop3A_551 : vector<16xi32>
        %parallel_loop3A_553 = tpu.vector_load_idx %arg11[%parallel_loop3A_552] : memref<512xf32, #tpu.memory_space<vmem>>[vector<16xi32>], vector<16xf32>,
        %parallel_loop3A_554 = arith.constant 768 : i32
        %parallel_loop3A_555 = arith.addi %parallel_loop3A_433, %parallel_loop3A_554 : i32
        %parallel_loop3A_556 = arith.index_cast %parallel_loop3A_555 : i32 to index
        %parallel_loop3A_557 = tpu.vector_load %arg10[%parallel_loop3A_556] {strides = array<i32>} : memref<16384xf32, #tpu.memory_space<vmem>>, vector<16xf32>,
        tpu.vector_store %arg10[%parallel_loop3A_556], %parallel_loop3A_553 {strides = array<i32>} : memref<16384xf32, #tpu.memory_space<vmem>>, vector<16xf32>,
        %parallel_loop3A_558 = arith.constant 480 : i32
        %parallel_loop3A_559 = vector.broadcast %parallel_loop3A_558 : i32 to vector<16xi32>
        %parallel_loop3A_560 = arith.addi %parallel_loop3A_437, %parallel_loop3A_559 : vector<16xi32>
        %parallel_loop3A_561 = tpu.vector_load_idx %arg11[%parallel_loop3A_560] : memref<512xf32, #tpu.memory_space<vmem>>[vector<16xi32>], vector<16xf32>,
        %parallel_loop3A_562 = arith.constant 896 : i32
        %parallel_loop3A_563 = arith.addi %parallel_loop3A_433, %parallel_loop3A_562 : i32
        %parallel_loop3A_564 = arith.index_cast %parallel_loop3A_563 : i32 to index
        %parallel_loop3A_565 = tpu.vector_load %arg10[%parallel_loop3A_564] {strides = array<i32>} : memref<16384xf32, #tpu.memory_space<vmem>>, vector<16xf32>,
        tpu.vector_store %arg10[%parallel_loop3A_564], %parallel_loop3A_561 {strides = array<i32>} : memref<16384xf32, #tpu.memory_space<vmem>>, vector<16xf32>,
      } {sc.loop_unroll_factor = 2 : i64, sc.parallel_access}
      %mul3A_335 = arith.constant 16 : i32
      %mul3A_336 = arith.muli %add3A_289, %mul3A_335 : i32
      %add3A_337 = arith.addi %select_n3A, %mul3A_336 : i32
      %mul3A_338 = arith.constant 1024 : i32
      %mul3A_339 = arith.muli %add3A_337, %mul3A_338 : i32
      %add3A_340 = arith.constant 0 : i32
      %add3A_341 = arith.addi %add3A_340, %mul3A_339 : i32
      %multiple_of3A_342 = tpu.assume_multiple %add3A_341, 8 : i32
      %dma_start3A_343 = tpu.memref_slice %arg4[%multiple_of3A_342] : memref<51200000xf32, #tpu.memory_space<hbm>> -> memref<16384xf32, #tpu.memory_space<hbm>>
      %dma_start3A_344 = tpu.memref_slice %arg4[%multiple_of3A_342] : memref<51200000xf32, #tpu.memory_space<hbm>> -> memref<16384xf32, #tpu.memory_space<hbm>>
      tpu.enqueue_dma source(%arg9 : memref<16384xf32, #tpu.memory_space<vmem>>) target(%dma_start3A_344 : memref<16384xf32, #tpu.memory_space<hbm>>) target_semaphore(%arg16 : memref<!tpu.dma_semaphore, #tpu.memory_space<semaphore_mem>>)
      %mul3A_345 = arith.constant 16 : i32
      %mul3A_346 = arith.muli %add3A_289, %mul3A_345 : i32
      %add3A_347 = arith.addi %select_n3A, %mul3A_346 : i32
      %mul3A_348 = arith.constant 1024 : i32
      %mul3A_349 = arith.muli %add3A_347, %mul3A_348 : i32
      %add3A_350 = arith.constant 25600000 : i32
      %add3A_351 = arith.addi %add3A_350, %mul3A_349 : i32
      %multiple_of3A_352 = tpu.assume_multiple %add3A_351, 8 : i32
      %dma_start3A_353 = tpu.memref_slice %arg4[%multiple_of3A_352] : memref<51200000xf32, #tpu.memory_space<hbm>> -> memref<16384xf32, #tpu.memory_space<hbm>>
      %dma_start3A_354 = tpu.memref_slice %arg4[%multiple_of3A_352] : memref<51200000xf32, #tpu.memory_space<hbm>> -> memref<16384xf32, #tpu.memory_space<hbm>>
      tpu.enqueue_dma source(%arg10 : memref<16384xf32, #tpu.memory_space<vmem>>) target(%dma_start3A_354 : memref<16384xf32, #tpu.memory_space<hbm>>) target_semaphore(%arg17 : memref<!tpu.dma_semaphore, #tpu.memory_space<semaphore_mem>>)
      %mul3A_355 = arith.constant 2 : i32
      %mul3A_356 = arith.muli %mul3A_355, %scan3A_285 : i32
      %add3A_357 = arith.constant 4 : i32
      %add3A_358 = arith.addi %add3A_357, %mul3A_356 : i32
      %mul3A_359 = arith.constant 16 : i32
      %mul3A_360 = arith.muli %add3A_358, %mul3A_359 : i32
      %add3A_361 = arith.addi %select_n3A, %mul3A_360 : i32
      %mul3A_362 = arith.constant 128 : i32
      %mul3A_363 = arith.muli %add3A_361, %mul3A_362 : i32
      %multiple_of3A_364 = tpu.assume_multiple %mul3A_363, 8 : i32
      %dma_wait3A_365 = tpu.memref_slice %arg2[%multiple_of3A_364] : memref<3200000xi32, #tpu.memory_space<hbm>> -> memref<2048xi32, #tpu.memory_space<hbm>>
      %dma_wait3A_366 = tpu.memref_slice %arg2[%multiple_of3A_364] : memref<3200000xi32, #tpu.memory_space<hbm>> -> memref<2048xi32, #tpu.memory_space<hbm>>
      tpu.wait_dma2 semaphore(%arg12 : memref<!tpu.dma_semaphore, #tpu.memory_space<semaphore_mem>>) src(%dma_wait3A_366 : memref<2048xi32, #tpu.memory_space<hbm>>) dst(%arg5 : memref<2048xi32, #tpu.memory_space<vmem>>)
      %add3A_367 = arith.constant 1 : i32
      %add3A_368 = arith.addi %add3A_358, %add3A_367 : i32
      %mul3A_369 = arith.constant 16 : i32
      %mul3A_370 = arith.muli %add3A_368, %mul3A_369 : i32
      %add3A_371 = arith.addi %select_n3A, %mul3A_370 : i32
      %mul3A_372 = arith.constant 128 : i32
      %mul3A_373 = arith.muli %add3A_371, %mul3A_372 : i32
      %multiple_of3A_374 = tpu.assume_multiple %mul3A_373, 8 : i32
      %dma_start3A_375 = tpu.memref_slice %arg2[%multiple_of3A_374] : memref<3200000xi32, #tpu.memory_space<hbm>> -> memref<2048xi32, #tpu.memory_space<hbm>>
      %dma_start3A_376 = tpu.memref_slice %arg2[%multiple_of3A_374] : memref<3200000xi32, #tpu.memory_space<hbm>> -> memref<2048xi32, #tpu.memory_space<hbm>>
      tpu.enqueue_dma source(%dma_start3A_376 : memref<2048xi32, #tpu.memory_space<hbm>>) target(%arg6 : memref<2048xi32, #tpu.memory_space<vmem>>) target_semaphore(%arg13 : memref<!tpu.dma_semaphore, #tpu.memory_space<semaphore_mem>>)
      %sub3A_377 = arith.constant 2 : i32
      %sub3A_378 = arith.subi %add3A_358, %sub3A_377 : i32
      %mul3A_379 = arith.constant 16 : i32
      %mul3A_380 = arith.muli %sub3A_378, %mul3A_379 : i32
      %add3A_381 = arith.addi %select_n3A, %mul3A_380 : i32
      %mul3A_382 = arith.constant 1024 : i32
      %mul3A_383 = arith.muli %add3A_381, %mul3A_382 : i32
      %add3A_384 = arith.constant 0 : i32
      %add3A_385 = arith.addi %add3A_384, %mul3A_383 : i32
      %multiple_of3A_386 = tpu.assume_multiple %add3A_385, 8 : i32
      %dma_wait3A_387 = tpu.memref_slice %arg4[%multiple_of3A_386] : memref<51200000xf32, #tpu.memory_space<hbm>> -> memref<16384xf32, #tpu.memory_space<hbm>>
      %dma_wait3A_388 = tpu.memref_slice %arg4[%multiple_of3A_386] : memref<51200000xf32, #tpu.memory_space<hbm>> -> memref<16384xf32, #tpu.memory_space<hbm>>
      tpu.wait_dma2 semaphore(%arg14 : memref<!tpu.dma_semaphore, #tpu.memory_space<semaphore_mem>>) src(%arg7 : memref<16384xf32, #tpu.memory_space<vmem>>) dst(%dma_wait3A_388 : memref<16384xf32, #tpu.memory_space<hbm>>)
      %sub3A_389 = arith.constant 2 : i32
      %sub3A_390 = arith.subi %add3A_358, %sub3A_389 : i32
      %mul3A_391 = arith.constant 16 : i32
      %mul3A_392 = arith.muli %sub3A_390, %mul3A_391 : i32
      %add3A_393 = arith.addi %select_n3A, %mul3A_392 : i32
      %mul3A_394 = arith.constant 1024 : i32
      %mul3A_395 = arith.muli %add3A_393, %mul3A_394 : i32
      %add3A_396 = arith.constant 25600000 : i32
      %add3A_397 = arith.addi %add3A_396, %mul3A_395 : i32
      %multiple_of3A_398 = tpu.assume_multiple %add3A_397, 8 : i32
      %dma_wait3A_399 = tpu.memref_slice %arg4[%multiple_of3A_398] : memref<51200000xf32, #tpu.memory_space<hbm>> -> memref<16384xf32, #tpu.memory_space<hbm>>
      %dma_wait3A_400 = tpu.memref_slice %arg4[%multiple_of3A_398] : memref<51200000xf32, #tpu.memory_space<hbm>> -> memref<16384xf32, #tpu.memory_space<hbm>>
      tpu.wait_dma2 semaphore(%arg15 : memref<!tpu.dma_semaphore, #tpu.memory_space<semaphore_mem>>) src(%arg8 : memref<16384xf32, #tpu.memory_space<vmem>>) dst(%dma_wait3A_400 : memref<16384xf32, #tpu.memory_space<hbm>>)
      %parallel_loop3A_401 = arith.constant 0 : i32
      %parallel_loop3A_402 = arith.constant 128 : i32
      %parallel_loop3A_403 = arith.constant 1 : i32
      scf.for %parallel_loop3A_424 = %parallel_loop3A_401 to %parallel_loop3A_402 step %parallel_loop3A_403  : i32 {
        %parallel_loop3A_425 = arith.constant 3 : i32
        %parallel_loop3A_426 = arith.shrsi %parallel_loop3A_424, %parallel_loop3A_425 : i32
        %parallel_loop3A_427 = arith.constant 1024 : i32
        %parallel_loop3A_428 = arith.muli %parallel_loop3A_426, %parallel_loop3A_427 : i32
        %parallel_loop3A_429 = arith.constant 7 : i32
        %parallel_loop3A_430 = arith.andi %parallel_loop3A_424, %parallel_loop3A_429 : i32
        %parallel_loop3A_431 = arith.constant 16 : i32
        %parallel_loop3A_432 = arith.muli %parallel_loop3A_430, %parallel_loop3A_431 : i32
        %parallel_loop3A_433 = arith.addi %parallel_loop3A_428, %parallel_loop3A_432 : i32
        %parallel_loop3A_434 = arith.constant 16 : i32
        %parallel_loop3A_435 = arith.muli %parallel_loop3A_424, %parallel_loop3A_434 : i32
        %parallel_loop3A_436 = arith.index_cast %parallel_loop3A_435 : i32 to index
        %parallel_loop3A_437 = tpu.vector_load %arg5[%parallel_loop3A_436] {strides = array<i32>} : memref<2048xi32, #tpu.memory_space<vmem>>, vector<16xi32>,
        %parallel_loop3A_438 = arith.constant 0 : i32
        %parallel_loop3A_439 = vector.broadcast %parallel_loop3A_438 : i32 to vector<16xi32>
        %parallel_loop3A_440 = arith.addi %parallel_loop3A_437, %parallel_loop3A_439 : vector<16xi32>
        %parallel_loop3A_441 = tpu.vector_load_idx %arg11[%parallel_loop3A_440] : memref<512xf32, #tpu.memory_space<vmem>>[vector<16xi32>], vector<16xf32>,
        %parallel_loop3A_442 = arith.constant 0 : i32
        %parallel_loop3A_443 = arith.addi %parallel_loop3A_433, %parallel_loop3A_442 : i32
        %parallel_loop3A_444 = arith.index_cast %parallel_loop3A_443 : i32 to index
        %parallel_loop3A_445 = tpu.vector_load %arg7[%parallel_loop3A_444] {strides = array<i32>} : memref<16384xf32, #tpu.memory_space<vmem>>, vector<16xf32>,
        tpu.vector_store %arg7[%parallel_loop3A_444], %parallel_loop3A_441 {strides = array<i32>} : memref<16384xf32, #tpu.memory_space<vmem>>, vector<16xf32>,
        %parallel_loop3A_446 = arith.constant 32 : i32
        %parallel_loop3A_447 = vector.broadcast %parallel_loop3A_446 : i32 to vector<16xi32>
        %parallel_loop3A_448 = arith.addi %parallel_loop3A_437, %parallel_loop3A_447 : vector<16xi32>
        %parallel_loop3A_449 = tpu.vector_load_idx %arg11[%parallel_loop3A_448] : memref<512xf32, #tpu.memory_space<vmem>>[vector<16xi32>], vector<16xf32>,
        %parallel_loop3A_450 = arith.constant 128 : i32
        %parallel_loop3A_451 = arith.addi %parallel_loop3A_433, %parallel_loop3A_450 : i32
        %parallel_loop3A_452 = arith.index_cast %parallel_loop3A_451 : i32 to index
        %parallel_loop3A_453 = tpu.vector_load %arg7[%parallel_loop3A_452] {strides = array<i32>} : memref<16384xf32, #tpu.memory_space<vmem>>, vector<16xf32>,
        tpu.vector_store %arg7[%parallel_loop3A_452], %parallel_loop3A_449 {strides = array<i32>} : memref<16384xf32, #tpu.memory_space<vmem>>, vector<16xf32>,
        %parallel_loop3A_454 = arith.constant 64 : i32
        %parallel_loop3A_455 = vector.broadcast %parallel_loop3A_454 : i32 to vector<16xi32>
        %parallel_loop3A_456 = arith.addi %parallel_loop3A_437, %parallel_loop3A_455 : vector<16xi32>
        %parallel_loop3A_457 = tpu.vector_load_idx %arg11[%parallel_loop3A_456] : memref<512xf32, #tpu.memory_space<vmem>>[vector<16xi32>], vector<16xf32>,
        %parallel_loop3A_458 = arith.constant 256 : i32
        %parallel_loop3A_459 = arith.addi %parallel_loop3A_433, %parallel_loop3A_458 : i32
        %parallel_loop3A_460 = arith.index_cast %parallel_loop3A_459 : i32 to index
        %parallel_loop3A_461 = tpu.vector_load %arg7[%parallel_loop3A_460] {strides = array<i32>} : memref<16384xf32, #tpu.memory_space<vmem>>, vector<16xf32>,
        tpu.vector_store %arg7[%parallel_loop3A_460], %parallel_loop3A_457 {strides = array<i32>} : memref<16384xf32, #tpu.memory_space<vmem>>, vector<16xf32>,
        %parallel_loop3A_462 = arith.constant 96 : i32
        %parallel_loop3A_463 = vector.broadcast %parallel_loop3A_462 : i32 to vector<16xi32>
        %parallel_loop3A_464 = arith.addi %parallel_loop3A_437, %parallel_loop3A_463 : vector<16xi32>
        %parallel_loop3A_465 = tpu.vector_load_idx %arg11[%parallel_loop3A_464] : memref<512xf32, #tpu.memory_space<vmem>>[vector<16xi32>], vector<16xf32>,
        %parallel_loop3A_466 = arith.constant 384 : i32
        %parallel_loop3A_467 = arith.addi %parallel_loop3A_433, %parallel_loop3A_466 : i32
        %parallel_loop3A_468 = arith.index_cast %parallel_loop3A_467 : i32 to index
        %parallel_loop3A_469 = tpu.vector_load %arg7[%parallel_loop3A_468] {strides = array<i32>} : memref<16384xf32, #tpu.memory_space<vmem>>, vector<16xf32>,
        tpu.vector_store %arg7[%parallel_loop3A_468], %parallel_loop3A_465 {strides = array<i32>} : memref<16384xf32, #tpu.memory_space<vmem>>, vector<16xf32>,
        %parallel_loop3A_470 = arith.constant 128 : i32
        %parallel_loop3A_471 = vector.broadcast %parallel_loop3A_470 : i32 to vector<16xi32>
        %parallel_loop3A_472 = arith.addi %parallel_loop3A_437, %parallel_loop3A_471 : vector<16xi32>
        %parallel_loop3A_473 = tpu.vector_load_idx %arg11[%parallel_loop3A_472] : memref<512xf32, #tpu.memory_space<vmem>>[vector<16xi32>], vector<16xf32>,
        %parallel_loop3A_474 = arith.constant 512 : i32
        %parallel_loop3A_475 = arith.addi %parallel_loop3A_433, %parallel_loop3A_474 : i32
        %parallel_loop3A_476 = arith.index_cast %parallel_loop3A_475 : i32 to index
        %parallel_loop3A_477 = tpu.vector_load %arg7[%parallel_loop3A_476] {strides = array<i32>} : memref<16384xf32, #tpu.memory_space<vmem>>, vector<16xf32>,
        tpu.vector_store %arg7[%parallel_loop3A_476], %parallel_loop3A_473 {strides = array<i32>} : memref<16384xf32, #tpu.memory_space<vmem>>, vector<16xf32>,
        %parallel_loop3A_478 = arith.constant 160 : i32
        %parallel_loop3A_479 = vector.broadcast %parallel_loop3A_478 : i32 to vector<16xi32>
        %parallel_loop3A_480 = arith.addi %parallel_loop3A_437, %parallel_loop3A_479 : vector<16xi32>
        %parallel_loop3A_481 = tpu.vector_load_idx %arg11[%parallel_loop3A_480] : memref<512xf32, #tpu.memory_space<vmem>>[vector<16xi32>], vector<16xf32>,
        %parallel_loop3A_482 = arith.constant 640 : i32
        %parallel_loop3A_483 = arith.addi %parallel_loop3A_433, %parallel_loop3A_482 : i32
        %parallel_loop3A_484 = arith.index_cast %parallel_loop3A_483 : i32 to index
        %parallel_loop3A_485 = tpu.vector_load %arg7[%parallel_loop3A_484] {strides = array<i32>} : memref<16384xf32, #tpu.memory_space<vmem>>, vector<16xf32>,
        tpu.vector_store %arg7[%parallel_loop3A_484], %parallel_loop3A_481 {strides = array<i32>} : memref<16384xf32, #tpu.memory_space<vmem>>, vector<16xf32>,
        %parallel_loop3A_486 = arith.constant 192 : i32
        %parallel_loop3A_487 = vector.broadcast %parallel_loop3A_486 : i32 to vector<16xi32>
        %parallel_loop3A_488 = arith.addi %parallel_loop3A_437, %parallel_loop3A_487 : vector<16xi32>
        %parallel_loop3A_489 = tpu.vector_load_idx %arg11[%parallel_loop3A_488] : memref<512xf32, #tpu.memory_space<vmem>>[vector<16xi32>], vector<16xf32>,
        %parallel_loop3A_490 = arith.constant 768 : i32
        %parallel_loop3A_491 = arith.addi %parallel_loop3A_433, %parallel_loop3A_490 : i32
        %parallel_loop3A_492 = arith.index_cast %parallel_loop3A_491 : i32 to index
        %parallel_loop3A_493 = tpu.vector_load %arg7[%parallel_loop3A_492] {strides = array<i32>} : memref<16384xf32, #tpu.memory_space<vmem>>, vector<16xf32>,
        tpu.vector_store %arg7[%parallel_loop3A_492], %parallel_loop3A_489 {strides = array<i32>} : memref<16384xf32, #tpu.memory_space<vmem>>, vector<16xf32>,
        %parallel_loop3A_494 = arith.constant 224 : i32
        %parallel_loop3A_495 = vector.broadcast %parallel_loop3A_494 : i32 to vector<16xi32>
        %parallel_loop3A_496 = arith.addi %parallel_loop3A_437, %parallel_loop3A_495 : vector<16xi32>
        %parallel_loop3A_497 = tpu.vector_load_idx %arg11[%parallel_loop3A_496] : memref<512xf32, #tpu.memory_space<vmem>>[vector<16xi32>], vector<16xf32>,
        %parallel_loop3A_498 = arith.constant 896 : i32
        %parallel_loop3A_499 = arith.addi %parallel_loop3A_433, %parallel_loop3A_498 : i32
        %parallel_loop3A_500 = arith.index_cast %parallel_loop3A_499 : i32 to index
        %parallel_loop3A_501 = tpu.vector_load %arg7[%parallel_loop3A_500] {strides = array<i32>} : memref<16384xf32, #tpu.memory_space<vmem>>, vector<16xf32>,
        tpu.vector_store %arg7[%parallel_loop3A_500], %parallel_loop3A_497 {strides = array<i32>} : memref<16384xf32, #tpu.memory_space<vmem>>, vector<16xf32>,
        %parallel_loop3A_502 = arith.constant 256 : i32
        %parallel_loop3A_503 = vector.broadcast %parallel_loop3A_502 : i32 to vector<16xi32>
        %parallel_loop3A_504 = arith.addi %parallel_loop3A_437, %parallel_loop3A_503 : vector<16xi32>
        %parallel_loop3A_505 = tpu.vector_load_idx %arg11[%parallel_loop3A_504] : memref<512xf32, #tpu.memory_space<vmem>>[vector<16xi32>], vector<16xf32>,
        %parallel_loop3A_506 = arith.constant 0 : i32
        %parallel_loop3A_507 = arith.addi %parallel_loop3A_433, %parallel_loop3A_506 : i32
        %parallel_loop3A_508 = arith.index_cast %parallel_loop3A_507 : i32 to index
        %parallel_loop3A_509 = tpu.vector_load %arg8[%parallel_loop3A_508] {strides = array<i32>} : memref<16384xf32, #tpu.memory_space<vmem>>, vector<16xf32>,
        tpu.vector_store %arg8[%parallel_loop3A_508], %parallel_loop3A_505 {strides = array<i32>} : memref<16384xf32, #tpu.memory_space<vmem>>, vector<16xf32>,
        %parallel_loop3A_510 = arith.constant 288 : i32
        %parallel_loop3A_511 = vector.broadcast %parallel_loop3A_510 : i32 to vector<16xi32>
        %parallel_loop3A_512 = arith.addi %parallel_loop3A_437, %parallel_loop3A_511 : vector<16xi32>
        %parallel_loop3A_513 = tpu.vector_load_idx %arg11[%parallel_loop3A_512] : memref<512xf32, #tpu.memory_space<vmem>>[vector<16xi32>], vector<16xf32>,
        %parallel_loop3A_514 = arith.constant 128 : i32
        %parallel_loop3A_515 = arith.addi %parallel_loop3A_433, %parallel_loop3A_514 : i32
        %parallel_loop3A_516 = arith.index_cast %parallel_loop3A_515 : i32 to index
        %parallel_loop3A_517 = tpu.vector_load %arg8[%parallel_loop3A_516] {strides = array<i32>} : memref<16384xf32, #tpu.memory_space<vmem>>, vector<16xf32>,
        tpu.vector_store %arg8[%parallel_loop3A_516], %parallel_loop3A_513 {strides = array<i32>} : memref<16384xf32, #tpu.memory_space<vmem>>, vector<16xf32>,
        %parallel_loop3A_518 = arith.constant 320 : i32
        %parallel_loop3A_519 = vector.broadcast %parallel_loop3A_518 : i32 to vector<16xi32>
        %parallel_loop3A_520 = arith.addi %parallel_loop3A_437, %parallel_loop3A_519 : vector<16xi32>
        %parallel_loop3A_521 = tpu.vector_load_idx %arg11[%parallel_loop3A_520] : memref<512xf32, #tpu.memory_space<vmem>>[vector<16xi32>], vector<16xf32>,
        %parallel_loop3A_522 = arith.constant 256 : i32
        %parallel_loop3A_523 = arith.addi %parallel_loop3A_433, %parallel_loop3A_522 : i32
        %parallel_loop3A_524 = arith.index_cast %parallel_loop3A_523 : i32 to index
        %parallel_loop3A_525 = tpu.vector_load %arg8[%parallel_loop3A_524] {strides = array<i32>} : memref<16384xf32, #tpu.memory_space<vmem>>, vector<16xf32>,
        tpu.vector_store %arg8[%parallel_loop3A_524], %parallel_loop3A_521 {strides = array<i32>} : memref<16384xf32, #tpu.memory_space<vmem>>, vector<16xf32>,
        %parallel_loop3A_526 = arith.constant 352 : i32
        %parallel_loop3A_527 = vector.broadcast %parallel_loop3A_526 : i32 to vector<16xi32>
        %parallel_loop3A_528 = arith.addi %parallel_loop3A_437, %parallel_loop3A_527 : vector<16xi32>
        %parallel_loop3A_529 = tpu.vector_load_idx %arg11[%parallel_loop3A_528] : memref<512xf32, #tpu.memory_space<vmem>>[vector<16xi32>], vector<16xf32>,
        %parallel_loop3A_530 = arith.constant 384 : i32
        %parallel_loop3A_531 = arith.addi %parallel_loop3A_433, %parallel_loop3A_530 : i32
        %parallel_loop3A_532 = arith.index_cast %parallel_loop3A_531 : i32 to index
        %parallel_loop3A_533 = tpu.vector_load %arg8[%parallel_loop3A_532] {strides = array<i32>} : memref<16384xf32, #tpu.memory_space<vmem>>, vector<16xf32>,
        tpu.vector_store %arg8[%parallel_loop3A_532], %parallel_loop3A_529 {strides = array<i32>} : memref<16384xf32, #tpu.memory_space<vmem>>, vector<16xf32>,
        %parallel_loop3A_534 = arith.constant 384 : i32
        %parallel_loop3A_535 = vector.broadcast %parallel_loop3A_534 : i32 to vector<16xi32>
        %parallel_loop3A_536 = arith.addi %parallel_loop3A_437, %parallel_loop3A_535 : vector<16xi32>
        %parallel_loop3A_537 = tpu.vector_load_idx %arg11[%parallel_loop3A_536] : memref<512xf32, #tpu.memory_space<vmem>>[vector<16xi32>], vector<16xf32>,
        %parallel_loop3A_538 = arith.constant 512 : i32
        %parallel_loop3A_539 = arith.addi %parallel_loop3A_433, %parallel_loop3A_538 : i32
        %parallel_loop3A_540 = arith.index_cast %parallel_loop3A_539 : i32 to index
        %parallel_loop3A_541 = tpu.vector_load %arg8[%parallel_loop3A_540] {strides = array<i32>} : memref<16384xf32, #tpu.memory_space<vmem>>, vector<16xf32>,
        tpu.vector_store %arg8[%parallel_loop3A_540], %parallel_loop3A_537 {strides = array<i32>} : memref<16384xf32, #tpu.memory_space<vmem>>, vector<16xf32>,
        %parallel_loop3A_542 = arith.constant 416 : i32
        %parallel_loop3A_543 = vector.broadcast %parallel_loop3A_542 : i32 to vector<16xi32>
        %parallel_loop3A_544 = arith.addi %parallel_loop3A_437, %parallel_loop3A_543 : vector<16xi32>
        %parallel_loop3A_545 = tpu.vector_load_idx %arg11[%parallel_loop3A_544] : memref<512xf32, #tpu.memory_space<vmem>>[vector<16xi32>], vector<16xf32>,
        %parallel_loop3A_546 = arith.constant 640 : i32
        %parallel_loop3A_547 = arith.addi %parallel_loop3A_433, %parallel_loop3A_546 : i32
        %parallel_loop3A_548 = arith.index_cast %parallel_loop3A_547 : i32 to index
        %parallel_loop3A_549 = tpu.vector_load %arg8[%parallel_loop3A_548] {strides = array<i32>} : memref<16384xf32, #tpu.memory_space<vmem>>, vector<16xf32>,
        tpu.vector_store %arg8[%parallel_loop3A_548], %parallel_loop3A_545 {strides = array<i32>} : memref<16384xf32, #tpu.memory_space<vmem>>, vector<16xf32>,
        %parallel_loop3A_550 = arith.constant 448 : i32
        %parallel_loop3A_551 = vector.broadcast %parallel_loop3A_550 : i32 to vector<16xi32>
        %parallel_loop3A_552 = arith.addi %parallel_loop3A_437, %parallel_loop3A_551 : vector<16xi32>
        %parallel_loop3A_553 = tpu.vector_load_idx %arg11[%parallel_loop3A_552] : memref<512xf32, #tpu.memory_space<vmem>>[vector<16xi32>], vector<16xf32>,
        %parallel_loop3A_554 = arith.constant 768 : i32
        %parallel_loop3A_555 = arith.addi %parallel_loop3A_433, %parallel_loop3A_554 : i32
        %parallel_loop3A_556 = arith.index_cast %parallel_loop3A_555 : i32 to index
        %parallel_loop3A_557 = tpu.vector_load %arg8[%parallel_loop3A_556] {strides = array<i32>} : memref<16384xf32, #tpu.memory_space<vmem>>, vector<16xf32>,
        tpu.vector_store %arg8[%parallel_loop3A_556], %parallel_loop3A_553 {strides = array<i32>} : memref<16384xf32, #tpu.memory_space<vmem>>, vector<16xf32>,
        %parallel_loop3A_558 = arith.constant 480 : i32
        %parallel_loop3A_559 = vector.broadcast %parallel_loop3A_558 : i32 to vector<16xi32>
        %parallel_loop3A_560 = arith.addi %parallel_loop3A_437, %parallel_loop3A_559 : vector<16xi32>
        %parallel_loop3A_561 = tpu.vector_load_idx %arg11[%parallel_loop3A_560] : memref<512xf32, #tpu.memory_space<vmem>>[vector<16xi32>], vector<16xf32>,
        %parallel_loop3A_562 = arith.constant 896 : i32
        %parallel_loop3A_563 = arith.addi %parallel_loop3A_433, %parallel_loop3A_562 : i32
        %parallel_loop3A_564 = arith.index_cast %parallel_loop3A_563 : i32 to index
        %parallel_loop3A_565 = tpu.vector_load %arg8[%parallel_loop3A_564] {strides = array<i32>} : memref<16384xf32, #tpu.memory_space<vmem>>, vector<16xf32>,
        tpu.vector_store %arg8[%parallel_loop3A_564], %parallel_loop3A_561 {strides = array<i32>} : memref<16384xf32, #tpu.memory_space<vmem>>, vector<16xf32>,
      } {sc.loop_unroll_factor = 2 : i64, sc.parallel_access}
      %mul3A_404 = arith.constant 16 : i32
      %mul3A_405 = arith.muli %add3A_358, %mul3A_404 : i32
      %add3A_406 = arith.addi %select_n3A, %mul3A_405 : i32
      %mul3A_407 = arith.constant 1024 : i32
      %mul3A_408 = arith.muli %add3A_406, %mul3A_407 : i32
      %add3A_409 = arith.constant 0 : i32
      %add3A_410 = arith.addi %add3A_409, %mul3A_408 : i32
      %multiple_of3A_411 = tpu.assume_multiple %add3A_410, 8 : i32
      %dma_start3A_412 = tpu.memref_slice %arg4[%multiple_of3A_411] : memref<51200000xf32, #tpu.memory_space<hbm>> -> memref<16384xf32, #tpu.memory_space<hbm>>
      %dma_start3A_413 = tpu.memref_slice %arg4[%multiple_of3A_411] : memref<51200000xf32, #tpu.memory_space<hbm>> -> memref<16384xf32, #tpu.memory_space<hbm>>
      tpu.enqueue_dma source(%arg7 : memref<16384xf32, #tpu.memory_space<vmem>>) target(%dma_start3A_413 : memref<16384xf32, #tpu.memory_space<hbm>>) target_semaphore(%arg14 : memref<!tpu.dma_semaphore, #tpu.memory_space<semaphore_mem>>)
      %mul3A_414 = arith.constant 16 : i32
      %mul3A_415 = arith.muli %add3A_358, %mul3A_414 : i32
      %add3A_416 = arith.addi %select_n3A, %mul3A_415 : i32
      %mul3A_417 = arith.constant 1024 : i32
      %mul3A_418 = arith.muli %add3A_416, %mul3A_417 : i32
      %add3A_419 = arith.constant 25600000 : i32
      %add3A_420 = arith.addi %add3A_419, %mul3A_418 : i32
      %multiple_of3A_421 = tpu.assume_multiple %add3A_420, 8 : i32
      %dma_start3A_422 = tpu.memref_slice %arg4[%multiple_of3A_421] : memref<51200000xf32, #tpu.memory_space<hbm>> -> memref<16384xf32, #tpu.memory_space<hbm>>
      %dma_start3A_423 = tpu.memref_slice %arg4[%multiple_of3A_421] : memref<51200000xf32, #tpu.memory_space<hbm>> -> memref<16384xf32, #tpu.memory_space<hbm>>
      tpu.enqueue_dma source(%arg8 : memref<16384xf32, #tpu.memory_space<vmem>>) target(%dma_start3A_423 : memref<16384xf32, #tpu.memory_space<hbm>>) target_semaphore(%arg15 : memref<!tpu.dma_semaphore, #tpu.memory_space<semaphore_mem>>)
    }
    %scan3A_149 = arith.constant 22 : i32
    %add3A_150 = arith.constant 752 : i32
    %add3A_151 = arith.addi %select_n3A, %add3A_150 : i32
    %mul3A_152 = arith.constant 128 : i32
    %mul3A_153 = arith.muli %add3A_151, %mul3A_152 : i32
    %multiple_of3A_154 = tpu.assume_multiple %mul3A_153, 8 : i32
    %dma_wait3A_155 = tpu.memref_slice %arg2[%multiple_of3A_154] : memref<3200000xi32, #tpu.memory_space<hbm>> -> memref<2048xi32, #tpu.memory_space<hbm>>
    %dma_wait3A_156 = tpu.memref_slice %arg2[%multiple_of3A_154] : memref<3200000xi32, #tpu.memory_space<hbm>> -> memref<2048xi32, #tpu.memory_space<hbm>>
    tpu.wait_dma2 semaphore(%arg13 : memref<!tpu.dma_semaphore, #tpu.memory_space<semaphore_mem>>) src(%dma_wait3A_156 : memref<2048xi32, #tpu.memory_space<hbm>>) dst(%arg6 : memref<2048xi32, #tpu.memory_space<vmem>>)
    %add3A_157 = arith.constant 768 : i32
    %add3A_158 = arith.addi %select_n3A, %add3A_157 : i32
    %mul3A_159 = arith.constant 128 : i32
    %mul3A_160 = arith.muli %add3A_158, %mul3A_159 : i32
    %multiple_of3A_161 = tpu.assume_multiple %mul3A_160, 8 : i32
    %dma_start3A_162 = tpu.memref_slice %arg2[%multiple_of3A_161] : memref<3200000xi32, #tpu.memory_space<hbm>> -> memref<2048xi32, #tpu.memory_space<hbm>>
    %dma_start3A_163 = tpu.memref_slice %arg2[%multiple_of3A_161] : memref<3200000xi32, #tpu.memory_space<hbm>> -> memref<2048xi32, #tpu.memory_space<hbm>>
    tpu.enqueue_dma source(%dma_start3A_163 : memref<2048xi32, #tpu.memory_space<hbm>>) target(%arg5 : memref<2048xi32, #tpu.memory_space<vmem>>) target_semaphore(%arg12 : memref<!tpu.dma_semaphore, #tpu.memory_space<semaphore_mem>>)
    %add3A_164 = arith.constant 720 : i32
    %add3A_165 = arith.addi %select_n3A, %add3A_164 : i32
    %mul3A_166 = arith.constant 1024 : i32
    %mul3A_167 = arith.muli %add3A_165, %mul3A_166 : i32
    %add3A_168 = arith.constant 0 : i32
    %add3A_169 = arith.addi %add3A_168, %mul3A_167 : i32
    %multiple_of3A_170 = tpu.assume_multiple %add3A_169, 8 : i32
    %dma_wait3A_171 = tpu.memref_slice %arg4[%multiple_of3A_170] : memref<51200000xf32, #tpu.memory_space<hbm>> -> memref<16384xf32, #tpu.memory_space<hbm>>
    %dma_wait3A_172 = tpu.memref_slice %arg4[%multiple_of3A_170] : memref<51200000xf32, #tpu.memory_space<hbm>> -> memref<16384xf32, #tpu.memory_space<hbm>>
    tpu.wait_dma2 semaphore(%arg16 : memref<!tpu.dma_semaphore, #tpu.memory_space<semaphore_mem>>) src(%arg9 : memref<16384xf32, #tpu.memory_space<vmem>>) dst(%dma_wait3A_172 : memref<16384xf32, #tpu.memory_space<hbm>>)
    %add3A_173 = arith.constant 720 : i32
    %add3A_174 = arith.addi %select_n3A, %add3A_173 : i32
    %mul3A_175 = arith.constant 1024 : i32
    %mul3A_176 = arith.muli %add3A_174, %mul3A_175 : i32
    %add3A_177 = arith.constant 25600000 : i32
    %add3A_178 = arith.addi %add3A_177, %mul3A_176 : i32
    %multiple_of3A_179 = tpu.assume_multiple %add3A_178, 8 : i32
    %dma_wait3A_180 = tpu.memref_slice %arg4[%multiple_of3A_179] : memref<51200000xf32, #tpu.memory_space<hbm>> -> memref<16384xf32, #tpu.memory_space<hbm>>
    %dma_wait3A_181 = tpu.memref_slice %arg4[%multiple_of3A_179] : memref<51200000xf32, #tpu.memory_space<hbm>> -> memref<16384xf32, #tpu.memory_space<hbm>>
    tpu.wait_dma2 semaphore(%arg17 : memref<!tpu.dma_semaphore, #tpu.memory_space<semaphore_mem>>) src(%arg10 : memref<16384xf32, #tpu.memory_space<vmem>>) dst(%dma_wait3A_181 : memref<16384xf32, #tpu.memory_space<hbm>>)
    %parallel_loop3A_182 = arith.constant 0 : i32
    %parallel_loop3A_183 = arith.constant 128 : i32
    %parallel_loop3A_184 = arith.constant 1 : i32
    scf.for %parallel_loop3A_285 = %parallel_loop3A_182 to %parallel_loop3A_183 step %parallel_loop3A_184  : i32 {
      %parallel_loop3A_286 = arith.constant 3 : i32
      %parallel_loop3A_287 = arith.shrsi %parallel_loop3A_285, %parallel_loop3A_286 : i32
      %parallel_loop3A_288 = arith.constant 1024 : i32
      %parallel_loop3A_289 = arith.muli %parallel_loop3A_287, %parallel_loop3A_288 : i32
      %parallel_loop3A_290 = arith.constant 7 : i32
      %parallel_loop3A_291 = arith.andi %parallel_loop3A_285, %parallel_loop3A_290 : i32
      %parallel_loop3A_292 = arith.constant 16 : i32
      %parallel_loop3A_293 = arith.muli %parallel_loop3A_291, %parallel_loop3A_292 : i32
      %parallel_loop3A_294 = arith.addi %parallel_loop3A_289, %parallel_loop3A_293 : i32
      %parallel_loop3A_295 = arith.constant 16 : i32
      %parallel_loop3A_296 = arith.muli %parallel_loop3A_285, %parallel_loop3A_295 : i32
      %parallel_loop3A_297 = arith.index_cast %parallel_loop3A_296 : i32 to index
      %parallel_loop3A_298 = tpu.vector_load %arg6[%parallel_loop3A_297] {strides = array<i32>} : memref<2048xi32, #tpu.memory_space<vmem>>, vector<16xi32>,
      %parallel_loop3A_299 = arith.constant 0 : i32
      %parallel_loop3A_300 = vector.broadcast %parallel_loop3A_299 : i32 to vector<16xi32>
      %parallel_loop3A_301 = arith.addi %parallel_loop3A_298, %parallel_loop3A_300 : vector<16xi32>
      %parallel_loop3A_302 = tpu.vector_load_idx %arg11[%parallel_loop3A_301] : memref<512xf32, #tpu.memory_space<vmem>>[vector<16xi32>], vector<16xf32>,
      %parallel_loop3A_303 = arith.constant 0 : i32
      %parallel_loop3A_304 = arith.addi %parallel_loop3A_294, %parallel_loop3A_303 : i32
      %parallel_loop3A_305 = arith.index_cast %parallel_loop3A_304 : i32 to index
      %parallel_loop3A_306 = tpu.vector_load %arg9[%parallel_loop3A_305] {strides = array<i32>} : memref<16384xf32, #tpu.memory_space<vmem>>, vector<16xf32>,
      tpu.vector_store %arg9[%parallel_loop3A_305], %parallel_loop3A_302 {strides = array<i32>} : memref<16384xf32, #tpu.memory_space<vmem>>, vector<16xf32>,
      %parallel_loop3A_307 = arith.constant 32 : i32
      %parallel_loop3A_308 = vector.broadcast %parallel_loop3A_307 : i32 to vector<16xi32>
      %parallel_loop3A_309 = arith.addi %parallel_loop3A_298, %parallel_loop3A_308 : vector<16xi32>
      %parallel_loop3A_310 = tpu.vector_load_idx %arg11[%parallel_loop3A_309] : memref<512xf32, #tpu.memory_space<vmem>>[vector<16xi32>], vector<16xf32>,
      %parallel_loop3A_311 = arith.constant 128 : i32
      %parallel_loop3A_312 = arith.addi %parallel_loop3A_294, %parallel_loop3A_311 : i32
      %parallel_loop3A_313 = arith.index_cast %parallel_loop3A_312 : i32 to index
      %parallel_loop3A_314 = tpu.vector_load %arg9[%parallel_loop3A_313] {strides = array<i32>} : memref<16384xf32, #tpu.memory_space<vmem>>, vector<16xf32>,
      tpu.vector_store %arg9[%parallel_loop3A_313], %parallel_loop3A_310 {strides = array<i32>} : memref<16384xf32, #tpu.memory_space<vmem>>, vector<16xf32>,
      %parallel_loop3A_315 = arith.constant 64 : i32
      %parallel_loop3A_316 = vector.broadcast %parallel_loop3A_315 : i32 to vector<16xi32>
      %parallel_loop3A_317 = arith.addi %parallel_loop3A_298, %parallel_loop3A_316 : vector<16xi32>
      %parallel_loop3A_318 = tpu.vector_load_idx %arg11[%parallel_loop3A_317] : memref<512xf32, #tpu.memory_space<vmem>>[vector<16xi32>], vector<16xf32>,
      %parallel_loop3A_319 = arith.constant 256 : i32
      %parallel_loop3A_320 = arith.addi %parallel_loop3A_294, %parallel_loop3A_319 : i32
      %parallel_loop3A_321 = arith.index_cast %parallel_loop3A_320 : i32 to index
      %parallel_loop3A_322 = tpu.vector_load %arg9[%parallel_loop3A_321] {strides = array<i32>} : memref<16384xf32, #tpu.memory_space<vmem>>, vector<16xf32>,
      tpu.vector_store %arg9[%parallel_loop3A_321], %parallel_loop3A_318 {strides = array<i32>} : memref<16384xf32, #tpu.memory_space<vmem>>, vector<16xf32>,
      %parallel_loop3A_323 = arith.constant 96 : i32
      %parallel_loop3A_324 = vector.broadcast %parallel_loop3A_323 : i32 to vector<16xi32>
      %parallel_loop3A_325 = arith.addi %parallel_loop3A_298, %parallel_loop3A_324 : vector<16xi32>
      %parallel_loop3A_326 = tpu.vector_load_idx %arg11[%parallel_loop3A_325] : memref<512xf32, #tpu.memory_space<vmem>>[vector<16xi32>], vector<16xf32>,
      %parallel_loop3A_327 = arith.constant 384 : i32
      %parallel_loop3A_328 = arith.addi %parallel_loop3A_294, %parallel_loop3A_327 : i32
      %parallel_loop3A_329 = arith.index_cast %parallel_loop3A_328 : i32 to index
      %parallel_loop3A_330 = tpu.vector_load %arg9[%parallel_loop3A_329] {strides = array<i32>} : memref<16384xf32, #tpu.memory_space<vmem>>, vector<16xf32>,
      tpu.vector_store %arg9[%parallel_loop3A_329], %parallel_loop3A_326 {strides = array<i32>} : memref<16384xf32, #tpu.memory_space<vmem>>, vector<16xf32>,
      %parallel_loop3A_331 = arith.constant 128 : i32
      %parallel_loop3A_332 = vector.broadcast %parallel_loop3A_331 : i32 to vector<16xi32>
      %parallel_loop3A_333 = arith.addi %parallel_loop3A_298, %parallel_loop3A_332 : vector<16xi32>
      %parallel_loop3A_334 = tpu.vector_load_idx %arg11[%parallel_loop3A_333] : memref<512xf32, #tpu.memory_space<vmem>>[vector<16xi32>], vector<16xf32>,
      %parallel_loop3A_335 = arith.constant 512 : i32
      %parallel_loop3A_336 = arith.addi %parallel_loop3A_294, %parallel_loop3A_335 : i32
      %parallel_loop3A_337 = arith.index_cast %parallel_loop3A_336 : i32 to index
      %parallel_loop3A_338 = tpu.vector_load %arg9[%parallel_loop3A_337] {strides = array<i32>} : memref<16384xf32, #tpu.memory_space<vmem>>, vector<16xf32>,
      tpu.vector_store %arg9[%parallel_loop3A_337], %parallel_loop3A_334 {strides = array<i32>} : memref<16384xf32, #tpu.memory_space<vmem>>, vector<16xf32>,
      %parallel_loop3A_339 = arith.constant 160 : i32
      %parallel_loop3A_340 = vector.broadcast %parallel_loop3A_339 : i32 to vector<16xi32>
      %parallel_loop3A_341 = arith.addi %parallel_loop3A_298, %parallel_loop3A_340 : vector<16xi32>
      %parallel_loop3A_342 = tpu.vector_load_idx %arg11[%parallel_loop3A_341] : memref<512xf32, #tpu.memory_space<vmem>>[vector<16xi32>], vector<16xf32>,
      %parallel_loop3A_343 = arith.constant 640 : i32
      %parallel_loop3A_344 = arith.addi %parallel_loop3A_294, %parallel_loop3A_343 : i32
      %parallel_loop3A_345 = arith.index_cast %parallel_loop3A_344 : i32 to index
      %parallel_loop3A_346 = tpu.vector_load %arg9[%parallel_loop3A_345] {strides = array<i32>} : memref<16384xf32, #tpu.memory_space<vmem>>, vector<16xf32>,
      tpu.vector_store %arg9[%parallel_loop3A_345], %parallel_loop3A_342 {strides = array<i32>} : memref<16384xf32, #tpu.memory_space<vmem>>, vector<16xf32>,
      %parallel_loop3A_347 = arith.constant 192 : i32
      %parallel_loop3A_348 = vector.broadcast %parallel_loop3A_347 : i32 to vector<16xi32>
      %parallel_loop3A_349 = arith.addi %parallel_loop3A_298, %parallel_loop3A_348 : vector<16xi32>
      %parallel_loop3A_350 = tpu.vector_load_idx %arg11[%parallel_loop3A_349] : memref<512xf32, #tpu.memory_space<vmem>>[vector<16xi32>], vector<16xf32>,
      %parallel_loop3A_351 = arith.constant 768 : i32
      %parallel_loop3A_352 = arith.addi %parallel_loop3A_294, %parallel_loop3A_351 : i32
      %parallel_loop3A_353 = arith.index_cast %parallel_loop3A_352 : i32 to index
      %parallel_loop3A_354 = tpu.vector_load %arg9[%parallel_loop3A_353] {strides = array<i32>} : memref<16384xf32, #tpu.memory_space<vmem>>, vector<16xf32>,
      tpu.vector_store %arg9[%parallel_loop3A_353], %parallel_loop3A_350 {strides = array<i32>} : memref<16384xf32, #tpu.memory_space<vmem>>, vector<16xf32>,
      %parallel_loop3A_355 = arith.constant 224 : i32
      %parallel_loop3A_356 = vector.broadcast %parallel_loop3A_355 : i32 to vector<16xi32>
      %parallel_loop3A_357 = arith.addi %parallel_loop3A_298, %parallel_loop3A_356 : vector<16xi32>
      %parallel_loop3A_358 = tpu.vector_load_idx %arg11[%parallel_loop3A_357] : memref<512xf32, #tpu.memory_space<vmem>>[vector<16xi32>], vector<16xf32>,
      %parallel_loop3A_359 = arith.constant 896 : i32
      %parallel_loop3A_360 = arith.addi %parallel_loop3A_294, %parallel_loop3A_359 : i32
      %parallel_loop3A_361 = arith.index_cast %parallel_loop3A_360 : i32 to index
      %parallel_loop3A_362 = tpu.vector_load %arg9[%parallel_loop3A_361] {strides = array<i32>} : memref<16384xf32, #tpu.memory_space<vmem>>, vector<16xf32>,
      tpu.vector_store %arg9[%parallel_loop3A_361], %parallel_loop3A_358 {strides = array<i32>} : memref<16384xf32, #tpu.memory_space<vmem>>, vector<16xf32>,
      %parallel_loop3A_363 = arith.constant 256 : i32
      %parallel_loop3A_364 = vector.broadcast %parallel_loop3A_363 : i32 to vector<16xi32>
      %parallel_loop3A_365 = arith.addi %parallel_loop3A_298, %parallel_loop3A_364 : vector<16xi32>
      %parallel_loop3A_366 = tpu.vector_load_idx %arg11[%parallel_loop3A_365] : memref<512xf32, #tpu.memory_space<vmem>>[vector<16xi32>], vector<16xf32>,
      %parallel_loop3A_367 = arith.constant 0 : i32
      %parallel_loop3A_368 = arith.addi %parallel_loop3A_294, %parallel_loop3A_367 : i32
      %parallel_loop3A_369 = arith.index_cast %parallel_loop3A_368 : i32 to index
      %parallel_loop3A_370 = tpu.vector_load %arg10[%parallel_loop3A_369] {strides = array<i32>} : memref<16384xf32, #tpu.memory_space<vmem>>, vector<16xf32>,
      tpu.vector_store %arg10[%parallel_loop3A_369], %parallel_loop3A_366 {strides = array<i32>} : memref<16384xf32, #tpu.memory_space<vmem>>, vector<16xf32>,
      %parallel_loop3A_371 = arith.constant 288 : i32
      %parallel_loop3A_372 = vector.broadcast %parallel_loop3A_371 : i32 to vector<16xi32>
      %parallel_loop3A_373 = arith.addi %parallel_loop3A_298, %parallel_loop3A_372 : vector<16xi32>
      %parallel_loop3A_374 = tpu.vector_load_idx %arg11[%parallel_loop3A_373] : memref<512xf32, #tpu.memory_space<vmem>>[vector<16xi32>], vector<16xf32>,
      %parallel_loop3A_375 = arith.constant 128 : i32
      %parallel_loop3A_376 = arith.addi %parallel_loop3A_294, %parallel_loop3A_375 : i32
      %parallel_loop3A_377 = arith.index_cast %parallel_loop3A_376 : i32 to index
      %parallel_loop3A_378 = tpu.vector_load %arg10[%parallel_loop3A_377] {strides = array<i32>} : memref<16384xf32, #tpu.memory_space<vmem>>, vector<16xf32>,
      tpu.vector_store %arg10[%parallel_loop3A_377], %parallel_loop3A_374 {strides = array<i32>} : memref<16384xf32, #tpu.memory_space<vmem>>, vector<16xf32>,
      %parallel_loop3A_379 = arith.constant 320 : i32
      %parallel_loop3A_380 = vector.broadcast %parallel_loop3A_379 : i32 to vector<16xi32>
      %parallel_loop3A_381 = arith.addi %parallel_loop3A_298, %parallel_loop3A_380 : vector<16xi32>
      %parallel_loop3A_382 = tpu.vector_load_idx %arg11[%parallel_loop3A_381] : memref<512xf32, #tpu.memory_space<vmem>>[vector<16xi32>], vector<16xf32>,
      %parallel_loop3A_383 = arith.constant 256 : i32
      %parallel_loop3A_384 = arith.addi %parallel_loop3A_294, %parallel_loop3A_383 : i32
      %parallel_loop3A_385 = arith.index_cast %parallel_loop3A_384 : i32 to index
      %parallel_loop3A_386 = tpu.vector_load %arg10[%parallel_loop3A_385] {strides = array<i32>} : memref<16384xf32, #tpu.memory_space<vmem>>, vector<16xf32>,
      tpu.vector_store %arg10[%parallel_loop3A_385], %parallel_loop3A_382 {strides = array<i32>} : memref<16384xf32, #tpu.memory_space<vmem>>, vector<16xf32>,
      %parallel_loop3A_387 = arith.constant 352 : i32
      %parallel_loop3A_388 = vector.broadcast %parallel_loop3A_387 : i32 to vector<16xi32>
      %parallel_loop3A_389 = arith.addi %parallel_loop3A_298, %parallel_loop3A_388 : vector<16xi32>
      %parallel_loop3A_390 = tpu.vector_load_idx %arg11[%parallel_loop3A_389] : memref<512xf32, #tpu.memory_space<vmem>>[vector<16xi32>], vector<16xf32>,
      %parallel_loop3A_391 = arith.constant 384 : i32
      %parallel_loop3A_392 = arith.addi %parallel_loop3A_294, %parallel_loop3A_391 : i32
      %parallel_loop3A_393 = arith.index_cast %parallel_loop3A_392 : i32 to index
      %parallel_loop3A_394 = tpu.vector_load %arg10[%parallel_loop3A_393] {strides = array<i32>} : memref<16384xf32, #tpu.memory_space<vmem>>, vector<16xf32>,
      tpu.vector_store %arg10[%parallel_loop3A_393], %parallel_loop3A_390 {strides = array<i32>} : memref<16384xf32, #tpu.memory_space<vmem>>, vector<16xf32>,
      %parallel_loop3A_395 = arith.constant 384 : i32
      %parallel_loop3A_396 = vector.broadcast %parallel_loop3A_395 : i32 to vector<16xi32>
      %parallel_loop3A_397 = arith.addi %parallel_loop3A_298, %parallel_loop3A_396 : vector<16xi32>
      %parallel_loop3A_398 = tpu.vector_load_idx %arg11[%parallel_loop3A_397] : memref<512xf32, #tpu.memory_space<vmem>>[vector<16xi32>], vector<16xf32>,
      %parallel_loop3A_399 = arith.constant 512 : i32
      %parallel_loop3A_400 = arith.addi %parallel_loop3A_294, %parallel_loop3A_399 : i32
      %parallel_loop3A_401 = arith.index_cast %parallel_loop3A_400 : i32 to index
      %parallel_loop3A_402 = tpu.vector_load %arg10[%parallel_loop3A_401] {strides = array<i32>} : memref<16384xf32, #tpu.memory_space<vmem>>, vector<16xf32>,
      tpu.vector_store %arg10[%parallel_loop3A_401], %parallel_loop3A_398 {strides = array<i32>} : memref<16384xf32, #tpu.memory_space<vmem>>, vector<16xf32>,
      %parallel_loop3A_403 = arith.constant 416 : i32
      %parallel_loop3A_404 = vector.broadcast %parallel_loop3A_403 : i32 to vector<16xi32>
      %parallel_loop3A_405 = arith.addi %parallel_loop3A_298, %parallel_loop3A_404 : vector<16xi32>
      %parallel_loop3A_406 = tpu.vector_load_idx %arg11[%parallel_loop3A_405] : memref<512xf32, #tpu.memory_space<vmem>>[vector<16xi32>], vector<16xf32>,
      %parallel_loop3A_407 = arith.constant 640 : i32
      %parallel_loop3A_408 = arith.addi %parallel_loop3A_294, %parallel_loop3A_407 : i32
      %parallel_loop3A_409 = arith.index_cast %parallel_loop3A_408 : i32 to index
      %parallel_loop3A_410 = tpu.vector_load %arg10[%parallel_loop3A_409] {strides = array<i32>} : memref<16384xf32, #tpu.memory_space<vmem>>, vector<16xf32>,
      tpu.vector_store %arg10[%parallel_loop3A_409], %parallel_loop3A_406 {strides = array<i32>} : memref<16384xf32, #tpu.memory_space<vmem>>, vector<16xf32>,
      %parallel_loop3A_411 = arith.constant 448 : i32
      %parallel_loop3A_412 = vector.broadcast %parallel_loop3A_411 : i32 to vector<16xi32>
      %parallel_loop3A_413 = arith.addi %parallel_loop3A_298, %parallel_loop3A_412 : vector<16xi32>
      %parallel_loop3A_414 = tpu.vector_load_idx %arg11[%parallel_loop3A_413] : memref<512xf32, #tpu.memory_space<vmem>>[vector<16xi32>], vector<16xf32>,
      %parallel_loop3A_415 = arith.constant 768 : i32
      %parallel_loop3A_416 = arith.addi %parallel_loop3A_294, %parallel_loop3A_415 : i32
      %parallel_loop3A_417 = arith.index_cast %parallel_loop3A_416 : i32 to index
      %parallel_loop3A_418 = tpu.vector_load %arg10[%parallel_loop3A_417] {strides = array<i32>} : memref<16384xf32, #tpu.memory_space<vmem>>, vector<16xf32>,
      tpu.vector_store %arg10[%parallel_loop3A_417], %parallel_loop3A_414 {strides = array<i32>} : memref<16384xf32, #tpu.memory_space<vmem>>, vector<16xf32>,
      %parallel_loop3A_419 = arith.constant 480 : i32
      %parallel_loop3A_420 = vector.broadcast %parallel_loop3A_419 : i32 to vector<16xi32>
      %parallel_loop3A_421 = arith.addi %parallel_loop3A_298, %parallel_loop3A_420 : vector<16xi32>
      %parallel_loop3A_422 = tpu.vector_load_idx %arg11[%parallel_loop3A_421] : memref<512xf32, #tpu.memory_space<vmem>>[vector<16xi32>], vector<16xf32>,
      %parallel_loop3A_423 = arith.constant 896 : i32
      %parallel_loop3A_424 = arith.addi %parallel_loop3A_294, %parallel_loop3A_423 : i32
      %parallel_loop3A_425 = arith.index_cast %parallel_loop3A_424 : i32 to index
      %parallel_loop3A_426 = tpu.vector_load %arg10[%parallel_loop3A_425] {strides = array<i32>} : memref<16384xf32, #tpu.memory_space<vmem>>, vector<16xf32>,
      tpu.vector_store %arg10[%parallel_loop3A_425], %parallel_loop3A_422 {strides = array<i32>} : memref<16384xf32, #tpu.memory_space<vmem>>, vector<16xf32>,
    } {sc.loop_unroll_factor = 2 : i64, sc.parallel_access}
    %add3A_185 = arith.constant 752 : i32
    %add3A_186 = arith.addi %select_n3A, %add3A_185 : i32
    %mul3A_187 = arith.constant 1024 : i32
    %mul3A_188 = arith.muli %add3A_186, %mul3A_187 : i32
    %add3A_189 = arith.constant 0 : i32
    %add3A_190 = arith.addi %add3A_189, %mul3A_188 : i32
    %multiple_of3A_191 = tpu.assume_multiple %add3A_190, 8 : i32
    %dma_start3A_192 = tpu.memref_slice %arg4[%multiple_of3A_191] : memref<51200000xf32, #tpu.memory_space<hbm>> -> memref<16384xf32, #tpu.memory_space<hbm>>
    %dma_start3A_193 = tpu.memref_slice %arg4[%multiple_of3A_191] : memref<51200000xf32, #tpu.memory_space<hbm>> -> memref<16384xf32, #tpu.memory_space<hbm>>
    tpu.enqueue_dma source(%arg9 : memref<16384xf32, #tpu.memory_space<vmem>>) target(%dma_start3A_193 : memref<16384xf32, #tpu.memory_space<hbm>>) target_semaphore(%arg16 : memref<!tpu.dma_semaphore, #tpu.memory_space<semaphore_mem>>)
    %add3A_194 = arith.constant 752 : i32
    %add3A_195 = arith.addi %select_n3A, %add3A_194 : i32
    %mul3A_196 = arith.constant 1024 : i32
    %mul3A_197 = arith.muli %add3A_195, %mul3A_196 : i32
    %add3A_198 = arith.constant 25600000 : i32
    %add3A_199 = arith.addi %add3A_198, %mul3A_197 : i32
    %multiple_of3A_200 = tpu.assume_multiple %add3A_199, 8 : i32
    %dma_start3A_201 = tpu.memref_slice %arg4[%multiple_of3A_200] : memref<51200000xf32, #tpu.memory_space<hbm>> -> memref<16384xf32, #tpu.memory_space<hbm>>
    %dma_start3A_202 = tpu.memref_slice %arg4[%multiple_of3A_200] : memref<51200000xf32, #tpu.memory_space<hbm>> -> memref<16384xf32, #tpu.memory_space<hbm>>
    tpu.enqueue_dma source(%arg10 : memref<16384xf32, #tpu.memory_space<vmem>>) target(%dma_start3A_202 : memref<16384xf32, #tpu.memory_space<hbm>>) target_semaphore(%arg17 : memref<!tpu.dma_semaphore, #tpu.memory_space<semaphore_mem>>)
    %add3A_203 = arith.constant 768 : i32
    %add3A_204 = arith.addi %select_n3A, %add3A_203 : i32
    %mul3A_205 = arith.constant 128 : i32
    %mul3A_206 = arith.muli %add3A_204, %mul3A_205 : i32
    %multiple_of3A_207 = tpu.assume_multiple %mul3A_206, 8 : i32
    %dma_wait3A_208 = tpu.memref_slice %arg2[%multiple_of3A_207] : memref<3200000xi32, #tpu.memory_space<hbm>> -> memref<2048xi32, #tpu.memory_space<hbm>>
    %dma_wait3A_209 = tpu.memref_slice %arg2[%multiple_of3A_207] : memref<3200000xi32, #tpu.memory_space<hbm>> -> memref<2048xi32, #tpu.memory_space<hbm>>
    tpu.wait_dma2 semaphore(%arg12 : memref<!tpu.dma_semaphore, #tpu.memory_space<semaphore_mem>>) src(%dma_wait3A_209 : memref<2048xi32, #tpu.memory_space<hbm>>) dst(%arg5 : memref<2048xi32, #tpu.memory_space<vmem>>)
    %add3A_210 = arith.constant 736 : i32
    %add3A_211 = arith.addi %select_n3A, %add3A_210 : i32
    %mul3A_212 = arith.constant 1024 : i32
    %mul3A_213 = arith.muli %add3A_211, %mul3A_212 : i32
    %add3A_214 = arith.constant 0 : i32
    %add3A_215 = arith.addi %add3A_214, %mul3A_213 : i32
    %multiple_of3A_216 = tpu.assume_multiple %add3A_215, 8 : i32
    %dma_wait3A_217 = tpu.memref_slice %arg4[%multiple_of3A_216] : memref<51200000xf32, #tpu.memory_space<hbm>> -> memref<16384xf32, #tpu.memory_space<hbm>>
    %dma_wait3A_218 = tpu.memref_slice %arg4[%multiple_of3A_216] : memref<51200000xf32, #tpu.memory_space<hbm>> -> memref<16384xf32, #tpu.memory_space<hbm>>
    tpu.wait_dma2 semaphore(%arg14 : memref<!tpu.dma_semaphore, #tpu.memory_space<semaphore_mem>>) src(%arg7 : memref<16384xf32, #tpu.memory_space<vmem>>) dst(%dma_wait3A_218 : memref<16384xf32, #tpu.memory_space<hbm>>)
    %add3A_219 = arith.constant 736 : i32
    %add3A_220 = arith.addi %select_n3A, %add3A_219 : i32
    %mul3A_221 = arith.constant 1024 : i32
    %mul3A_222 = arith.muli %add3A_220, %mul3A_221 : i32
    %add3A_223 = arith.constant 25600000 : i32
    %add3A_224 = arith.addi %add3A_223, %mul3A_222 : i32
    %multiple_of3A_225 = tpu.assume_multiple %add3A_224, 8 : i32
    %dma_wait3A_226 = tpu.memref_slice %arg4[%multiple_of3A_225] : memref<51200000xf32, #tpu.memory_space<hbm>> -> memref<16384xf32, #tpu.memory_space<hbm>>
    %dma_wait3A_227 = tpu.memref_slice %arg4[%multiple_of3A_225] : memref<51200000xf32, #tpu.memory_space<hbm>> -> memref<16384xf32, #tpu.memory_space<hbm>>
    tpu.wait_dma2 semaphore(%arg15 : memref<!tpu.dma_semaphore, #tpu.memory_space<semaphore_mem>>) src(%arg8 : memref<16384xf32, #tpu.memory_space<vmem>>) dst(%dma_wait3A_227 : memref<16384xf32, #tpu.memory_space<hbm>>)
    %parallel_loop3A_228 = arith.constant 0 : i32
    %parallel_loop3A_229 = arith.constant 128 : i32
    %parallel_loop3A_230 = arith.constant 1 : i32
    scf.for %parallel_loop3A_285 = %parallel_loop3A_228 to %parallel_loop3A_229 step %parallel_loop3A_230  : i32 {
      %parallel_loop3A_286 = arith.constant 3 : i32
      %parallel_loop3A_287 = arith.shrsi %parallel_loop3A_285, %parallel_loop3A_286 : i32
      %parallel_loop3A_288 = arith.constant 1024 : i32
      %parallel_loop3A_289 = arith.muli %parallel_loop3A_287, %parallel_loop3A_288 : i32
      %parallel_loop3A_290 = arith.constant 7 : i32
      %parallel_loop3A_291 = arith.andi %parallel_loop3A_285, %parallel_loop3A_290 : i32
      %parallel_loop3A_292 = arith.constant 16 : i32
      %parallel_loop3A_293 = arith.muli %parallel_loop3A_291, %parallel_loop3A_292 : i32
      %parallel_loop3A_294 = arith.addi %parallel_loop3A_289, %parallel_loop3A_293 : i32
      %parallel_loop3A_295 = arith.constant 16 : i32
      %parallel_loop3A_296 = arith.muli %parallel_loop3A_285, %parallel_loop3A_295 : i32
      %parallel_loop3A_297 = arith.index_cast %parallel_loop3A_296 : i32 to index
      %parallel_loop3A_298 = tpu.vector_load %arg5[%parallel_loop3A_297] {strides = array<i32>} : memref<2048xi32, #tpu.memory_space<vmem>>, vector<16xi32>,
      %parallel_loop3A_299 = arith.constant 0 : i32
      %parallel_loop3A_300 = vector.broadcast %parallel_loop3A_299 : i32 to vector<16xi32>
      %parallel_loop3A_301 = arith.addi %parallel_loop3A_298, %parallel_loop3A_300 : vector<16xi32>
      %parallel_loop3A_302 = tpu.vector_load_idx %arg11[%parallel_loop3A_301] : memref<512xf32, #tpu.memory_space<vmem>>[vector<16xi32>], vector<16xf32>,
      %parallel_loop3A_303 = arith.constant 0 : i32
      %parallel_loop3A_304 = arith.addi %parallel_loop3A_294, %parallel_loop3A_303 : i32
      %parallel_loop3A_305 = arith.index_cast %parallel_loop3A_304 : i32 to index
      %parallel_loop3A_306 = tpu.vector_load %arg7[%parallel_loop3A_305] {strides = array<i32>} : memref<16384xf32, #tpu.memory_space<vmem>>, vector<16xf32>,
      tpu.vector_store %arg7[%parallel_loop3A_305], %parallel_loop3A_302 {strides = array<i32>} : memref<16384xf32, #tpu.memory_space<vmem>>, vector<16xf32>,
      %parallel_loop3A_307 = arith.constant 32 : i32
      %parallel_loop3A_308 = vector.broadcast %parallel_loop3A_307 : i32 to vector<16xi32>
      %parallel_loop3A_309 = arith.addi %parallel_loop3A_298, %parallel_loop3A_308 : vector<16xi32>
      %parallel_loop3A_310 = tpu.vector_load_idx %arg11[%parallel_loop3A_309] : memref<512xf32, #tpu.memory_space<vmem>>[vector<16xi32>], vector<16xf32>,
      %parallel_loop3A_311 = arith.constant 128 : i32
      %parallel_loop3A_312 = arith.addi %parallel_loop3A_294, %parallel_loop3A_311 : i32
      %parallel_loop3A_313 = arith.index_cast %parallel_loop3A_312 : i32 to index
      %parallel_loop3A_314 = tpu.vector_load %arg7[%parallel_loop3A_313] {strides = array<i32>} : memref<16384xf32, #tpu.memory_space<vmem>>, vector<16xf32>,
      tpu.vector_store %arg7[%parallel_loop3A_313], %parallel_loop3A_310 {strides = array<i32>} : memref<16384xf32, #tpu.memory_space<vmem>>, vector<16xf32>,
      %parallel_loop3A_315 = arith.constant 64 : i32
      %parallel_loop3A_316 = vector.broadcast %parallel_loop3A_315 : i32 to vector<16xi32>
      %parallel_loop3A_317 = arith.addi %parallel_loop3A_298, %parallel_loop3A_316 : vector<16xi32>
      %parallel_loop3A_318 = tpu.vector_load_idx %arg11[%parallel_loop3A_317] : memref<512xf32, #tpu.memory_space<vmem>>[vector<16xi32>], vector<16xf32>,
      %parallel_loop3A_319 = arith.constant 256 : i32
      %parallel_loop3A_320 = arith.addi %parallel_loop3A_294, %parallel_loop3A_319 : i32
      %parallel_loop3A_321 = arith.index_cast %parallel_loop3A_320 : i32 to index
      %parallel_loop3A_322 = tpu.vector_load %arg7[%parallel_loop3A_321] {strides = array<i32>} : memref<16384xf32, #tpu.memory_space<vmem>>, vector<16xf32>,
      tpu.vector_store %arg7[%parallel_loop3A_321], %parallel_loop3A_318 {strides = array<i32>} : memref<16384xf32, #tpu.memory_space<vmem>>, vector<16xf32>,
      %parallel_loop3A_323 = arith.constant 96 : i32
      %parallel_loop3A_324 = vector.broadcast %parallel_loop3A_323 : i32 to vector<16xi32>
      %parallel_loop3A_325 = arith.addi %parallel_loop3A_298, %parallel_loop3A_324 : vector<16xi32>
      %parallel_loop3A_326 = tpu.vector_load_idx %arg11[%parallel_loop3A_325] : memref<512xf32, #tpu.memory_space<vmem>>[vector<16xi32>], vector<16xf32>,
      %parallel_loop3A_327 = arith.constant 384 : i32
      %parallel_loop3A_328 = arith.addi %parallel_loop3A_294, %parallel_loop3A_327 : i32
      %parallel_loop3A_329 = arith.index_cast %parallel_loop3A_328 : i32 to index
      %parallel_loop3A_330 = tpu.vector_load %arg7[%parallel_loop3A_329] {strides = array<i32>} : memref<16384xf32, #tpu.memory_space<vmem>>, vector<16xf32>,
      tpu.vector_store %arg7[%parallel_loop3A_329], %parallel_loop3A_326 {strides = array<i32>} : memref<16384xf32, #tpu.memory_space<vmem>>, vector<16xf32>,
      %parallel_loop3A_331 = arith.constant 128 : i32
      %parallel_loop3A_332 = vector.broadcast %parallel_loop3A_331 : i32 to vector<16xi32>
      %parallel_loop3A_333 = arith.addi %parallel_loop3A_298, %parallel_loop3A_332 : vector<16xi32>
      %parallel_loop3A_334 = tpu.vector_load_idx %arg11[%parallel_loop3A_333] : memref<512xf32, #tpu.memory_space<vmem>>[vector<16xi32>], vector<16xf32>,
      %parallel_loop3A_335 = arith.constant 512 : i32
      %parallel_loop3A_336 = arith.addi %parallel_loop3A_294, %parallel_loop3A_335 : i32
      %parallel_loop3A_337 = arith.index_cast %parallel_loop3A_336 : i32 to index
      %parallel_loop3A_338 = tpu.vector_load %arg7[%parallel_loop3A_337] {strides = array<i32>} : memref<16384xf32, #tpu.memory_space<vmem>>, vector<16xf32>,
      tpu.vector_store %arg7[%parallel_loop3A_337], %parallel_loop3A_334 {strides = array<i32>} : memref<16384xf32, #tpu.memory_space<vmem>>, vector<16xf32>,
      %parallel_loop3A_339 = arith.constant 160 : i32
      %parallel_loop3A_340 = vector.broadcast %parallel_loop3A_339 : i32 to vector<16xi32>
      %parallel_loop3A_341 = arith.addi %parallel_loop3A_298, %parallel_loop3A_340 : vector<16xi32>
      %parallel_loop3A_342 = tpu.vector_load_idx %arg11[%parallel_loop3A_341] : memref<512xf32, #tpu.memory_space<vmem>>[vector<16xi32>], vector<16xf32>,
      %parallel_loop3A_343 = arith.constant 640 : i32
      %parallel_loop3A_344 = arith.addi %parallel_loop3A_294, %parallel_loop3A_343 : i32
      %parallel_loop3A_345 = arith.index_cast %parallel_loop3A_344 : i32 to index
      %parallel_loop3A_346 = tpu.vector_load %arg7[%parallel_loop3A_345] {strides = array<i32>} : memref<16384xf32, #tpu.memory_space<vmem>>, vector<16xf32>,
      tpu.vector_store %arg7[%parallel_loop3A_345], %parallel_loop3A_342 {strides = array<i32>} : memref<16384xf32, #tpu.memory_space<vmem>>, vector<16xf32>,
      %parallel_loop3A_347 = arith.constant 192 : i32
      %parallel_loop3A_348 = vector.broadcast %parallel_loop3A_347 : i32 to vector<16xi32>
      %parallel_loop3A_349 = arith.addi %parallel_loop3A_298, %parallel_loop3A_348 : vector<16xi32>
      %parallel_loop3A_350 = tpu.vector_load_idx %arg11[%parallel_loop3A_349] : memref<512xf32, #tpu.memory_space<vmem>>[vector<16xi32>], vector<16xf32>,
      %parallel_loop3A_351 = arith.constant 768 : i32
      %parallel_loop3A_352 = arith.addi %parallel_loop3A_294, %parallel_loop3A_351 : i32
      %parallel_loop3A_353 = arith.index_cast %parallel_loop3A_352 : i32 to index
      %parallel_loop3A_354 = tpu.vector_load %arg7[%parallel_loop3A_353] {strides = array<i32>} : memref<16384xf32, #tpu.memory_space<vmem>>, vector<16xf32>,
      tpu.vector_store %arg7[%parallel_loop3A_353], %parallel_loop3A_350 {strides = array<i32>} : memref<16384xf32, #tpu.memory_space<vmem>>, vector<16xf32>,
      %parallel_loop3A_355 = arith.constant 224 : i32
      %parallel_loop3A_356 = vector.broadcast %parallel_loop3A_355 : i32 to vector<16xi32>
      %parallel_loop3A_357 = arith.addi %parallel_loop3A_298, %parallel_loop3A_356 : vector<16xi32>
      %parallel_loop3A_358 = tpu.vector_load_idx %arg11[%parallel_loop3A_357] : memref<512xf32, #tpu.memory_space<vmem>>[vector<16xi32>], vector<16xf32>,
      %parallel_loop3A_359 = arith.constant 896 : i32
      %parallel_loop3A_360 = arith.addi %parallel_loop3A_294, %parallel_loop3A_359 : i32
      %parallel_loop3A_361 = arith.index_cast %parallel_loop3A_360 : i32 to index
      %parallel_loop3A_362 = tpu.vector_load %arg7[%parallel_loop3A_361] {strides = array<i32>} : memref<16384xf32, #tpu.memory_space<vmem>>, vector<16xf32>,
      tpu.vector_store %arg7[%parallel_loop3A_361], %parallel_loop3A_358 {strides = array<i32>} : memref<16384xf32, #tpu.memory_space<vmem>>, vector<16xf32>,
      %parallel_loop3A_363 = arith.constant 256 : i32
      %parallel_loop3A_364 = vector.broadcast %parallel_loop3A_363 : i32 to vector<16xi32>
      %parallel_loop3A_365 = arith.addi %parallel_loop3A_298, %parallel_loop3A_364 : vector<16xi32>
      %parallel_loop3A_366 = tpu.vector_load_idx %arg11[%parallel_loop3A_365] : memref<512xf32, #tpu.memory_space<vmem>>[vector<16xi32>], vector<16xf32>,
      %parallel_loop3A_367 = arith.constant 0 : i32
      %parallel_loop3A_368 = arith.addi %parallel_loop3A_294, %parallel_loop3A_367 : i32
      %parallel_loop3A_369 = arith.index_cast %parallel_loop3A_368 : i32 to index
      %parallel_loop3A_370 = tpu.vector_load %arg8[%parallel_loop3A_369] {strides = array<i32>} : memref<16384xf32, #tpu.memory_space<vmem>>, vector<16xf32>,
      tpu.vector_store %arg8[%parallel_loop3A_369], %parallel_loop3A_366 {strides = array<i32>} : memref<16384xf32, #tpu.memory_space<vmem>>, vector<16xf32>,
      %parallel_loop3A_371 = arith.constant 288 : i32
      %parallel_loop3A_372 = vector.broadcast %parallel_loop3A_371 : i32 to vector<16xi32>
      %parallel_loop3A_373 = arith.addi %parallel_loop3A_298, %parallel_loop3A_372 : vector<16xi32>
      %parallel_loop3A_374 = tpu.vector_load_idx %arg11[%parallel_loop3A_373] : memref<512xf32, #tpu.memory_space<vmem>>[vector<16xi32>], vector<16xf32>,
      %parallel_loop3A_375 = arith.constant 128 : i32
      %parallel_loop3A_376 = arith.addi %parallel_loop3A_294, %parallel_loop3A_375 : i32
      %parallel_loop3A_377 = arith.index_cast %parallel_loop3A_376 : i32 to index
      %parallel_loop3A_378 = tpu.vector_load %arg8[%parallel_loop3A_377] {strides = array<i32>} : memref<16384xf32, #tpu.memory_space<vmem>>, vector<16xf32>,
      tpu.vector_store %arg8[%parallel_loop3A_377], %parallel_loop3A_374 {strides = array<i32>} : memref<16384xf32, #tpu.memory_space<vmem>>, vector<16xf32>,
      %parallel_loop3A_379 = arith.constant 320 : i32
      %parallel_loop3A_380 = vector.broadcast %parallel_loop3A_379 : i32 to vector<16xi32>
      %parallel_loop3A_381 = arith.addi %parallel_loop3A_298, %parallel_loop3A_380 : vector<16xi32>
      %parallel_loop3A_382 = tpu.vector_load_idx %arg11[%parallel_loop3A_381] : memref<512xf32, #tpu.memory_space<vmem>>[vector<16xi32>], vector<16xf32>,
      %parallel_loop3A_383 = arith.constant 256 : i32
      %parallel_loop3A_384 = arith.addi %parallel_loop3A_294, %parallel_loop3A_383 : i32
      %parallel_loop3A_385 = arith.index_cast %parallel_loop3A_384 : i32 to index
      %parallel_loop3A_386 = tpu.vector_load %arg8[%parallel_loop3A_385] {strides = array<i32>} : memref<16384xf32, #tpu.memory_space<vmem>>, vector<16xf32>,
      tpu.vector_store %arg8[%parallel_loop3A_385], %parallel_loop3A_382 {strides = array<i32>} : memref<16384xf32, #tpu.memory_space<vmem>>, vector<16xf32>,
      %parallel_loop3A_387 = arith.constant 352 : i32
      %parallel_loop3A_388 = vector.broadcast %parallel_loop3A_387 : i32 to vector<16xi32>
      %parallel_loop3A_389 = arith.addi %parallel_loop3A_298, %parallel_loop3A_388 : vector<16xi32>
      %parallel_loop3A_390 = tpu.vector_load_idx %arg11[%parallel_loop3A_389] : memref<512xf32, #tpu.memory_space<vmem>>[vector<16xi32>], vector<16xf32>,
      %parallel_loop3A_391 = arith.constant 384 : i32
      %parallel_loop3A_392 = arith.addi %parallel_loop3A_294, %parallel_loop3A_391 : i32
      %parallel_loop3A_393 = arith.index_cast %parallel_loop3A_392 : i32 to index
      %parallel_loop3A_394 = tpu.vector_load %arg8[%parallel_loop3A_393] {strides = array<i32>} : memref<16384xf32, #tpu.memory_space<vmem>>, vector<16xf32>,
      tpu.vector_store %arg8[%parallel_loop3A_393], %parallel_loop3A_390 {strides = array<i32>} : memref<16384xf32, #tpu.memory_space<vmem>>, vector<16xf32>,
      %parallel_loop3A_395 = arith.constant 384 : i32
      %parallel_loop3A_396 = vector.broadcast %parallel_loop3A_395 : i32 to vector<16xi32>
      %parallel_loop3A_397 = arith.addi %parallel_loop3A_298, %parallel_loop3A_396 : vector<16xi32>
      %parallel_loop3A_398 = tpu.vector_load_idx %arg11[%parallel_loop3A_397] : memref<512xf32, #tpu.memory_space<vmem>>[vector<16xi32>], vector<16xf32>,
      %parallel_loop3A_399 = arith.constant 512 : i32
      %parallel_loop3A_400 = arith.addi %parallel_loop3A_294, %parallel_loop3A_399 : i32
      %parallel_loop3A_401 = arith.index_cast %parallel_loop3A_400 : i32 to index
      %parallel_loop3A_402 = tpu.vector_load %arg8[%parallel_loop3A_401] {strides = array<i32>} : memref<16384xf32, #tpu.memory_space<vmem>>, vector<16xf32>,
      tpu.vector_store %arg8[%parallel_loop3A_401], %parallel_loop3A_398 {strides = array<i32>} : memref<16384xf32, #tpu.memory_space<vmem>>, vector<16xf32>,
      %parallel_loop3A_403 = arith.constant 416 : i32
      %parallel_loop3A_404 = vector.broadcast %parallel_loop3A_403 : i32 to vector<16xi32>
      %parallel_loop3A_405 = arith.addi %parallel_loop3A_298, %parallel_loop3A_404 : vector<16xi32>
      %parallel_loop3A_406 = tpu.vector_load_idx %arg11[%parallel_loop3A_405] : memref<512xf32, #tpu.memory_space<vmem>>[vector<16xi32>], vector<16xf32>,
      %parallel_loop3A_407 = arith.constant 640 : i32
      %parallel_loop3A_408 = arith.addi %parallel_loop3A_294, %parallel_loop3A_407 : i32
      %parallel_loop3A_409 = arith.index_cast %parallel_loop3A_408 : i32 to index
      %parallel_loop3A_410 = tpu.vector_load %arg8[%parallel_loop3A_409] {strides = array<i32>} : memref<16384xf32, #tpu.memory_space<vmem>>, vector<16xf32>,
      tpu.vector_store %arg8[%parallel_loop3A_409], %parallel_loop3A_406 {strides = array<i32>} : memref<16384xf32, #tpu.memory_space<vmem>>, vector<16xf32>,
      %parallel_loop3A_411 = arith.constant 448 : i32
      %parallel_loop3A_412 = vector.broadcast %parallel_loop3A_411 : i32 to vector<16xi32>
      %parallel_loop3A_413 = arith.addi %parallel_loop3A_298, %parallel_loop3A_412 : vector<16xi32>
      %parallel_loop3A_414 = tpu.vector_load_idx %arg11[%parallel_loop3A_413] : memref<512xf32, #tpu.memory_space<vmem>>[vector<16xi32>], vector<16xf32>,
      %parallel_loop3A_415 = arith.constant 768 : i32
      %parallel_loop3A_416 = arith.addi %parallel_loop3A_294, %parallel_loop3A_415 : i32
      %parallel_loop3A_417 = arith.index_cast %parallel_loop3A_416 : i32 to index
      %parallel_loop3A_418 = tpu.vector_load %arg8[%parallel_loop3A_417] {strides = array<i32>} : memref<16384xf32, #tpu.memory_space<vmem>>, vector<16xf32>,
      tpu.vector_store %arg8[%parallel_loop3A_417], %parallel_loop3A_414 {strides = array<i32>} : memref<16384xf32, #tpu.memory_space<vmem>>, vector<16xf32>,
      %parallel_loop3A_419 = arith.constant 480 : i32
      %parallel_loop3A_420 = vector.broadcast %parallel_loop3A_419 : i32 to vector<16xi32>
      %parallel_loop3A_421 = arith.addi %parallel_loop3A_298, %parallel_loop3A_420 : vector<16xi32>
      %parallel_loop3A_422 = tpu.vector_load_idx %arg11[%parallel_loop3A_421] : memref<512xf32, #tpu.memory_space<vmem>>[vector<16xi32>], vector<16xf32>,
      %parallel_loop3A_423 = arith.constant 896 : i32
      %parallel_loop3A_424 = arith.addi %parallel_loop3A_294, %parallel_loop3A_423 : i32
      %parallel_loop3A_425 = arith.index_cast %parallel_loop3A_424 : i32 to index
      %parallel_loop3A_426 = tpu.vector_load %arg8[%parallel_loop3A_425] {strides = array<i32>} : memref<16384xf32, #tpu.memory_space<vmem>>, vector<16xf32>,
      tpu.vector_store %arg8[%parallel_loop3A_425], %parallel_loop3A_422 {strides = array<i32>} : memref<16384xf32, #tpu.memory_space<vmem>>, vector<16xf32>,
    } {sc.loop_unroll_factor = 2 : i64, sc.parallel_access}
    %add3A_231 = arith.constant 768 : i32
    %add3A_232 = arith.addi %select_n3A, %add3A_231 : i32
    %mul3A_233 = arith.constant 1024 : i32
    %mul3A_234 = arith.muli %add3A_232, %mul3A_233 : i32
    %add3A_235 = arith.constant 0 : i32
    %add3A_236 = arith.addi %add3A_235, %mul3A_234 : i32
    %multiple_of3A_237 = tpu.assume_multiple %add3A_236, 8 : i32
    %dma_start3A_238 = tpu.memref_slice %arg4[%multiple_of3A_237] : memref<51200000xf32, #tpu.memory_space<hbm>> -> memref<16384xf32, #tpu.memory_space<hbm>>
    %dma_start3A_239 = tpu.memref_slice %arg4[%multiple_of3A_237] : memref<51200000xf32, #tpu.memory_space<hbm>> -> memref<16384xf32, #tpu.memory_space<hbm>>
    tpu.enqueue_dma source(%arg7 : memref<16384xf32, #tpu.memory_space<vmem>>) target(%dma_start3A_239 : memref<16384xf32, #tpu.memory_space<hbm>>) target_semaphore(%arg14 : memref<!tpu.dma_semaphore, #tpu.memory_space<semaphore_mem>>)
    %add3A_240 = arith.constant 768 : i32
    %add3A_241 = arith.addi %select_n3A, %add3A_240 : i32
    %mul3A_242 = arith.constant 1024 : i32
    %mul3A_243 = arith.muli %add3A_241, %mul3A_242 : i32
    %add3A_244 = arith.constant 25600000 : i32
    %add3A_245 = arith.addi %add3A_244, %mul3A_243 : i32
    %multiple_of3A_246 = tpu.assume_multiple %add3A_245, 8 : i32
    %dma_start3A_247 = tpu.memref_slice %arg4[%multiple_of3A_246] : memref<51200000xf32, #tpu.memory_space<hbm>> -> memref<16384xf32, #tpu.memory_space<hbm>>
    %dma_start3A_248 = tpu.memref_slice %arg4[%multiple_of3A_246] : memref<51200000xf32, #tpu.memory_space<hbm>> -> memref<16384xf32, #tpu.memory_space<hbm>>
    tpu.enqueue_dma source(%arg8 : memref<16384xf32, #tpu.memory_space<vmem>>) target(%dma_start3A_248 : memref<16384xf32, #tpu.memory_space<hbm>>) target_semaphore(%arg15 : memref<!tpu.dma_semaphore, #tpu.memory_space<semaphore_mem>>)
    %add3A_249 = arith.constant 752 : i32
    %add3A_250 = arith.addi %select_n3A, %add3A_249 : i32
    %mul3A_251 = arith.constant 1024 : i32
    %mul3A_252 = arith.muli %add3A_250, %mul3A_251 : i32
    %add3A_253 = arith.constant 0 : i32
    %add3A_254 = arith.addi %add3A_253, %mul3A_252 : i32
    %multiple_of3A_255 = tpu.assume_multiple %add3A_254, 8 : i32
    %dma_wait3A_256 = tpu.memref_slice %arg4[%multiple_of3A_255] : memref<51200000xf32, #tpu.memory_space<hbm>> -> memref<16384xf32, #tpu.memory_space<hbm>>
    %dma_wait3A_257 = tpu.memref_slice %arg4[%multiple_of3A_255] : memref<51200000xf32, #tpu.memory_space<hbm>> -> memref<16384xf32, #tpu.memory_space<hbm>>
    tpu.wait_dma2 semaphore(%arg16 : memref<!tpu.dma_semaphore, #tpu.memory_space<semaphore_mem>>) src(%arg9 : memref<16384xf32, #tpu.memory_space<vmem>>) dst(%dma_wait3A_257 : memref<16384xf32, #tpu.memory_space<hbm>>)
    %add3A_258 = arith.constant 752 : i32
    %add3A_259 = arith.addi %select_n3A, %add3A_258 : i32
    %mul3A_260 = arith.constant 1024 : i32
    %mul3A_261 = arith.muli %add3A_259, %mul3A_260 : i32
    %add3A_262 = arith.constant 25600000 : i32
    %add3A_263 = arith.addi %add3A_262, %mul3A_261 : i32
    %multiple_of3A_264 = tpu.assume_multiple %add3A_263, 8 : i32
    %dma_wait3A_265 = tpu.memref_slice %arg4[%multiple_of3A_264] : memref<51200000xf32, #tpu.memory_space<hbm>> -> memref<16384xf32, #tpu.memory_space<hbm>>
    %dma_wait3A_266 = tpu.memref_slice %arg4[%multiple_of3A_264] : memref<51200000xf32, #tpu.memory_space<hbm>> -> memref<16384xf32, #tpu.memory_space<hbm>>
    tpu.wait_dma2 semaphore(%arg17 : memref<!tpu.dma_semaphore, #tpu.memory_space<semaphore_mem>>) src(%arg10 : memref<16384xf32, #tpu.memory_space<vmem>>) dst(%dma_wait3A_266 : memref<16384xf32, #tpu.memory_space<hbm>>)
    %add3A_267 = arith.constant 768 : i32
    %add3A_268 = arith.addi %select_n3A, %add3A_267 : i32
    %mul3A_269 = arith.constant 1024 : i32
    %mul3A_270 = arith.muli %add3A_268, %mul3A_269 : i32
    %add3A_271 = arith.constant 0 : i32
    %add3A_272 = arith.addi %add3A_271, %mul3A_270 : i32
    %multiple_of3A_273 = tpu.assume_multiple %add3A_272, 8 : i32
    %dma_wait3A_274 = tpu.memref_slice %arg4[%multiple_of3A_273] : memref<51200000xf32, #tpu.memory_space<hbm>> -> memref<16384xf32, #tpu.memory_space<hbm>>
    %dma_wait3A_275 = tpu.memref_slice %arg4[%multiple_of3A_273] : memref<51200000xf32, #tpu.memory_space<hbm>> -> memref<16384xf32, #tpu.memory_space<hbm>>
    tpu.wait_dma2 semaphore(%arg14 : memref<!tpu.dma_semaphore, #tpu.memory_space<semaphore_mem>>) src(%arg7 : memref<16384xf32, #tpu.memory_space<vmem>>) dst(%dma_wait3A_275 : memref<16384xf32, #tpu.memory_space<hbm>>)
    %add3A_276 = arith.constant 768 : i32
    %add3A_277 = arith.addi %select_n3A, %add3A_276 : i32
    %mul3A_278 = arith.constant 1024 : i32
    %mul3A_279 = arith.muli %add3A_277, %mul3A_278 : i32
    %add3A_280 = arith.constant 25600000 : i32
    %add3A_281 = arith.addi %add3A_280, %mul3A_279 : i32
    %multiple_of3A_282 = tpu.assume_multiple %add3A_281, 8 : i32
    %dma_wait3A_283 = tpu.memref_slice %arg4[%multiple_of3A_282] : memref<51200000xf32, #tpu.memory_space<hbm>> -> memref<16384xf32, #tpu.memory_space<hbm>>
    %dma_wait3A_284 = tpu.memref_slice %arg4[%multiple_of3A_282] : memref<51200000xf32, #tpu.memory_space<hbm>> -> memref<16384xf32, #tpu.memory_space<hbm>>
    tpu.wait_dma2 semaphore(%arg15 : memref<!tpu.dma_semaphore, #tpu.memory_space<semaphore_mem>>) src(%arg8 : memref<16384xf32, #tpu.memory_space<vmem>>) dst(%dma_wait3A_284 : memref<16384xf32, #tpu.memory_space<hbm>>)
    return
  }
}

</mosaic_0001>

<sc_bundles>
// kernel: kernel.3.cloned.1.call-start
scs
__scs_entry_jumppad:
0x0: {  	(pc) =	sbr.rel $0x88, $3  }
0x1: {  	(tag) =	ssettag $0x0;
	lr =	simm.s32 $0x1  }
0x2: {  	[smem:$0x3F9F] =	sst lr;
	_ =	strace $0xD0000000  }
0x3: {  	_ = 	snop  }
0x4: {  	_ = 	snop  }
0x5: {  	_ = 	snop  }
0x6: {  	_ = 	snop  }
0x7: {  	_ = 	snop  }
__scs_overlays_trampoline_lowered:
0x8: {  	[smem:$0x3FAE] =	sst s0  }
0x9: {  	[smem:$0x3FAF] =	sst s1  }
0xa: {  	[smem:$0x3FB0] =	sst s2  }
0xb: {  	[smem:$0x3FB1] =	sst s3  }
0xc: {  	[smem:$0x3FB2] =	sst s4  }
0xd: {  	[smem:$0x3FB3] =	sst s5  }
0xe: {  	[smem:$0x3FB4] =	sst s6  }
0xf: {  	[smem:$0x3FB5] =	sst s7  }
0x10: {  	[smem:$0x3FB6] =	sst s8  }
0x11: {  	[smem:$0x3FB7] =	sst s9;
	s0 =	simm.s32 @!p0 $0x0  }
0x12: {  	s1 =	sld [smem:$0x3F9D];
	s0 =	simm.s32 @p0 $0x1  }
0x13: {  	[smem:$0x3FB8] =	sst s0;
	s0 =	simm.s32 @!p1 $0x0  }
0x14: {  	s2 =	sld [smem:$0x3F9C];
	s0 =	simm.s32 @p1 $0x1  }
0x15: {  	[smem:$0x3FB9] =	sst s0;
	s0 =	simm.s32 @!p2 $0x0  }
0x16: {  	s3 =	sld [smem:$0x3FDB];
	s0 =	simm.s32 @p2 $0x1  }
0x17: {  	s4 =	simm.s32 $0x1BF5;
	[smem:$0x3FBB] =	sst s0  }
0x18: {  	s0 =	sld [smem:$0x3F9E];
	_ =	swait.ge [sflag:s4], $0x0  }
0x19: {  	s7 =	sld [smem:$0x3F9F]  }
0x1a: {  	s8 =	sadd.s32 $0xFFFFE003, lr  }
0x1b: {  	s9 =	sadd.s32 $0xFFFFFEF7, lr;
	s5 =	simm.s32 $0xFFFFFFFF;
	p2 =	slt.u32 s8, $0xFFFFF086  }
0x1c: {  	p1 =	slt.u32 s9, $0xF7A;
	s5 =	simm.s32 @!p2 $0x0  }
0x1d: {  	s5 =	simm.s32 @p1 $0x1;
	p0 =	seq.s32 s7, s2  }
0x1e: {  	s7 =	smul.u32 @!p0 $0xF7A, s2;
	p2 =	seq.s32 @!p0 s5, $0x0  }
0x1f: {  	s9 =	smul.u32 $0xF7A, s1;
	s8 =	simm.s32 @!p0 $0x1BF5;
	p2 =	por !p2, p0  }
0x20: {  	[sflag:s8] =	ssyncset.s32 @!p0 $0xFFFFF086;
	s6 =	sadd.s32 @!p0 s3, s7;
	s7 =	simm.s32 @!p0 $0x108  }
0x21: {  	s3 =	sadd.s32 s3, s9;
	s6 =	sadd.s32 @!p0 $0x88, s6;
	s7 =	simm.s32 @p2 $0x1082  }
0x22: {  	[simem:s7], [sflag:s8] =	dma.local @!p0 [hbm:s6], $0xF7A  }
0x23: {  	s9 =	sor.u32 $0xD0000000, s2;
	s6 =	simm.s32 $0x108;
	_ =	swait.ge @!p0 [sflag:s8], $0x0  }
0x24: {  	s3 =	sadd.s32 $0x88, s3;
	s6 =	simm.s32 @!p1 $0x1082;
	[sflag:s4] =	ssyncset.s32 $0xFFFFF086  }
0x25: {  	[simem:s6], [sflag:s4] =	dma.local [hbm:s3], $0xF7A  }
0x26: {  	[smem:$0x3F9F] =	sst s1;
	(tag) =	ssettag s2;
	_ =	strace s9  }
0x27: {  	s1 =	sld [smem:$0x3FAF]  }
0x28: {  	s2 =	sld [smem:$0x3FB0]  }
0x29: {  	s4 =	sld [smem:$0x3FB2]  }
0x2a: {  	p0 =	seq.s32 s5, $0x0;
	s5 =	sld [smem:$0x3FB3]  }
0x2b: {  	s6 =	sld [smem:$0x3FB4]  }
0x2c: {  	s7 =	sld [smem:$0x3FB5]  }
0x2d: {  	s3 =	simm.s32 $0x108;
	s8 =	sld [smem:$0x3FB6]  }
0x2e: {  	s3 =	simm.s32 @!p0 $0x1082;
	s9 =	sld [smem:$0x3FB7]  }
0x2f: {  	lr =	sadd.s32 s0, s3;
	s0 =	sld [smem:$0x3FAE]  }
0x30: {  	s3 =	sld [smem:$0x3FB1]  }
0x31: {  	[smem:$0x3FBA] =	sst s10  }
0x32: {  	s10 =	sld [smem:$0x3FB8];
	_ =	sdelay $0x3  }
0x33: {  	p0 =	seq.s32 s10, $0x1;
	s10 =	sld [smem:$0x3FBA];
	_ =	sdelay $0x3  }
0x34: {  	[smem:$0x3FBA] =	sst s10  }
0x35: {  	s10 =	sld [smem:$0x3FB9];
	_ =	sdelay $0x3  }
0x36: {  	p1 =	seq.s32 s10, $0x1;
	s10 =	sld [smem:$0x3FBA];
	_ =	sdelay $0x3  }
0x37: {  	[smem:$0x3FBA] =	sst s10  }
0x38: {  	s10 =	sld [smem:$0x3FBB]  }
0x39: {  	_ = 	snop;
	(pc) =	sbr.ind lr, $3  }
0x3a: {  	_ = 	snop  }
0x3b: {  	_ = 	snop  }
0x3c: {  	p2 =	seq.s32 s10, $0x1;
	s10 =	sld [smem:$0x3FBA]  }
0x3d: {  	_ =	shalt  }
0x3e: {  	_ =	shalt  }
0x3f: {  	_ =	shalt  }
0x40: {  	_ =	shalt  }
0x41: {  	_ =	shalt  }
0x42: {  	_ =	shalt  }
0x43: {  	_ =	shalt  }
0x44: {  	_ =	shalt  }
0x45: {  	_ =	shalt  }
0x46: {  	_ =	shalt  }
0x47: {  	_ =	shalt  }
0x48: {  	_ =	shalt  }
0x49: {  	_ =	shalt  }
0x4a: {  	_ =	shalt  }
0x4b: {  	_ =	shalt  }
0x4c: {  	_ =	shalt  }
0x4d: {  	_ =	shalt  }
0x4e: {  	_ =	shalt  }
0x4f: {  	_ =	shalt  }
0x50: {  	_ =	shalt  }
0x51: {  	_ =	shalt  }
0x52: {  	_ =	shalt  }
0x53: {  	_ =	shalt  }
0x54: {  	_ =	shalt  }
0x55: {  	_ =	shalt  }
0x56: {  	_ =	shalt  }
0x57: {  	_ =	shalt  }
0x58: {  	_ =	shalt  }
0x59: {  	_ =	shalt  }
0x5a: {  	_ =	shalt  }
0x5b: {  	_ =	shalt  }
0x5c: {  	_ =	shalt  }
0x5d: {  	_ =	shalt  }
0x5e: {  	_ =	shalt  }
0x5f: {  	_ =	shalt  }
0x60: {  	_ =	shalt  }
0x61: {  	_ =	shalt  }
0x62: {  	_ =	shalt  }
0x63: {  	_ =	shalt  }
0x64: {  	_ =	shalt  }
0x65: {  	_ =	shalt  }
0x66: {  	_ =	shalt  }
0x67: {  	_ =	shalt  }
0x68: {  	_ =	shalt  }
0x69: {  	_ =	shalt  }
0x6a: {  	_ =	shalt  }
0x6b: {  	_ =	shalt  }
0x6c: {  	_ =	shalt  }
0x6d: {  	_ =	shalt  }
0x6e: {  	_ =	shalt  }
0x6f: {  	_ =	shalt  }
0x70: {  	_ =	shalt  }
0x71: {  	_ =	shalt  }
0x72: {  	_ =	shalt  }
0x73: {  	_ =	shalt  }
0x74: {  	_ =	shalt  }
0x75: {  	_ =	shalt  }
0x76: {  	_ =	shalt  }
0x77: {  	_ =	shalt  }
0x78: {  	_ =	shalt  }
0x79: {  	_ =	shalt  }
0x7a: {  	_ =	shalt  }
0x7b: {  	_ =	shalt  }
0x7c: {  	_ =	shalt  }
0x7d: {  	_ =	shalt  }
0x7e: {  	_ =	shalt  }
0x7f: {  	_ =	shalt  }
0x80: {  	_ =	shalt  }
0x81: {  	_ =	shalt  }
0x82: {  	_ =	shalt  }
0x83: {  	_ =	shalt  }
0x84: {  	_ =	shalt  }
0x85: {  	_ =	shalt  }
0x86: {  	_ =	shalt  }
0x87: {  	_ =	shalt  }
.Lfunc_end0:
.L_simem_size_0:
called_computation_lowered:
.L_overlay_start_0:
0x88: {  	s2 =	sld [smem:$0x3FD9]  }
0x89: {  	s3 =	sld [smem:$0x3FFE];
	_ =	sdelay $0x1  }
0x8a: {  	s1 =	srdreg.scid  }
0x8b: {  	s0 =	sand.u32 $0x1, s1  }
0x8c: {  	s17 =	sshll.u32 s0, $0xA;
	s2 =	sadd.s32 s3, s2  }
0x8d: {  	s2 =	sadd.s32 s2, s17  }
0x8e: {  	[smem:$0x3FC6] =	sst s2  }
0x8f: {  	_ = 	snop  }
0x90: {  	s2 =	sld [smem:$0x3FC9]  }
0x91: {  	s18 =	sld [smem:$0x3FD0];
	(tm) =	ssettm $0x1  }
0x92: {  	s4 =	sld [smem:$0x3FFB];
	_ =	sdelay $0x3  }
0x93: {  	_ =	strace s4  }
0x94: {  	s4 =	sld [smem:$0x3FFC];
	_ =	sdelay $0x3  }
0x95: {  	_ =	strace s4  }
0x96: {  	s4 =	sld [smem:$0x3FFD];
	_ =	sdelay $0x3  }
0x97: {  	_ =	strace s4  }
0x98: {  	_ =	strace $0x8FFFFFFF  }
0x99: {  	s19 =	sld [smem:$0x3FDB];
	_ =	sdelay $0x1  }
0x9a: {  	s5 =	simm.s32 $_scs_section_size  }
0x9b: {  	s6 =	simm.s32 $_size__tile_overlayer_lowered;
	s7 =	simm.s32 $_tile_overlayer_lowered  }
0x9c: {  	s22 =	simm.s32 $0x1BFF;
	s21 =	sshll.u32 s7, $0x1;
	s4 =	sadd.s32 s5, s19  }
0x9d: {  	s8 =	simm.s32 $0x0;
	s20 =	sshll.u32 s6, $0x1;
	s6 =	sadd.s32 s21, s4  }
0x9e: {  	[timem:s8], [sflag:s22] =	dma.local [hbm:s6], s20  }
0x9f: {  	_ =	swait.ge [sflag:s22], s20  }
0xa0: {  	s5 =	ssub.s32 $0x0, s20;
	[sflag:s22] =	ssyncset.done $0x0  }
0xa1: {  	[sflag:s22] =	ssyncadd.s32 s5;
	_ =	sdelay $0x1  }
0xa2: {  	s23 =	simm.s32 $0x1B8B  }
0xa3: {  	_ =	swait.ge [sflag:s23], $0x1  }
0xa4: {  	[sflag:s23] =	ssyncset.done $0x0  }
0xa5: {  	s25 =	simm.s32 $0x1B8E;
	s24 =	sld [smem:$0x3FFE];
	[sflag:s23] =	ssyncadd.s32 $0xFFFFFFFF  }
0xa6: {  	s26 =	simm.s32 $execute0_lowered;
	[smem:$0x3FD2] =	sst s25  }
0xa7: {  	s6 =	sshll.u32 s26, $0x1;
	_ =	strace $0x80000046;
	[dreg:$0x1] =	wrdreg $0xFFFFFFFF  }
0xa8: {  	s28 =	simm.s32 $_size_execute0_lowered;
	s4 =	sadd.s32 s4, s6;
	[dreg:$0x0] =	wrdreg $0x0  }
0xa9: {  	s6 =	sshll.u32 s28, $0x1;
	[dreg:$0x2] =	wrdreg s4  }
0xaa: {  	[dreg:$0x3] =	wrdreg s6  }
0xab: {  	[dreg:$0x4] =	wrdreg $0xC0  }
0xac: {  	_ =	task [dreg:s8], $0x5FFFF  }
0xad: {  	[dreg:$0x1] =	wrdreg $0xFFFFFFFF  }
0xae: {  	[dreg:$0x0] =	wrdreg $0x60  }
0xaf: {  	[dreg:$0x2] =	wrdreg s2  }
0xb0: {  	[dreg:$0x3] =	wrdreg s24  }
0xb1: {  	[dreg:$0x4] =	wrdreg s18  }
0xb2: {  	[dreg:$0x5] =	wrdreg $0x9  }
0xb3: {  	_ =	task.clear_ibuf [dreg:s8], $0x6FFFF;
	_ =	strace $0x90000046  }
0xb4: {  	s29 =	simm.s32 $0x9;
	_ =	strace $0x80000048  }
0xb5: {  	_ =	swait.ge [sflag:s29], $0x1  }
0xb6: {  	[sflag:s29] =	ssyncadd.s32 $0xFFFFFFFF  }
0xb7: {  	_ =	strace $0x90000048  }
0xb8: {  	_ =	sfence  }
0xb9: {  	s30 =	sld [smem:$0x0];
	_ =	sdelay $0x2  }
0xba: {  	s31 =	sshll.u32 s1, $0xD;
	s1 =	sshrl.u32 s1, $0x2  }
0xbb: {  	s3 =	sand.u32 $0x4000, s31;
	s1 =	sadd.s32 s1, s30  }
0xbc: {  	s0 =	sor.u32 s3, s0;
	s1 =	sshll.u32 s1, $0x11  }
0xbd: {  	s0 =	sor.u32 s1, s0  }
0xbe: {  	s0 =	sadd.s32 $0x8F2B, s0  }
0xbf: {  	[sflag:s0] =	ssyncadd.remote.s32 $0x1  }
0xc0: {  	_ =	sfence.sel $0xFFFF  }
0xc1: {  	[dreg:$0x0] =	wrdreg $0xFFFFFFFF;
	(pc) =	sbr.abs _section_cstart, $3  }
0xc2: {  	[dreg:$0x1] =	wrdreg $0xFFFFFFFF  }
0xc3: {  	_ =	task.clear_ibuf [dreg:s8], $0x2FFFF;
	_ =	strace $0x9FFFFFFF  }
0xc4: {  	(tm) =	ssettm $0x7FFFFFFF  }
0xc5: {  	_ =	shalt  }
tec
execute0_lowered:
.L_overlay_start_1:
0x0: {  	(tag) =	ssettag $0x1  }
0x1: {  	s0 =	srdreg.scid;
	s1 =	rddreg [dreg:$0x0]  }
0x2: {  	s2 =	stileid.u32;
	s5 =	rddreg [dreg:$0x1]  }
0x3: {  	s3 =	rddreg [dreg:$0x2];
	s4 =	simm.s32 $0x0;
	s29 =	simm.s32 $0x1  }
0x4: {  	s12 =	simm.s32 $0x5;
	s0 =	sand.u32 $0x1, s0;
	s2 =	sshll.u32 s2, $0x1  }
0x5: {  	[smem:$0x7FF] =	sst s4;
	s2 =	sor.u32 s0, s2;
	s0 =	ssub.s32 $0x2, s0  }
0x6: {  	s5 =	sadd.s32 $0x400, s5;
	s2 =	smul.u32 $0x5E98, s2;
	s13 =	sshrl.u32 s0, $0x1  }
0x7: {  	s11 =	sadd.s32 $0x30D400, s3;
	_ =	strace $0x80000047;
	s0 =	ssub.s32 s0, s13  }
0x8: {  	[dreg:$0x4] =	wrdreg s5;
	s2 =	smulhi.u32 $0x8421085, s2;
	s0 =	smax.u32 s0, $0x1  }
0x9: {  	s13 =	simm.s32 $0x6;
	[dreg:$0x14] =	wrdreg s0;
	s0 =	simm.s32 $0x2  }
0xa: {  	s6 =	sshll.u32 s2, $0x4;
	s14 =	sadd.s32 $0x10, s2;
	s7 =	sshll.u32 s2, $0x7  }
0xb: {  	s8 =	sadd.s32 $0x20, s2;
	s23 =	sadd.s32 $0x300, s2;
	s9 =	sadd.s32 s1, s6  }
0xc: {  	s15 =	sshll.u32 s14, $0x4;
	s10 =	sadd.s32 s3, s7;
	[dreg:$0x5] =	wrdreg s9  }
0xd: {  	s5 =	sshll.u32 s14, $0x7;
	s17 =	sadd.s32 $0x30D400, s10;
	[dreg:$0x6] =	wrdreg s10  }
0xe: {  	s16 =	sshll.u32 s8, $0x4;
	s19 =	sadd.s32 s3, s5;
	[dreg:$0x8] =	wrdreg s17  }
0xf: {  	s20 =	sshll.u32 s8, $0x7;
	s5 =	sadd.s32 s5, s11;
	[dreg:$0xa] =	wrdreg s19  }
0x10: {  	s24 =	sshll.u32 s23, $0x4;
	s21 =	sadd.s32 $0x300, s9;
	[dreg:$0xb] =	wrdreg s5  }
0x11: {  	s28 =	sshll.u32 s23, $0x7;
	s22 =	sadd.s32 s3, s20;
	[dreg:$0xc] =	wrdreg s21  }
0x12: {  	s6 =	sand.u32 $0x1FFFFFF0, s15;
	s26 =	sadd.s32 $0x17800, s10;
	[dreg:$0xd] =	wrdreg s22  }
0x13: {  	s18 =	sand.u32 $0x1FFFFFF0, s16;
	s30 =	sadd.s32 $0x324C00, s10;
	[dreg:$0x10] =	wrdreg s26  }
0x14: {  	s25 =	sand.u32 $0x1FFFFFF0, s24;
	s31 =	sadd.s32 s3, s28;
	[dreg:$0x11] =	wrdreg s30  }
0x15: {  	s9 =	simm.s32 $0x3;
	s6 =	sadd.s32 s1, s6;
	[dreg:$0x12] =	wrdreg s31  }
0x16: {  	s5 =	sadd.s32 s20, s11;
	s17 =	sadd.s32 $0x30, s2;
	[dreg:$0x7] =	wrdreg s6  }
0x17: {  	s19 =	sadd.s32 $0x50, s2;
	s6 =	sadd.s32 s1, s18;
	[dreg:$0xe] =	wrdreg s5  }
0x18: {  	s18 =	sadd.s32 $0x40, s2;
	s2 =	sadd.s32 s1, s25;
	[dreg:$0x9] =	wrdreg s6  }
0x19: {  	s10 =	simm.s32 $0x4;
	[dreg:$0xf] =	wrdreg s2;
	s2 =	sadd.s32 s28, s11  }
0x1a: {  	s26 =	simm.s32 $0x11000;
	s5 =	simm.s32 $0x0;
	[dreg:$0x13] =	wrdreg s2  }
.LBB2_1:
0x1b: {  	[dreg:$0x15] =	wrdreg s5  }
0x1c: {  	s2 =	rddreg [dreg:$0x4];
	s8 =	simm.s32 $0x7  }
0x1d: {  	[tilespmem:s26], [sflag:$0x7] =	stream.linear.gather [hbm4b:s2+s4], $0x200, $0x38;
	[tilespmem:$0x11200] =	vst v63  }
0x1e: {  	_ =	swait.ge [sflag:s8], $0x200  }
0x1f: {  	[sflag:s8] =	ssyncset.done $0x0  }
0x20: {  	s14 =	rddreg [dreg:$0x5];
	[sflag:s8] =	ssyncadd.s32 $0xFFFFFE00  }
0x21: {  	[tilespmem:s4], [sflag:$0x1] =	stream.linear.gather [hbm4b:s14+s4], $0x800, $0x38;
	[tilespmem:$0x11200] =	vst v63  }
0x22: {  	_ =	swait.ge [sflag:s29], $0x800  }
0x23: {  	s16 =	simm.s32 $0x800;
	[sflag:s29] =	ssyncset.done $0x0  }
0x24: {  	s20 =	simm.s32 $0x10;
	s15 =	rddreg [dreg:$0x7];
	[sflag:s29] =	ssyncadd.s32 $0xFFFFF800  }
0x25: {  	[tilespmem:s16], [sflag:$0x2] =	stream.linear.gather [hbm4b:s15+s4], $0x800, $0x38;
	[tilespmem:$0x11200] =	vst v63  }
0x26: {  	v4 =	vld [tilespmem:s20+$0x0];
	_ =	sdelay $0x3  }
0x27: {  	v3 =	vld [tilespmem:s20+$0xFFFFFFF0];
	_ =	sdelay $0x3  }
0x28: {  	v0 =	vld.idx.msk [tilespmem:v4+s26+$0x0], $0xffff  }
0x29: {  	v1 =	vadd.s32 $0x20, v4;
	_ =	sdelay $0x1  }
0x2a: {  	s6 =	sand.u32 $0x3C00, s4;
	s5 =	sand.u32 $0x70, s20  }
0x2b: {  	s5 =	sor.u32 s6, s5;
	v2 =	vld.idx.msk [tilespmem:v3+s26+$0x0], $0xffff  }
0x2c: {  	v5 =	vadd.s32 $0x20, v3;
	[tilespmem:s5+$0x1000] =	vst v0  }
0x2d: {  	s7 =	simm.s32 $0x0;
	v0 =	vld.idx.msk [tilespmem:v1+s26+$0x0], $0xffff  }
0x2e: {  	s7 =	sand.u32 $0x60, s7;
	v1 =	vadd.s32 $0x40, v4  }
0x2f: {  	s15 =	sor.u32 s7, s6  }
0x30: {  	[tilespmem:s15+$0x1000] =	vst v2  }
0x31: {  	v2 =	vld.idx.msk [tilespmem:v5+s26+$0x0], $0xffff  }
0x32: {  	v5 =	vadd.s32 $0x40, v3;
	[tilespmem:s5+$0x1080] =	vst v0  }
0x33: {  	v0 =	vld.idx.msk [tilespmem:v1+s26+$0x0], $0xffff  }
0x34: {  	v1 =	vadd.s32 $0x60, v4;
	_ =	sdelay $0x1  }
0x35: {  	[tilespmem:s15+$0x1080] =	vst v2  }
0x36: {  	v6 =	vld.idx.msk [tilespmem:v5+s26+$0x0], $0xffff  }
0x37: {  	v7 =	vadd.s32 $0x60, v3;
	[tilespmem:s5+$0x1100] =	vst v0  }
0x38: {  	v1 =	vld.idx.msk [tilespmem:v1+s26+$0x0], $0xffff  }
0x39: {  	v2 =	vadd.s32 $0x80, v4  }
0x3a: {  	s21 =	simm.s32 $0x30  }
0x3b: {  	v0 =	vld [tilespmem:s21+$0x0];
	[tilespmem:s15+$0x1100] =	vst v6  }
0x3c: {  	v6 =	vld.idx.msk [tilespmem:v7+s26+$0x0], $0xffff  }
0x3d: {  	v7 =	vadd.s32 $0x80, v3;
	[tilespmem:s5+$0x1180] =	vst v1  }
0x3e: {  	v1 =	vld.idx.msk [tilespmem:v2+s26+$0x0], $0xffff  }
0x3f: {  	v5 =	vld [tilespmem:s21+$0xFFFFFFF0];
	v2 =	vadd.s32 $0xA0, v4;
	_ =	sdelay $0x1  }
0x40: {  	[tilespmem:s15+$0x1180] =	vst v6  }
0x41: {  	v7 =	vld.idx.msk [tilespmem:v7+s26+$0x0], $0xffff  }
0x42: {  	v11 =	vadd.s32 $0xA0, v3;
	v8 =	vld.idx.msk [tilespmem:v0+s26+$0x0], $0xffff;
	[tilespmem:s5+$0x1200] =	vst v1  }
0x43: {  	v1 =	vld.idx.msk [tilespmem:v2+s26+$0x0], $0xffff;
	v2 =	vadd.s32 $0x20, v0  }
0x44: {  	s22 =	simm.s32 $0x100  }
0x45: {  	s7 =	sand.u32 $0x3C00, s22;
	s6 =	sand.u32 $0x70, s21;
	v9 =	vadd.s32 $0xC0, v4  }
0x46: {  	s16 =	sor.u32 s7, s6;
	v10 =	vld.idx.msk [tilespmem:v5+s26+$0x0], $0xffff;
	[tilespmem:s15+$0x1200] =	vst v7  }
0x47: {  	v6 =	vadd.s32 $0x20, v5;
	[tilespmem:s16+$0x1000] =	vst v8;
	v7 =	vld.idx.msk [tilespmem:v11+s26+$0x0], $0xffff  }
0x48: {  	s8 =	simm.s32 $0x20;
	v11 =	vadd.s32 $0xC0, v3;
	v2 =	vld.idx.msk [tilespmem:v2+s26+$0x0], $0xffff  }
0x49: {  	s23 =	sand.u32 $0x60, s8;
	v8 =	vadd.s32 $0x40, v0;
	[tilespmem:s5+$0x1280] =	vst v1  }
0x4a: {  	s20 =	sor.u32 s23, s7;
	v1 =	vld.idx.msk [tilespmem:v9+s26+$0x0], $0xffff  }
0x4b: {  	[tilespmem:s20+$0x1000] =	vst v10;
	v9 =	vadd.s32 $0xE0, v4  }
0x4c: {  	v6 =	vld.idx.msk [tilespmem:v6+s26+$0x0], $0xffff;
	[tilespmem:s15+$0x1280] =	vst v7  }
0x4d: {  	v10 =	vadd.s32 $0x40, v5;
	v7 =	vld.idx.msk [tilespmem:v11+s26+$0x0], $0xffff;
	[tilespmem:s16+$0x1080] =	vst v2  }
0x4e: {  	v11 =	vadd.s32 $0xE0, v3;
	v2 =	vld.idx.msk [tilespmem:v8+s26+$0x0], $0xffff  }
0x4f: {  	[tilespmem:s5+$0x1300] =	vst v1;
	v8 =	vadd.s32 $0x60, v0  }
0x50: {  	v1 =	vld.idx.msk [tilespmem:v9+s26+$0x0], $0xffff  }
0x51: {  	[tilespmem:s20+$0x1080] =	vst v6;
	v6 =	vadd.s32 $0x100, v4  }
0x52: {  	[tilespmem:s15+$0x1300] =	vst v7;
	v9 =	vld.idx.msk [tilespmem:v10+s26+$0x0], $0xffff  }
0x53: {  	v10 =	vadd.s32 $0x60, v5;
	v11 =	vld.idx.msk [tilespmem:v11+s26+$0x0], $0xffff;
	[tilespmem:s16+$0x1100] =	vst v2  }
0x54: {  	s24 =	simm.s32 $0x50;
	v2 =	vld.idx.msk [tilespmem:v8+s26+$0x0], $0xffff  }
0x55: {  	v12 =	vadd.s32 $0x80, v0;
	[tilespmem:s5+$0x1380] =	vst v1;
	v1 =	vld [tilespmem:s24+$0x0]  }
0x56: {  	v13 =	vadd.s32 $0x100, v3;
	v6 =	vld.idx.msk [tilespmem:v6+s26+$0x0], $0xffff  }
0x57: {  	[tilespmem:s20+$0x1100] =	vst v9;
	v9 =	vadd.s32 $0x120, v4;
	v8 =	vld [tilespmem:s24+$0xFFFFFFF0]  }
0x58: {  	v10 =	vld.idx.msk [tilespmem:v10+s26+$0x0], $0xffff  }
0x59: {  	v7 =	vadd.s32 $0x80, v5;
	[tilespmem:s16+$0x1180] =	vst v2  }
0x5a: {  	[tilespmem:s15+$0x1380] =	vst v11;
	v2 =	vld.idx.msk [tilespmem:v12+s26+$0x0], $0xffff  }
0x5b: {  	[tilespmem:s5+$0x5000] =	vst v6;
	v12 =	vld.idx.msk [tilespmem:v13+s26+$0x0], $0xffff  }
0x5c: {  	v6 =	vld.idx.msk [tilespmem:v9+s26+$0x0], $0xffff;
	v9 =	vadd.s32 $0xA0, v0  }
0x5d: {  	[tilespmem:s20+$0x1180] =	vst v10;
	v13 =	vadd.s32 $0x120, v3  }
0x5e: {  	v10 =	vadd.s32 $0x140, v4;
	v7 =	vld.idx.msk [tilespmem:v7+s26+$0x0], $0xffff  }
0x5f: {  	v11 =	vadd.s32 $0xA0, v5;
	v15 =	vld.idx.msk [tilespmem:v8+s26+$0x0], $0xffff;
	[tilespmem:s16+$0x1200] =	vst v2  }
0x60: {  	s25 =	simm.s32 $0x200;
	v16 =	vadd.s32 $0x20, v8;
	v14 =	vld.idx.msk [tilespmem:v1+s26+$0x0], $0xffff;
	[tilespmem:s15+$0x5000] =	vst v12  }
0x61: {  	s28 =	simm.s32 $0x40;
	s7 =	sand.u32 $0x3C00, s25;
	s6 =	sand.u32 $0x70, s24;
	v2 =	vld.idx.msk [tilespmem:v9+s26+$0x0], $0xffff;
	[tilespmem:s5+$0x5080] =	vst v6;
	v6 =	vadd.s32 $0x20, v1  }
0x62: {  	s21 =	sor.u32 s7, s6;
	s6 =	sand.u32 $0x60, s28;
	v13 =	vld.idx.msk [tilespmem:v13+s26+$0x0], $0xffff  }
0x63: {  	s6 =	sor.u32 s6, s7;
	[tilespmem:s20+$0x1200] =	vst v7;
	v9 =	vld.idx.msk [tilespmem:v10+s26+$0x0], $0xffff;
	v10 =	vadd.s32 $0xC0, v0  }
0x64: {  	v7 =	vadd.s32 $0x160, v4;
	v11 =	vld.idx.msk [tilespmem:v11+s26+$0x0], $0xffff;
	[tilespmem:s6+$0x1000] =	vst v15  }
0x65: {  	v12 =	vadd.s32 $0xC0, v5;
	[tilespmem:s21+$0x1000] =	vst v14;
	v15 =	vld.idx.msk [tilespmem:v16+s26+$0x0], $0xffff  }
0x66: {  	s22 =	simm.s32 $0x70;
	v14 =	vadd.s32 $0x140, v3;
	v6 =	vld.idx.msk [tilespmem:v6+s26+$0x0], $0xffff;
	[tilespmem:s16+$0x1280] =	vst v2  }
0x67: {  	v27 =	vld [tilespmem:s22+$0xFFFFFFF0];
	v16 =	vadd.s32 $0x40, v8;
	[tilespmem:s15+$0x5080] =	vst v13  }
0x68: {  	v2 =	vld.idx.msk [tilespmem:v10+s26+$0x0], $0xffff;
	[tilespmem:s5+$0x5100] =	vst v9;
	v9 =	vadd.s32 $0x40, v1  }
0x69: {  	v10 =	vadd.s32 $0xE0, v0;
	[tilespmem:s20+$0x1280] =	vst v11;
	v7 =	vld.idx.msk [tilespmem:v7+s26+$0x0], $0xffff  }
0x6a: {  	v11 =	vadd.s32 $0x180, v4;
	v12 =	vld.idx.msk [tilespmem:v12+s26+$0x0], $0xffff;
	[tilespmem:s6+$0x1080] =	vst v15  }
0x6b: {  	v13 =	vadd.s32 $0xE0, v5;
	[tilespmem:s21+$0x1080] =	vst v6;
	v6 =	vld.idx.msk [tilespmem:v14+s26+$0x0], $0xffff  }
0x6c: {  	v15 =	vld.idx.msk [tilespmem:v16+s26+$0x0], $0xffff;
	v14 =	vadd.s32 $0x160, v3  }
0x6d: {  	v16 =	vadd.s32 $0x60, v8;
	v9 =	vld.idx.msk [tilespmem:v9+s26+$0x0], $0xffff;
	[tilespmem:s16+$0x1300] =	vst v2  }
0x6e: {  	v2 =	vld.idx.msk [tilespmem:v10+s26+$0x0], $0xffff;
	[tilespmem:s5+$0x5180] =	vst v7;
	v7 =	vadd.s32 $0x60, v1  }
0x6f: {  	[tilespmem:s20+$0x1300] =	vst v12;
	v10 =	vld.idx.msk [tilespmem:v11+s26+$0x0], $0xffff  }
0x70: {  	v11 =	vadd.s32 $0x100, v0;
	v13 =	vld.idx.msk [tilespmem:v13+s26+$0x0], $0xffff;
	[tilespmem:s15+$0x5100] =	vst v6  }
0x71: {  	v12 =	vadd.s32 $0x1A0, v4;
	[tilespmem:s6+$0x1100] =	vst v15;
	v6 =	vld.idx.msk [tilespmem:v14+s26+$0x0], $0xffff  }
0x72: {  	[tilespmem:s21+$0x1100] =	vst v9;
	v14 =	vld.idx.msk [tilespmem:v16+s26+$0x0], $0xffff  }
0x73: {  	v16 =	vadd.s32 $0x100, v5;
	v7 =	vld.idx.msk [tilespmem:v7+s26+$0x0], $0xffff  }
0x74: {  	v17 =	vadd.s32 $0x80, v8;
	[tilespmem:s16+$0x1380] =	vst v2;
	v2 =	vld [tilespmem:s22+$0x0]  }
0x75: {  	v9 =	vld.idx.msk [tilespmem:v11+s26+$0x0], $0xffff;
	[tilespmem:s5+$0x5200] =	vst v10;
	v10 =	vadd.s32 $0x80, v1  }
0x76: {  	[tilespmem:s20+$0x1380] =	vst v13;
	v11 =	vld.idx.msk [tilespmem:v12+s26+$0x0], $0xffff;
	v12 =	vadd.s32 $0x120, v0  }
0x77: {  	v15 =	vadd.s32 $0x1C0, v4;
	[tilespmem:s6+$0x1180] =	vst v14  }
0x78: {  	v13 =	vld.idx.msk [tilespmem:v16+s26+$0x0], $0xffff;
	[tilespmem:s15+$0x5180] =	vst v6  }
0x79: {  	[tilespmem:s21+$0x1180] =	vst v7;
	v6 =	vld.idx.msk [tilespmem:v17+s26+$0x0], $0xffff  }
0x7a: {  	v7 =	vadd.s32 $0x180, v3;
	v10 =	vld.idx.msk [tilespmem:v10+s26+$0x0], $0xffff;
	[tilespmem:s16+$0x5000] =	vst v9  }
0x7b: {  	v9 =	vld.idx.msk [tilespmem:v12+s26+$0x0], $0xffff;
	[tilespmem:s5+$0x5280] =	vst v11;
	v11 =	vadd.s32 $0xA0, v1  }
0x7c: {  	v14 =	vadd.s32 $0x140, v0;
	v12 =	vld.idx.msk [tilespmem:v15+s26+$0x0], $0xffff  }
0x7d: {  	v15 =	vadd.s32 $0xA0, v8;
	v16 =	vld.idx.msk [tilespmem:v2+s26+$0x0], $0xffff  }
0x7e: {  	v4 =	vadd.s32 $0x1E0, v4;
	[tilespmem:s20+$0x5000] =	vst v13;
	v13 =	vld.idx.msk [tilespmem:v27+s26+$0x0], $0xffff  }
0x7f: {  	v7 =	vld.idx.msk [tilespmem:v7+s26+$0x0], $0xffff;
	[tilespmem:s21+$0x1200] =	vst v10;
	v10 =	vadd.s32 $0x120, v5  }
0x80: {  	s14 =	simm.s32 $0x300;
	v17 =	vadd.s32 $0x1A0, v3;
	v11 =	vld.idx.msk [tilespmem:v11+s26+$0x0], $0xffff;
	[tilespmem:s16+$0x5080] =	vst v9  }
0x81: {  	s30 =	sand.u32 $0x3C00, s14;
	s31 =	sand.u32 $0x70, s22;
	[tilespmem:s6+$0x1200] =	vst v6;
	v9 =	vadd.s32 $0x20, v2;
	v14 =	vld.idx.msk [tilespmem:v14+s26+$0x0], $0xffff  }
0x82: {  	s23 =	simm.s32 $0x60;
	s7 =	sor.u32 s30, s31;
	[tilespmem:s5+$0x5300] =	vst v12;
	v12 =	vadd.s32 $0xC0, v1;
	v15 =	vld.idx.msk [tilespmem:v15+s26+$0x0], $0xffff  }
0x83: {  	s23 =	sand.u32 $0x60, s23;
	v6 =	vadd.s32 $0x160, v0;
	[tilespmem:s7+$0x1000] =	vst v16;
	v4 =	vld.idx.msk [tilespmem:v4+s26+$0x0], $0xffff  }
0x84: {  	s23 =	sor.u32 s23, s30;
	v16 =	vadd.s32 $0xC0, v8;
	[tilespmem:s15+$0x5200] =	vst v7;
	v10 =	vld.idx.msk [tilespmem:v10+s26+$0x0], $0xffff  }
0x85: {  	[tilespmem:s23+$0x1000] =	vst v13;
	v7 =	vadd.s32 $0x20, v27;
	v13 =	vld.idx.msk [tilespmem:v17+s26+$0x0], $0xffff  }
0x86: {  	v9 =	vld.idx.msk [tilespmem:v9+s26+$0x0], $0xffff;
	[tilespmem:s21+$0x1280] =	vst v11;
	v11 =	vadd.s32 $0x140, v5  }
0x87: {  	v17 =	vadd.s32 $0x1C0, v3;
	v12 =	vld.idx.msk [tilespmem:v12+s26+$0x0], $0xffff;
	[tilespmem:s16+$0x5100] =	vst v14  }
0x88: {  	v14 =	vadd.s32 $0x40, v2;
	[tilespmem:s6+$0x1280] =	vst v15;
	v6 =	vld.idx.msk [tilespmem:v6+s26+$0x0], $0xffff  }
0x89: {  	[tilespmem:s5+$0x5380] =	vst v4;
	v4 =	vadd.s32 $0xE0, v1;
	v16 =	vld.idx.msk [tilespmem:v16+s26+$0x0], $0xffff  }
0x8a: {  	v15 =	vadd.s32 $0x180, v0;
	v7 =	vld.idx.msk [tilespmem:v7+s26+$0x0], $0xffff;
	[tilespmem:s20+$0x5080] =	vst v10  }
0x8b: {  	v18 =	vadd.s32 $0xE0, v8;
	[tilespmem:s15+$0x5280] =	vst v13;
	v11 =	vld.idx.msk [tilespmem:v11+s26+$0x0], $0xffff  }
0x8c: {  	v10 =	vadd.s32 $0x40, v27;
	[tilespmem:s7+$0x1080] =	vst v9;
	v32 =	vld.idx.msk [tilespmem:v17+s26+$0x0], $0xffff  }
0x8d: {  	v28 =	vadd.s32 $0x1E0, v3;
	v37 =	vadd.s32 $0x60, v27;
	v20 =	vld.idx.msk [tilespmem:v14+s26+$0x0], $0xffff;
	[tilespmem:s21+$0x1300] =	vst v12;
	v12 =	vadd.s32 $0x160, v5  }
0x8e: {  	v26 =	vadd.s32 $0x80, v27;
	v24 =	vadd.s32 $0xA0, v27;
	v22 =	vadd.s32 $0x60, v2;
	v21 =	vld.idx.msk [tilespmem:v4+s26+$0x0], $0xffff;
	[tilespmem:s16+$0x5180] =	vst v6  }
0x8f: {  	v23 =	vadd.s32 $0xC0, v27;
	v25 =	vadd.s32 $0x100, v27;
	v31 =	vadd.s32 $0x100, v1;
	[tilespmem:s6+$0x1300] =	vst v16;
	v30 =	vld.idx.msk [tilespmem:v15+s26+$0x0], $0xffff  }
0x90: {  	v35 =	vadd.s32 $0x1A0, v0;
	v19 =	vadd.s32 $0x100, v8;
	v3 =	vadd.s32 $0x1E0, v5;
	[tilespmem:s23+$0x1080] =	vst v7;
	v36 =	vld.idx.msk [tilespmem:v18+s26+$0x0], $0xffff  }
0x91: {  	v13 =	vadd.s32 $0x180, v8;
	v9 =	vadd.s32 $0x180, v5;
	v17 =	vadd.s32 $0x120, v8;
	v34 =	vld.idx.msk [tilespmem:v10+s26+$0x0], $0xffff;
	[tilespmem:s20+$0x5100] =	vst v11  }
0x92: {  	v14 =	vadd.s32 $0x160, v8;
	v6 =	vadd.s32 $0x1A0, v5;
	v4 =	vadd.s32 $0x1C0, v5;
	[tilespmem:s7+$0x1100] =	vst v20;
	v29 =	vld.idx.msk [tilespmem:v12+s26+$0x0], $0xffff  }
0x93: {  	v5 =	vadd.s32 $0x1E0, v8;
	v16 =	vadd.s32 $0x180, v27;
	v15 =	vadd.s32 $0x140, v8;
	v33 =	vld.idx.msk [tilespmem:v22+s26+$0x0], $0xffff;
	[tilespmem:s21+$0x1380] =	vst v21  }
0x94: {  	v7 =	vadd.s32 $0x1C0, v8;
	v18 =	vadd.s32 $0x160, v27;
	v10 =	vadd.s32 $0x1A0, v8;
	v31 =	vld.idx.msk [tilespmem:v31+s26+$0x0], $0xffff;
	[tilespmem:s16+$0x5200] =	vst v30  }
0x95: {  	v8 =	vadd.s32 $0x1E0, v27;
	[tilespmem:s15+$0x5300] =	vst v32;
	v11 =	vadd.s32 $0x1C0, v27;
	v30 =	vld.idx.msk [tilespmem:v35+s26+$0x0], $0xffff;
	v35 =	vadd.s32 $0x80, v2  }
0x96: {  	v32 =	vadd.s32 $0x120, v1;
	v20 =	vadd.s32 $0x140, v27;
	v12 =	vadd.s32 $0x1A0, v27;
	v28 =	vld.idx.msk [tilespmem:v28+s26+$0x0], $0xffff;
	[tilespmem:s23+$0x1100] =	vst v34  }
0x97: {  	s24 =	simm.s32 $0x90;
	s5 =	simm.s32 $0x6;
	v22 =	vadd.s32 $0xE0, v27;
	v21 =	vadd.s32 $0x120, v27;
	v27 =	vadd.s32 $0x1C0, v0;
	[tilespmem:s6+$0x1380] =	vst v36;
	v34 =	vld.idx.msk [tilespmem:v37+s26+$0x0], $0xffff  }
.LBB2_2:
0x98: {  	v36 =	vld [tilespmem:s24+$0x0];
	s5 =	sadd.s32 $0x2, s5;
	[tilespmem:s20+$0x5180] =	vst v29  }
0x99: {  	v29 =	vld [tilespmem:s24+$0xFFFFFFF0];
	p0 =	slt.u32 s5, $0x7E;
	[tilespmem:s7+$0x1180] =	vst v33  }
0x9a: {  	v33 =	vld.idx.msk [tilespmem:v35+s26+$0x0], $0xffff;
	[tilespmem:s21+$0x5000] =	vst v31  }
0x9b: {  	v31 =	vld.idx.msk [tilespmem:v32+s26+$0x0], $0xffff;
	[tilespmem:s16+$0x5280] =	vst v30  }
0x9c: {  	v30 =	vadd.s32 $0xA0, v2;
	v32 =	vld.idx.msk [tilespmem:v27+s26+$0x0], $0xffff;
	[tilespmem:s15+$0x5380] =	vst v28;
	s15 =	smov.u32 s20;
	s20 =	smov.u32 s6;
	s6 =	smov.u32 s23  }
0x9d: {  	[tilespmem:s6+$0x1180] =	vst v34;
	v28 =	vld.idx.msk [tilespmem:v19+s26+$0x0], $0xffff;
	v34 =	vadd.s32 $0x140, v1;
	v19 =	vmov v25  }
0x9e: {  	v39 =	vadd.s32 $0x1E0, v0;
	v0 =	vmovc v1;
	v1 =	vmovc v2;
	v35 =	vadd.s32 $0x20, v29;
	v37 =	vadd.s32 $0x40, v29;
	v38 =	vld.idx.msk [tilespmem:v26+s26+$0x0], $0xffff  }
0x9f: {  	v2 =	vmovc v36;
	v27 =	vadd.s32 $0x60, v29;
	v26 =	vadd.s32 $0x80, v29;
	v40 =	vadd.s32 $0xA0, v29;
	v41 =	vld.idx.msk [tilespmem:v9+s26+$0x0], $0xffff;
	v9 =	vmovc v13  }
0xa0: {  	v42 =	vadd.s32 $0xC0, v29;
	v43 =	vadd.s32 $0xE0, v29;
	v25 =	vadd.s32 $0x100, v29;
	v13 =	vmovc v16;
	v36 =	vld.idx.msk [tilespmem:v36+s26+$0x0], $0xffff;
	[tilespmem:s7+$0x1200] =	vst v33  }
0xa1: {  	v44 =	vadd.s32 $0x140, v29;
	v45 =	vadd.s32 $0x160, v29;
	v33 =	vadd.s32 $0x120, v29;
	v30 =	vld.idx.msk [tilespmem:v30+s26+$0x0], $0xffff;
	[tilespmem:s21+$0x5080] =	vst v31  }
0xa2: {  	v46 =	vadd.s32 $0x20, v2;
	v16 =	vadd.s32 $0x180, v29;
	v31 =	vadd.s32 $0x1A0, v29;
	v34 =	vld.idx.msk [tilespmem:v34+s26+$0x0], $0xffff;
	[tilespmem:s16+$0x5300] =	vst v32  }
0xa3: {  	s22 =	sadd.s32 $0x20, s22;
	s14 =	sadd.s32 $0x100, s14;
	v47 =	vadd.s32 $0x1E0, v29;
	v48 =	vadd.s32 $0xC0, v1;
	v32 =	vadd.s32 $0x1C0, v29;
	[tilespmem:s20+$0x5000] =	vst v28;
	v28 =	vld.idx.msk [tilespmem:v39+s26+$0x0], $0xffff  }
0xa4: {  	s8 =	sand.u32 $0x3C00, s14;
	s25 =	sand.u32 $0x70, s22;
	s23 =	sadd.s32 $0xFFFFFFF0, s22;
	v29 =	vld.idx.msk [tilespmem:v29+s26+$0x0], $0xffff;
	[tilespmem:s6+$0x1200] =	vst v38;
	v38 =	vadd.s32 $0x160, v0  }
0xa5: {  	s25 =	sor.u32 s8, s25;
	s23 =	sand.u32 $0x60, s23;
	v39 =	vld.idx.msk [tilespmem:v24+s26+$0x0], $0xffff;
	[tilespmem:s15+$0x5200] =	vst v41;
	v24 =	vmov v40  }
0xa6: {  	s23 =	sor.u32 s23, s8;
	[tilespmem:s25+$0x1000] =	vst v36;
	v36 =	vld.idx.msk [tilespmem:v17+s26+$0x0], $0xffff;
	v17 =	vmov v21;
	v21 =	vmov v33  }
0xa7: {  	v33 =	vld.idx.msk [tilespmem:v46+s26+$0x0], $0xffff;
	[tilespmem:s7+$0x1280] =	vst v30  }
0xa8: {  	v30 =	vld.idx.msk [tilespmem:v48+s26+$0x0], $0xffff;
	[tilespmem:s21+$0x5100] =	vst v34  }
0xa9: {  	v34 =	vadd.s32 $0x40, v2;
	v38 =	vld.idx.msk [tilespmem:v38+s26+$0x0], $0xffff;
	[tilespmem:s16+$0x5380] =	vst v28;
	s16 =	smov.u32 s21;
	s21 =	smov.u32 s7;
	s7 =	smov.u32 s25  }
0xaa: {  	v28 =	vadd.s32 $0xE0, v1;
	[tilespmem:s23+$0x1000] =	vst v29;
	v29 =	vld.idx.msk [tilespmem:v6+s26+$0x0], $0xffff;
	v6 =	vmovc v10;
	v10 =	vmov v12;
	v12 =	vmov v31  }
0xab: {  	v31 =	vld.idx.msk [tilespmem:v35+s26+$0x0], $0xffff;
	[tilespmem:s6+$0x1280] =	vst v39;
	v35 =	vadd.s32 $0x180, v0  }
0xac: {  	v39 =	vld.idx.msk [tilespmem:v23+s26+$0x0], $0xffff;
	[tilespmem:s20+$0x5080] =	vst v36;
	v23 =	vmov v42  }
0xad: {  	[tilespmem:s7+$0x1080] =	vst v33;
	v33 =	vld.idx.msk [tilespmem:v15+s26+$0x0], $0xffff;
	v15 =	vmov v20;
	v20 =	vmov v44  }
0xae: {  	v34 =	vld.idx.msk [tilespmem:v34+s26+$0x0], $0xffff;
	[tilespmem:s21+$0x1300] =	vst v30  }
0xaf: {  	v28 =	vld.idx.msk [tilespmem:v28+s26+$0x0], $0xffff;
	[tilespmem:s16+$0x5180] =	vst v38  }
0xb0: {  	v30 =	vadd.s32 $0x60, v2;
	v35 =	vld.idx.msk [tilespmem:v35+s26+$0x0], $0xffff;
	[tilespmem:s15+$0x5280] =	vst v29  }
0xb1: {  	[tilespmem:s23+$0x1080] =	vst v31;
	v31 =	vadd.s32 $0x100, v1;
	v36 =	vld.idx.msk [tilespmem:v4+s26+$0x0], $0xffff;
	v4 =	vmovc v7;
	v7 =	vmov v11;
	v11 =	vmov v32  }
0xb2: {  	v32 =	vld.idx.msk [tilespmem:v37+s26+$0x0], $0xffff;
	[tilespmem:s6+$0x1300] =	vst v39;
	v37 =	vadd.s32 $0x1A0, v0  }
0xb3: {  	v38 =	vld.idx.msk [tilespmem:v22+s26+$0x0], $0xffff;
	[tilespmem:s20+$0x5100] =	vst v33;
	v22 =	vmov v43  }
0xb4: {  	[tilespmem:s7+$0x1100] =	vst v34;
	v29 =	vld.idx.msk [tilespmem:v14+s26+$0x0], $0xffff;
	v14 =	vmov v18;
	v18 =	vmov v45  }
.Ltmp0:
0xb5: {  	v33 =	vld.idx.msk [tilespmem:v30+s26+$0x0], $0xffff;
	[tilespmem:s21+$0x1380] =	vst v28;
	(pc) =	sbr.rel @p0 .LBB2_2-.Ltmp0, $4  }
0xb6: {  	v31 =	vld.idx.msk [tilespmem:v31+s26+$0x0], $0xffff;
	[tilespmem:s16+$0x5200] =	vst v35  }
0xb7: {  	v35 =	vadd.s32 $0x80, v2;
	v30 =	vld.idx.msk [tilespmem:v37+s26+$0x0], $0xffff;
	[tilespmem:s15+$0x5300] =	vst v36  }
0xb8: {  	[tilespmem:s23+$0x1100] =	vst v32;
	v32 =	vadd.s32 $0x120, v1;
	v28 =	vld.idx.msk [tilespmem:v3+s26+$0x0], $0xffff;
	v3 =	vmovc v5;
	v5 =	vmov v8;
	v8 =	vmov v47  }
0xb9: {  	s24 =	sadd.s32 $0x20, s24;
	v34 =	vld.idx.msk [tilespmem:v27+s26+$0x0], $0xffff;
	[tilespmem:s6+$0x1380] =	vst v38;
	v27 =	vadd.s32 $0x1C0, v0  }
0xba: {  	_ =	sdelay $0x2  }
0xbb: {  	[tilespmem:s7+$0x1180] =	vst v33  }
0xbc: {  	v33 =	vld.idx.msk [tilespmem:v35+s26+$0x0], $0xffff;
	[tilespmem:s23+$0x1180] =	vst v34  }
0xbd: {  	v60 =	vadd.s32 $0xA0, v2;
	v26 =	vld.idx.msk [tilespmem:v26+s26+$0x0], $0xffff;
	_ =	sdelay $0x3  }
0xbe: {  	[tilespmem:s7+$0x1200] =	vst v33  }
0xbf: {  	v33 =	vld.idx.msk [tilespmem:v60+s26+$0x0], $0xffff;
	[tilespmem:s23+$0x1200] =	vst v26  }
0xc0: {  	v26 =	vadd.s32 $0xC0, v2;
	v24 =	vld.idx.msk [tilespmem:v24+s26+$0x0], $0xffff;
	_ =	sdelay $0x3  }
0xc1: {  	[tilespmem:s7+$0x1280] =	vst v33  }
0xc2: {  	v26 =	vld.idx.msk [tilespmem:v26+s26+$0x0], $0xffff;
	[tilespmem:s23+$0x1280] =	vst v24  }
0xc3: {  	v24 =	vadd.s32 $0xE0, v2;
	v23 =	vld.idx.msk [tilespmem:v23+s26+$0x0], $0xffff;
	_ =	sdelay $0x3  }
0xc4: {  	[tilespmem:s7+$0x1300] =	vst v26  }
0xc5: {  	v24 =	vld.idx.msk [tilespmem:v24+s26+$0x0], $0xffff;
	[tilespmem:s23+$0x1300] =	vst v23  }
0xc6: {  	v23 =	vadd.s32 $0x100, v2;
	v22 =	vld.idx.msk [tilespmem:v22+s26+$0x0], $0xffff;
	_ =	sdelay $0x2  }
0xc7: {  	v19 =	vld.idx.msk [tilespmem:v19+s26+$0x0], $0xffff  }
0xc8: {  	[tilespmem:s7+$0x1380] =	vst v24  }
0xc9: {  	v23 =	vld.idx.msk [tilespmem:v23+s26+$0x0], $0xffff;
	[tilespmem:s23+$0x1380] =	vst v22  }
0xca: {  	v22 =	vadd.s32 $0x120, v2;
	v24 =	vld.idx.msk [tilespmem:v25+s26+$0x0], $0xffff;
	_ =	sdelay $0x1  }
0xcb: {  	[tilespmem:s6+$0x5000] =	vst v19  }
0xcc: {  	[tilespmem:s21+$0x5000] =	vst v31;
	v17 =	vld.idx.msk [tilespmem:v17+s26+$0x0], $0xffff  }
0xcd: {  	v25 =	vld.idx.msk [tilespmem:v32+s26+$0x0], $0xffff;
	[tilespmem:s7+$0x5000] =	vst v23  }
0xce: {  	v19 =	vadd.s32 $0x140, v1;
	v22 =	vld.idx.msk [tilespmem:v22+s26+$0x0], $0xffff;
	[tilespmem:s23+$0x5000] =	vst v24  }
0xcf: {  	v23 =	vadd.s32 $0x140, v2;
	v21 =	vld.idx.msk [tilespmem:v21+s26+$0x0], $0xffff;
	_ =	sdelay $0x1  }
0xd0: {  	[tilespmem:s6+$0x5080] =	vst v17  }
0xd1: {  	v15 =	vld.idx.msk [tilespmem:v15+s26+$0x0], $0xffff;
	[tilespmem:s21+$0x5080] =	vst v25  }
0xd2: {  	v19 =	vld.idx.msk [tilespmem:v19+s26+$0x0], $0xffff;
	[tilespmem:s7+$0x5080] =	vst v22  }
0xd3: {  	v17 =	vadd.s32 $0x160, v1;
	v22 =	vld.idx.msk [tilespmem:v23+s26+$0x0], $0xffff;
	[tilespmem:s23+$0x5080] =	vst v21  }
0xd4: {  	v21 =	vadd.s32 $0x160, v2;
	v20 =	vld.idx.msk [tilespmem:v20+s26+$0x0], $0xffff;
	_ =	sdelay $0x1  }
0xd5: {  	[tilespmem:s6+$0x5100] =	vst v15  }
0xd6: {  	v14 =	vld.idx.msk [tilespmem:v14+s26+$0x0], $0xffff;
	[tilespmem:s21+$0x5100] =	vst v19  }
0xd7: {  	v17 =	vld.idx.msk [tilespmem:v17+s26+$0x0], $0xffff;
	[tilespmem:s7+$0x5100] =	vst v22  }
0xd8: {  	v15 =	vadd.s32 $0x180, v1;
	v19 =	vld.idx.msk [tilespmem:v21+s26+$0x0], $0xffff;
	[tilespmem:s23+$0x5100] =	vst v20  }
0xd9: {  	v20 =	vadd.s32 $0x180, v2;
	v18 =	vld.idx.msk [tilespmem:v18+s26+$0x0], $0xffff  }
0xda: {  	[tilespmem:s20+$0x5180] =	vst v29  }
0xdb: {  	v9 =	vld.idx.msk [tilespmem:v9+s26+$0x0], $0xffff;
	[tilespmem:s6+$0x5180] =	vst v14  }
0xdc: {  	v13 =	vld.idx.msk [tilespmem:v13+s26+$0x0], $0xffff;
	[tilespmem:s21+$0x5180] =	vst v17  }
0xdd: {  	v15 =	vld.idx.msk [tilespmem:v15+s26+$0x0], $0xffff;
	[tilespmem:s7+$0x5180] =	vst v19  }
0xde: {  	v14 =	vadd.s32 $0x1A0, v1;
	v17 =	vld.idx.msk [tilespmem:v20+s26+$0x0], $0xffff;
	[tilespmem:s23+$0x5180] =	vst v18  }
0xdf: {  	[tilespmem:s16+$0x5280] =	vst v30;
	v18 =	vadd.s32 $0x1A0, v2;
	v16 =	vld.idx.msk [tilespmem:v16+s26+$0x0], $0xffff  }
0xe0: {  	[tilespmem:s20+$0x5200] =	vst v9  }
0xe1: {  	v6 =	vld.idx.msk [tilespmem:v6+s26+$0x0], $0xffff;
	[tilespmem:s6+$0x5200] =	vst v13  }
0xe2: {  	v10 =	vld.idx.msk [tilespmem:v10+s26+$0x0], $0xffff;
	[tilespmem:s21+$0x5200] =	vst v15  }
0xe3: {  	v9 =	vld.idx.msk [tilespmem:v14+s26+$0x0], $0xffff;
	[tilespmem:s7+$0x5200] =	vst v17  }
0xe4: {  	v13 =	vadd.s32 $0x1C0, v1;
	v14 =	vld.idx.msk [tilespmem:v18+s26+$0x0], $0xffff;
	[tilespmem:s23+$0x5200] =	vst v16  }
0xe5: {  	[tilespmem:s15+$0x5380] =	vst v28;
	v15 =	vadd.s32 $0x1C0, v2;
	v12 =	vld.idx.msk [tilespmem:v12+s26+$0x0], $0xffff  }
0xe6: {  	[tilespmem:s20+$0x5280] =	vst v6;
	v16 =	vld.idx.msk [tilespmem:v27+s26+$0x0], $0xffff  }
0xe7: {  	v0 =	vadd.s32 $0x1E0, v0;
	v4 =	vld.idx.msk [tilespmem:v4+s26+$0x0], $0xffff;
	[tilespmem:s6+$0x5280] =	vst v10  }
0xe8: {  	v7 =	vld.idx.msk [tilespmem:v7+s26+$0x0], $0xffff;
	[tilespmem:s21+$0x5280] =	vst v9  }
0xe9: {  	v6 =	vld.idx.msk [tilespmem:v13+s26+$0x0], $0xffff;
	[tilespmem:s7+$0x5280] =	vst v14  }
0xea: {  	v1 =	vadd.s32 $0x1E0, v1;
	v9 =	vld.idx.msk [tilespmem:v15+s26+$0x0], $0xffff;
	[tilespmem:s23+$0x5280] =	vst v12  }
0xeb: {  	v2 =	vadd.s32 $0x1E0, v2;
	[tilespmem:s16+$0x5300] =	vst v16;
	v10 =	vld.idx.msk [tilespmem:v11+s26+$0x0], $0xffff  }
0xec: {  	[tilespmem:s20+$0x5300] =	vst v4;
	v0 =	vld.idx.msk [tilespmem:v0+s26+$0x0], $0xffff  }
0xed: {  	v3 =	vld.idx.msk [tilespmem:v3+s26+$0x0], $0xffff;
	[tilespmem:s6+$0x5300] =	vst v7  }
0xee: {  	v4 =	vld.idx.msk [tilespmem:v5+s26+$0x0], $0xffff;
	[tilespmem:s21+$0x5300] =	vst v6  }
0xef: {  	v1 =	vld.idx.msk [tilespmem:v1+s26+$0x0], $0xffff;
	[tilespmem:s7+$0x5300] =	vst v9  }
0xf0: {  	v2 =	vld.idx.msk [tilespmem:v2+s26+$0x0], $0xffff;
	[tilespmem:s23+$0x5300] =	vst v10  }
0xf1: {  	[tilespmem:s16+$0x5380] =	vst v0;
	v0 =	vld.idx.msk [tilespmem:v8+s26+$0x0], $0xffff  }
0xf2: {  	[tilespmem:s20+$0x5380] =	vst v3  }
0xf3: {  	[tilespmem:s6+$0x5380] =	vst v4  }
0xf4: {  	[tilespmem:s21+$0x5380] =	vst v1  }
0xf5: {  	[tilespmem:s7+$0x5380] =	vst v2  }
0xf6: {  	[tilespmem:s23+$0x5380] =	vst v0  }
0xf7: {  	s5 =	simm.s32 $0x0;
	s16 =	simm.s32 $0x1000;
	s2 =	rddreg [dreg:$0x6]  }
0xf8: {  	[hbm4b:s2+s5] =	stream.linear.scatter [tilespmem:s16], [sflag:$0x3], $0x4000, $0x38;
	[tilespmem:$0x11200] =	vst v63  }
0xf9: {  	s21 =	simm.s32 $0x5000;
	s20 =	rddreg [dreg:$0x8]  }
0xfa: {  	[hbm4b:s20+s5] =	stream.linear.scatter [tilespmem:s21], [sflag:$0x4], $0x4000, $0x38;
	[tilespmem:$0x11200] =	vst v63  }
0xfb: {  	_ =	swait.ge [sflag:s0], $0x800  }
0xfc: {  	[sflag:s0] =	ssyncset.done $0x0  }
0xfd: {  	s23 =	simm.s32 $0x810;
	s22 =	rddreg [dreg:$0x9];
	[sflag:s0] =	ssyncadd.s32 $0xFFFFF800  }
0xfe: {  	[tilespmem:s5], [sflag:$0x1] =	stream.linear.gather [hbm4b:s22+s5], $0x800, $0x38;
	[tilespmem:$0x11200] =	vst v63  }
0xff: {  	v4 =	vld [tilespmem:s23+$0x0];
	_ =	sdelay $0x3  }
0x100: {  	v3 =	vld [tilespmem:s23+$0xFFFFFFF0];
	_ =	sdelay $0x3  }
0x101: {  	v0 =	vld.idx.msk [tilespmem:v4+s26+$0x0], $0xffff  }
0x102: {  	v1 =	vadd.s32 $0x20, v4  }
0x103: {  	s24 =	simm.s32 $0x10  }
0x104: {  	s6 =	sand.u32 $0x70, s24;
	s5 =	sand.u32 $0x3C00, s5  }
0x105: {  	s24 =	sor.u32 s5, s6;
	v2 =	vld.idx.msk [tilespmem:v3+s26+$0x0], $0xffff  }
0x106: {  	v5 =	vadd.s32 $0x20, v3;
	[tilespmem:s24+$0x9000] =	vst v0  }
0x107: {  	s25 =	simm.s32 $0x0;
	v0 =	vld.idx.msk [tilespmem:v1+s26+$0x0], $0xffff  }
0x108: {  	s6 =	sand.u32 $0x60, s25;
	v1 =	vadd.s32 $0x40, v4  }
0x109: {  	s15 =	sor.u32 s6, s5  }
0x10a: {  	[tilespmem:s15+$0x9000] =	vst v2  }
0x10b: {  	v2 =	vld.idx.msk [tilespmem:v5+s26+$0x0], $0xffff  }
0x10c: {  	v5 =	vadd.s32 $0x40, v3;
	[tilespmem:s24+$0x9080] =	vst v0  }
0x10d: {  	v0 =	vld.idx.msk [tilespmem:v1+s26+$0x0], $0xffff  }
0x10e: {  	v1 =	vadd.s32 $0x60, v4;
	_ =	sdelay $0x1  }
0x10f: {  	[tilespmem:s15+$0x9080] =	vst v2  }
0x110: {  	v6 =	vld.idx.msk [tilespmem:v5+s26+$0x0], $0xffff  }
0x111: {  	v7 =	vadd.s32 $0x60, v3;
	[tilespmem:s24+$0x9100] =	vst v0  }
0x112: {  	v1 =	vld.idx.msk [tilespmem:v1+s26+$0x0], $0xffff  }
0x113: {  	v2 =	vadd.s32 $0x80, v4  }
0x114: {  	s28 =	simm.s32 $0x830  }
0x115: {  	v0 =	vld [tilespmem:s28+$0x0];
	[tilespmem:s15+$0x9100] =	vst v6  }
0x116: {  	v6 =	vld.idx.msk [tilespmem:v7+s26+$0x0], $0xffff  }
0x117: {  	v7 =	vadd.s32 $0x80, v3;
	[tilespmem:s24+$0x9180] =	vst v1  }
0x118: {  	v1 =	vld.idx.msk [tilespmem:v2+s26+$0x0], $0xffff  }
0x119: {  	v5 =	vld [tilespmem:s28+$0xFFFFFFF0];
	v2 =	vadd.s32 $0xA0, v4;
	_ =	sdelay $0x1  }
0x11a: {  	[tilespmem:s15+$0x9180] =	vst v6  }
0x11b: {  	v7 =	vld.idx.msk [tilespmem:v7+s26+$0x0], $0xffff  }
0x11c: {  	v11 =	vadd.s32 $0xA0, v3;
	v8 =	vld.idx.msk [tilespmem:v0+s26+$0x0], $0xffff;
	[tilespmem:s24+$0x9200] =	vst v1  }
0x11d: {  	v1 =	vld.idx.msk [tilespmem:v2+s26+$0x0], $0xffff;
	v2 =	vadd.s32 $0x20, v0  }
0x11e: {  	s30 =	simm.s32 $0x30;
	s31 =	simm.s32 $0x100  }
0x11f: {  	s6 =	sand.u32 $0x3C00, s31;
	s5 =	sand.u32 $0x70, s30;
	v9 =	vadd.s32 $0xC0, v4  }
0x120: {  	s16 =	sor.u32 s6, s5;
	v10 =	vld.idx.msk [tilespmem:v5+s26+$0x0], $0xffff;
	[tilespmem:s15+$0x9200] =	vst v7  }
0x121: {  	v6 =	vadd.s32 $0x20, v5;
	[tilespmem:s16+$0x9000] =	vst v8;
	v7 =	vld.idx.msk [tilespmem:v11+s26+$0x0], $0xffff  }
0x122: {  	s2 =	simm.s32 $0x20;
	v11 =	vadd.s32 $0xC0, v3;
	v2 =	vld.idx.msk [tilespmem:v2+s26+$0x0], $0xffff  }
0x123: {  	s8 =	sand.u32 $0x60, s2;
	v8 =	vadd.s32 $0x40, v0;
	[tilespmem:s24+$0x9280] =	vst v1  }
0x124: {  	s20 =	sor.u32 s8, s6;
	v1 =	vld.idx.msk [tilespmem:v9+s26+$0x0], $0xffff  }
0x125: {  	[tilespmem:s20+$0x9000] =	vst v10;
	v9 =	vadd.s32 $0xE0, v4  }
0x126: {  	v6 =	vld.idx.msk [tilespmem:v6+s26+$0x0], $0xffff;
	[tilespmem:s15+$0x9280] =	vst v7  }
0x127: {  	v10 =	vadd.s32 $0x40, v5;
	v7 =	vld.idx.msk [tilespmem:v11+s26+$0x0], $0xffff;
	[tilespmem:s16+$0x9080] =	vst v2  }
0x128: {  	v11 =	vadd.s32 $0xE0, v3;
	v2 =	vld.idx.msk [tilespmem:v8+s26+$0x0], $0xffff  }
0x129: {  	[tilespmem:s24+$0x9300] =	vst v1;
	v8 =	vadd.s32 $0x60, v0  }
0x12a: {  	v1 =	vld.idx.msk [tilespmem:v9+s26+$0x0], $0xffff  }
0x12b: {  	[tilespmem:s20+$0x9080] =	vst v6;
	v6 =	vadd.s32 $0x100, v4  }
0x12c: {  	[tilespmem:s15+$0x9300] =	vst v7;
	v9 =	vld.idx.msk [tilespmem:v10+s26+$0x0], $0xffff  }
0x12d: {  	v10 =	vadd.s32 $0x60, v5;
	v11 =	vld.idx.msk [tilespmem:v11+s26+$0x0], $0xffff;
	[tilespmem:s16+$0x9100] =	vst v2  }
0x12e: {  	s14 =	simm.s32 $0x850;
	v2 =	vld.idx.msk [tilespmem:v8+s26+$0x0], $0xffff  }
0x12f: {  	v12 =	vadd.s32 $0x80, v0;
	[tilespmem:s24+$0x9380] =	vst v1;
	v1 =	vld [tilespmem:s14+$0x0]  }
0x130: {  	v13 =	vadd.s32 $0x100, v3;
	v6 =	vld.idx.msk [tilespmem:v6+s26+$0x0], $0xffff  }
0x131: {  	[tilespmem:s20+$0x9100] =	vst v9;
	v9 =	vadd.s32 $0x120, v4;
	v8 =	vld [tilespmem:s14+$0xFFFFFFF0]  }
0x132: {  	v10 =	vld.idx.msk [tilespmem:v10+s26+$0x0], $0xffff  }
0x133: {  	v7 =	vadd.s32 $0x80, v5;
	[tilespmem:s16+$0x9180] =	vst v2  }
0x134: {  	[tilespmem:s15+$0x9380] =	vst v11;
	v2 =	vld.idx.msk [tilespmem:v12+s26+$0x0], $0xffff  }
0x135: {  	[tilespmem:s24+$0xD000] =	vst v6;
	v12 =	vld.idx.msk [tilespmem:v13+s26+$0x0], $0xffff  }
0x136: {  	v6 =	vld.idx.msk [tilespmem:v9+s26+$0x0], $0xffff;
	v9 =	vadd.s32 $0xA0, v0  }
0x137: {  	[tilespmem:s20+$0x9180] =	vst v10;
	v13 =	vadd.s32 $0x120, v3  }
0x138: {  	v10 =	vadd.s32 $0x140, v4;
	v7 =	vld.idx.msk [tilespmem:v7+s26+$0x0], $0xffff  }
0x139: {  	v11 =	vadd.s32 $0xA0, v5;
	v15 =	vld.idx.msk [tilespmem:v8+s26+$0x0], $0xffff;
	[tilespmem:s16+$0x9200] =	vst v2  }
0x13a: {  	s21 =	simm.s32 $0x50;
	s22 =	simm.s32 $0x200;
	v16 =	vadd.s32 $0x20, v8;
	v14 =	vld.idx.msk [tilespmem:v1+s26+$0x0], $0xffff;
	[tilespmem:s15+$0xD000] =	vst v12  }
0x13b: {  	s23 =	simm.s32 $0x40;
	s6 =	sand.u32 $0x3C00, s22;
	s5 =	sand.u32 $0x70, s21;
	v2 =	vld.idx.msk [tilespmem:v9+s26+$0x0], $0xffff;
	[tilespmem:s24+$0xD080] =	vst v6;
	v6 =	vadd.s32 $0x20, v1  }
0x13c: {  	s21 =	sor.u32 s6, s5;
	s5 =	sand.u32 $0x60, s23;
	v13 =	vld.idx.msk [tilespmem:v13+s26+$0x0], $0xffff  }
0x13d: {  	s22 =	sor.u32 s5, s6;
	[tilespmem:s20+$0x9200] =	vst v7;
	v9 =	vld.idx.msk [tilespmem:v10+s26+$0x0], $0xffff;
	v10 =	vadd.s32 $0xC0, v0  }
0x13e: {  	v7 =	vadd.s32 $0x160, v4;
	v11 =	vld.idx.msk [tilespmem:v11+s26+$0x0], $0xffff;
	[tilespmem:s22+$0x9000] =	vst v15  }
0x13f: {  	v12 =	vadd.s32 $0xC0, v5;
	[tilespmem:s21+$0x9000] =	vst v14;
	v15 =	vld.idx.msk [tilespmem:v16+s26+$0x0], $0xffff  }
0x140: {  	s25 =	simm.s32 $0x870;
	v14 =	vadd.s32 $0x140, v3;
	v6 =	vld.idx.msk [tilespmem:v6+s26+$0x0], $0xffff;
	[tilespmem:s16+$0x9280] =	vst v2  }
0x141: {  	v27 =	vld [tilespmem:s25+$0xFFFFFFF0];
	v16 =	vadd.s32 $0x40, v8;
	[tilespmem:s15+$0xD080] =	vst v13  }
0x142: {  	v2 =	vld.idx.msk [tilespmem:v10+s26+$0x0], $0xffff;
	[tilespmem:s24+$0xD100] =	vst v9;
	v9 =	vadd.s32 $0x40, v1  }
0x143: {  	v10 =	vadd.s32 $0xE0, v0;
	[tilespmem:s20+$0x9280] =	vst v11;
	v7 =	vld.idx.msk [tilespmem:v7+s26+$0x0], $0xffff  }
0x144: {  	v11 =	vadd.s32 $0x180, v4;
	v12 =	vld.idx.msk [tilespmem:v12+s26+$0x0], $0xffff;
	[tilespmem:s22+$0x9080] =	vst v15  }
0x145: {  	v13 =	vadd.s32 $0xE0, v5;
	[tilespmem:s21+$0x9080] =	vst v6;
	v6 =	vld.idx.msk [tilespmem:v14+s26+$0x0], $0xffff  }
0x146: {  	v15 =	vld.idx.msk [tilespmem:v16+s26+$0x0], $0xffff;
	v14 =	vadd.s32 $0x160, v3  }
0x147: {  	v16 =	vadd.s32 $0x60, v8;
	v9 =	vld.idx.msk [tilespmem:v9+s26+$0x0], $0xffff;
	[tilespmem:s16+$0x9300] =	vst v2  }
0x148: {  	v2 =	vld.idx.msk [tilespmem:v10+s26+$0x0], $0xffff;
	[tilespmem:s24+$0xD180] =	vst v7;
	v7 =	vadd.s32 $0x60, v1  }
0x149: {  	[tilespmem:s20+$0x9300] =	vst v12;
	v10 =	vld.idx.msk [tilespmem:v11+s26+$0x0], $0xffff  }
0x14a: {  	v11 =	vadd.s32 $0x100, v0;
	v13 =	vld.idx.msk [tilespmem:v13+s26+$0x0], $0xffff;
	[tilespmem:s15+$0xD100] =	vst v6  }
0x14b: {  	v12 =	vadd.s32 $0x1A0, v4;
	[tilespmem:s22+$0x9100] =	vst v15;
	v6 =	vld.idx.msk [tilespmem:v14+s26+$0x0], $0xffff  }
0x14c: {  	[tilespmem:s21+$0x9100] =	vst v9;
	v14 =	vld.idx.msk [tilespmem:v16+s26+$0x0], $0xffff  }
0x14d: {  	v16 =	vadd.s32 $0x100, v5;
	v7 =	vld.idx.msk [tilespmem:v7+s26+$0x0], $0xffff  }
0x14e: {  	v17 =	vadd.s32 $0x80, v8;
	[tilespmem:s16+$0x9380] =	vst v2;
	v2 =	vld [tilespmem:s25+$0x0]  }
0x14f: {  	v9 =	vld.idx.msk [tilespmem:v11+s26+$0x0], $0xffff;
	[tilespmem:s24+$0xD200] =	vst v10;
	v10 =	vadd.s32 $0x80, v1  }
0x150: {  	[tilespmem:s20+$0x9380] =	vst v13;
	v11 =	vld.idx.msk [tilespmem:v12+s26+$0x0], $0xffff;
	v12 =	vadd.s32 $0x120, v0  }
0x151: {  	v15 =	vadd.s32 $0x1C0, v4;
	[tilespmem:s22+$0x9180] =	vst v14  }
0x152: {  	v13 =	vld.idx.msk [tilespmem:v16+s26+$0x0], $0xffff;
	[tilespmem:s15+$0xD180] =	vst v6  }
0x153: {  	[tilespmem:s21+$0x9180] =	vst v7;
	v6 =	vld.idx.msk [tilespmem:v17+s26+$0x0], $0xffff  }
0x154: {  	v7 =	vadd.s32 $0x180, v3;
	v10 =	vld.idx.msk [tilespmem:v10+s26+$0x0], $0xffff;
	[tilespmem:s16+$0xD000] =	vst v9  }
0x155: {  	v9 =	vld.idx.msk [tilespmem:v12+s26+$0x0], $0xffff;
	[tilespmem:s24+$0xD280] =	vst v11;
	v11 =	vadd.s32 $0xA0, v1  }
0x156: {  	v14 =	vadd.s32 $0x140, v0;
	v12 =	vld.idx.msk [tilespmem:v15+s26+$0x0], $0xffff  }
0x157: {  	v15 =	vadd.s32 $0xA0, v8;
	v16 =	vld.idx.msk [tilespmem:v2+s26+$0x0], $0xffff  }
0x158: {  	v4 =	vadd.s32 $0x1E0, v4;
	[tilespmem:s20+$0xD000] =	vst v13;
	v13 =	vld.idx.msk [tilespmem:v27+s26+$0x0], $0xffff  }
0x159: {  	v7 =	vld.idx.msk [tilespmem:v7+s26+$0x0], $0xffff;
	[tilespmem:s21+$0x9200] =	vst v10;
	v10 =	vadd.s32 $0x120, v5  }
0x15a: {  	s23 =	simm.s32 $0x70;
	s14 =	simm.s32 $0x300;
	v17 =	vadd.s32 $0x1A0, v3;
	v11 =	vld.idx.msk [tilespmem:v11+s26+$0x0], $0xffff;
	[tilespmem:s16+$0xD080] =	vst v9  }
0x15b: {  	s30 =	sand.u32 $0x70, s23;
	s28 =	sand.u32 $0x3C00, s14;
	[tilespmem:s22+$0x9200] =	vst v6;
	v9 =	vadd.s32 $0x20, v2;
	v14 =	vld.idx.msk [tilespmem:v14+s26+$0x0], $0xffff  }
0x15c: {  	s31 =	simm.s32 $0x60;
	s6 =	sor.u32 s28, s30;
	[tilespmem:s24+$0xD300] =	vst v12;
	v12 =	vadd.s32 $0xC0, v1;
	v15 =	vld.idx.msk [tilespmem:v15+s26+$0x0], $0xffff  }
0x15d: {  	s7 =	sand.u32 $0x60, s31;
	v6 =	vadd.s32 $0x160, v0;
	[tilespmem:s6+$0x9000] =	vst v16;
	v4 =	vld.idx.msk [tilespmem:v4+s26+$0x0], $0xffff  }
0x15e: {  	s7 =	sor.u32 s7, s28;
	v16 =	vadd.s32 $0xC0, v8;
	[tilespmem:s15+$0xD200] =	vst v7;
	v10 =	vld.idx.msk [tilespmem:v10+s26+$0x0], $0xffff  }
0x15f: {  	[tilespmem:s7+$0x9000] =	vst v13;
	v7 =	vadd.s32 $0x20, v27;
	v13 =	vld.idx.msk [tilespmem:v17+s26+$0x0], $0xffff  }
0x160: {  	v9 =	vld.idx.msk [tilespmem:v9+s26+$0x0], $0xffff;
	[tilespmem:s21+$0x9280] =	vst v11;
	v11 =	vadd.s32 $0x140, v5  }
0x161: {  	v17 =	vadd.s32 $0x1C0, v3;
	v12 =	vld.idx.msk [tilespmem:v12+s26+$0x0], $0xffff;
	[tilespmem:s16+$0xD100] =	vst v14  }
0x162: {  	v14 =	vadd.s32 $0x40, v2;
	[tilespmem:s22+$0x9280] =	vst v15;
	v6 =	vld.idx.msk [tilespmem:v6+s26+$0x0], $0xffff  }
0x163: {  	[tilespmem:s24+$0xD380] =	vst v4;
	v4 =	vadd.s32 $0xE0, v1;
	v16 =	vld.idx.msk [tilespmem:v16+s26+$0x0], $0xffff  }
0x164: {  	v15 =	vadd.s32 $0x180, v0;
	v7 =	vld.idx.msk [tilespmem:v7+s26+$0x0], $0xffff;
	[tilespmem:s20+$0xD080] =	vst v10  }
0x165: {  	v18 =	vadd.s32 $0xE0, v8;
	[tilespmem:s15+$0xD280] =	vst v13;
	v11 =	vld.idx.msk [tilespmem:v11+s26+$0x0], $0xffff  }
0x166: {  	v10 =	vadd.s32 $0x40, v27;
	[tilespmem:s6+$0x9080] =	vst v9;
	v61 =	vld.idx.msk [tilespmem:v17+s26+$0x0], $0xffff  }
0x167: {  	v28 =	vadd.s32 $0x1E0, v3;
	v37 =	vadd.s32 $0x60, v27;
	v20 =	vld.idx.msk [tilespmem:v14+s26+$0x0], $0xffff;
	[tilespmem:s21+$0x9300] =	vst v12;
	v12 =	vadd.s32 $0x160, v5  }
0x168: {  	v26 =	vadd.s32 $0x80, v27;
	v24 =	vadd.s32 $0xA0, v27;
	v23 =	vadd.s32 $0xC0, v27;
	v21 =	vld.idx.msk [tilespmem:v4+s26+$0x0], $0xffff;
	[tilespmem:s16+$0xD180] =	vst v6  }
0x169: {  	v25 =	vadd.s32 $0x100, v27;
	v63 =	vadd.s32 $0x1A0, v0;
	v22 =	vadd.s32 $0x60, v2;
	[tilespmem:s22+$0x9300] =	vst v16;
	v30 =	vld.idx.msk [tilespmem:v15+s26+$0x0], $0xffff  }
0x16a: {  	v19 =	vadd.s32 $0x100, v8;
	v31 =	vadd.s32 $0x100, v1;
	v32 =	vadd.s32 $0x120, v1;
	[tilespmem:s7+$0x9080] =	vst v7;
	v36 =	vld.idx.msk [tilespmem:v18+s26+$0x0], $0xffff  }
0x16b: {  	v35 =	vadd.s32 $0x80, v2;
	v3 =	vadd.s32 $0x1E0, v5;
	v13 =	vadd.s32 $0x180, v8;
	v62 =	vld.idx.msk [tilespmem:v10+s26+$0x0], $0xffff;
	[tilespmem:s20+$0xD100] =	vst v11  }
0x16c: {  	v9 =	vadd.s32 $0x180, v5;
	v17 =	vadd.s32 $0x120, v8;
	v14 =	vadd.s32 $0x160, v8;
	[tilespmem:s15+$0xD300] =	vst v61;
	v29 =	vld.idx.msk [tilespmem:v12+s26+$0x0], $0xffff  }
0x16d: {  	v6 =	vadd.s32 $0x1A0, v5;
	v4 =	vadd.s32 $0x1C0, v5;
	v5 =	vadd.s32 $0x1E0, v8;
	[tilespmem:s6+$0x9100] =	vst v20;
	v28 =	vld.idx.msk [tilespmem:v28+s26+$0x0], $0xffff  }
0x16e: {  	v16 =	vadd.s32 $0x180, v27;
	v15 =	vadd.s32 $0x140, v8;
	v7 =	vadd.s32 $0x1C0, v8;
	v33 =	vld.idx.msk [tilespmem:v22+s26+$0x0], $0xffff;
	[tilespmem:s21+$0x9380] =	vst v21  }
0x16f: {  	v18 =	vadd.s32 $0x160, v27;
	v10 =	vadd.s32 $0x1A0, v8;
	v8 =	vadd.s32 $0x1E0, v27;
	v31 =	vld.idx.msk [tilespmem:v31+s26+$0x0], $0xffff;
	[tilespmem:s16+$0xD200] =	vst v30  }
0x170: {  	v11 =	vadd.s32 $0x1C0, v27;
	v20 =	vadd.s32 $0x140, v27;
	v12 =	vadd.s32 $0x1A0, v27;
	v30 =	vld.idx.msk [tilespmem:v63+s26+$0x0], $0xffff;
	[tilespmem:s7+$0x9100] =	vst v62  }
0x171: {  	s5 =	simm.s32 $0x6;
	s24 =	simm.s32 $0x890;
	v22 =	vadd.s32 $0xE0, v27;
	v21 =	vadd.s32 $0x120, v27;
	v27 =	vadd.s32 $0x1C0, v0;
	[tilespmem:s22+$0x9380] =	vst v36;
	v34 =	vld.idx.msk [tilespmem:v37+s26+$0x0], $0xffff  }
.LBB2_4:
0x172: {  	v36 =	vld [tilespmem:s24+$0x0];
	s5 =	sadd.s32 $0x2, s5;
	[tilespmem:s20+$0xD180] =	vst v29  }
0x173: {  	v29 =	vld [tilespmem:s24+$0xFFFFFFF0];
	p0 =	slt.u32 s5, $0x7E;
	[tilespmem:s6+$0x9180] =	vst v33  }
0x174: {  	v33 =	vld.idx.msk [tilespmem:v35+s26+$0x0], $0xffff;
	[tilespmem:s21+$0xD000] =	vst v31  }
0x175: {  	v31 =	vld.idx.msk [tilespmem:v32+s26+$0x0], $0xffff;
	[tilespmem:s16+$0xD280] =	vst v30  }
0x176: {  	v30 =	vadd.s32 $0xA0, v2;
	v32 =	vld.idx.msk [tilespmem:v27+s26+$0x0], $0xffff;
	[tilespmem:s15+$0xD380] =	vst v28;
	s15 =	smov.u32 s20;
	s20 =	smov.u32 s22;
	s22 =	smov.u32 s7  }
0x177: {  	[tilespmem:s22+$0x9180] =	vst v34;
	v28 =	vld.idx.msk [tilespmem:v19+s26+$0x0], $0xffff;
	v34 =	vadd.s32 $0x140, v1;
	v19 =	vmov v25  }
0x178: {  	v39 =	vadd.s32 $0x1E0, v0;
	v0 =	vmovc v1;
	v1 =	vmovc v2;
	v35 =	vadd.s32 $0x20, v29;
	v37 =	vadd.s32 $0x40, v29;
	v38 =	vld.idx.msk [tilespmem:v26+s26+$0x0], $0xffff  }
0x179: {  	v2 =	vmovc v36;
	v27 =	vadd.s32 $0x60, v29;
	v26 =	vadd.s32 $0x80, v29;
	v40 =	vadd.s32 $0xA0, v29;
	v41 =	vld.idx.msk [tilespmem:v9+s26+$0x0], $0xffff;
	v9 =	vmovc v13  }
0x17a: {  	v42 =	vadd.s32 $0xC0, v29;
	v43 =	vadd.s32 $0xE0, v29;
	v25 =	vadd.s32 $0x100, v29;
	v13 =	vmovc v16;
	v36 =	vld.idx.msk [tilespmem:v36+s26+$0x0], $0xffff;
	[tilespmem:s6+$0x9200] =	vst v33  }
0x17b: {  	v44 =	vadd.s32 $0x140, v29;
	v45 =	vadd.s32 $0x160, v29;
	v33 =	vadd.s32 $0x120, v29;
	v30 =	vld.idx.msk [tilespmem:v30+s26+$0x0], $0xffff;
	[tilespmem:s21+$0xD080] =	vst v31  }
0x17c: {  	v46 =	vadd.s32 $0x20, v2;
	v16 =	vadd.s32 $0x180, v29;
	v31 =	vadd.s32 $0x1A0, v29;
	v34 =	vld.idx.msk [tilespmem:v34+s26+$0x0], $0xffff;
	[tilespmem:s16+$0xD300] =	vst v32  }
0x17d: {  	s23 =	sadd.s32 $0x20, s23;
	s14 =	sadd.s32 $0x100, s14;
	v47 =	vadd.s32 $0x1E0, v29;
	v48 =	vadd.s32 $0xC0, v1;
	v32 =	vadd.s32 $0x1C0, v29;
	[tilespmem:s20+$0xD000] =	vst v28;
	v28 =	vld.idx.msk [tilespmem:v39+s26+$0x0], $0xffff  }
0x17e: {  	s8 =	sadd.s32 $0xFFFFFFF0, s23;
	s25 =	sand.u32 $0x70, s23;
	s7 =	sand.u32 $0x3C00, s14;
	v29 =	vld.idx.msk [tilespmem:v29+s26+$0x0], $0xffff;
	[tilespmem:s22+$0x9200] =	vst v38;
	v38 =	vadd.s32 $0x160, v0  }
0x17f: {  	s8 =	sand.u32 $0x60, s8;
	s25 =	sor.u32 s7, s25;
	v39 =	vld.idx.msk [tilespmem:v24+s26+$0x0], $0xffff;
	[tilespmem:s15+$0xD200] =	vst v41;
	v24 =	vmov v40  }
0x180: {  	s7 =	sor.u32 s8, s7;
	[tilespmem:s25+$0x9000] =	vst v36;
	v36 =	vld.idx.msk [tilespmem:v17+s26+$0x0], $0xffff;
	v17 =	vmov v21;
	v21 =	vmov v33  }
0x181: {  	v33 =	vld.idx.msk [tilespmem:v46+s26+$0x0], $0xffff;
	[tilespmem:s6+$0x9280] =	vst v30  }
0x182: {  	v30 =	vld.idx.msk [tilespmem:v48+s26+$0x0], $0xffff;
	[tilespmem:s21+$0xD100] =	vst v34  }
0x183: {  	v34 =	vadd.s32 $0x40, v2;
	v38 =	vld.idx.msk [tilespmem:v38+s26+$0x0], $0xffff;
	[tilespmem:s16+$0xD380] =	vst v28;
	s16 =	smov.u32 s21;
	s21 =	smov.u32 s6;
	s6 =	smov.u32 s25  }
0x184: {  	v28 =	vadd.s32 $0xE0, v1;
	[tilespmem:s7+$0x9000] =	vst v29;
	v29 =	vld.idx.msk [tilespmem:v6+s26+$0x0], $0xffff;
	v6 =	vmovc v10;
	v10 =	vmov v12;
	v12 =	vmov v31  }
0x185: {  	v31 =	vld.idx.msk [tilespmem:v35+s26+$0x0], $0xffff;
	[tilespmem:s22+$0x9280] =	vst v39;
	v35 =	vadd.s32 $0x180, v0  }
0x186: {  	v39 =	vld.idx.msk [tilespmem:v23+s26+$0x0], $0xffff;
	[tilespmem:s20+$0xD080] =	vst v36;
	v23 =	vmov v42  }
0x187: {  	[tilespmem:s6+$0x9080] =	vst v33;
	v33 =	vld.idx.msk [tilespmem:v15+s26+$0x0], $0xffff;
	v15 =	vmov v20;
	v20 =	vmov v44  }
0x188: {  	v34 =	vld.idx.msk [tilespmem:v34+s26+$0x0], $0xffff;
	[tilespmem:s21+$0x9300] =	vst v30  }
0x189: {  	v28 =	vld.idx.msk [tilespmem:v28+s26+$0x0], $0xffff;
	[tilespmem:s16+$0xD180] =	vst v38  }
0x18a: {  	v30 =	vadd.s32 $0x60, v2;
	v35 =	vld.idx.msk [tilespmem:v35+s26+$0x0], $0xffff;
	[tilespmem:s15+$0xD280] =	vst v29  }
0x18b: {  	[tilespmem:s7+$0x9080] =	vst v31;
	v31 =	vadd.s32 $0x100, v1;
	v36 =	vld.idx.msk [tilespmem:v4+s26+$0x0], $0xffff;
	v4 =	vmovc v7;
	v7 =	vmov v11;
	v11 =	vmov v32  }
0x18c: {  	v32 =	vld.idx.msk [tilespmem:v37+s26+$0x0], $0xffff;
	[tilespmem:s22+$0x9300] =	vst v39;
	v37 =	vadd.s32 $0x1A0, v0  }
0x18d: {  	v38 =	vld.idx.msk [tilespmem:v22+s26+$0x0], $0xffff;
	[tilespmem:s20+$0xD100] =	vst v33;
	v22 =	vmov v43  }
0x18e: {  	[tilespmem:s6+$0x9100] =	vst v34;
	v29 =	vld.idx.msk [tilespmem:v14+s26+$0x0], $0xffff;
	v14 =	vmov v18;
	v18 =	vmov v45  }
.Ltmp1:
0x18f: {  	v33 =	vld.idx.msk [tilespmem:v30+s26+$0x0], $0xffff;
	[tilespmem:s21+$0x9380] =	vst v28;
	(pc) =	sbr.rel @p0 .LBB2_4-.Ltmp1, $4  }
0x190: {  	v31 =	vld.idx.msk [tilespmem:v31+s26+$0x0], $0xffff;
	[tilespmem:s16+$0xD200] =	vst v35  }
0x191: {  	v35 =	vadd.s32 $0x80, v2;
	v30 =	vld.idx.msk [tilespmem:v37+s26+$0x0], $0xffff;
	[tilespmem:s15+$0xD300] =	vst v36  }
0x192: {  	[tilespmem:s7+$0x9100] =	vst v32;
	v32 =	vadd.s32 $0x120, v1;
	v28 =	vld.idx.msk [tilespmem:v3+s26+$0x0], $0xffff;
	v3 =	vmovc v5;
	v5 =	vmov v8;
	v8 =	vmov v47  }
0x193: {  	s24 =	sadd.s32 $0x20, s24;
	v34 =	vld.idx.msk [tilespmem:v27+s26+$0x0], $0xffff;
	[tilespmem:s22+$0x9380] =	vst v38;
	v27 =	vadd.s32 $0x1C0, v0  }
0x194: {  	_ =	sdelay $0x2  }
0x195: {  	[tilespmem:s6+$0x9180] =	vst v33  }
0x196: {  	v33 =	vld.idx.msk [tilespmem:v35+s26+$0x0], $0xffff;
	[tilespmem:s7+$0x9180] =	vst v34  }
0x197: {  	v60 =	vadd.s32 $0xA0, v2;
	v26 =	vld.idx.msk [tilespmem:v26+s26+$0x0], $0xffff;
	_ =	sdelay $0x3  }
0x198: {  	[tilespmem:s6+$0x9200] =	vst v33  }
0x199: {  	v33 =	vld.idx.msk [tilespmem:v60+s26+$0x0], $0xffff;
	[tilespmem:s7+$0x9200] =	vst v26  }
0x19a: {  	v26 =	vadd.s32 $0xC0, v2;
	v24 =	vld.idx.msk [tilespmem:v24+s26+$0x0], $0xffff;
	_ =	sdelay $0x3  }
0x19b: {  	[tilespmem:s6+$0x9280] =	vst v33  }
0x19c: {  	v26 =	vld.idx.msk [tilespmem:v26+s26+$0x0], $0xffff;
	[tilespmem:s7+$0x9280] =	vst v24  }
0x19d: {  	v24 =	vadd.s32 $0xE0, v2;
	v23 =	vld.idx.msk [tilespmem:v23+s26+$0x0], $0xffff;
	_ =	sdelay $0x3  }
0x19e: {  	[tilespmem:s6+$0x9300] =	vst v26  }
0x19f: {  	v24 =	vld.idx.msk [tilespmem:v24+s26+$0x0], $0xffff;
	[tilespmem:s7+$0x9300] =	vst v23  }
0x1a0: {  	v23 =	vadd.s32 $0x100, v2;
	v22 =	vld.idx.msk [tilespmem:v22+s26+$0x0], $0xffff;
	_ =	sdelay $0x2  }
0x1a1: {  	v19 =	vld.idx.msk [tilespmem:v19+s26+$0x0], $0xffff  }
0x1a2: {  	[tilespmem:s6+$0x9380] =	vst v24  }
0x1a3: {  	v23 =	vld.idx.msk [tilespmem:v23+s26+$0x0], $0xffff;
	[tilespmem:s7+$0x9380] =	vst v22  }
0x1a4: {  	v22 =	vadd.s32 $0x120, v2;
	v24 =	vld.idx.msk [tilespmem:v25+s26+$0x0], $0xffff;
	_ =	sdelay $0x1  }
0x1a5: {  	[tilespmem:s22+$0xD000] =	vst v19  }
0x1a6: {  	[tilespmem:s21+$0xD000] =	vst v31;
	v17 =	vld.idx.msk [tilespmem:v17+s26+$0x0], $0xffff  }
0x1a7: {  	v25 =	vld.idx.msk [tilespmem:v32+s26+$0x0], $0xffff;
	[tilespmem:s6+$0xD000] =	vst v23  }
0x1a8: {  	v19 =	vadd.s32 $0x140, v1;
	v22 =	vld.idx.msk [tilespmem:v22+s26+$0x0], $0xffff;
	[tilespmem:s7+$0xD000] =	vst v24  }
0x1a9: {  	v23 =	vadd.s32 $0x140, v2;
	v21 =	vld.idx.msk [tilespmem:v21+s26+$0x0], $0xffff;
	_ =	sdelay $0x1  }
0x1aa: {  	[tilespmem:s22+$0xD080] =	vst v17  }
0x1ab: {  	v15 =	vld.idx.msk [tilespmem:v15+s26+$0x0], $0xffff;
	[tilespmem:s21+$0xD080] =	vst v25  }
0x1ac: {  	v19 =	vld.idx.msk [tilespmem:v19+s26+$0x0], $0xffff;
	[tilespmem:s6+$0xD080] =	vst v22  }
0x1ad: {  	v17 =	vadd.s32 $0x160, v1;
	v22 =	vld.idx.msk [tilespmem:v23+s26+$0x0], $0xffff;
	[tilespmem:s7+$0xD080] =	vst v21  }
0x1ae: {  	v21 =	vadd.s32 $0x160, v2;
	v20 =	vld.idx.msk [tilespmem:v20+s26+$0x0], $0xffff;
	_ =	sdelay $0x1  }
0x1af: {  	[tilespmem:s22+$0xD100] =	vst v15  }
0x1b0: {  	v14 =	vld.idx.msk [tilespmem:v14+s26+$0x0], $0xffff;
	[tilespmem:s21+$0xD100] =	vst v19  }
0x1b1: {  	v17 =	vld.idx.msk [tilespmem:v17+s26+$0x0], $0xffff;
	[tilespmem:s6+$0xD100] =	vst v22  }
0x1b2: {  	v15 =	vadd.s32 $0x180, v1;
	v19 =	vld.idx.msk [tilespmem:v21+s26+$0x0], $0xffff;
	[tilespmem:s7+$0xD100] =	vst v20  }
0x1b3: {  	v20 =	vadd.s32 $0x180, v2;
	v18 =	vld.idx.msk [tilespmem:v18+s26+$0x0], $0xffff  }
0x1b4: {  	[tilespmem:s20+$0xD180] =	vst v29  }
0x1b5: {  	v9 =	vld.idx.msk [tilespmem:v9+s26+$0x0], $0xffff;
	[tilespmem:s22+$0xD180] =	vst v14  }
0x1b6: {  	v13 =	vld.idx.msk [tilespmem:v13+s26+$0x0], $0xffff;
	[tilespmem:s21+$0xD180] =	vst v17  }
0x1b7: {  	v15 =	vld.idx.msk [tilespmem:v15+s26+$0x0], $0xffff;
	[tilespmem:s6+$0xD180] =	vst v19  }
0x1b8: {  	v14 =	vadd.s32 $0x1A0, v1;
	v17 =	vld.idx.msk [tilespmem:v20+s26+$0x0], $0xffff;
	[tilespmem:s7+$0xD180] =	vst v18  }
0x1b9: {  	[tilespmem:s16+$0xD280] =	vst v30;
	v18 =	vadd.s32 $0x1A0, v2;
	v16 =	vld.idx.msk [tilespmem:v16+s26+$0x0], $0xffff  }
0x1ba: {  	[tilespmem:s20+$0xD200] =	vst v9  }
0x1bb: {  	v6 =	vld.idx.msk [tilespmem:v6+s26+$0x0], $0xffff;
	[tilespmem:s22+$0xD200] =	vst v13  }
0x1bc: {  	v10 =	vld.idx.msk [tilespmem:v10+s26+$0x0], $0xffff;
	[tilespmem:s21+$0xD200] =	vst v15  }
0x1bd: {  	v9 =	vld.idx.msk [tilespmem:v14+s26+$0x0], $0xffff;
	[tilespmem:s6+$0xD200] =	vst v17  }
0x1be: {  	v13 =	vadd.s32 $0x1C0, v1;
	v14 =	vld.idx.msk [tilespmem:v18+s26+$0x0], $0xffff;
	[tilespmem:s7+$0xD200] =	vst v16  }
0x1bf: {  	[tilespmem:s15+$0xD380] =	vst v28;
	v15 =	vadd.s32 $0x1C0, v2;
	v12 =	vld.idx.msk [tilespmem:v12+s26+$0x0], $0xffff  }
0x1c0: {  	[tilespmem:s20+$0xD280] =	vst v6;
	v16 =	vld.idx.msk [tilespmem:v27+s26+$0x0], $0xffff  }
0x1c1: {  	v0 =	vadd.s32 $0x1E0, v0;
	v4 =	vld.idx.msk [tilespmem:v4+s26+$0x0], $0xffff;
	[tilespmem:s22+$0xD280] =	vst v10  }
0x1c2: {  	v7 =	vld.idx.msk [tilespmem:v7+s26+$0x0], $0xffff;
	[tilespmem:s21+$0xD280] =	vst v9  }
0x1c3: {  	v6 =	vld.idx.msk [tilespmem:v13+s26+$0x0], $0xffff;
	[tilespmem:s6+$0xD280] =	vst v14  }
0x1c4: {  	v1 =	vadd.s32 $0x1E0, v1;
	v9 =	vld.idx.msk [tilespmem:v15+s26+$0x0], $0xffff;
	[tilespmem:s7+$0xD280] =	vst v12  }
0x1c5: {  	v2 =	vadd.s32 $0x1E0, v2;
	[tilespmem:s16+$0xD300] =	vst v16;
	v10 =	vld.idx.msk [tilespmem:v11+s26+$0x0], $0xffff  }
0x1c6: {  	[tilespmem:s20+$0xD300] =	vst v4;
	v0 =	vld.idx.msk [tilespmem:v0+s26+$0x0], $0xffff  }
0x1c7: {  	v3 =	vld.idx.msk [tilespmem:v3+s26+$0x0], $0xffff;
	[tilespmem:s22+$0xD300] =	vst v7  }
0x1c8: {  	v4 =	vld.idx.msk [tilespmem:v5+s26+$0x0], $0xffff;
	[tilespmem:s21+$0xD300] =	vst v6  }
0x1c9: {  	v1 =	vld.idx.msk [tilespmem:v1+s26+$0x0], $0xffff;
	[tilespmem:s6+$0xD300] =	vst v9  }
0x1ca: {  	v2 =	vld.idx.msk [tilespmem:v2+s26+$0x0], $0xffff;
	[tilespmem:s7+$0xD300] =	vst v10  }
0x1cb: {  	[tilespmem:s16+$0xD380] =	vst v0;
	v0 =	vld.idx.msk [tilespmem:v8+s26+$0x0], $0xffff  }
0x1cc: {  	[tilespmem:s20+$0xD380] =	vst v3  }
0x1cd: {  	[tilespmem:s22+$0xD380] =	vst v4  }
0x1ce: {  	[tilespmem:s21+$0xD380] =	vst v1  }
0x1cf: {  	[tilespmem:s6+$0xD380] =	vst v2  }
0x1d0: {  	[tilespmem:s7+$0xD380] =	vst v0  }
0x1d1: {  	s5 =	simm.s32 $0x0;
	s28 =	simm.s32 $0x9000;
	s2 =	rddreg [dreg:$0xa]  }
0x1d2: {  	[hbm4b:s2+s5] =	stream.linear.scatter [tilespmem:s28], [sflag:$0x5], $0x4000, $0x38;
	[tilespmem:$0x11200] =	vst v63  }
0x1d3: {  	s31 =	simm.s32 $0xD000;
	s30 =	rddreg [dreg:$0xb]  }
0x1d4: {  	[hbm4b:s30+s5] =	stream.linear.scatter [tilespmem:s31], [sflag:$0x6], $0x4000, $0x38;
	[tilespmem:$0x11200] =	vst v63  }
0x1d5: {  	_ =	swait.ge [sflag:s29], $0x800  }
0x1d6: {  	[sflag:s29] =	ssyncset.done $0x0  }
0x1d7: {  	s8 =	simm.s32 $0x800;
	s7 =	rddreg [dreg:$0xc];
	[sflag:s29] =	ssyncadd.s32 $0xFFFFF800  }
0x1d8: {  	[tilespmem:s8], [sflag:$0x2] =	stream.linear.gather [hbm4b:s7+s5], $0x800, $0x38;
	[tilespmem:$0x11200] =	vst v63  }
0x1d9: {  	_ =	swait.ge [sflag:s9], $0x4000  }
0x1da: {  	[sflag:s9] =	ssyncset.done $0x0  }
0x1db: {  	[sflag:s9] =	ssyncadd.s32 $0xFFFFC000  }
0x1dc: {  	_ =	swait.ge [sflag:s10], $0x4000  }
0x1dd: {  	[sflag:s10] =	ssyncset.done $0x0  }
0x1de: {  	s14 =	simm.s32 $0x10;
	[sflag:s10] =	ssyncadd.s32 $0xFFFFC000  }
0x1df: {  	v4 =	vld [tilespmem:s14+$0x0];
	_ =	sdelay $0x3  }
0x1e0: {  	v3 =	vld [tilespmem:s14+$0xFFFFFFF0];
	_ =	sdelay $0x3  }
0x1e1: {  	v0 =	vld.idx.msk [tilespmem:v4+s26+$0x0], $0xffff  }
0x1e2: {  	v1 =	vadd.s32 $0x20, v4;
	_ =	sdelay $0x1  }
0x1e3: {  	s15 =	sand.u32 $0x3C00, s5;
	s16 =	sand.u32 $0x70, s14  }
0x1e4: {  	s5 =	sor.u32 s15, s16;
	v2 =	vld.idx.msk [tilespmem:v3+s26+$0x0], $0xffff  }
0x1e5: {  	v5 =	vadd.s32 $0x20, v3;
	[tilespmem:s5+$0x1000] =	vst v0  }
0x1e6: {  	s20 =	simm.s32 $0x0;
	v0 =	vld.idx.msk [tilespmem:v1+s26+$0x0], $0xffff  }
0x1e7: {  	s6 =	sand.u32 $0x60, s20;
	v1 =	vadd.s32 $0x40, v4  }
0x1e8: {  	s15 =	sor.u32 s6, s15  }
0x1e9: {  	[tilespmem:s15+$0x1000] =	vst v2  }
0x1ea: {  	v2 =	vld.idx.msk [tilespmem:v5+s26+$0x0], $0xffff  }
0x1eb: {  	v5 =	vadd.s32 $0x40, v3;
	[tilespmem:s5+$0x1080] =	vst v0  }
0x1ec: {  	v0 =	vld.idx.msk [tilespmem:v1+s26+$0x0], $0xffff  }
0x1ed: {  	v1 =	vadd.s32 $0x60, v4;
	_ =	sdelay $0x1  }
0x1ee: {  	[tilespmem:s15+$0x1080] =	vst v2  }
0x1ef: {  	v6 =	vld.idx.msk [tilespmem:v5+s26+$0x0], $0xffff  }
0x1f0: {  	v7 =	vadd.s32 $0x60, v3;
	[tilespmem:s5+$0x1100] =	vst v0  }
0x1f1: {  	v1 =	vld.idx.msk [tilespmem:v1+s26+$0x0], $0xffff  }
0x1f2: {  	v2 =	vadd.s32 $0x80, v4  }
0x1f3: {  	s21 =	simm.s32 $0x30  }
0x1f4: {  	v0 =	vld [tilespmem:s21+$0x0];
	[tilespmem:s15+$0x1100] =	vst v6  }
0x1f5: {  	v6 =	vld.idx.msk [tilespmem:v7+s26+$0x0], $0xffff  }
0x1f6: {  	v7 =	vadd.s32 $0x80, v3;
	[tilespmem:s5+$0x1180] =	vst v1  }
0x1f7: {  	v1 =	vld.idx.msk [tilespmem:v2+s26+$0x0], $0xffff  }
0x1f8: {  	v5 =	vld [tilespmem:s21+$0xFFFFFFF0];
	v2 =	vadd.s32 $0xA0, v4;
	_ =	sdelay $0x1  }
0x1f9: {  	[tilespmem:s15+$0x1180] =	vst v6  }
0x1fa: {  	v7 =	vld.idx.msk [tilespmem:v7+s26+$0x0], $0xffff  }
0x1fb: {  	v11 =	vadd.s32 $0xA0, v3;
	v8 =	vld.idx.msk [tilespmem:v0+s26+$0x0], $0xffff;
	[tilespmem:s5+$0x1200] =	vst v1  }
0x1fc: {  	v1 =	vld.idx.msk [tilespmem:v2+s26+$0x0], $0xffff;
	v2 =	vadd.s32 $0x20, v0  }
0x1fd: {  	s22 =	simm.s32 $0x100  }
0x1fe: {  	s7 =	sand.u32 $0x3C00, s22;
	s6 =	sand.u32 $0x70, s21;
	v9 =	vadd.s32 $0xC0, v4  }
0x1ff: {  	s16 =	sor.u32 s7, s6;
	v10 =	vld.idx.msk [tilespmem:v5+s26+$0x0], $0xffff;
	[tilespmem:s15+$0x1200] =	vst v7  }
0x200: {  	v6 =	vadd.s32 $0x20, v5;
	[tilespmem:s16+$0x1000] =	vst v8;
	v7 =	vld.idx.msk [tilespmem:v11+s26+$0x0], $0xffff  }
0x201: {  	s8 =	simm.s32 $0x20;
	v11 =	vadd.s32 $0xC0, v3;
	v2 =	vld.idx.msk [tilespmem:v2+s26+$0x0], $0xffff  }
0x202: {  	s23 =	sand.u32 $0x60, s8;
	v8 =	vadd.s32 $0x40, v0;
	[tilespmem:s5+$0x1280] =	vst v1  }
0x203: {  	s20 =	sor.u32 s23, s7;
	v1 =	vld.idx.msk [tilespmem:v9+s26+$0x0], $0xffff  }
0x204: {  	[tilespmem:s20+$0x1000] =	vst v10;
	v9 =	vadd.s32 $0xE0, v4  }
0x205: {  	v6 =	vld.idx.msk [tilespmem:v6+s26+$0x0], $0xffff;
	[tilespmem:s15+$0x1280] =	vst v7  }
0x206: {  	v10 =	vadd.s32 $0x40, v5;
	v7 =	vld.idx.msk [tilespmem:v11+s26+$0x0], $0xffff;
	[tilespmem:s16+$0x1080] =	vst v2  }
0x207: {  	v11 =	vadd.s32 $0xE0, v3;
	v2 =	vld.idx.msk [tilespmem:v8+s26+$0x0], $0xffff  }
0x208: {  	[tilespmem:s5+$0x1300] =	vst v1;
	v8 =	vadd.s32 $0x60, v0  }
0x209: {  	v1 =	vld.idx.msk [tilespmem:v9+s26+$0x0], $0xffff  }
0x20a: {  	[tilespmem:s20+$0x1080] =	vst v6;
	v6 =	vadd.s32 $0x100, v4  }
0x20b: {  	[tilespmem:s15+$0x1300] =	vst v7;
	v9 =	vld.idx.msk [tilespmem:v10+s26+$0x0], $0xffff  }
0x20c: {  	v10 =	vadd.s32 $0x60, v5;
	v11 =	vld.idx.msk [tilespmem:v11+s26+$0x0], $0xffff;
	[tilespmem:s16+$0x1100] =	vst v2  }
0x20d: {  	s24 =	simm.s32 $0x50;
	v2 =	vld.idx.msk [tilespmem:v8+s26+$0x0], $0xffff  }
0x20e: {  	v12 =	vadd.s32 $0x80, v0;
	[tilespmem:s5+$0x1380] =	vst v1;
	v1 =	vld [tilespmem:s24+$0x0]  }
0x20f: {  	v13 =	vadd.s32 $0x100, v3;
	v6 =	vld.idx.msk [tilespmem:v6+s26+$0x0], $0xffff  }
0x210: {  	[tilespmem:s20+$0x1100] =	vst v9;
	v9 =	vadd.s32 $0x120, v4;
	v8 =	vld [tilespmem:s24+$0xFFFFFFF0]  }
0x211: {  	v10 =	vld.idx.msk [tilespmem:v10+s26+$0x0], $0xffff  }
0x212: {  	v7 =	vadd.s32 $0x80, v5;
	[tilespmem:s16+$0x1180] =	vst v2  }
0x213: {  	[tilespmem:s15+$0x1380] =	vst v11;
	v2 =	vld.idx.msk [tilespmem:v12+s26+$0x0], $0xffff  }
0x214: {  	[tilespmem:s5+$0x5000] =	vst v6;
	v12 =	vld.idx.msk [tilespmem:v13+s26+$0x0], $0xffff  }
0x215: {  	v6 =	vld.idx.msk [tilespmem:v9+s26+$0x0], $0xffff;
	v9 =	vadd.s32 $0xA0, v0  }
0x216: {  	[tilespmem:s20+$0x1180] =	vst v10;
	v13 =	vadd.s32 $0x120, v3  }
0x217: {  	v10 =	vadd.s32 $0x140, v4;
	v7 =	vld.idx.msk [tilespmem:v7+s26+$0x0], $0xffff  }
0x218: {  	v11 =	vadd.s32 $0xA0, v5;
	v15 =	vld.idx.msk [tilespmem:v8+s26+$0x0], $0xffff;
	[tilespmem:s16+$0x1200] =	vst v2  }
0x219: {  	s25 =	simm.s32 $0x200;
	v16 =	vadd.s32 $0x20, v8;
	v14 =	vld.idx.msk [tilespmem:v1+s26+$0x0], $0xffff;
	[tilespmem:s15+$0x5000] =	vst v12  }
0x21a: {  	s28 =	simm.s32 $0x40;
	s6 =	sand.u32 $0x70, s24;
	s7 =	sand.u32 $0x3C00, s25;
	v2 =	vld.idx.msk [tilespmem:v9+s26+$0x0], $0xffff;
	[tilespmem:s5+$0x5080] =	vst v6;
	v6 =	vadd.s32 $0x20, v1  }
0x21b: {  	s21 =	sor.u32 s7, s6;
	s6 =	sand.u32 $0x60, s28;
	v13 =	vld.idx.msk [tilespmem:v13+s26+$0x0], $0xffff  }
0x21c: {  	s6 =	sor.u32 s6, s7;
	[tilespmem:s20+$0x1200] =	vst v7;
	v9 =	vld.idx.msk [tilespmem:v10+s26+$0x0], $0xffff;
	v10 =	vadd.s32 $0xC0, v0  }
0x21d: {  	v7 =	vadd.s32 $0x160, v4;
	v11 =	vld.idx.msk [tilespmem:v11+s26+$0x0], $0xffff;
	[tilespmem:s6+$0x1000] =	vst v15  }
0x21e: {  	v12 =	vadd.s32 $0xC0, v5;
	[tilespmem:s21+$0x1000] =	vst v14;
	v15 =	vld.idx.msk [tilespmem:v16+s26+$0x0], $0xffff  }
0x21f: {  	s22 =	simm.s32 $0x70;
	v14 =	vadd.s32 $0x140, v3;
	v6 =	vld.idx.msk [tilespmem:v6+s26+$0x0], $0xffff;
	[tilespmem:s16+$0x1280] =	vst v2  }
0x220: {  	v27 =	vld [tilespmem:s22+$0xFFFFFFF0];
	v16 =	vadd.s32 $0x40, v8;
	[tilespmem:s15+$0x5080] =	vst v13  }
0x221: {  	v2 =	vld.idx.msk [tilespmem:v10+s26+$0x0], $0xffff;
	[tilespmem:s5+$0x5100] =	vst v9;
	v9 =	vadd.s32 $0x40, v1  }
0x222: {  	v10 =	vadd.s32 $0xE0, v0;
	[tilespmem:s20+$0x1280] =	vst v11;
	v7 =	vld.idx.msk [tilespmem:v7+s26+$0x0], $0xffff  }
0x223: {  	v11 =	vadd.s32 $0x180, v4;
	v12 =	vld.idx.msk [tilespmem:v12+s26+$0x0], $0xffff;
	[tilespmem:s6+$0x1080] =	vst v15  }
0x224: {  	v13 =	vadd.s32 $0xE0, v5;
	[tilespmem:s21+$0x1080] =	vst v6;
	v6 =	vld.idx.msk [tilespmem:v14+s26+$0x0], $0xffff  }
0x225: {  	v15 =	vld.idx.msk [tilespmem:v16+s26+$0x0], $0xffff;
	v14 =	vadd.s32 $0x160, v3  }
0x226: {  	v16 =	vadd.s32 $0x60, v8;
	v9 =	vld.idx.msk [tilespmem:v9+s26+$0x0], $0xffff;
	[tilespmem:s16+$0x1300] =	vst v2  }
0x227: {  	v2 =	vld.idx.msk [tilespmem:v10+s26+$0x0], $0xffff;
	[tilespmem:s5+$0x5180] =	vst v7;
	v7 =	vadd.s32 $0x60, v1  }
0x228: {  	[tilespmem:s20+$0x1300] =	vst v12;
	v10 =	vld.idx.msk [tilespmem:v11+s26+$0x0], $0xffff  }
0x229: {  	v11 =	vadd.s32 $0x100, v0;
	v13 =	vld.idx.msk [tilespmem:v13+s26+$0x0], $0xffff;
	[tilespmem:s15+$0x5100] =	vst v6  }
0x22a: {  	v12 =	vadd.s32 $0x1A0, v4;
	[tilespmem:s6+$0x1100] =	vst v15;
	v6 =	vld.idx.msk [tilespmem:v14+s26+$0x0], $0xffff  }
0x22b: {  	[tilespmem:s21+$0x1100] =	vst v9;
	v14 =	vld.idx.msk [tilespmem:v16+s26+$0x0], $0xffff  }
0x22c: {  	v16 =	vadd.s32 $0x100, v5;
	v7 =	vld.idx.msk [tilespmem:v7+s26+$0x0], $0xffff  }
0x22d: {  	v17 =	vadd.s32 $0x80, v8;
	[tilespmem:s16+$0x1380] =	vst v2;
	v2 =	vld [tilespmem:s22+$0x0]  }
0x22e: {  	v9 =	vld.idx.msk [tilespmem:v11+s26+$0x0], $0xffff;
	[tilespmem:s5+$0x5200] =	vst v10;
	v10 =	vadd.s32 $0x80, v1  }
0x22f: {  	[tilespmem:s20+$0x1380] =	vst v13;
	v11 =	vld.idx.msk [tilespmem:v12+s26+$0x0], $0xffff;
	v12 =	vadd.s32 $0x120, v0  }
0x230: {  	v15 =	vadd.s32 $0x1C0, v4;
	[tilespmem:s6+$0x1180] =	vst v14  }
0x231: {  	v13 =	vld.idx.msk [tilespmem:v16+s26+$0x0], $0xffff;
	[tilespmem:s15+$0x5180] =	vst v6  }
0x232: {  	[tilespmem:s21+$0x1180] =	vst v7;
	v6 =	vld.idx.msk [tilespmem:v17+s26+$0x0], $0xffff  }
0x233: {  	v7 =	vadd.s32 $0x180, v3;
	v10 =	vld.idx.msk [tilespmem:v10+s26+$0x0], $0xffff;
	[tilespmem:s16+$0x5000] =	vst v9  }
0x234: {  	v9 =	vld.idx.msk [tilespmem:v12+s26+$0x0], $0xffff;
	[tilespmem:s5+$0x5280] =	vst v11;
	v11 =	vadd.s32 $0xA0, v1  }
0x235: {  	v14 =	vadd.s32 $0x140, v0;
	v12 =	vld.idx.msk [tilespmem:v15+s26+$0x0], $0xffff  }
0x236: {  	v15 =	vadd.s32 $0xA0, v8;
	v16 =	vld.idx.msk [tilespmem:v2+s26+$0x0], $0xffff  }
0x237: {  	v4 =	vadd.s32 $0x1E0, v4;
	[tilespmem:s20+$0x5000] =	vst v13;
	v13 =	vld.idx.msk [tilespmem:v27+s26+$0x0], $0xffff  }
0x238: {  	v7 =	vld.idx.msk [tilespmem:v7+s26+$0x0], $0xffff;
	[tilespmem:s21+$0x1200] =	vst v10;
	v10 =	vadd.s32 $0x120, v5  }
0x239: {  	s14 =	simm.s32 $0x300;
	v17 =	vadd.s32 $0x1A0, v3;
	v11 =	vld.idx.msk [tilespmem:v11+s26+$0x0], $0xffff;
	[tilespmem:s16+$0x5080] =	vst v9  }
0x23a: {  	s31 =	sand.u32 $0x70, s22;
	s30 =	sand.u32 $0x3C00, s14;
	[tilespmem:s6+$0x1200] =	vst v6;
	v9 =	vadd.s32 $0x20, v2;
	v14 =	vld.idx.msk [tilespmem:v14+s26+$0x0], $0xffff  }
0x23b: {  	s23 =	simm.s32 $0x60;
	s7 =	sor.u32 s30, s31;
	[tilespmem:s5+$0x5300] =	vst v12;
	v12 =	vadd.s32 $0xC0, v1;
	v15 =	vld.idx.msk [tilespmem:v15+s26+$0x0], $0xffff  }
0x23c: {  	s23 =	sand.u32 $0x60, s23;
	v6 =	vadd.s32 $0x160, v0;
	[tilespmem:s7+$0x1000] =	vst v16;
	v4 =	vld.idx.msk [tilespmem:v4+s26+$0x0], $0xffff  }
0x23d: {  	s23 =	sor.u32 s23, s30;
	v16 =	vadd.s32 $0xC0, v8;
	[tilespmem:s15+$0x5200] =	vst v7;
	v10 =	vld.idx.msk [tilespmem:v10+s26+$0x0], $0xffff  }
0x23e: {  	[tilespmem:s23+$0x1000] =	vst v13;
	v7 =	vadd.s32 $0x20, v27;
	v13 =	vld.idx.msk [tilespmem:v17+s26+$0x0], $0xffff  }
0x23f: {  	v9 =	vld.idx.msk [tilespmem:v9+s26+$0x0], $0xffff;
	[tilespmem:s21+$0x1280] =	vst v11;
	v11 =	vadd.s32 $0x140, v5  }
0x240: {  	v17 =	vadd.s32 $0x1C0, v3;
	v12 =	vld.idx.msk [tilespmem:v12+s26+$0x0], $0xffff;
	[tilespmem:s16+$0x5100] =	vst v14  }
0x241: {  	v14 =	vadd.s32 $0x40, v2;
	[tilespmem:s6+$0x1280] =	vst v15;
	v6 =	vld.idx.msk [tilespmem:v6+s26+$0x0], $0xffff  }
0x242: {  	[tilespmem:s5+$0x5380] =	vst v4;
	v4 =	vadd.s32 $0xE0, v1;
	v16 =	vld.idx.msk [tilespmem:v16+s26+$0x0], $0xffff  }
0x243: {  	v15 =	vadd.s32 $0x180, v0;
	v7 =	vld.idx.msk [tilespmem:v7+s26+$0x0], $0xffff;
	[tilespmem:s20+$0x5080] =	vst v10  }
0x244: {  	v18 =	vadd.s32 $0xE0, v8;
	[tilespmem:s15+$0x5280] =	vst v13;
	v11 =	vld.idx.msk [tilespmem:v11+s26+$0x0], $0xffff  }
0x245: {  	v10 =	vadd.s32 $0x40, v27;
	[tilespmem:s7+$0x1080] =	vst v9;
	v61 =	vld.idx.msk [tilespmem:v17+s26+$0x0], $0xffff  }
0x246: {  	v28 =	vadd.s32 $0x1E0, v3;
	v37 =	vadd.s32 $0x60, v27;
	v20 =	vld.idx.msk [tilespmem:v14+s26+$0x0], $0xffff;
	[tilespmem:s21+$0x1300] =	vst v12;
	v12 =	vadd.s32 $0x160, v5  }
0x247: {  	v26 =	vadd.s32 $0x80, v27;
	v24 =	vadd.s32 $0xA0, v27;
	v23 =	vadd.s32 $0xC0, v27;
	v21 =	vld.idx.msk [tilespmem:v4+s26+$0x0], $0xffff;
	[tilespmem:s16+$0x5180] =	vst v6  }
0x248: {  	v25 =	vadd.s32 $0x100, v27;
	v63 =	vadd.s32 $0x1A0, v0;
	v22 =	vadd.s32 $0x60, v2;
	[tilespmem:s6+$0x1300] =	vst v16;
	v30 =	vld.idx.msk [tilespmem:v15+s26+$0x0], $0xffff  }
0x249: {  	v19 =	vadd.s32 $0x100, v8;
	v31 =	vadd.s32 $0x100, v1;
	v32 =	vadd.s32 $0x120, v1;
	[tilespmem:s23+$0x1080] =	vst v7;
	v36 =	vld.idx.msk [tilespmem:v18+s26+$0x0], $0xffff  }
0x24a: {  	v35 =	vadd.s32 $0x80, v2;
	v3 =	vadd.s32 $0x1E0, v5;
	v13 =	vadd.s32 $0x180, v8;
	v62 =	vld.idx.msk [tilespmem:v10+s26+$0x0], $0xffff;
	[tilespmem:s20+$0x5100] =	vst v11  }
0x24b: {  	v9 =	vadd.s32 $0x180, v5;
	v17 =	vadd.s32 $0x120, v8;
	v14 =	vadd.s32 $0x160, v8;
	[tilespmem:s15+$0x5300] =	vst v61;
	v29 =	vld.idx.msk [tilespmem:v12+s26+$0x0], $0xffff  }
0x24c: {  	v6 =	vadd.s32 $0x1A0, v5;
	v4 =	vadd.s32 $0x1C0, v5;
	v5 =	vadd.s32 $0x1E0, v8;
	[tilespmem:s7+$0x1100] =	vst v20;
	v28 =	vld.idx.msk [tilespmem:v28+s26+$0x0], $0xffff  }
0x24d: {  	v16 =	vadd.s32 $0x180, v27;
	v15 =	vadd.s32 $0x140, v8;
	v7 =	vadd.s32 $0x1C0, v8;
	v33 =	vld.idx.msk [tilespmem:v22+s26+$0x0], $0xffff;
	[tilespmem:s21+$0x1380] =	vst v21  }
0x24e: {  	v18 =	vadd.s32 $0x160, v27;
	v10 =	vadd.s32 $0x1A0, v8;
	v8 =	vadd.s32 $0x1E0, v27;
	v31 =	vld.idx.msk [tilespmem:v31+s26+$0x0], $0xffff;
	[tilespmem:s16+$0x5200] =	vst v30  }
0x24f: {  	v11 =	vadd.s32 $0x1C0, v27;
	v20 =	vadd.s32 $0x140, v27;
	v12 =	vadd.s32 $0x1A0, v27;
	v30 =	vld.idx.msk [tilespmem:v63+s26+$0x0], $0xffff;
	[tilespmem:s23+$0x1100] =	vst v62  }
0x250: {  	s24 =	simm.s32 $0x90;
	s5 =	simm.s32 $0x6;
	v22 =	vadd.s32 $0xE0, v27;
	v21 =	vadd.s32 $0x120, v27;
	v27 =	vadd.s32 $0x1C0, v0;
	[tilespmem:s6+$0x1380] =	vst v36;
	v34 =	vld.idx.msk [tilespmem:v37+s26+$0x0], $0xffff  }
.LBB2_6:
0x251: {  	v36 =	vld [tilespmem:s24+$0x0];
	s5 =	sadd.s32 $0x2, s5;
	[tilespmem:s20+$0x5180] =	vst v29  }
0x252: {  	v29 =	vld [tilespmem:s24+$0xFFFFFFF0];
	p0 =	slt.u32 s5, $0x7E;
	[tilespmem:s7+$0x1180] =	vst v33  }
0x253: {  	v33 =	vld.idx.msk [tilespmem:v35+s26+$0x0], $0xffff;
	[tilespmem:s21+$0x5000] =	vst v31  }
0x254: {  	v31 =	vld.idx.msk [tilespmem:v32+s26+$0x0], $0xffff;
	[tilespmem:s16+$0x5280] =	vst v30  }
0x255: {  	v30 =	vadd.s32 $0xA0, v2;
	v32 =	vld.idx.msk [tilespmem:v27+s26+$0x0], $0xffff;
	[tilespmem:s15+$0x5380] =	vst v28;
	s15 =	smov.u32 s20;
	s20 =	smov.u32 s6;
	s6 =	smov.u32 s23  }
0x256: {  	[tilespmem:s6+$0x1180] =	vst v34;
	v28 =	vld.idx.msk [tilespmem:v19+s26+$0x0], $0xffff;
	v34 =	vadd.s32 $0x140, v1;
	v19 =	vmov v25  }
0x257: {  	v39 =	vadd.s32 $0x1E0, v0;
	v0 =	vmovc v1;
	v1 =	vmovc v2;
	v35 =	vadd.s32 $0x20, v29;
	v37 =	vadd.s32 $0x40, v29;
	v38 =	vld.idx.msk [tilespmem:v26+s26+$0x0], $0xffff  }
0x258: {  	v2 =	vmovc v36;
	v27 =	vadd.s32 $0x60, v29;
	v26 =	vadd.s32 $0x80, v29;
	v40 =	vadd.s32 $0xA0, v29;
	v41 =	vld.idx.msk [tilespmem:v9+s26+$0x0], $0xffff;
	v9 =	vmovc v13  }
0x259: {  	v42 =	vadd.s32 $0xC0, v29;
	v43 =	vadd.s32 $0xE0, v29;
	v25 =	vadd.s32 $0x100, v29;
	v13 =	vmovc v16;
	v36 =	vld.idx.msk [tilespmem:v36+s26+$0x0], $0xffff;
	[tilespmem:s7+$0x1200] =	vst v33  }
0x25a: {  	v44 =	vadd.s32 $0x140, v29;
	v45 =	vadd.s32 $0x160, v29;
	v33 =	vadd.s32 $0x120, v29;
	v30 =	vld.idx.msk [tilespmem:v30+s26+$0x0], $0xffff;
	[tilespmem:s21+$0x5080] =	vst v31  }
0x25b: {  	v46 =	vadd.s32 $0x20, v2;
	v16 =	vadd.s32 $0x180, v29;
	v31 =	vadd.s32 $0x1A0, v29;
	v34 =	vld.idx.msk [tilespmem:v34+s26+$0x0], $0xffff;
	[tilespmem:s16+$0x5300] =	vst v32  }
0x25c: {  	s22 =	sadd.s32 $0x20, s22;
	s14 =	sadd.s32 $0x100, s14;
	v47 =	vadd.s32 $0x1E0, v29;
	v48 =	vadd.s32 $0xC0, v1;
	v32 =	vadd.s32 $0x1C0, v29;
	[tilespmem:s20+$0x5000] =	vst v28;
	v28 =	vld.idx.msk [tilespmem:v39+s26+$0x0], $0xffff  }
0x25d: {  	s8 =	sand.u32 $0x3C00, s14;
	s25 =	sand.u32 $0x70, s22;
	s23 =	sadd.s32 $0xFFFFFFF0, s22;
	v29 =	vld.idx.msk [tilespmem:v29+s26+$0x0], $0xffff;
	[tilespmem:s6+$0x1200] =	vst v38;
	v38 =	vadd.s32 $0x160, v0  }
0x25e: {  	s25 =	sor.u32 s8, s25;
	s23 =	sand.u32 $0x60, s23;
	v39 =	vld.idx.msk [tilespmem:v24+s26+$0x0], $0xffff;
	[tilespmem:s15+$0x5200] =	vst v41;
	v24 =	vmov v40  }
0x25f: {  	s23 =	sor.u32 s23, s8;
	[tilespmem:s25+$0x1000] =	vst v36;
	v36 =	vld.idx.msk [tilespmem:v17+s26+$0x0], $0xffff;
	v17 =	vmov v21;
	v21 =	vmov v33  }
0x260: {  	v33 =	vld.idx.msk [tilespmem:v46+s26+$0x0], $0xffff;
	[tilespmem:s7+$0x1280] =	vst v30  }
0x261: {  	v30 =	vld.idx.msk [tilespmem:v48+s26+$0x0], $0xffff;
	[tilespmem:s21+$0x5100] =	vst v34  }
0x262: {  	v34 =	vadd.s32 $0x40, v2;
	v38 =	vld.idx.msk [tilespmem:v38+s26+$0x0], $0xffff;
	[tilespmem:s16+$0x5380] =	vst v28;
	s16 =	smov.u32 s21;
	s21 =	smov.u32 s7;
	s7 =	smov.u32 s25  }
0x263: {  	v28 =	vadd.s32 $0xE0, v1;
	[tilespmem:s23+$0x1000] =	vst v29;
	v29 =	vld.idx.msk [tilespmem:v6+s26+$0x0], $0xffff;
	v6 =	vmovc v10;
	v10 =	vmov v12;
	v12 =	vmov v31  }
0x264: {  	v31 =	vld.idx.msk [tilespmem:v35+s26+$0x0], $0xffff;
	[tilespmem:s6+$0x1280] =	vst v39;
	v35 =	vadd.s32 $0x180, v0  }
0x265: {  	v39 =	vld.idx.msk [tilespmem:v23+s26+$0x0], $0xffff;
	[tilespmem:s20+$0x5080] =	vst v36;
	v23 =	vmov v42  }
0x266: {  	[tilespmem:s7+$0x1080] =	vst v33;
	v33 =	vld.idx.msk [tilespmem:v15+s26+$0x0], $0xffff;
	v15 =	vmov v20;
	v20 =	vmov v44  }
0x267: {  	v34 =	vld.idx.msk [tilespmem:v34+s26+$0x0], $0xffff;
	[tilespmem:s21+$0x1300] =	vst v30  }
0x268: {  	v28 =	vld.idx.msk [tilespmem:v28+s26+$0x0], $0xffff;
	[tilespmem:s16+$0x5180] =	vst v38  }
0x269: {  	v30 =	vadd.s32 $0x60, v2;
	v35 =	vld.idx.msk [tilespmem:v35+s26+$0x0], $0xffff;
	[tilespmem:s15+$0x5280] =	vst v29  }
0x26a: {  	[tilespmem:s23+$0x1080] =	vst v31;
	v31 =	vadd.s32 $0x100, v1;
	v36 =	vld.idx.msk [tilespmem:v4+s26+$0x0], $0xffff;
	v4 =	vmovc v7;
	v7 =	vmov v11;
	v11 =	vmov v32  }
0x26b: {  	v32 =	vld.idx.msk [tilespmem:v37+s26+$0x0], $0xffff;
	[tilespmem:s6+$0x1300] =	vst v39;
	v37 =	vadd.s32 $0x1A0, v0  }
0x26c: {  	v38 =	vld.idx.msk [tilespmem:v22+s26+$0x0], $0xffff;
	[tilespmem:s20+$0x5100] =	vst v33;
	v22 =	vmov v43  }
0x26d: {  	[tilespmem:s7+$0x1100] =	vst v34;
	v29 =	vld.idx.msk [tilespmem:v14+s26+$0x0], $0xffff;
	v14 =	vmov v18;
	v18 =	vmov v45  }
.Ltmp2:
0x26e: {  	v33 =	vld.idx.msk [tilespmem:v30+s26+$0x0], $0xffff;
	[tilespmem:s21+$0x1380] =	vst v28;
	(pc) =	sbr.rel @p0 .LBB2_6-.Ltmp2, $4  }
0x26f: {  	v31 =	vld.idx.msk [tilespmem:v31+s26+$0x0], $0xffff;
	[tilespmem:s16+$0x5200] =	vst v35  }
0x270: {  	v35 =	vadd.s32 $0x80, v2;
	v30 =	vld.idx.msk [tilespmem:v37+s26+$0x0], $0xffff;
	[tilespmem:s15+$0x5300] =	vst v36  }
0x271: {  	[tilespmem:s23+$0x1100] =	vst v32;
	v32 =	vadd.s32 $0x120, v1;
	v28 =	vld.idx.msk [tilespmem:v3+s26+$0x0], $0xffff;
	v3 =	vmovc v5;
	v5 =	vmov v8;
	v8 =	vmov v47  }
0x272: {  	s24 =	sadd.s32 $0x20, s24;
	v34 =	vld.idx.msk [tilespmem:v27+s26+$0x0], $0xffff;
	[tilespmem:s6+$0x1380] =	vst v38;
	v27 =	vadd.s32 $0x1C0, v0  }
0x273: {  	_ =	sdelay $0x2  }
0x274: {  	[tilespmem:s7+$0x1180] =	vst v33  }
0x275: {  	v33 =	vld.idx.msk [tilespmem:v35+s26+$0x0], $0xffff;
	[tilespmem:s23+$0x1180] =	vst v34  }
0x276: {  	v63 =	vadd.s32 $0xA0, v2;
	v26 =	vld.idx.msk [tilespmem:v26+s26+$0x0], $0xffff;
	_ =	sdelay $0x3  }
0x277: {  	[tilespmem:s7+$0x1200] =	vst v33  }
0x278: {  	v33 =	vld.idx.msk [tilespmem:v63+s26+$0x0], $0xffff;
	[tilespmem:s23+$0x1200] =	vst v26  }
0x279: {  	v36 =	vadd.s32 $0xC0, v2;
	v24 =	vld.idx.msk [tilespmem:v24+s26+$0x0], $0xffff;
	_ =	sdelay $0x3  }
0x27a: {  	[tilespmem:s7+$0x1280] =	vst v33  }
0x27b: {  	v26 =	vld.idx.msk [tilespmem:v36+s26+$0x0], $0xffff;
	[tilespmem:s23+$0x1280] =	vst v24  }
0x27c: {  	v37 =	vadd.s32 $0xE0, v2;
	v23 =	vld.idx.msk [tilespmem:v23+s26+$0x0], $0xffff;
	_ =	sdelay $0x3  }
0x27d: {  	[tilespmem:s7+$0x1300] =	vst v26  }
0x27e: {  	v24 =	vld.idx.msk [tilespmem:v37+s26+$0x0], $0xffff;
	[tilespmem:s23+$0x1300] =	vst v23  }
0x27f: {  	v38 =	vadd.s32 $0x100, v2;
	v22 =	vld.idx.msk [tilespmem:v22+s26+$0x0], $0xffff;
	_ =	sdelay $0x3  }
0x280: {  	v19 =	vld.idx.msk [tilespmem:v19+s26+$0x0], $0xffff;
	[tilespmem:s7+$0x1380] =	vst v24  }
0x281: {  	v23 =	vld.idx.msk [tilespmem:v38+s26+$0x0], $0xffff;
	[tilespmem:s23+$0x1380] =	vst v22  }
0x282: {  	v39 =	vadd.s32 $0x120, v2;
	v40 =	vld.idx.msk [tilespmem:v25+s26+$0x0], $0xffff;
	_ =	sdelay $0x1  }
0x283: {  	[tilespmem:s21+$0x5000] =	vst v31  }
0x284: {  	v41 =	vld.idx.msk [tilespmem:v32+s26+$0x0], $0xffff;
	[tilespmem:s6+$0x5000] =	vst v19  }
0x285: {  	v42 =	vadd.s32 $0x140, v1;
	v17 =	vld.idx.msk [tilespmem:v17+s26+$0x0], $0xffff;
	[tilespmem:s7+$0x5000] =	vst v23  }
0x286: {  	v22 =	vld.idx.msk [tilespmem:v39+s26+$0x0], $0xffff;
	[tilespmem:s23+$0x5000] =	vst v40  }
0x287: {  	v43 =	vadd.s32 $0x140, v2;
	v21 =	vld.idx.msk [tilespmem:v21+s26+$0x0], $0xffff;
	_ =	sdelay $0x1  }
0x288: {  	[tilespmem:s21+$0x5080] =	vst v41  }
0x289: {  	v19 =	vld.idx.msk [tilespmem:v42+s26+$0x0], $0xffff;
	[tilespmem:s6+$0x5080] =	vst v17  }
0x28a: {  	v44 =	vadd.s32 $0x160, v1;
	v15 =	vld.idx.msk [tilespmem:v15+s26+$0x0], $0xffff;
	[tilespmem:s7+$0x5080] =	vst v22  }
0x28b: {  	v22 =	vld.idx.msk [tilespmem:v43+s26+$0x0], $0xffff;
	[tilespmem:s23+$0x5080] =	vst v21  }
0x28c: {  	v45 =	vadd.s32 $0x160, v2;
	v20 =	vld.idx.msk [tilespmem:v20+s26+$0x0], $0xffff;
	_ =	sdelay $0x1  }
0x28d: {  	[tilespmem:s21+$0x5100] =	vst v19  }
0x28e: {  	v17 =	vld.idx.msk [tilespmem:v44+s26+$0x0], $0xffff;
	[tilespmem:s6+$0x5100] =	vst v15  }
0x28f: {  	v46 =	vadd.s32 $0x180, v1;
	v14 =	vld.idx.msk [tilespmem:v14+s26+$0x0], $0xffff;
	[tilespmem:s7+$0x5100] =	vst v22  }
0x290: {  	v47 =	vld.idx.msk [tilespmem:v45+s26+$0x0], $0xffff;
	[tilespmem:s23+$0x5100] =	vst v20  }
0x291: {  	v48 =	vadd.s32 $0x180, v2;
	v18 =	vld.idx.msk [tilespmem:v18+s26+$0x0], $0xffff  }
0x292: {  	[tilespmem:s20+$0x5180] =	vst v29  }
0x293: {  	v9 =	vld.idx.msk [tilespmem:v9+s26+$0x0], $0xffff;
	[tilespmem:s21+$0x5180] =	vst v17  }
0x294: {  	v15 =	vld.idx.msk [tilespmem:v46+s26+$0x0], $0xffff;
	[tilespmem:s6+$0x5180] =	vst v14  }
0x295: {  	v49 =	vadd.s32 $0x1A0, v1;
	v13 =	vld.idx.msk [tilespmem:v13+s26+$0x0], $0xffff;
	[tilespmem:s7+$0x5180] =	vst v47  }
0x296: {  	v50 =	vld.idx.msk [tilespmem:v48+s26+$0x0], $0xffff;
	[tilespmem:s23+$0x5180] =	vst v18  }
0x297: {  	v51 =	vadd.s32 $0x1A0, v2;
	[tilespmem:s16+$0x5280] =	vst v30;
	v16 =	vld.idx.msk [tilespmem:v16+s26+$0x0], $0xffff  }
0x298: {  	[tilespmem:s20+$0x5200] =	vst v9  }
0x299: {  	v6 =	vld.idx.msk [tilespmem:v6+s26+$0x0], $0xffff;
	[tilespmem:s21+$0x5200] =	vst v15  }
0x29a: {  	v52 =	vld.idx.msk [tilespmem:v49+s26+$0x0], $0xffff;
	[tilespmem:s6+$0x5200] =	vst v13  }
0x29b: {  	v53 =	vadd.s32 $0x1C0, v1;
	v10 =	vld.idx.msk [tilespmem:v10+s26+$0x0], $0xffff;
	[tilespmem:s7+$0x5200] =	vst v50  }
0x29c: {  	v54 =	vld.idx.msk [tilespmem:v51+s26+$0x0], $0xffff;
	[tilespmem:s23+$0x5200] =	vst v16  }
0x29d: {  	v55 =	vadd.s32 $0x1C0, v2;
	[tilespmem:s15+$0x5380] =	vst v28;
	v12 =	vld.idx.msk [tilespmem:v12+s26+$0x0], $0xffff  }
0x29e: {  	v56 =	vld.idx.msk [tilespmem:v27+s26+$0x0], $0xffff;
	[tilespmem:s20+$0x5280] =	vst v6  }
0x29f: {  	v0 =	vadd.s32 $0x1E0, v0;
	v4 =	vld.idx.msk [tilespmem:v4+s26+$0x0], $0xffff;
	[tilespmem:s21+$0x5280] =	vst v52  }
0x2a0: {  	v57 =	vld.idx.msk [tilespmem:v53+s26+$0x0], $0xffff;
	[tilespmem:s6+$0x5280] =	vst v10  }
0x2a1: {  	v58 =	vadd.s32 $0x1E0, v1;
	v7 =	vld.idx.msk [tilespmem:v7+s26+$0x0], $0xffff;
	[tilespmem:s7+$0x5280] =	vst v54  }
0x2a2: {  	v59 =	vld.idx.msk [tilespmem:v55+s26+$0x0], $0xffff;
	[tilespmem:s23+$0x5280] =	vst v12  }
0x2a3: {  	v60 =	vadd.s32 $0x1E0, v2;
	[tilespmem:s16+$0x5300] =	vst v56;
	v61 =	vld.idx.msk [tilespmem:v11+s26+$0x0], $0xffff  }
0x2a4: {  	v0 =	vld.idx.msk [tilespmem:v0+s26+$0x0], $0xffff;
	[tilespmem:s20+$0x5300] =	vst v4  }
0x2a5: {  	v3 =	vld.idx.msk [tilespmem:v3+s26+$0x0], $0xffff;
	[tilespmem:s21+$0x5300] =	vst v57  }
0x2a6: {  	v1 =	vld.idx.msk [tilespmem:v58+s26+$0x0], $0xffff;
	[tilespmem:s6+$0x5300] =	vst v7  }
0x2a7: {  	v62 =	vld.idx.msk [tilespmem:v5+s26+$0x0], $0xffff;
	[tilespmem:s7+$0x5300] =	vst v59  }
0x2a8: {  	v2 =	vld.idx.msk [tilespmem:v60+s26+$0x0], $0xffff;
	[tilespmem:s23+$0x5300] =	vst v61  }
0x2a9: {  	[tilespmem:s16+$0x5380] =	vst v0;
	v63 =	vld.idx.msk [tilespmem:v8+s26+$0x0], $0xffff  }
0x2aa: {  	[tilespmem:s20+$0x5380] =	vst v3  }
0x2ab: {  	[tilespmem:s21+$0x5380] =	vst v1  }
0x2ac: {  	[tilespmem:s6+$0x5380] =	vst v62  }
0x2ad: {  	[tilespmem:s7+$0x5380] =	vst v2  }
0x2ae: {  	[tilespmem:s23+$0x5380] =	vst v63  }
0x2af: {  	s5 =	simm.s32 $0x1000;
	s15 =	simm.s32 $0x0;
	s2 =	rddreg [dreg:$0xd]  }
0x2b0: {  	[hbm4b:s2+s15] =	stream.linear.scatter [tilespmem:s5], [sflag:$0x3], $0x4000, $0x38;
	[tilespmem:$0x11200] =	vst v63  }
0x2b1: {  	s31 =	simm.s32 $0x5000;
	s16 =	simm.s32 $0x0;
	s30 =	rddreg [dreg:$0xe]  }
0x2b2: {  	[hbm4b:s30+s15] =	stream.linear.scatter [tilespmem:s31], [sflag:$0x4], $0x4000, $0x38;
	[tilespmem:$0x11200] =	vst v63  }
.LBB2_8:
0x2b3: {  	s21 =	sshll.u32 s16, $0x5  }
0x2b4: {  	_ =	swait.ge [sflag:s0], $0x800;
	s20 =	sadd.s32 s21, s18  }
0x2b5: {  	[sflag:s0] =	ssyncset.done $0x0;
	s5 =	sshll.u32 s20, $0x4  }
0x2b6: {  	[sflag:s0] =	ssyncadd.s32 $0xFFFFF800;
	s5 =	sadd.s32 s1, s5  }
0x2b7: {  	[tilespmem:s15], [sflag:$0x1] =	stream.linear.gather [hbm4b:s5+s15], $0x800, $0x38;
	[tilespmem:$0x11200] =	vst v63  }
0x2b8: {  	_ =	swait.ge [sflag:s12], $0x4000  }
0x2b9: {  	[sflag:s12] =	ssyncset.done $0x0  }
0x2ba: {  	[sflag:s12] =	ssyncadd.s32 $0xFFFFC000  }
0x2bb: {  	_ =	swait.ge [sflag:s13], $0x4000  }
0x2bc: {  	[sflag:s13] =	ssyncset.done $0x0  }
0x2bd: {  	s7 =	simm.s32 $0x810;
	[sflag:s13] =	ssyncadd.s32 $0xFFFFC000  }
0x2be: {  	v4 =	vld [tilespmem:s7+$0x0];
	_ =	sdelay $0x3  }
0x2bf: {  	v3 =	vld [tilespmem:s7+$0xFFFFFFF0];
	_ =	sdelay $0x3  }
0x2c0: {  	v0 =	vld.idx.msk [tilespmem:v4+s26+$0x0], $0xffff  }
0x2c1: {  	v1 =	vadd.s32 $0x20, v4  }
0x2c2: {  	s8 =	simm.s32 $0x10  }
0x2c3: {  	s6 =	sand.u32 $0x3C00, s15;
	s5 =	sand.u32 $0x70, s8  }
0x2c4: {  	s5 =	sor.u32 s6, s5;
	v2 =	vld.idx.msk [tilespmem:v3+s26+$0x0], $0xffff  }
0x2c5: {  	v5 =	vadd.s32 $0x20, v3;
	[tilespmem:s5+$0x9000] =	vst v0  }
0x2c6: {  	s7 =	simm.s32 $0x0;
	v0 =	vld.idx.msk [tilespmem:v1+s26+$0x0], $0xffff  }
0x2c7: {  	s7 =	sand.u32 $0x60, s7;
	v1 =	vadd.s32 $0x40, v4  }
0x2c8: {  	s22 =	sor.u32 s7, s6  }
0x2c9: {  	[tilespmem:s22+$0x9000] =	vst v2  }
0x2ca: {  	v2 =	vld.idx.msk [tilespmem:v5+s26+$0x0], $0xffff  }
0x2cb: {  	v5 =	vadd.s32 $0x40, v3;
	[tilespmem:s5+$0x9080] =	vst v0  }
0x2cc: {  	v0 =	vld.idx.msk [tilespmem:v1+s26+$0x0], $0xffff  }
0x2cd: {  	v1 =	vadd.s32 $0x60, v4;
	_ =	sdelay $0x1  }
0x2ce: {  	[tilespmem:s22+$0x9080] =	vst v2  }
0x2cf: {  	v6 =	vld.idx.msk [tilespmem:v5+s26+$0x0], $0xffff  }
0x2d0: {  	v7 =	vadd.s32 $0x60, v3;
	[tilespmem:s5+$0x9100] =	vst v0  }
0x2d1: {  	v1 =	vld.idx.msk [tilespmem:v1+s26+$0x0], $0xffff  }
0x2d2: {  	v2 =	vadd.s32 $0x80, v4  }
0x2d3: {  	s14 =	simm.s32 $0x830  }
0x2d4: {  	v0 =	vld [tilespmem:s14+$0x0];
	[tilespmem:s22+$0x9100] =	vst v6  }
0x2d5: {  	v6 =	vld.idx.msk [tilespmem:v7+s26+$0x0], $0xffff  }
0x2d6: {  	v7 =	vadd.s32 $0x80, v3;
	[tilespmem:s5+$0x9180] =	vst v1  }
0x2d7: {  	v1 =	vld.idx.msk [tilespmem:v2+s26+$0x0], $0xffff  }
0x2d8: {  	v5 =	vld [tilespmem:s14+$0xFFFFFFF0];
	v2 =	vadd.s32 $0xA0, v4;
	_ =	sdelay $0x1  }
0x2d9: {  	[tilespmem:s22+$0x9180] =	vst v6  }
0x2da: {  	v7 =	vld.idx.msk [tilespmem:v7+s26+$0x0], $0xffff  }
0x2db: {  	v11 =	vadd.s32 $0xA0, v3;
	v8 =	vld.idx.msk [tilespmem:v0+s26+$0x0], $0xffff;
	[tilespmem:s5+$0x9200] =	vst v1  }
0x2dc: {  	v1 =	vld.idx.msk [tilespmem:v2+s26+$0x0], $0xffff;
	v2 =	vadd.s32 $0x20, v0  }
0x2dd: {  	s23 =	simm.s32 $0x30;
	s24 =	simm.s32 $0x100  }
0x2de: {  	s7 =	sand.u32 $0x3C00, s24;
	s6 =	sand.u32 $0x70, s23;
	v9 =	vadd.s32 $0xC0, v4  }
0x2df: {  	s23 =	sor.u32 s7, s6;
	v10 =	vld.idx.msk [tilespmem:v5+s26+$0x0], $0xffff;
	[tilespmem:s22+$0x9200] =	vst v7  }
0x2e0: {  	v6 =	vadd.s32 $0x20, v5;
	[tilespmem:s23+$0x9000] =	vst v8;
	v7 =	vld.idx.msk [tilespmem:v11+s26+$0x0], $0xffff  }
0x2e1: {  	s8 =	simm.s32 $0x20;
	v11 =	vadd.s32 $0xC0, v3;
	v2 =	vld.idx.msk [tilespmem:v2+s26+$0x0], $0xffff  }
0x2e2: {  	s25 =	sand.u32 $0x60, s8;
	v8 =	vadd.s32 $0x40, v0;
	[tilespmem:s5+$0x9280] =	vst v1  }
0x2e3: {  	s24 =	sor.u32 s25, s7;
	v1 =	vld.idx.msk [tilespmem:v9+s26+$0x0], $0xffff  }
0x2e4: {  	[tilespmem:s24+$0x9000] =	vst v10;
	v9 =	vadd.s32 $0xE0, v4  }
0x2e5: {  	v6 =	vld.idx.msk [tilespmem:v6+s26+$0x0], $0xffff;
	[tilespmem:s22+$0x9280] =	vst v7  }
0x2e6: {  	v10 =	vadd.s32 $0x40, v5;
	v7 =	vld.idx.msk [tilespmem:v11+s26+$0x0], $0xffff;
	[tilespmem:s23+$0x9080] =	vst v2  }
0x2e7: {  	v11 =	vadd.s32 $0xE0, v3;
	v2 =	vld.idx.msk [tilespmem:v8+s26+$0x0], $0xffff  }
0x2e8: {  	[tilespmem:s5+$0x9300] =	vst v1;
	v8 =	vadd.s32 $0x60, v0  }
0x2e9: {  	v1 =	vld.idx.msk [tilespmem:v9+s26+$0x0], $0xffff  }
0x2ea: {  	[tilespmem:s24+$0x9080] =	vst v6;
	v6 =	vadd.s32 $0x100, v4  }
0x2eb: {  	[tilespmem:s22+$0x9300] =	vst v7;
	v9 =	vld.idx.msk [tilespmem:v10+s26+$0x0], $0xffff  }
0x2ec: {  	v10 =	vadd.s32 $0x60, v5;
	v11 =	vld.idx.msk [tilespmem:v11+s26+$0x0], $0xffff;
	[tilespmem:s23+$0x9100] =	vst v2  }
0x2ed: {  	s31 =	simm.s32 $0x850;
	v2 =	vld.idx.msk [tilespmem:v8+s26+$0x0], $0xffff  }
0x2ee: {  	v12 =	vadd.s32 $0x80, v0;
	[tilespmem:s5+$0x9380] =	vst v1;
	v1 =	vld [tilespmem:s31+$0x0]  }
0x2ef: {  	v13 =	vadd.s32 $0x100, v3;
	v6 =	vld.idx.msk [tilespmem:v6+s26+$0x0], $0xffff  }
0x2f0: {  	[tilespmem:s24+$0x9100] =	vst v9;
	v9 =	vadd.s32 $0x120, v4;
	v8 =	vld [tilespmem:s31+$0xFFFFFFF0]  }
0x2f1: {  	v10 =	vld.idx.msk [tilespmem:v10+s26+$0x0], $0xffff  }
0x2f2: {  	v7 =	vadd.s32 $0x80, v5;
	[tilespmem:s23+$0x9180] =	vst v2  }
0x2f3: {  	[tilespmem:s22+$0x9380] =	vst v11;
	v2 =	vld.idx.msk [tilespmem:v12+s26+$0x0], $0xffff  }
0x2f4: {  	[tilespmem:s5+$0xD000] =	vst v6;
	v12 =	vld.idx.msk [tilespmem:v13+s26+$0x0], $0xffff  }
0x2f5: {  	v6 =	vld.idx.msk [tilespmem:v9+s26+$0x0], $0xffff;
	v9 =	vadd.s32 $0xA0, v0  }
0x2f6: {  	[tilespmem:s24+$0x9180] =	vst v10;
	v13 =	vadd.s32 $0x120, v3  }
0x2f7: {  	v10 =	vadd.s32 $0x140, v4;
	v7 =	vld.idx.msk [tilespmem:v7+s26+$0x0], $0xffff  }
0x2f8: {  	v11 =	vadd.s32 $0xA0, v5;
	v15 =	vld.idx.msk [tilespmem:v8+s26+$0x0], $0xffff;
	[tilespmem:s23+$0x9200] =	vst v2  }
0x2f9: {  	s2 =	simm.s32 $0x50;
	s8 =	simm.s32 $0x200;
	v16 =	vadd.s32 $0x20, v8;
	v14 =	vld.idx.msk [tilespmem:v1+s26+$0x0], $0xffff;
	[tilespmem:s22+$0xD000] =	vst v12  }
0x2fa: {  	s7 =	sand.u32 $0x3C00, s8;
	s6 =	sand.u32 $0x70, s2;
	s14 =	simm.s32 $0x40;
	v2 =	vld.idx.msk [tilespmem:v9+s26+$0x0], $0xffff;
	[tilespmem:s5+$0xD080] =	vst v6;
	v6 =	vadd.s32 $0x20, v1  }
0x2fb: {  	s25 =	sor.u32 s7, s6;
	s6 =	sand.u32 $0x60, s14;
	v13 =	vld.idx.msk [tilespmem:v13+s26+$0x0], $0xffff  }
0x2fc: {  	s6 =	sor.u32 s6, s7;
	[tilespmem:s24+$0x9200] =	vst v7;
	v9 =	vld.idx.msk [tilespmem:v10+s26+$0x0], $0xffff;
	v10 =	vadd.s32 $0xC0, v0  }
0x2fd: {  	v7 =	vadd.s32 $0x160, v4;
	v11 =	vld.idx.msk [tilespmem:v11+s26+$0x0], $0xffff;
	[tilespmem:s6+$0x9000] =	vst v15  }
0x2fe: {  	v12 =	vadd.s32 $0xC0, v5;
	[tilespmem:s25+$0x9000] =	vst v14;
	v15 =	vld.idx.msk [tilespmem:v16+s26+$0x0], $0xffff  }
0x2ff: {  	s31 =	simm.s32 $0x870;
	v14 =	vadd.s32 $0x140, v3;
	v6 =	vld.idx.msk [tilespmem:v6+s26+$0x0], $0xffff;
	[tilespmem:s23+$0x9280] =	vst v2  }
0x300: {  	v27 =	vld [tilespmem:s31+$0xFFFFFFF0];
	v16 =	vadd.s32 $0x40, v8;
	[tilespmem:s22+$0xD080] =	vst v13  }
0x301: {  	v2 =	vld.idx.msk [tilespmem:v10+s26+$0x0], $0xffff;
	[tilespmem:s5+$0xD100] =	vst v9;
	v9 =	vadd.s32 $0x40, v1  }
0x302: {  	v10 =	vadd.s32 $0xE0, v0;
	[tilespmem:s24+$0x9280] =	vst v11;
	v7 =	vld.idx.msk [tilespmem:v7+s26+$0x0], $0xffff  }
0x303: {  	v11 =	vadd.s32 $0x180, v4;
	v12 =	vld.idx.msk [tilespmem:v12+s26+$0x0], $0xffff;
	[tilespmem:s6+$0x9080] =	vst v15  }
0x304: {  	v13 =	vadd.s32 $0xE0, v5;
	[tilespmem:s25+$0x9080] =	vst v6;
	v6 =	vld.idx.msk [tilespmem:v14+s26+$0x0], $0xffff  }
0x305: {  	v15 =	vld.idx.msk [tilespmem:v16+s26+$0x0], $0xffff;
	v14 =	vadd.s32 $0x160, v3  }
0x306: {  	v16 =	vadd.s32 $0x60, v8;
	v9 =	vld.idx.msk [tilespmem:v9+s26+$0x0], $0xffff;
	[tilespmem:s23+$0x9300] =	vst v2  }
0x307: {  	v2 =	vld.idx.msk [tilespmem:v10+s26+$0x0], $0xffff;
	[tilespmem:s5+$0xD180] =	vst v7;
	v7 =	vadd.s32 $0x60, v1  }
0x308: {  	[tilespmem:s24+$0x9300] =	vst v12;
	v10 =	vld.idx.msk [tilespmem:v11+s26+$0x0], $0xffff  }
0x309: {  	v11 =	vadd.s32 $0x100, v0;
	v13 =	vld.idx.msk [tilespmem:v13+s26+$0x0], $0xffff;
	[tilespmem:s22+$0xD100] =	vst v6  }
0x30a: {  	v12 =	vadd.s32 $0x1A0, v4;
	[tilespmem:s6+$0x9100] =	vst v15;
	v6 =	vld.idx.msk [tilespmem:v14+s26+$0x0], $0xffff  }
0x30b: {  	[tilespmem:s25+$0x9100] =	vst v9;
	v14 =	vld.idx.msk [tilespmem:v16+s26+$0x0], $0xffff  }
0x30c: {  	v16 =	vadd.s32 $0x100, v5;
	v7 =	vld.idx.msk [tilespmem:v7+s26+$0x0], $0xffff  }
0x30d: {  	v17 =	vadd.s32 $0x80, v8;
	[tilespmem:s23+$0x9380] =	vst v2;
	v2 =	vld [tilespmem:s31+$0x0]  }
0x30e: {  	v9 =	vld.idx.msk [tilespmem:v11+s26+$0x0], $0xffff;
	[tilespmem:s5+$0xD200] =	vst v10;
	v10 =	vadd.s32 $0x80, v1  }
0x30f: {  	[tilespmem:s24+$0x9380] =	vst v13;
	v11 =	vld.idx.msk [tilespmem:v12+s26+$0x0], $0xffff;
	v12 =	vadd.s32 $0x120, v0  }
0x310: {  	v15 =	vadd.s32 $0x1C0, v4;
	[tilespmem:s6+$0x9180] =	vst v14  }
0x311: {  	v13 =	vld.idx.msk [tilespmem:v16+s26+$0x0], $0xffff;
	[tilespmem:s22+$0xD180] =	vst v6  }
0x312: {  	[tilespmem:s25+$0x9180] =	vst v7;
	v6 =	vld.idx.msk [tilespmem:v17+s26+$0x0], $0xffff  }
0x313: {  	v7 =	vadd.s32 $0x180, v3;
	v10 =	vld.idx.msk [tilespmem:v10+s26+$0x0], $0xffff;
	[tilespmem:s23+$0xD000] =	vst v9  }
0x314: {  	v9 =	vld.idx.msk [tilespmem:v12+s26+$0x0], $0xffff;
	[tilespmem:s5+$0xD280] =	vst v11;
	v11 =	vadd.s32 $0xA0, v1  }
0x315: {  	v14 =	vadd.s32 $0x140, v0;
	v12 =	vld.idx.msk [tilespmem:v15+s26+$0x0], $0xffff  }
0x316: {  	v15 =	vadd.s32 $0xA0, v8;
	v16 =	vld.idx.msk [tilespmem:v2+s26+$0x0], $0xffff  }
0x317: {  	v4 =	vadd.s32 $0x1E0, v4;
	[tilespmem:s24+$0xD000] =	vst v13;
	v13 =	vld.idx.msk [tilespmem:v27+s26+$0x0], $0xffff  }
0x318: {  	v7 =	vld.idx.msk [tilespmem:v7+s26+$0x0], $0xffff;
	[tilespmem:s25+$0x9200] =	vst v10;
	v10 =	vadd.s32 $0x120, v5  }
0x319: {  	s30 =	simm.s32 $0x300;
	s14 =	simm.s32 $0x70;
	v17 =	vadd.s32 $0x1A0, v3;
	v11 =	vld.idx.msk [tilespmem:v11+s26+$0x0], $0xffff;
	[tilespmem:s23+$0xD080] =	vst v9  }
0x31a: {  	s2 =	sand.u32 $0x3C00, s30;
	s31 =	sand.u32 $0x70, s14;
	[tilespmem:s6+$0x9200] =	vst v6;
	v9 =	vadd.s32 $0x20, v2;
	v14 =	vld.idx.msk [tilespmem:v14+s26+$0x0], $0xffff  }
0x31b: {  	s28 =	simm.s32 $0x60;
	s7 =	sor.u32 s2, s31;
	[tilespmem:s5+$0xD300] =	vst v12;
	v12 =	vadd.s32 $0xC0, v1;
	v15 =	vld.idx.msk [tilespmem:v15+s26+$0x0], $0xffff  }
0x31c: {  	s28 =	sand.u32 $0x60, s28;
	v6 =	vadd.s32 $0x160, v0;
	[tilespmem:s7+$0x9000] =	vst v16;
	v4 =	vld.idx.msk [tilespmem:v4+s26+$0x0], $0xffff  }
0x31d: {  	s28 =	sor.u32 s28, s2;
	v16 =	vadd.s32 $0xC0, v8;
	[tilespmem:s22+$0xD200] =	vst v7;
	v10 =	vld.idx.msk [tilespmem:v10+s26+$0x0], $0xffff  }
0x31e: {  	[tilespmem:s28+$0x9000] =	vst v13;
	v7 =	vadd.s32 $0x20, v27;
	v13 =	vld.idx.msk [tilespmem:v17+s26+$0x0], $0xffff  }
0x31f: {  	v9 =	vld.idx.msk [tilespmem:v9+s26+$0x0], $0xffff;
	[tilespmem:s25+$0x9280] =	vst v11;
	v11 =	vadd.s32 $0x140, v5  }
0x320: {  	v17 =	vadd.s32 $0x1C0, v3;
	v12 =	vld.idx.msk [tilespmem:v12+s26+$0x0], $0xffff;
	[tilespmem:s23+$0xD100] =	vst v14  }
0x321: {  	v14 =	vadd.s32 $0x40, v2;
	[tilespmem:s6+$0x9280] =	vst v15;
	v6 =	vld.idx.msk [tilespmem:v6+s26+$0x0], $0xffff  }
0x322: {  	[tilespmem:s5+$0xD380] =	vst v4;
	v4 =	vadd.s32 $0xE0, v1;
	v16 =	vld.idx.msk [tilespmem:v16+s26+$0x0], $0xffff  }
0x323: {  	v15 =	vadd.s32 $0x180, v0;
	v7 =	vld.idx.msk [tilespmem:v7+s26+$0x0], $0xffff;
	[tilespmem:s24+$0xD080] =	vst v10  }
0x324: {  	v18 =	vadd.s32 $0xE0, v8;
	[tilespmem:s22+$0xD280] =	vst v13;
	v11 =	vld.idx.msk [tilespmem:v11+s26+$0x0], $0xffff  }
0x325: {  	v10 =	vadd.s32 $0x40, v27;
	[tilespmem:s7+$0x9080] =	vst v9;
	v32 =	vld.idx.msk [tilespmem:v17+s26+$0x0], $0xffff  }
0x326: {  	v28 =	vadd.s32 $0x1E0, v3;
	v35 =	vadd.s32 $0x1A0, v0;
	v20 =	vld.idx.msk [tilespmem:v14+s26+$0x0], $0xffff;
	[tilespmem:s25+$0x9300] =	vst v12;
	v12 =	vadd.s32 $0x160, v5  }
0x327: {  	v19 =	vadd.s32 $0x100, v8;
	v31 =	vadd.s32 $0x100, v1;
	v22 =	vadd.s32 $0x60, v2;
	v21 =	vld.idx.msk [tilespmem:v4+s26+$0x0], $0xffff;
	[tilespmem:s23+$0xD180] =	vst v6  }
0x328: {  	v37 =	vadd.s32 $0x60, v27;
	v26 =	vadd.s32 $0x80, v27;
	v24 =	vadd.s32 $0xA0, v27;
	[tilespmem:s6+$0x9300] =	vst v16;
	v30 =	vld.idx.msk [tilespmem:v15+s26+$0x0], $0xffff  }
0x329: {  	v23 =	vadd.s32 $0xC0, v27;
	v25 =	vadd.s32 $0x100, v27;
	v3 =	vadd.s32 $0x1E0, v5;
	[tilespmem:s28+$0x9080] =	vst v7;
	v36 =	vld.idx.msk [tilespmem:v18+s26+$0x0], $0xffff  }
0x32a: {  	v13 =	vadd.s32 $0x180, v8;
	v9 =	vadd.s32 $0x180, v5;
	v17 =	vadd.s32 $0x120, v8;
	v34 =	vld.idx.msk [tilespmem:v10+s26+$0x0], $0xffff;
	[tilespmem:s24+$0xD100] =	vst v11  }
0x32b: {  	v14 =	vadd.s32 $0x160, v8;
	v6 =	vadd.s32 $0x1A0, v5;
	v4 =	vadd.s32 $0x1C0, v5;
	[tilespmem:s7+$0x9100] =	vst v20;
	v29 =	vld.idx.msk [tilespmem:v12+s26+$0x0], $0xffff  }
0x32c: {  	v5 =	vadd.s32 $0x1E0, v8;
	v16 =	vadd.s32 $0x180, v27;
	v15 =	vadd.s32 $0x140, v8;
	v33 =	vld.idx.msk [tilespmem:v22+s26+$0x0], $0xffff;
	[tilespmem:s25+$0x9380] =	vst v21  }
0x32d: {  	v7 =	vadd.s32 $0x1C0, v8;
	v18 =	vadd.s32 $0x160, v27;
	v10 =	vadd.s32 $0x1A0, v8;
	v31 =	vld.idx.msk [tilespmem:v31+s26+$0x0], $0xffff;
	[tilespmem:s23+$0xD200] =	vst v30  }
0x32e: {  	v8 =	vadd.s32 $0x1E0, v27;
	[tilespmem:s22+$0xD300] =	vst v32;
	v11 =	vadd.s32 $0x1C0, v27;
	v30 =	vld.idx.msk [tilespmem:v35+s26+$0x0], $0xffff;
	v35 =	vadd.s32 $0x80, v2  }
0x32f: {  	v32 =	vadd.s32 $0x120, v1;
	v20 =	vadd.s32 $0x140, v27;
	v12 =	vadd.s32 $0x1A0, v27;
	v28 =	vld.idx.msk [tilespmem:v28+s26+$0x0], $0xffff;
	[tilespmem:s28+$0x9100] =	vst v34  }
0x330: {  	s8 =	simm.s32 $0x890;
	s5 =	simm.s32 $0x6;
	v22 =	vadd.s32 $0xE0, v27;
	v21 =	vadd.s32 $0x120, v27;
	v27 =	vadd.s32 $0x1C0, v0;
	[tilespmem:s6+$0x9380] =	vst v36;
	v34 =	vld.idx.msk [tilespmem:v37+s26+$0x0], $0xffff  }
.LBB2_9:
0x331: {  	v36 =	vld [tilespmem:s8+$0x0];
	s5 =	sadd.s32 $0x2, s5;
	[tilespmem:s24+$0xD180] =	vst v29  }
0x332: {  	v29 =	vld [tilespmem:s8+$0xFFFFFFF0];
	p0 =	slt.u32 s5, $0x7E;
	[tilespmem:s7+$0x9180] =	vst v33  }
0x333: {  	v33 =	vld.idx.msk [tilespmem:v35+s26+$0x0], $0xffff;
	[tilespmem:s25+$0xD000] =	vst v31  }
0x334: {  	v31 =	vld.idx.msk [tilespmem:v32+s26+$0x0], $0xffff;
	[tilespmem:s23+$0xD280] =	vst v30  }
0x335: {  	v30 =	vadd.s32 $0xA0, v2;
	v32 =	vld.idx.msk [tilespmem:v27+s26+$0x0], $0xffff;
	[tilespmem:s22+$0xD380] =	vst v28;
	s22 =	smov.u32 s24;
	s24 =	smov.u32 s6;
	s6 =	smov.u32 s28  }
0x336: {  	[tilespmem:s6+$0x9180] =	vst v34;
	v28 =	vld.idx.msk [tilespmem:v19+s26+$0x0], $0xffff;
	v34 =	vadd.s32 $0x140, v1;
	v19 =	vmov v25  }
0x337: {  	v39 =	vadd.s32 $0x1E0, v0;
	v0 =	vmovc v1;
	v1 =	vmovc v2;
	v35 =	vadd.s32 $0x20, v29;
	v37 =	vadd.s32 $0x40, v29;
	v38 =	vld.idx.msk [tilespmem:v26+s26+$0x0], $0xffff  }
0x338: {  	v2 =	vmovc v36;
	v27 =	vadd.s32 $0x60, v29;
	v26 =	vadd.s32 $0x80, v29;
	v40 =	vadd.s32 $0xA0, v29;
	v41 =	vld.idx.msk [tilespmem:v9+s26+$0x0], $0xffff;
	v9 =	vmovc v13  }
0x339: {  	v42 =	vadd.s32 $0xC0, v29;
	v43 =	vadd.s32 $0xE0, v29;
	v25 =	vadd.s32 $0x100, v29;
	v13 =	vmovc v16;
	v36 =	vld.idx.msk [tilespmem:v36+s26+$0x0], $0xffff;
	[tilespmem:s7+$0x9200] =	vst v33  }
0x33a: {  	v44 =	vadd.s32 $0x140, v29;
	v45 =	vadd.s32 $0x160, v29;
	v33 =	vadd.s32 $0x120, v29;
	v30 =	vld.idx.msk [tilespmem:v30+s26+$0x0], $0xffff;
	[tilespmem:s25+$0xD080] =	vst v31  }
0x33b: {  	v46 =	vadd.s32 $0x20, v2;
	v16 =	vadd.s32 $0x180, v29;
	v31 =	vadd.s32 $0x1A0, v29;
	v34 =	vld.idx.msk [tilespmem:v34+s26+$0x0], $0xffff;
	[tilespmem:s23+$0xD300] =	vst v32  }
0x33c: {  	s14 =	sadd.s32 $0x20, s14;
	s30 =	sadd.s32 $0x100, s30;
	v47 =	vadd.s32 $0x1E0, v29;
	v48 =	vadd.s32 $0xC0, v1;
	v32 =	vadd.s32 $0x1C0, v29;
	[tilespmem:s24+$0xD000] =	vst v28;
	v28 =	vld.idx.msk [tilespmem:v39+s26+$0x0], $0xffff  }
0x33d: {  	s31 =	sadd.s32 $0xFFFFFFF0, s14;
	s2 =	sand.u32 $0x70, s14;
	s28 =	sand.u32 $0x3C00, s30;
	v29 =	vld.idx.msk [tilespmem:v29+s26+$0x0], $0xffff;
	[tilespmem:s6+$0x9200] =	vst v38;
	v38 =	vadd.s32 $0x160, v0  }
0x33e: {  	s31 =	sand.u32 $0x60, s31;
	s2 =	sor.u32 s28, s2;
	v39 =	vld.idx.msk [tilespmem:v24+s26+$0x0], $0xffff;
	[tilespmem:s22+$0xD200] =	vst v41;
	v24 =	vmov v40  }
0x33f: {  	s28 =	sor.u32 s31, s28;
	[tilespmem:s2+$0x9000] =	vst v36;
	v36 =	vld.idx.msk [tilespmem:v17+s26+$0x0], $0xffff;
	v17 =	vmov v21;
	v21 =	vmov v33  }
0x340: {  	v33 =	vld.idx.msk [tilespmem:v46+s26+$0x0], $0xffff;
	[tilespmem:s7+$0x9280] =	vst v30  }
0x341: {  	v30 =	vld.idx.msk [tilespmem:v48+s26+$0x0], $0xffff;
	[tilespmem:s25+$0xD100] =	vst v34  }
0x342: {  	v34 =	vadd.s32 $0x40, v2;
	v38 =	vld.idx.msk [tilespmem:v38+s26+$0x0], $0xffff;
	[tilespmem:s23+$0xD380] =	vst v28;
	s23 =	smov.u32 s25;
	s25 =	smov.u32 s7;
	s7 =	smov.u32 s2  }
0x343: {  	v28 =	vadd.s32 $0xE0, v1;
	[tilespmem:s28+$0x9000] =	vst v29;
	v29 =	vld.idx.msk [tilespmem:v6+s26+$0x0], $0xffff;
	v6 =	vmovc v10;
	v10 =	vmov v12;
	v12 =	vmov v31  }
0x344: {  	v31 =	vld.idx.msk [tilespmem:v35+s26+$0x0], $0xffff;
	[tilespmem:s6+$0x9280] =	vst v39;
	v35 =	vadd.s32 $0x180, v0  }
0x345: {  	v39 =	vld.idx.msk [tilespmem:v23+s26+$0x0], $0xffff;
	[tilespmem:s24+$0xD080] =	vst v36;
	v23 =	vmov v42  }
0x346: {  	[tilespmem:s7+$0x9080] =	vst v33;
	v33 =	vld.idx.msk [tilespmem:v15+s26+$0x0], $0xffff;
	v15 =	vmov v20;
	v20 =	vmov v44  }
0x347: {  	v34 =	vld.idx.msk [tilespmem:v34+s26+$0x0], $0xffff;
	[tilespmem:s25+$0x9300] =	vst v30  }
0x348: {  	v28 =	vld.idx.msk [tilespmem:v28+s26+$0x0], $0xffff;
	[tilespmem:s23+$0xD180] =	vst v38  }
0x349: {  	v30 =	vadd.s32 $0x60, v2;
	v35 =	vld.idx.msk [tilespmem:v35+s26+$0x0], $0xffff;
	[tilespmem:s22+$0xD280] =	vst v29  }
0x34a: {  	[tilespmem:s28+$0x9080] =	vst v31;
	v31 =	vadd.s32 $0x100, v1;
	v36 =	vld.idx.msk [tilespmem:v4+s26+$0x0], $0xffff;
	v4 =	vmovc v7;
	v7 =	vmov v11;
	v11 =	vmov v32  }
0x34b: {  	v32 =	vld.idx.msk [tilespmem:v37+s26+$0x0], $0xffff;
	[tilespmem:s6+$0x9300] =	vst v39;
	v37 =	vadd.s32 $0x1A0, v0  }
0x34c: {  	v38 =	vld.idx.msk [tilespmem:v22+s26+$0x0], $0xffff;
	[tilespmem:s24+$0xD100] =	vst v33;
	v22 =	vmov v43  }
0x34d: {  	[tilespmem:s7+$0x9100] =	vst v34;
	v29 =	vld.idx.msk [tilespmem:v14+s26+$0x0], $0xffff;
	v14 =	vmov v18;
	v18 =	vmov v45  }
.Ltmp3:
0x34e: {  	v33 =	vld.idx.msk [tilespmem:v30+s26+$0x0], $0xffff;
	[tilespmem:s25+$0x9380] =	vst v28;
	(pc) =	sbr.rel @p0 .LBB2_9-.Ltmp3, $4  }
0x34f: {  	v31 =	vld.idx.msk [tilespmem:v31+s26+$0x0], $0xffff;
	[tilespmem:s23+$0xD200] =	vst v35  }
0x350: {  	v35 =	vadd.s32 $0x80, v2;
	v30 =	vld.idx.msk [tilespmem:v37+s26+$0x0], $0xffff;
	[tilespmem:s22+$0xD300] =	vst v36  }
0x351: {  	[tilespmem:s28+$0x9100] =	vst v32;
	v32 =	vadd.s32 $0x120, v1;
	v28 =	vld.idx.msk [tilespmem:v3+s26+$0x0], $0xffff;
	v3 =	vmovc v5;
	v5 =	vmov v8;
	v8 =	vmov v47  }
0x352: {  	s8 =	sadd.s32 $0x20, s8;
	v34 =	vld.idx.msk [tilespmem:v27+s26+$0x0], $0xffff;
	[tilespmem:s6+$0x9380] =	vst v38;
	v27 =	vadd.s32 $0x1C0, v0  }
0x353: {  	_ =	sdelay $0x2  }
0x354: {  	[tilespmem:s7+$0x9180] =	vst v33  }
0x355: {  	v33 =	vld.idx.msk [tilespmem:v35+s26+$0x0], $0xffff;
	[tilespmem:s28+$0x9180] =	vst v34  }
0x356: {  	v60 =	vadd.s32 $0xA0, v2;
	v26 =	vld.idx.msk [tilespmem:v26+s26+$0x0], $0xffff;
	_ =	sdelay $0x3  }
0x357: {  	[tilespmem:s7+$0x9200] =	vst v33  }
0x358: {  	v33 =	vld.idx.msk [tilespmem:v60+s26+$0x0], $0xffff;
	[tilespmem:s28+$0x9200] =	vst v26  }
0x359: {  	v26 =	vadd.s32 $0xC0, v2;
	v24 =	vld.idx.msk [tilespmem:v24+s26+$0x0], $0xffff;
	_ =	sdelay $0x3  }
0x35a: {  	[tilespmem:s7+$0x9280] =	vst v33  }
0x35b: {  	v26 =	vld.idx.msk [tilespmem:v26+s26+$0x0], $0xffff;
	[tilespmem:s28+$0x9280] =	vst v24  }
0x35c: {  	v24 =	vadd.s32 $0xE0, v2;
	v23 =	vld.idx.msk [tilespmem:v23+s26+$0x0], $0xffff;
	_ =	sdelay $0x3  }
0x35d: {  	[tilespmem:s7+$0x9300] =	vst v26  }
0x35e: {  	v24 =	vld.idx.msk [tilespmem:v24+s26+$0x0], $0xffff;
	[tilespmem:s28+$0x9300] =	vst v23  }
0x35f: {  	v23 =	vadd.s32 $0x100, v2;
	v22 =	vld.idx.msk [tilespmem:v22+s26+$0x0], $0xffff;
	_ =	sdelay $0x2  }
0x360: {  	v19 =	vld.idx.msk [tilespmem:v19+s26+$0x0], $0xffff  }
0x361: {  	[tilespmem:s7+$0x9380] =	vst v24  }
0x362: {  	v23 =	vld.idx.msk [tilespmem:v23+s26+$0x0], $0xffff;
	[tilespmem:s28+$0x9380] =	vst v22  }
0x363: {  	v22 =	vadd.s32 $0x120, v2;
	v24 =	vld.idx.msk [tilespmem:v25+s26+$0x0], $0xffff;
	_ =	sdelay $0x1  }
0x364: {  	[tilespmem:s6+$0xD000] =	vst v19  }
0x365: {  	[tilespmem:s25+$0xD000] =	vst v31;
	v17 =	vld.idx.msk [tilespmem:v17+s26+$0x0], $0xffff  }
0x366: {  	v25 =	vld.idx.msk [tilespmem:v32+s26+$0x0], $0xffff;
	[tilespmem:s7+$0xD000] =	vst v23  }
0x367: {  	v19 =	vadd.s32 $0x140, v1;
	v22 =	vld.idx.msk [tilespmem:v22+s26+$0x0], $0xffff;
	[tilespmem:s28+$0xD000] =	vst v24  }
0x368: {  	v23 =	vadd.s32 $0x140, v2;
	v21 =	vld.idx.msk [tilespmem:v21+s26+$0x0], $0xffff;
	_ =	sdelay $0x1  }
0x369: {  	[tilespmem:s6+$0xD080] =	vst v17  }
0x36a: {  	v15 =	vld.idx.msk [tilespmem:v15+s26+$0x0], $0xffff;
	[tilespmem:s25+$0xD080] =	vst v25  }
0x36b: {  	v19 =	vld.idx.msk [tilespmem:v19+s26+$0x0], $0xffff;
	[tilespmem:s7+$0xD080] =	vst v22  }
0x36c: {  	v17 =	vadd.s32 $0x160, v1;
	v22 =	vld.idx.msk [tilespmem:v23+s26+$0x0], $0xffff;
	[tilespmem:s28+$0xD080] =	vst v21  }
0x36d: {  	v21 =	vadd.s32 $0x160, v2;
	v20 =	vld.idx.msk [tilespmem:v20+s26+$0x0], $0xffff;
	_ =	sdelay $0x1  }
0x36e: {  	[tilespmem:s6+$0xD100] =	vst v15  }
0x36f: {  	v14 =	vld.idx.msk [tilespmem:v14+s26+$0x0], $0xffff;
	[tilespmem:s25+$0xD100] =	vst v19  }
0x370: {  	v17 =	vld.idx.msk [tilespmem:v17+s26+$0x0], $0xffff;
	[tilespmem:s7+$0xD100] =	vst v22  }
0x371: {  	v15 =	vadd.s32 $0x180, v1;
	v19 =	vld.idx.msk [tilespmem:v21+s26+$0x0], $0xffff;
	[tilespmem:s28+$0xD100] =	vst v20  }
0x372: {  	v20 =	vadd.s32 $0x180, v2;
	v18 =	vld.idx.msk [tilespmem:v18+s26+$0x0], $0xffff  }
0x373: {  	[tilespmem:s24+$0xD180] =	vst v29  }
0x374: {  	v9 =	vld.idx.msk [tilespmem:v9+s26+$0x0], $0xffff;
	[tilespmem:s6+$0xD180] =	vst v14  }
0x375: {  	v13 =	vld.idx.msk [tilespmem:v13+s26+$0x0], $0xffff;
	[tilespmem:s25+$0xD180] =	vst v17  }
0x376: {  	v15 =	vld.idx.msk [tilespmem:v15+s26+$0x0], $0xffff;
	[tilespmem:s7+$0xD180] =	vst v19  }
0x377: {  	v14 =	vadd.s32 $0x1A0, v1;
	v17 =	vld.idx.msk [tilespmem:v20+s26+$0x0], $0xffff;
	[tilespmem:s28+$0xD180] =	vst v18  }
0x378: {  	[tilespmem:s23+$0xD280] =	vst v30;
	v18 =	vadd.s32 $0x1A0, v2;
	v16 =	vld.idx.msk [tilespmem:v16+s26+$0x0], $0xffff  }
0x379: {  	[tilespmem:s24+$0xD200] =	vst v9  }
0x37a: {  	v6 =	vld.idx.msk [tilespmem:v6+s26+$0x0], $0xffff;
	[tilespmem:s6+$0xD200] =	vst v13  }
0x37b: {  	v10 =	vld.idx.msk [tilespmem:v10+s26+$0x0], $0xffff;
	[tilespmem:s25+$0xD200] =	vst v15  }
0x37c: {  	v9 =	vld.idx.msk [tilespmem:v14+s26+$0x0], $0xffff;
	[tilespmem:s7+$0xD200] =	vst v17  }
0x37d: {  	v13 =	vadd.s32 $0x1C0, v1;
	v14 =	vld.idx.msk [tilespmem:v18+s26+$0x0], $0xffff;
	[tilespmem:s28+$0xD200] =	vst v16  }
0x37e: {  	[tilespmem:s22+$0xD380] =	vst v28;
	v15 =	vadd.s32 $0x1C0, v2;
	v12 =	vld.idx.msk [tilespmem:v12+s26+$0x0], $0xffff  }
0x37f: {  	[tilespmem:s24+$0xD280] =	vst v6;
	v16 =	vld.idx.msk [tilespmem:v27+s26+$0x0], $0xffff  }
0x380: {  	v0 =	vadd.s32 $0x1E0, v0;
	v4 =	vld.idx.msk [tilespmem:v4+s26+$0x0], $0xffff;
	[tilespmem:s6+$0xD280] =	vst v10  }
0x381: {  	v7 =	vld.idx.msk [tilespmem:v7+s26+$0x0], $0xffff;
	[tilespmem:s25+$0xD280] =	vst v9  }
0x382: {  	v6 =	vld.idx.msk [tilespmem:v13+s26+$0x0], $0xffff;
	[tilespmem:s7+$0xD280] =	vst v14  }
0x383: {  	v1 =	vadd.s32 $0x1E0, v1;
	v9 =	vld.idx.msk [tilespmem:v15+s26+$0x0], $0xffff;
	[tilespmem:s28+$0xD280] =	vst v12  }
0x384: {  	v2 =	vadd.s32 $0x1E0, v2;
	[tilespmem:s23+$0xD300] =	vst v16;
	v10 =	vld.idx.msk [tilespmem:v11+s26+$0x0], $0xffff  }
0x385: {  	[tilespmem:s24+$0xD300] =	vst v4;
	v0 =	vld.idx.msk [tilespmem:v0+s26+$0x0], $0xffff  }
0x386: {  	v3 =	vld.idx.msk [tilespmem:v3+s26+$0x0], $0xffff;
	[tilespmem:s6+$0xD300] =	vst v7  }
0x387: {  	v4 =	vld.idx.msk [tilespmem:v5+s26+$0x0], $0xffff;
	[tilespmem:s25+$0xD300] =	vst v6  }
0x388: {  	v1 =	vld.idx.msk [tilespmem:v1+s26+$0x0], $0xffff;
	[tilespmem:s7+$0xD300] =	vst v9  }
0x389: {  	v2 =	vld.idx.msk [tilespmem:v2+s26+$0x0], $0xffff;
	[tilespmem:s28+$0xD300] =	vst v10  }
0x38a: {  	[tilespmem:s23+$0xD380] =	vst v0;
	v0 =	vld.idx.msk [tilespmem:v8+s26+$0x0], $0xffff  }
0x38b: {  	[tilespmem:s24+$0xD380] =	vst v3  }
0x38c: {  	[tilespmem:s6+$0xD380] =	vst v4  }
0x38d: {  	s2 =	sadd.s32 s21, s17;
	[tilespmem:s25+$0xD380] =	vst v1  }
0x38e: {  	s2 =	sshll.u32 s2, $0x7;
	[tilespmem:s7+$0xD380] =	vst v2  }
0x38f: {  	s31 =	simm.s32 $0x0;
	s8 =	simm.s32 $0x9000;
	s5 =	sadd.s32 s3, s2;
	[tilespmem:s28+$0xD380] =	vst v0  }
0x390: {  	[hbm4b:s5+s31] =	stream.linear.scatter [tilespmem:s8], [sflag:$0x5], $0x4000, $0x38;
	[tilespmem:$0x11200] =	vst v63  }
0x391: {  	s14 =	simm.s32 $0xD000;
	s2 =	sadd.s32 s2, s11  }
0x392: {  	[hbm4b:s2+s31] =	stream.linear.scatter [tilespmem:s14], [sflag:$0x6], $0x4000, $0x38;
	[tilespmem:$0x11200] =	vst v63  }
0x393: {  	s21 =	sadd.s32 s21, s19;
	_ =	swait.ge [sflag:s29], $0x800  }
0x394: {  	s2 =	sshll.u32 s21, $0x4;
	[sflag:s29] =	ssyncset.done $0x0  }
0x395: {  	s22 =	simm.s32 $0x800;
	s2 =	sadd.s32 s1, s2;
	[sflag:s29] =	ssyncadd.s32 $0xFFFFF800  }
0x396: {  	[tilespmem:s22], [sflag:$0x2] =	stream.linear.gather [hbm4b:s2+s31], $0x800, $0x38;
	[tilespmem:$0x11200] =	vst v63  }
0x397: {  	_ =	swait.ge [sflag:s9], $0x4000  }
0x398: {  	[sflag:s9] =	ssyncset.done $0x0  }
0x399: {  	[sflag:s9] =	ssyncadd.s32 $0xFFFFC000  }
0x39a: {  	_ =	swait.ge [sflag:s10], $0x4000  }
0x39b: {  	[sflag:s10] =	ssyncset.done $0x0  }
0x39c: {  	s23 =	simm.s32 $0x10;
	[sflag:s10] =	ssyncadd.s32 $0xFFFFC000  }
0x39d: {  	v4 =	vld [tilespmem:s23+$0x0];
	_ =	sdelay $0x3  }
0x39e: {  	v3 =	vld [tilespmem:s23+$0xFFFFFFF0];
	_ =	sdelay $0x3  }
0x39f: {  	v0 =	vld.idx.msk [tilespmem:v4+s26+$0x0], $0xffff  }
0x3a0: {  	v1 =	vadd.s32 $0x20, v4;
	_ =	sdelay $0x1  }
0x3a1: {  	s6 =	sand.u32 $0x3C00, s31;
	s2 =	sand.u32 $0x70, s23  }
0x3a2: {  	s5 =	sor.u32 s6, s2;
	v2 =	vld.idx.msk [tilespmem:v3+s26+$0x0], $0xffff  }
0x3a3: {  	v5 =	vadd.s32 $0x20, v3;
	[tilespmem:s5+$0x1000] =	vst v0  }
0x3a4: {  	s24 =	simm.s32 $0x0;
	v0 =	vld.idx.msk [tilespmem:v1+s26+$0x0], $0xffff  }
0x3a5: {  	s2 =	sand.u32 $0x60, s24;
	v1 =	vadd.s32 $0x40, v4  }
0x3a6: {  	s21 =	sor.u32 s2, s6  }
0x3a7: {  	[tilespmem:s21+$0x1000] =	vst v2  }
0x3a8: {  	v2 =	vld.idx.msk [tilespmem:v5+s26+$0x0], $0xffff  }
0x3a9: {  	v5 =	vadd.s32 $0x40, v3;
	[tilespmem:s5+$0x1080] =	vst v0  }
0x3aa: {  	v0 =	vld.idx.msk [tilespmem:v1+s26+$0x0], $0xffff  }
0x3ab: {  	v1 =	vadd.s32 $0x60, v4;
	_ =	sdelay $0x1  }
0x3ac: {  	[tilespmem:s21+$0x1080] =	vst v2  }
0x3ad: {  	v6 =	vld.idx.msk [tilespmem:v5+s26+$0x0], $0xffff  }
0x3ae: {  	v7 =	vadd.s32 $0x60, v3;
	[tilespmem:s5+$0x1100] =	vst v0  }
0x3af: {  	v1 =	vld.idx.msk [tilespmem:v1+s26+$0x0], $0xffff  }
0x3b0: {  	v2 =	vadd.s32 $0x80, v4  }
0x3b1: {  	s25 =	simm.s32 $0x30  }
0x3b2: {  	v0 =	vld [tilespmem:s25+$0x0];
	[tilespmem:s21+$0x1100] =	vst v6  }
0x3b3: {  	v6 =	vld.idx.msk [tilespmem:v7+s26+$0x0], $0xffff  }
0x3b4: {  	v7 =	vadd.s32 $0x80, v3;
	[tilespmem:s5+$0x1180] =	vst v1  }
0x3b5: {  	v1 =	vld.idx.msk [tilespmem:v2+s26+$0x0], $0xffff  }
0x3b6: {  	v5 =	vld [tilespmem:s25+$0xFFFFFFF0];
	v2 =	vadd.s32 $0xA0, v4;
	_ =	sdelay $0x1  }
0x3b7: {  	[tilespmem:s21+$0x1180] =	vst v6  }
0x3b8: {  	v7 =	vld.idx.msk [tilespmem:v7+s26+$0x0], $0xffff  }
0x3b9: {  	v11 =	vadd.s32 $0xA0, v3;
	v8 =	vld.idx.msk [tilespmem:v0+s26+$0x0], $0xffff;
	[tilespmem:s5+$0x1200] =	vst v1  }
0x3ba: {  	v1 =	vld.idx.msk [tilespmem:v2+s26+$0x0], $0xffff;
	v2 =	vadd.s32 $0x20, v0  }
0x3bb: {  	s30 =	simm.s32 $0x100  }
0x3bc: {  	s6 =	sand.u32 $0x3C00, s30;
	s2 =	sand.u32 $0x70, s25;
	v9 =	vadd.s32 $0xC0, v4  }
0x3bd: {  	s22 =	sor.u32 s6, s2;
	v10 =	vld.idx.msk [tilespmem:v5+s26+$0x0], $0xffff;
	[tilespmem:s21+$0x1200] =	vst v7  }
0x3be: {  	v6 =	vadd.s32 $0x20, v5;
	[tilespmem:s22+$0x1000] =	vst v8;
	v7 =	vld.idx.msk [tilespmem:v11+s26+$0x0], $0xffff  }
0x3bf: {  	s31 =	simm.s32 $0x20;
	v11 =	vadd.s32 $0xC0, v3;
	v2 =	vld.idx.msk [tilespmem:v2+s26+$0x0], $0xffff  }
0x3c0: {  	s8 =	sand.u32 $0x60, s31;
	v8 =	vadd.s32 $0x40, v0;
	[tilespmem:s5+$0x1280] =	vst v1  }
0x3c1: {  	s23 =	sor.u32 s8, s6;
	v1 =	vld.idx.msk [tilespmem:v9+s26+$0x0], $0xffff  }
0x3c2: {  	[tilespmem:s23+$0x1000] =	vst v10;
	v9 =	vadd.s32 $0xE0, v4  }
0x3c3: {  	v6 =	vld.idx.msk [tilespmem:v6+s26+$0x0], $0xffff;
	[tilespmem:s21+$0x1280] =	vst v7  }
0x3c4: {  	v10 =	vadd.s32 $0x40, v5;
	v7 =	vld.idx.msk [tilespmem:v11+s26+$0x0], $0xffff;
	[tilespmem:s22+$0x1080] =	vst v2  }
0x3c5: {  	v11 =	vadd.s32 $0xE0, v3;
	v2 =	vld.idx.msk [tilespmem:v8+s26+$0x0], $0xffff  }
0x3c6: {  	[tilespmem:s5+$0x1300] =	vst v1;
	v8 =	vadd.s32 $0x60, v0  }
0x3c7: {  	v1 =	vld.idx.msk [tilespmem:v9+s26+$0x0], $0xffff  }
0x3c8: {  	[tilespmem:s23+$0x1080] =	vst v6;
	v6 =	vadd.s32 $0x100, v4  }
0x3c9: {  	[tilespmem:s21+$0x1300] =	vst v7;
	v9 =	vld.idx.msk [tilespmem:v10+s26+$0x0], $0xffff  }
0x3ca: {  	v10 =	vadd.s32 $0x60, v5;
	v11 =	vld.idx.msk [tilespmem:v11+s26+$0x0], $0xffff;
	[tilespmem:s22+$0x1100] =	vst v2  }
0x3cb: {  	s14 =	simm.s32 $0x50;
	v2 =	vld.idx.msk [tilespmem:v8+s26+$0x0], $0xffff  }
0x3cc: {  	v12 =	vadd.s32 $0x80, v0;
	[tilespmem:s5+$0x1380] =	vst v1;
	v1 =	vld [tilespmem:s14+$0x0]  }
0x3cd: {  	v13 =	vadd.s32 $0x100, v3;
	v6 =	vld.idx.msk [tilespmem:v6+s26+$0x0], $0xffff  }
0x3ce: {  	[tilespmem:s23+$0x1100] =	vst v9;
	v9 =	vadd.s32 $0x120, v4;
	v8 =	vld [tilespmem:s14+$0xFFFFFFF0]  }
0x3cf: {  	v10 =	vld.idx.msk [tilespmem:v10+s26+$0x0], $0xffff  }
0x3d0: {  	v7 =	vadd.s32 $0x80, v5;
	[tilespmem:s22+$0x1180] =	vst v2  }
0x3d1: {  	[tilespmem:s21+$0x1380] =	vst v11;
	v2 =	vld.idx.msk [tilespmem:v12+s26+$0x0], $0xffff  }
0x3d2: {  	[tilespmem:s5+$0x5000] =	vst v6;
	v12 =	vld.idx.msk [tilespmem:v13+s26+$0x0], $0xffff  }
0x3d3: {  	v6 =	vld.idx.msk [tilespmem:v9+s26+$0x0], $0xffff;
	v9 =	vadd.s32 $0xA0, v0  }
0x3d4: {  	[tilespmem:s23+$0x1180] =	vst v10;
	v13 =	vadd.s32 $0x120, v3  }
0x3d5: {  	v10 =	vadd.s32 $0x140, v4;
	v7 =	vld.idx.msk [tilespmem:v7+s26+$0x0], $0xffff  }
0x3d6: {  	v11 =	vadd.s32 $0xA0, v5;
	v15 =	vld.idx.msk [tilespmem:v8+s26+$0x0], $0xffff;
	[tilespmem:s22+$0x1200] =	vst v2  }
0x3d7: {  	s24 =	simm.s32 $0x200;
	v16 =	vadd.s32 $0x20, v8;
	v14 =	vld.idx.msk [tilespmem:v1+s26+$0x0], $0xffff;
	[tilespmem:s21+$0x5000] =	vst v12  }
0x3d8: {  	s2 =	sand.u32 $0x70, s14;
	s6 =	sand.u32 $0x3C00, s24;
	s25 =	simm.s32 $0x40;
	v2 =	vld.idx.msk [tilespmem:v9+s26+$0x0], $0xffff;
	[tilespmem:s5+$0x5080] =	vst v6;
	v6 =	vadd.s32 $0x20, v1  }
0x3d9: {  	s24 =	sor.u32 s6, s2;
	s2 =	sand.u32 $0x60, s25;
	v13 =	vld.idx.msk [tilespmem:v13+s26+$0x0], $0xffff  }
0x3da: {  	s6 =	sor.u32 s2, s6;
	[tilespmem:s23+$0x1200] =	vst v7;
	v9 =	vld.idx.msk [tilespmem:v10+s26+$0x0], $0xffff;
	v10 =	vadd.s32 $0xC0, v0  }
0x3db: {  	v7 =	vadd.s32 $0x160, v4;
	v11 =	vld.idx.msk [tilespmem:v11+s26+$0x0], $0xffff;
	[tilespmem:s6+$0x1000] =	vst v15  }
0x3dc: {  	v12 =	vadd.s32 $0xC0, v5;
	[tilespmem:s24+$0x1000] =	vst v14;
	v15 =	vld.idx.msk [tilespmem:v16+s26+$0x0], $0xffff  }
0x3dd: {  	s25 =	simm.s32 $0x70;
	v14 =	vadd.s32 $0x140, v3;
	v6 =	vld.idx.msk [tilespmem:v6+s26+$0x0], $0xffff;
	[tilespmem:s22+$0x1280] =	vst v2  }
0x3de: {  	v27 =	vld [tilespmem:s25+$0xFFFFFFF0];
	v16 =	vadd.s32 $0x40, v8;
	[tilespmem:s21+$0x5080] =	vst v13  }
0x3df: {  	v2 =	vld.idx.msk [tilespmem:v10+s26+$0x0], $0xffff;
	[tilespmem:s5+$0x5100] =	vst v9;
	v9 =	vadd.s32 $0x40, v1  }
0x3e0: {  	v10 =	vadd.s32 $0xE0, v0;
	[tilespmem:s23+$0x1280] =	vst v11;
	v7 =	vld.idx.msk [tilespmem:v7+s26+$0x0], $0xffff  }
0x3e1: {  	v11 =	vadd.s32 $0x180, v4;
	v12 =	vld.idx.msk [tilespmem:v12+s26+$0x0], $0xffff;
	[tilespmem:s6+$0x1080] =	vst v15  }
0x3e2: {  	v13 =	vadd.s32 $0xE0, v5;
	[tilespmem:s24+$0x1080] =	vst v6;
	v6 =	vld.idx.msk [tilespmem:v14+s26+$0x0], $0xffff  }
0x3e3: {  	v15 =	vld.idx.msk [tilespmem:v16+s26+$0x0], $0xffff;
	v14 =	vadd.s32 $0x160, v3  }
0x3e4: {  	v16 =	vadd.s32 $0x60, v8;
	v9 =	vld.idx.msk [tilespmem:v9+s26+$0x0], $0xffff;
	[tilespmem:s22+$0x1300] =	vst v2  }
0x3e5: {  	v2 =	vld.idx.msk [tilespmem:v10+s26+$0x0], $0xffff;
	[tilespmem:s5+$0x5180] =	vst v7;
	v7 =	vadd.s32 $0x60, v1  }
0x3e6: {  	[tilespmem:s23+$0x1300] =	vst v12;
	v10 =	vld.idx.msk [tilespmem:v11+s26+$0x0], $0xffff  }
0x3e7: {  	v11 =	vadd.s32 $0x100, v0;
	v13 =	vld.idx.msk [tilespmem:v13+s26+$0x0], $0xffff;
	[tilespmem:s21+$0x5100] =	vst v6  }
0x3e8: {  	v12 =	vadd.s32 $0x1A0, v4;
	[tilespmem:s6+$0x1100] =	vst v15;
	v6 =	vld.idx.msk [tilespmem:v14+s26+$0x0], $0xffff  }
0x3e9: {  	[tilespmem:s24+$0x1100] =	vst v9;
	v14 =	vld.idx.msk [tilespmem:v16+s26+$0x0], $0xffff  }
0x3ea: {  	v16 =	vadd.s32 $0x100, v5;
	v7 =	vld.idx.msk [tilespmem:v7+s26+$0x0], $0xffff  }
0x3eb: {  	v17 =	vadd.s32 $0x80, v8;
	[tilespmem:s22+$0x1380] =	vst v2;
	v2 =	vld [tilespmem:s25+$0x0]  }
0x3ec: {  	v9 =	vld.idx.msk [tilespmem:v11+s26+$0x0], $0xffff;
	[tilespmem:s5+$0x5200] =	vst v10;
	v10 =	vadd.s32 $0x80, v1  }
0x3ed: {  	[tilespmem:s23+$0x1380] =	vst v13;
	v11 =	vld.idx.msk [tilespmem:v12+s26+$0x0], $0xffff;
	v12 =	vadd.s32 $0x120, v0  }
0x3ee: {  	v15 =	vadd.s32 $0x1C0, v4;
	[tilespmem:s6+$0x1180] =	vst v14  }
0x3ef: {  	v13 =	vld.idx.msk [tilespmem:v16+s26+$0x0], $0xffff;
	[tilespmem:s21+$0x5180] =	vst v6  }
0x3f0: {  	[tilespmem:s24+$0x1180] =	vst v7;
	v6 =	vld.idx.msk [tilespmem:v17+s26+$0x0], $0xffff  }
0x3f1: {  	v7 =	vadd.s32 $0x180, v3;
	v10 =	vld.idx.msk [tilespmem:v10+s26+$0x0], $0xffff;
	[tilespmem:s22+$0x5000] =	vst v9  }
0x3f2: {  	v9 =	vld.idx.msk [tilespmem:v12+s26+$0x0], $0xffff;
	[tilespmem:s5+$0x5280] =	vst v11;
	v11 =	vadd.s32 $0xA0, v1  }
0x3f3: {  	v14 =	vadd.s32 $0x140, v0;
	v12 =	vld.idx.msk [tilespmem:v15+s26+$0x0], $0xffff  }
0x3f4: {  	v15 =	vadd.s32 $0xA0, v8;
	v16 =	vld.idx.msk [tilespmem:v2+s26+$0x0], $0xffff  }
0x3f5: {  	v4 =	vadd.s32 $0x1E0, v4;
	[tilespmem:s23+$0x5000] =	vst v13;
	v13 =	vld.idx.msk [tilespmem:v27+s26+$0x0], $0xffff  }
0x3f6: {  	v7 =	vld.idx.msk [tilespmem:v7+s26+$0x0], $0xffff;
	[tilespmem:s24+$0x1200] =	vst v10;
	v10 =	vadd.s32 $0x120, v5  }
0x3f7: {  	s14 =	simm.s32 $0x300;
	v17 =	vadd.s32 $0x1A0, v3;
	v11 =	vld.idx.msk [tilespmem:v11+s26+$0x0], $0xffff;
	[tilespmem:s22+$0x5080] =	vst v9  }
0x3f8: {  	s31 =	sand.u32 $0x70, s25;
	s30 =	sand.u32 $0x3C00, s14;
	[tilespmem:s6+$0x1200] =	vst v6;
	v9 =	vadd.s32 $0x20, v2;
	v14 =	vld.idx.msk [tilespmem:v14+s26+$0x0], $0xffff  }
0x3f9: {  	s8 =	simm.s32 $0x60;
	s7 =	sor.u32 s30, s31;
	[tilespmem:s5+$0x5300] =	vst v12;
	v12 =	vadd.s32 $0xC0, v1;
	v15 =	vld.idx.msk [tilespmem:v15+s26+$0x0], $0xffff  }
0x3fa: {  	s8 =	sand.u32 $0x60, s8;
	v6 =	vadd.s32 $0x160, v0;
	[tilespmem:s7+$0x1000] =	vst v16;
	v4 =	vld.idx.msk [tilespmem:v4+s26+$0x0], $0xffff  }
0x3fb: {  	s28 =	sor.u32 s8, s30;
	v16 =	vadd.s32 $0xC0, v8;
	[tilespmem:s21+$0x5200] =	vst v7;
	v10 =	vld.idx.msk [tilespmem:v10+s26+$0x0], $0xffff  }
0x3fc: {  	[tilespmem:s28+$0x1000] =	vst v13;
	v7 =	vadd.s32 $0x20, v27;
	v13 =	vld.idx.msk [tilespmem:v17+s26+$0x0], $0xffff  }
0x3fd: {  	v9 =	vld.idx.msk [tilespmem:v9+s26+$0x0], $0xffff;
	[tilespmem:s24+$0x1280] =	vst v11;
	v11 =	vadd.s32 $0x140, v5  }
0x3fe: {  	v17 =	vadd.s32 $0x1C0, v3;
	v12 =	vld.idx.msk [tilespmem:v12+s26+$0x0], $0xffff;
	[tilespmem:s22+$0x5100] =	vst v14  }
0x3ff: {  	v14 =	vadd.s32 $0x40, v2;
	[tilespmem:s6+$0x1280] =	vst v15;
	v6 =	vld.idx.msk [tilespmem:v6+s26+$0x0], $0xffff  }
0x400: {  	[tilespmem:s5+$0x5380] =	vst v4;
	v4 =	vadd.s32 $0xE0, v1;
	v16 =	vld.idx.msk [tilespmem:v16+s26+$0x0], $0xffff  }
0x401: {  	v15 =	vadd.s32 $0x180, v0;
	v7 =	vld.idx.msk [tilespmem:v7+s26+$0x0], $0xffff;
	[tilespmem:s23+$0x5080] =	vst v10  }
0x402: {  	v18 =	vadd.s32 $0xE0, v8;
	[tilespmem:s21+$0x5280] =	vst v13;
	v11 =	vld.idx.msk [tilespmem:v11+s26+$0x0], $0xffff  }
0x403: {  	v10 =	vadd.s32 $0x40, v27;
	[tilespmem:s7+$0x1080] =	vst v9;
	v61 =	vld.idx.msk [tilespmem:v17+s26+$0x0], $0xffff  }
0x404: {  	v28 =	vadd.s32 $0x1E0, v3;
	v63 =	vadd.s32 $0x1A0, v0;
	v20 =	vld.idx.msk [tilespmem:v14+s26+$0x0], $0xffff;
	[tilespmem:s24+$0x1300] =	vst v12;
	v12 =	vadd.s32 $0x160, v5  }
0x405: {  	v37 =	vadd.s32 $0x60, v27;
	v26 =	vadd.s32 $0x80, v27;
	v24 =	vadd.s32 $0xA0, v27;
	v21 =	vld.idx.msk [tilespmem:v4+s26+$0x0], $0xffff;
	[tilespmem:s22+$0x5180] =	vst v6  }
0x406: {  	v23 =	vadd.s32 $0xC0, v27;
	v25 =	vadd.s32 $0x100, v27;
	v22 =	vadd.s32 $0x60, v2;
	[tilespmem:s6+$0x1300] =	vst v16;
	v30 =	vld.idx.msk [tilespmem:v15+s26+$0x0], $0xffff  }
0x407: {  	v19 =	vadd.s32 $0x100, v8;
	v31 =	vadd.s32 $0x100, v1;
	v32 =	vadd.s32 $0x120, v1;
	[tilespmem:s28+$0x1080] =	vst v7;
	v36 =	vld.idx.msk [tilespmem:v18+s26+$0x0], $0xffff  }
0x408: {  	v35 =	vadd.s32 $0x80, v2;
	v3 =	vadd.s32 $0x1E0, v5;
	v13 =	vadd.s32 $0x180, v8;
	v62 =	vld.idx.msk [tilespmem:v10+s26+$0x0], $0xffff;
	[tilespmem:s23+$0x5100] =	vst v11  }
0x409: {  	v9 =	vadd.s32 $0x180, v5;
	v17 =	vadd.s32 $0x120, v8;
	v14 =	vadd.s32 $0x160, v8;
	[tilespmem:s21+$0x5300] =	vst v61;
	v29 =	vld.idx.msk [tilespmem:v12+s26+$0x0], $0xffff  }
0x40a: {  	v6 =	vadd.s32 $0x1A0, v5;
	v4 =	vadd.s32 $0x1C0, v5;
	v5 =	vadd.s32 $0x1E0, v8;
	[tilespmem:s7+$0x1100] =	vst v20;
	v28 =	vld.idx.msk [tilespmem:v28+s26+$0x0], $0xffff  }
0x40b: {  	v16 =	vadd.s32 $0x180, v27;
	v15 =	vadd.s32 $0x140, v8;
	v7 =	vadd.s32 $0x1C0, v8;
	v33 =	vld.idx.msk [tilespmem:v22+s26+$0x0], $0xffff;
	[tilespmem:s24+$0x1380] =	vst v21  }
0x40c: {  	v18 =	vadd.s32 $0x160, v27;
	v10 =	vadd.s32 $0x1A0, v8;
	v8 =	vadd.s32 $0x1E0, v27;
	v31 =	vld.idx.msk [tilespmem:v31+s26+$0x0], $0xffff;
	[tilespmem:s22+$0x5200] =	vst v30  }
0x40d: {  	v11 =	vadd.s32 $0x1C0, v27;
	v20 =	vadd.s32 $0x140, v27;
	v12 =	vadd.s32 $0x1A0, v27;
	v30 =	vld.idx.msk [tilespmem:v63+s26+$0x0], $0xffff;
	[tilespmem:s28+$0x1100] =	vst v62  }
0x40e: {  	s8 =	simm.s32 $0x90;
	s5 =	simm.s32 $0x6;
	v22 =	vadd.s32 $0xE0, v27;
	v21 =	vadd.s32 $0x120, v27;
	v27 =	vadd.s32 $0x1C0, v0;
	[tilespmem:s6+$0x1380] =	vst v36;
	v34 =	vld.idx.msk [tilespmem:v37+s26+$0x0], $0xffff  }
.LBB2_11:
0x40f: {  	v36 =	vld [tilespmem:s8+$0x0];
	s5 =	sadd.s32 $0x2, s5;
	[tilespmem:s23+$0x5180] =	vst v29  }
0x410: {  	v29 =	vld [tilespmem:s8+$0xFFFFFFF0];
	p0 =	slt.u32 s5, $0x7E;
	[tilespmem:s7+$0x1180] =	vst v33  }
0x411: {  	v33 =	vld.idx.msk [tilespmem:v35+s26+$0x0], $0xffff;
	[tilespmem:s24+$0x5000] =	vst v31  }
0x412: {  	v31 =	vld.idx.msk [tilespmem:v32+s26+$0x0], $0xffff;
	[tilespmem:s22+$0x5280] =	vst v30  }
0x413: {  	v30 =	vadd.s32 $0xA0, v2;
	v32 =	vld.idx.msk [tilespmem:v27+s26+$0x0], $0xffff;
	[tilespmem:s21+$0x5380] =	vst v28;
	s21 =	smov.u32 s23;
	s23 =	smov.u32 s6;
	s6 =	smov.u32 s28  }
0x414: {  	[tilespmem:s6+$0x1180] =	vst v34;
	v28 =	vld.idx.msk [tilespmem:v19+s26+$0x0], $0xffff;
	v34 =	vadd.s32 $0x140, v1;
	v19 =	vmov v25  }
0x415: {  	v39 =	vadd.s32 $0x1E0, v0;
	v0 =	vmovc v1;
	v1 =	vmovc v2;
	v35 =	vadd.s32 $0x20, v29;
	v37 =	vadd.s32 $0x40, v29;
	v38 =	vld.idx.msk [tilespmem:v26+s26+$0x0], $0xffff  }
0x416: {  	v2 =	vmovc v36;
	v27 =	vadd.s32 $0x60, v29;
	v26 =	vadd.s32 $0x80, v29;
	v40 =	vadd.s32 $0xA0, v29;
	v41 =	vld.idx.msk [tilespmem:v9+s26+$0x0], $0xffff;
	v9 =	vmovc v13  }
0x417: {  	v42 =	vadd.s32 $0xC0, v29;
	v43 =	vadd.s32 $0xE0, v29;
	v25 =	vadd.s32 $0x100, v29;
	v13 =	vmovc v16;
	v36 =	vld.idx.msk [tilespmem:v36+s26+$0x0], $0xffff;
	[tilespmem:s7+$0x1200] =	vst v33  }
0x418: {  	v44 =	vadd.s32 $0x140, v29;
	v45 =	vadd.s32 $0x160, v29;
	v33 =	vadd.s32 $0x120, v29;
	v30 =	vld.idx.msk [tilespmem:v30+s26+$0x0], $0xffff;
	[tilespmem:s24+$0x5080] =	vst v31  }
0x419: {  	v46 =	vadd.s32 $0x20, v2;
	v16 =	vadd.s32 $0x180, v29;
	v31 =	vadd.s32 $0x1A0, v29;
	v34 =	vld.idx.msk [tilespmem:v34+s26+$0x0], $0xffff;
	[tilespmem:s22+$0x5300] =	vst v32  }
0x41a: {  	s25 =	sadd.s32 $0x20, s25;
	s14 =	sadd.s32 $0x100, s14;
	v47 =	vadd.s32 $0x1E0, v29;
	v48 =	vadd.s32 $0xC0, v1;
	v32 =	vadd.s32 $0x1C0, v29;
	[tilespmem:s23+$0x5000] =	vst v28;
	v28 =	vld.idx.msk [tilespmem:v39+s26+$0x0], $0xffff  }
0x41b: {  	s2 =	sand.u32 $0x3C00, s14;
	s30 =	sand.u32 $0x70, s25;
	s28 =	sadd.s32 $0xFFFFFFF0, s25;
	v29 =	vld.idx.msk [tilespmem:v29+s26+$0x0], $0xffff;
	[tilespmem:s6+$0x1200] =	vst v38;
	v38 =	vadd.s32 $0x160, v0  }
0x41c: {  	s30 =	sor.u32 s2, s30;
	s28 =	sand.u32 $0x60, s28;
	v39 =	vld.idx.msk [tilespmem:v24+s26+$0x0], $0xffff;
	[tilespmem:s21+$0x5200] =	vst v41;
	v24 =	vmov v40  }
0x41d: {  	s28 =	sor.u32 s28, s2;
	[tilespmem:s30+$0x1000] =	vst v36;
	v36 =	vld.idx.msk [tilespmem:v17+s26+$0x0], $0xffff;
	v17 =	vmov v21;
	v21 =	vmov v33  }
0x41e: {  	v33 =	vld.idx.msk [tilespmem:v46+s26+$0x0], $0xffff;
	[tilespmem:s7+$0x1280] =	vst v30  }
0x41f: {  	v30 =	vld.idx.msk [tilespmem:v48+s26+$0x0], $0xffff;
	[tilespmem:s24+$0x5100] =	vst v34  }
0x420: {  	v34 =	vadd.s32 $0x40, v2;
	v38 =	vld.idx.msk [tilespmem:v38+s26+$0x0], $0xffff;
	[tilespmem:s22+$0x5380] =	vst v28;
	s22 =	smov.u32 s24;
	s24 =	smov.u32 s7;
	s7 =	smov.u32 s30  }
0x421: {  	v28 =	vadd.s32 $0xE0, v1;
	[tilespmem:s28+$0x1000] =	vst v29;
	v29 =	vld.idx.msk [tilespmem:v6+s26+$0x0], $0xffff;
	v6 =	vmovc v10;
	v10 =	vmov v12;
	v12 =	vmov v31  }
0x422: {  	v31 =	vld.idx.msk [tilespmem:v35+s26+$0x0], $0xffff;
	[tilespmem:s6+$0x1280] =	vst v39;
	v35 =	vadd.s32 $0x180, v0  }
0x423: {  	v39 =	vld.idx.msk [tilespmem:v23+s26+$0x0], $0xffff;
	[tilespmem:s23+$0x5080] =	vst v36;
	v23 =	vmov v42  }
0x424: {  	[tilespmem:s7+$0x1080] =	vst v33;
	v33 =	vld.idx.msk [tilespmem:v15+s26+$0x0], $0xffff;
	v15 =	vmov v20;
	v20 =	vmov v44  }
0x425: {  	v34 =	vld.idx.msk [tilespmem:v34+s26+$0x0], $0xffff;
	[tilespmem:s24+$0x1300] =	vst v30  }
0x426: {  	v28 =	vld.idx.msk [tilespmem:v28+s26+$0x0], $0xffff;
	[tilespmem:s22+$0x5180] =	vst v38  }
0x427: {  	v30 =	vadd.s32 $0x60, v2;
	v35 =	vld.idx.msk [tilespmem:v35+s26+$0x0], $0xffff;
	[tilespmem:s21+$0x5280] =	vst v29  }
0x428: {  	[tilespmem:s28+$0x1080] =	vst v31;
	v31 =	vadd.s32 $0x100, v1;
	v36 =	vld.idx.msk [tilespmem:v4+s26+$0x0], $0xffff;
	v4 =	vmovc v7;
	v7 =	vmov v11;
	v11 =	vmov v32  }
0x429: {  	v32 =	vld.idx.msk [tilespmem:v37+s26+$0x0], $0xffff;
	[tilespmem:s6+$0x1300] =	vst v39;
	v37 =	vadd.s32 $0x1A0, v0  }
0x42a: {  	v38 =	vld.idx.msk [tilespmem:v22+s26+$0x0], $0xffff;
	[tilespmem:s23+$0x5100] =	vst v33;
	v22 =	vmov v43  }
0x42b: {  	[tilespmem:s7+$0x1100] =	vst v34;
	v29 =	vld.idx.msk [tilespmem:v14+s26+$0x0], $0xffff;
	v14 =	vmov v18;
	v18 =	vmov v45  }
.Ltmp4:
0x42c: {  	v33 =	vld.idx.msk [tilespmem:v30+s26+$0x0], $0xffff;
	[tilespmem:s24+$0x1380] =	vst v28;
	(pc) =	sbr.rel @p0 .LBB2_11-.Ltmp4, $4  }
0x42d: {  	v31 =	vld.idx.msk [tilespmem:v31+s26+$0x0], $0xffff;
	[tilespmem:s22+$0x5200] =	vst v35  }
0x42e: {  	v35 =	vadd.s32 $0x80, v2;
	v30 =	vld.idx.msk [tilespmem:v37+s26+$0x0], $0xffff;
	[tilespmem:s21+$0x5300] =	vst v36  }
0x42f: {  	[tilespmem:s28+$0x1100] =	vst v32;
	v32 =	vadd.s32 $0x120, v1;
	v28 =	vld.idx.msk [tilespmem:v3+s26+$0x0], $0xffff;
	v3 =	vmovc v5;
	v5 =	vmov v8;
	v8 =	vmov v47  }
0x430: {  	s8 =	sadd.s32 $0x20, s8;
	v34 =	vld.idx.msk [tilespmem:v27+s26+$0x0], $0xffff;
	[tilespmem:s6+$0x1380] =	vst v38;
	v27 =	vadd.s32 $0x1C0, v0  }
0x431: {  	_ =	sdelay $0x2  }
0x432: {  	[tilespmem:s7+$0x1180] =	vst v33  }
0x433: {  	v33 =	vld.idx.msk [tilespmem:v35+s26+$0x0], $0xffff;
	[tilespmem:s28+$0x1180] =	vst v34  }
0x434: {  	v63 =	vadd.s32 $0xA0, v2;
	v26 =	vld.idx.msk [tilespmem:v26+s26+$0x0], $0xffff;
	_ =	sdelay $0x3  }
0x435: {  	[tilespmem:s7+$0x1200] =	vst v33  }
0x436: {  	v33 =	vld.idx.msk [tilespmem:v63+s26+$0x0], $0xffff;
	[tilespmem:s28+$0x1200] =	vst v26  }
0x437: {  	v36 =	vadd.s32 $0xC0, v2;
	v24 =	vld.idx.msk [tilespmem:v24+s26+$0x0], $0xffff;
	_ =	sdelay $0x3  }
0x438: {  	[tilespmem:s7+$0x1280] =	vst v33  }
0x439: {  	v26 =	vld.idx.msk [tilespmem:v36+s26+$0x0], $0xffff;
	[tilespmem:s28+$0x1280] =	vst v24  }
0x43a: {  	v37 =	vadd.s32 $0xE0, v2;
	v23 =	vld.idx.msk [tilespmem:v23+s26+$0x0], $0xffff;
	_ =	sdelay $0x3  }
0x43b: {  	[tilespmem:s7+$0x1300] =	vst v26  }
0x43c: {  	v24 =	vld.idx.msk [tilespmem:v37+s26+$0x0], $0xffff;
	[tilespmem:s28+$0x1300] =	vst v23  }
0x43d: {  	v38 =	vadd.s32 $0x100, v2;
	v22 =	vld.idx.msk [tilespmem:v22+s26+$0x0], $0xffff;
	_ =	sdelay $0x3  }
0x43e: {  	v19 =	vld.idx.msk [tilespmem:v19+s26+$0x0], $0xffff;
	[tilespmem:s7+$0x1380] =	vst v24  }
0x43f: {  	v23 =	vld.idx.msk [tilespmem:v38+s26+$0x0], $0xffff;
	[tilespmem:s28+$0x1380] =	vst v22  }
0x440: {  	v39 =	vadd.s32 $0x120, v2;
	v40 =	vld.idx.msk [tilespmem:v25+s26+$0x0], $0xffff;
	_ =	sdelay $0x1  }
0x441: {  	[tilespmem:s24+$0x5000] =	vst v31  }
0x442: {  	v41 =	vld.idx.msk [tilespmem:v32+s26+$0x0], $0xffff;
	[tilespmem:s6+$0x5000] =	vst v19  }
0x443: {  	v42 =	vadd.s32 $0x140, v1;
	v17 =	vld.idx.msk [tilespmem:v17+s26+$0x0], $0xffff;
	[tilespmem:s7+$0x5000] =	vst v23  }
0x444: {  	v22 =	vld.idx.msk [tilespmem:v39+s26+$0x0], $0xffff;
	[tilespmem:s28+$0x5000] =	vst v40  }
0x445: {  	v43 =	vadd.s32 $0x140, v2;
	v21 =	vld.idx.msk [tilespmem:v21+s26+$0x0], $0xffff;
	_ =	sdelay $0x1  }
0x446: {  	[tilespmem:s24+$0x5080] =	vst v41  }
0x447: {  	v19 =	vld.idx.msk [tilespmem:v42+s26+$0x0], $0xffff;
	[tilespmem:s6+$0x5080] =	vst v17  }
0x448: {  	v44 =	vadd.s32 $0x160, v1;
	v15 =	vld.idx.msk [tilespmem:v15+s26+$0x0], $0xffff;
	[tilespmem:s7+$0x5080] =	vst v22  }
0x449: {  	v22 =	vld.idx.msk [tilespmem:v43+s26+$0x0], $0xffff;
	[tilespmem:s28+$0x5080] =	vst v21  }
0x44a: {  	v45 =	vadd.s32 $0x160, v2;
	v20 =	vld.idx.msk [tilespmem:v20+s26+$0x0], $0xffff;
	_ =	sdelay $0x1  }
0x44b: {  	[tilespmem:s24+$0x5100] =	vst v19  }
0x44c: {  	v17 =	vld.idx.msk [tilespmem:v44+s26+$0x0], $0xffff;
	[tilespmem:s6+$0x5100] =	vst v15  }
0x44d: {  	v46 =	vadd.s32 $0x180, v1;
	v14 =	vld.idx.msk [tilespmem:v14+s26+$0x0], $0xffff;
	[tilespmem:s7+$0x5100] =	vst v22  }
0x44e: {  	v47 =	vld.idx.msk [tilespmem:v45+s26+$0x0], $0xffff;
	[tilespmem:s28+$0x5100] =	vst v20  }
0x44f: {  	v48 =	vadd.s32 $0x180, v2;
	v18 =	vld.idx.msk [tilespmem:v18+s26+$0x0], $0xffff  }
0x450: {  	[tilespmem:s23+$0x5180] =	vst v29  }
0x451: {  	v9 =	vld.idx.msk [tilespmem:v9+s26+$0x0], $0xffff;
	[tilespmem:s24+$0x5180] =	vst v17  }
0x452: {  	v15 =	vld.idx.msk [tilespmem:v46+s26+$0x0], $0xffff;
	[tilespmem:s6+$0x5180] =	vst v14  }
0x453: {  	v49 =	vadd.s32 $0x1A0, v1;
	v13 =	vld.idx.msk [tilespmem:v13+s26+$0x0], $0xffff;
	[tilespmem:s7+$0x5180] =	vst v47  }
0x454: {  	v50 =	vld.idx.msk [tilespmem:v48+s26+$0x0], $0xffff;
	[tilespmem:s28+$0x5180] =	vst v18  }
0x455: {  	v51 =	vadd.s32 $0x1A0, v2;
	[tilespmem:s22+$0x5280] =	vst v30;
	v16 =	vld.idx.msk [tilespmem:v16+s26+$0x0], $0xffff  }
0x456: {  	[tilespmem:s23+$0x5200] =	vst v9  }
0x457: {  	v6 =	vld.idx.msk [tilespmem:v6+s26+$0x0], $0xffff;
	[tilespmem:s24+$0x5200] =	vst v15  }
0x458: {  	v52 =	vld.idx.msk [tilespmem:v49+s26+$0x0], $0xffff;
	[tilespmem:s6+$0x5200] =	vst v13  }
0x459: {  	v53 =	vadd.s32 $0x1C0, v1;
	v10 =	vld.idx.msk [tilespmem:v10+s26+$0x0], $0xffff;
	[tilespmem:s7+$0x5200] =	vst v50  }
0x45a: {  	v54 =	vld.idx.msk [tilespmem:v51+s26+$0x0], $0xffff;
	[tilespmem:s28+$0x5200] =	vst v16  }
0x45b: {  	v55 =	vadd.s32 $0x1C0, v2;
	[tilespmem:s21+$0x5380] =	vst v28;
	v12 =	vld.idx.msk [tilespmem:v12+s26+$0x0], $0xffff  }
0x45c: {  	v56 =	vld.idx.msk [tilespmem:v27+s26+$0x0], $0xffff;
	[tilespmem:s23+$0x5280] =	vst v6  }
0x45d: {  	v0 =	vadd.s32 $0x1E0, v0;
	v4 =	vld.idx.msk [tilespmem:v4+s26+$0x0], $0xffff;
	[tilespmem:s24+$0x5280] =	vst v52  }
0x45e: {  	v57 =	vld.idx.msk [tilespmem:v53+s26+$0x0], $0xffff;
	[tilespmem:s6+$0x5280] =	vst v10  }
0x45f: {  	v58 =	vadd.s32 $0x1E0, v1;
	v7 =	vld.idx.msk [tilespmem:v7+s26+$0x0], $0xffff;
	[tilespmem:s7+$0x5280] =	vst v54  }
0x460: {  	v59 =	vld.idx.msk [tilespmem:v55+s26+$0x0], $0xffff;
	[tilespmem:s28+$0x5280] =	vst v12  }
0x461: {  	v60 =	vadd.s32 $0x1E0, v2;
	[tilespmem:s22+$0x5300] =	vst v56;
	v61 =	vld.idx.msk [tilespmem:v11+s26+$0x0], $0xffff  }
0x462: {  	v0 =	vld.idx.msk [tilespmem:v0+s26+$0x0], $0xffff;
	[tilespmem:s23+$0x5300] =	vst v4  }
0x463: {  	v3 =	vld.idx.msk [tilespmem:v3+s26+$0x0], $0xffff;
	[tilespmem:s24+$0x5300] =	vst v57  }
0x464: {  	v1 =	vld.idx.msk [tilespmem:v58+s26+$0x0], $0xffff;
	[tilespmem:s6+$0x5300] =	vst v7  }
0x465: {  	v62 =	vld.idx.msk [tilespmem:v5+s26+$0x0], $0xffff;
	[tilespmem:s7+$0x5300] =	vst v59  }
0x466: {  	v2 =	vld.idx.msk [tilespmem:v60+s26+$0x0], $0xffff;
	[tilespmem:s28+$0x5300] =	vst v61  }
0x467: {  	[tilespmem:s22+$0x5380] =	vst v0;
	v63 =	vld.idx.msk [tilespmem:v8+s26+$0x0], $0xffff  }
0x468: {  	[tilespmem:s23+$0x5380] =	vst v3  }
0x469: {  	s16 =	sadd.s32 $0x1, s16;
	[tilespmem:s24+$0x5380] =	vst v1  }
0x46a: {  	p0 =	sne.s32 s16, $0x16;
	[tilespmem:s6+$0x5380] =	vst v62  }
.Ltmp5:
0x46b: {  	s2 =	sshll.u32 s20, $0x7;
	[tilespmem:s7+$0x5380] =	vst v2;
	(pc) =	sbr.rel @p0 .LBB2_8-.Ltmp5, $4  }
0x46c: {  	s30 =	simm.s32 $0x1000;
	s5 =	sadd.s32 s3, s2;
	[tilespmem:s28+$0x5380] =	vst v63  }
0x46d: {  	[hbm4b:s5+s4] =	stream.linear.scatter [tilespmem:s30], [sflag:$0x3], $0x4000, $0x38;
	[tilespmem:$0x11200] =	vst v63  }
0x46e: {  	s31 =	simm.s32 $0x5000;
	s2 =	sadd.s32 s2, s11  }
0x46f: {  	[hbm4b:s2+s4] =	stream.linear.scatter [tilespmem:s31], [sflag:$0x4], $0x4000, $0x38;
	[tilespmem:$0x11200] =	vst v63  }
0x470: {  	_ =	swait.ge [sflag:s0], $0x800  }
0x471: {  	[sflag:s0] =	ssyncset.done $0x0  }
0x472: {  	s2 =	simm.s32 $0x0;
	s5 =	rddreg [dreg:$0xf];
	[sflag:s0] =	ssyncadd.s32 $0xFFFFF800  }
0x473: {  	[tilespmem:s2], [sflag:$0x1] =	stream.linear.gather [hbm4b:s5+s2], $0x800, $0x38;
	[tilespmem:$0x11200] =	vst v63  }
0x474: {  	_ =	swait.ge [sflag:s12], $0x4000  }
0x475: {  	[sflag:s12] =	ssyncset.done $0x0  }
0x476: {  	[sflag:s12] =	ssyncadd.s32 $0xFFFFC000  }
0x477: {  	_ =	swait.ge [sflag:s13], $0x4000  }
0x478: {  	[sflag:s13] =	ssyncset.done $0x0  }
0x479: {  	s7 =	simm.s32 $0x810;
	[sflag:s13] =	ssyncadd.s32 $0xFFFFC000  }
0x47a: {  	v4 =	vld [tilespmem:s7+$0x0];
	_ =	sdelay $0x3  }
0x47b: {  	v3 =	vld [tilespmem:s7+$0xFFFFFFF0];
	_ =	sdelay $0x3  }
0x47c: {  	v0 =	vld.idx.msk [tilespmem:v4+s26+$0x0], $0xffff  }
0x47d: {  	v1 =	vadd.s32 $0x20, v4  }
0x47e: {  	s8 =	simm.s32 $0x10  }
0x47f: {  	s2 =	sand.u32 $0x3C00, s2;
	s5 =	sand.u32 $0x70, s8  }
0x480: {  	s5 =	sor.u32 s2, s5;
	v2 =	vld.idx.msk [tilespmem:v3+s26+$0x0], $0xffff  }
0x481: {  	v5 =	vadd.s32 $0x20, v3;
	[tilespmem:s5+$0x9000] =	vst v0  }
0x482: {  	s6 =	simm.s32 $0x0;
	v0 =	vld.idx.msk [tilespmem:v1+s26+$0x0], $0xffff  }
0x483: {  	s6 =	sand.u32 $0x60, s6;
	v1 =	vadd.s32 $0x40, v4  }
0x484: {  	s15 =	sor.u32 s6, s2  }
0x485: {  	[tilespmem:s15+$0x9000] =	vst v2  }
0x486: {  	v2 =	vld.idx.msk [tilespmem:v5+s26+$0x0], $0xffff  }
0x487: {  	v5 =	vadd.s32 $0x40, v3;
	[tilespmem:s5+$0x9080] =	vst v0  }
0x488: {  	v0 =	vld.idx.msk [tilespmem:v1+s26+$0x0], $0xffff  }
0x489: {  	v1 =	vadd.s32 $0x60, v4;
	_ =	sdelay $0x1  }
0x48a: {  	[tilespmem:s15+$0x9080] =	vst v2  }
0x48b: {  	v6 =	vld.idx.msk [tilespmem:v5+s26+$0x0], $0xffff  }
0x48c: {  	v7 =	vadd.s32 $0x60, v3;
	[tilespmem:s5+$0x9100] =	vst v0  }
0x48d: {  	v1 =	vld.idx.msk [tilespmem:v1+s26+$0x0], $0xffff  }
0x48e: {  	v2 =	vadd.s32 $0x80, v4  }
0x48f: {  	s14 =	simm.s32 $0x830  }
0x490: {  	v0 =	vld [tilespmem:s14+$0x0];
	[tilespmem:s15+$0x9100] =	vst v6  }
0x491: {  	v6 =	vld.idx.msk [tilespmem:v7+s26+$0x0], $0xffff  }
0x492: {  	v7 =	vadd.s32 $0x80, v3;
	[tilespmem:s5+$0x9180] =	vst v1  }
0x493: {  	v1 =	vld.idx.msk [tilespmem:v2+s26+$0x0], $0xffff  }
0x494: {  	v5 =	vld [tilespmem:s14+$0xFFFFFFF0];
	v2 =	vadd.s32 $0xA0, v4;
	_ =	sdelay $0x1  }
0x495: {  	[tilespmem:s15+$0x9180] =	vst v6  }
0x496: {  	v7 =	vld.idx.msk [tilespmem:v7+s26+$0x0], $0xffff  }
0x497: {  	v11 =	vadd.s32 $0xA0, v3;
	v8 =	vld.idx.msk [tilespmem:v0+s26+$0x0], $0xffff;
	[tilespmem:s5+$0x9200] =	vst v1  }
0x498: {  	v1 =	vld.idx.msk [tilespmem:v2+s26+$0x0], $0xffff;
	v2 =	vadd.s32 $0x20, v0  }
0x499: {  	s16 =	simm.s32 $0x30;
	s20 =	simm.s32 $0x100  }
0x49a: {  	s6 =	sand.u32 $0x3C00, s20;
	s2 =	sand.u32 $0x70, s16;
	v9 =	vadd.s32 $0xC0, v4  }
0x49b: {  	s16 =	sor.u32 s6, s2;
	v10 =	vld.idx.msk [tilespmem:v5+s26+$0x0], $0xffff;
	[tilespmem:s15+$0x9200] =	vst v7  }
0x49c: {  	v6 =	vadd.s32 $0x20, v5;
	[tilespmem:s16+$0x9000] =	vst v8;
	v7 =	vld.idx.msk [tilespmem:v11+s26+$0x0], $0xffff  }
0x49d: {  	s7 =	simm.s32 $0x20;
	v11 =	vadd.s32 $0xC0, v3;
	v2 =	vld.idx.msk [tilespmem:v2+s26+$0x0], $0xffff  }
0x49e: {  	s21 =	sand.u32 $0x60, s7;
	v8 =	vadd.s32 $0x40, v0;
	[tilespmem:s5+$0x9280] =	vst v1  }
0x49f: {  	s20 =	sor.u32 s21, s6;
	v1 =	vld.idx.msk [tilespmem:v9+s26+$0x0], $0xffff  }
0x4a0: {  	[tilespmem:s20+$0x9000] =	vst v10;
	v9 =	vadd.s32 $0xE0, v4  }
0x4a1: {  	v6 =	vld.idx.msk [tilespmem:v6+s26+$0x0], $0xffff;
	[tilespmem:s15+$0x9280] =	vst v7  }
0x4a2: {  	v10 =	vadd.s32 $0x40, v5;
	v7 =	vld.idx.msk [tilespmem:v11+s26+$0x0], $0xffff;
	[tilespmem:s16+$0x9080] =	vst v2  }
0x4a3: {  	v11 =	vadd.s32 $0xE0, v3;
	v2 =	vld.idx.msk [tilespmem:v8+s26+$0x0], $0xffff  }
0x4a4: {  	[tilespmem:s5+$0x9300] =	vst v1;
	v8 =	vadd.s32 $0x60, v0  }
0x4a5: {  	v1 =	vld.idx.msk [tilespmem:v9+s26+$0x0], $0xffff  }
0x4a6: {  	[tilespmem:s20+$0x9080] =	vst v6;
	v6 =	vadd.s32 $0x100, v4  }
0x4a7: {  	[tilespmem:s15+$0x9300] =	vst v7;
	v9 =	vld.idx.msk [tilespmem:v10+s26+$0x0], $0xffff  }
0x4a8: {  	v10 =	vadd.s32 $0x60, v5;
	v11 =	vld.idx.msk [tilespmem:v11+s26+$0x0], $0xffff;
	[tilespmem:s16+$0x9100] =	vst v2  }
0x4a9: {  	s22 =	simm.s32 $0x850;
	v2 =	vld.idx.msk [tilespmem:v8+s26+$0x0], $0xffff  }
0x4aa: {  	v12 =	vadd.s32 $0x80, v0;
	[tilespmem:s5+$0x9380] =	vst v1;
	v1 =	vld [tilespmem:s22+$0x0]  }
0x4ab: {  	v13 =	vadd.s32 $0x100, v3;
	v6 =	vld.idx.msk [tilespmem:v6+s26+$0x0], $0xffff  }
0x4ac: {  	[tilespmem:s20+$0x9100] =	vst v9;
	v9 =	vadd.s32 $0x120, v4;
	v8 =	vld [tilespmem:s22+$0xFFFFFFF0]  }
0x4ad: {  	v10 =	vld.idx.msk [tilespmem:v10+s26+$0x0], $0xffff  }
0x4ae: {  	v7 =	vadd.s32 $0x80, v5;
	[tilespmem:s16+$0x9180] =	vst v2  }
0x4af: {  	[tilespmem:s15+$0x9380] =	vst v11;
	v2 =	vld.idx.msk [tilespmem:v12+s26+$0x0], $0xffff  }
0x4b0: {  	[tilespmem:s5+$0xD000] =	vst v6;
	v12 =	vld.idx.msk [tilespmem:v13+s26+$0x0], $0xffff  }
0x4b1: {  	v6 =	vld.idx.msk [tilespmem:v9+s26+$0x0], $0xffff;
	v9 =	vadd.s32 $0xA0, v0  }
0x4b2: {  	[tilespmem:s20+$0x9180] =	vst v10;
	v13 =	vadd.s32 $0x120, v3  }
0x4b3: {  	v10 =	vadd.s32 $0x140, v4;
	v7 =	vld.idx.msk [tilespmem:v7+s26+$0x0], $0xffff  }
0x4b4: {  	v11 =	vadd.s32 $0xA0, v5;
	v15 =	vld.idx.msk [tilespmem:v8+s26+$0x0], $0xffff;
	[tilespmem:s16+$0x9200] =	vst v2  }
0x4b5: {  	s23 =	simm.s32 $0x50;
	s24 =	simm.s32 $0x200;
	v16 =	vadd.s32 $0x20, v8;
	v14 =	vld.idx.msk [tilespmem:v1+s26+$0x0], $0xffff;
	[tilespmem:s15+$0xD000] =	vst v12  }
0x4b6: {  	s25 =	simm.s32 $0x40;
	s2 =	sand.u32 $0x70, s23;
	s6 =	sand.u32 $0x3C00, s24;
	v2 =	vld.idx.msk [tilespmem:v9+s26+$0x0], $0xffff;
	[tilespmem:s5+$0xD080] =	vst v6;
	v6 =	vadd.s32 $0x20, v1  }
0x4b7: {  	s21 =	sor.u32 s6, s2;
	s2 =	sand.u32 $0x60, s25;
	v13 =	vld.idx.msk [tilespmem:v13+s26+$0x0], $0xffff  }
0x4b8: {  	s6 =	sor.u32 s2, s6;
	[tilespmem:s20+$0x9200] =	vst v7;
	v9 =	vld.idx.msk [tilespmem:v10+s26+$0x0], $0xffff;
	v10 =	vadd.s32 $0xC0, v0  }
0x4b9: {  	v7 =	vadd.s32 $0x160, v4;
	v11 =	vld.idx.msk [tilespmem:v11+s26+$0x0], $0xffff;
	[tilespmem:s6+$0x9000] =	vst v15  }
0x4ba: {  	v12 =	vadd.s32 $0xC0, v5;
	[tilespmem:s21+$0x9000] =	vst v14;
	v15 =	vld.idx.msk [tilespmem:v16+s26+$0x0], $0xffff  }
0x4bb: {  	s28 =	simm.s32 $0x870;
	v14 =	vadd.s32 $0x140, v3;
	v6 =	vld.idx.msk [tilespmem:v6+s26+$0x0], $0xffff;
	[tilespmem:s16+$0x9280] =	vst v2  }
0x4bc: {  	v27 =	vld [tilespmem:s28+$0xFFFFFFF0];
	v16 =	vadd.s32 $0x40, v8;
	[tilespmem:s15+$0xD080] =	vst v13  }
0x4bd: {  	v2 =	vld.idx.msk [tilespmem:v10+s26+$0x0], $0xffff;
	[tilespmem:s5+$0xD100] =	vst v9;
	v9 =	vadd.s32 $0x40, v1  }
0x4be: {  	v10 =	vadd.s32 $0xE0, v0;
	[tilespmem:s20+$0x9280] =	vst v11;
	v7 =	vld.idx.msk [tilespmem:v7+s26+$0x0], $0xffff  }
0x4bf: {  	v11 =	vadd.s32 $0x180, v4;
	v12 =	vld.idx.msk [tilespmem:v12+s26+$0x0], $0xffff;
	[tilespmem:s6+$0x9080] =	vst v15  }
0x4c0: {  	v13 =	vadd.s32 $0xE0, v5;
	[tilespmem:s21+$0x9080] =	vst v6;
	v6 =	vld.idx.msk [tilespmem:v14+s26+$0x0], $0xffff  }
0x4c1: {  	v15 =	vld.idx.msk [tilespmem:v16+s26+$0x0], $0xffff;
	v14 =	vadd.s32 $0x160, v3  }
0x4c2: {  	v16 =	vadd.s32 $0x60, v8;
	v9 =	vld.idx.msk [tilespmem:v9+s26+$0x0], $0xffff;
	[tilespmem:s16+$0x9300] =	vst v2  }
0x4c3: {  	v2 =	vld.idx.msk [tilespmem:v10+s26+$0x0], $0xffff;
	[tilespmem:s5+$0xD180] =	vst v7;
	v7 =	vadd.s32 $0x60, v1  }
0x4c4: {  	[tilespmem:s20+$0x9300] =	vst v12;
	v10 =	vld.idx.msk [tilespmem:v11+s26+$0x0], $0xffff  }
0x4c5: {  	v11 =	vadd.s32 $0x100, v0;
	v13 =	vld.idx.msk [tilespmem:v13+s26+$0x0], $0xffff;
	[tilespmem:s15+$0xD100] =	vst v6  }
0x4c6: {  	v12 =	vadd.s32 $0x1A0, v4;
	[tilespmem:s6+$0x9100] =	vst v15;
	v6 =	vld.idx.msk [tilespmem:v14+s26+$0x0], $0xffff  }
0x4c7: {  	[tilespmem:s21+$0x9100] =	vst v9;
	v14 =	vld.idx.msk [tilespmem:v16+s26+$0x0], $0xffff  }
0x4c8: {  	v16 =	vadd.s32 $0x100, v5;
	v7 =	vld.idx.msk [tilespmem:v7+s26+$0x0], $0xffff  }
0x4c9: {  	v17 =	vadd.s32 $0x80, v8;
	[tilespmem:s16+$0x9380] =	vst v2;
	v2 =	vld [tilespmem:s28+$0x0]  }
0x4ca: {  	v9 =	vld.idx.msk [tilespmem:v11+s26+$0x0], $0xffff;
	[tilespmem:s5+$0xD200] =	vst v10;
	v10 =	vadd.s32 $0x80, v1  }
0x4cb: {  	[tilespmem:s20+$0x9380] =	vst v13;
	v11 =	vld.idx.msk [tilespmem:v12+s26+$0x0], $0xffff;
	v12 =	vadd.s32 $0x120, v0  }
0x4cc: {  	v15 =	vadd.s32 $0x1C0, v4;
	[tilespmem:s6+$0x9180] =	vst v14  }
0x4cd: {  	v13 =	vld.idx.msk [tilespmem:v16+s26+$0x0], $0xffff;
	[tilespmem:s15+$0xD180] =	vst v6  }
0x4ce: {  	[tilespmem:s21+$0x9180] =	vst v7;
	v6 =	vld.idx.msk [tilespmem:v17+s26+$0x0], $0xffff  }
0x4cf: {  	v7 =	vadd.s32 $0x180, v3;
	v10 =	vld.idx.msk [tilespmem:v10+s26+$0x0], $0xffff;
	[tilespmem:s16+$0xD000] =	vst v9  }
0x4d0: {  	v9 =	vld.idx.msk [tilespmem:v12+s26+$0x0], $0xffff;
	[tilespmem:s5+$0xD280] =	vst v11;
	v11 =	vadd.s32 $0xA0, v1  }
0x4d1: {  	v14 =	vadd.s32 $0x140, v0;
	v12 =	vld.idx.msk [tilespmem:v15+s26+$0x0], $0xffff  }
0x4d2: {  	v15 =	vadd.s32 $0xA0, v8;
	v16 =	vld.idx.msk [tilespmem:v2+s26+$0x0], $0xffff  }
0x4d3: {  	v4 =	vadd.s32 $0x1E0, v4;
	[tilespmem:s20+$0xD000] =	vst v13;
	v13 =	vld.idx.msk [tilespmem:v27+s26+$0x0], $0xffff  }
0x4d4: {  	v7 =	vld.idx.msk [tilespmem:v7+s26+$0x0], $0xffff;
	[tilespmem:s21+$0x9200] =	vst v10;
	v10 =	vadd.s32 $0x120, v5  }
0x4d5: {  	s23 =	simm.s32 $0x300;
	s14 =	simm.s32 $0x70;
	v17 =	vadd.s32 $0x1A0, v3;
	v11 =	vld.idx.msk [tilespmem:v11+s26+$0x0], $0xffff;
	[tilespmem:s16+$0xD080] =	vst v9  }
0x4d6: {  	s30 =	sand.u32 $0x3C00, s23;
	s31 =	sand.u32 $0x70, s14;
	[tilespmem:s6+$0x9200] =	vst v6;
	v9 =	vadd.s32 $0x20, v2;
	v14 =	vld.idx.msk [tilespmem:v14+s26+$0x0], $0xffff  }
0x4d7: {  	s8 =	simm.s32 $0x60;
	s7 =	sor.u32 s30, s31;
	[tilespmem:s5+$0xD300] =	vst v12;
	v12 =	vadd.s32 $0xC0, v1;
	v15 =	vld.idx.msk [tilespmem:v15+s26+$0x0], $0xffff  }
0x4d8: {  	s8 =	sand.u32 $0x60, s8;
	v6 =	vadd.s32 $0x160, v0;
	[tilespmem:s7+$0x9000] =	vst v16;
	v4 =	vld.idx.msk [tilespmem:v4+s26+$0x0], $0xffff  }
0x4d9: {  	s22 =	sor.u32 s8, s30;
	v16 =	vadd.s32 $0xC0, v8;
	[tilespmem:s15+$0xD200] =	vst v7;
	v10 =	vld.idx.msk [tilespmem:v10+s26+$0x0], $0xffff  }
0x4da: {  	[tilespmem:s22+$0x9000] =	vst v13;
	v7 =	vadd.s32 $0x20, v27;
	v13 =	vld.idx.msk [tilespmem:v17+s26+$0x0], $0xffff  }
0x4db: {  	v9 =	vld.idx.msk [tilespmem:v9+s26+$0x0], $0xffff;
	[tilespmem:s21+$0x9280] =	vst v11;
	v11 =	vadd.s32 $0x140, v5  }
0x4dc: {  	v17 =	vadd.s32 $0x1C0, v3;
	v12 =	vld.idx.msk [tilespmem:v12+s26+$0x0], $0xffff;
	[tilespmem:s16+$0xD100] =	vst v14  }
0x4dd: {  	v14 =	vadd.s32 $0x40, v2;
	[tilespmem:s6+$0x9280] =	vst v15;
	v6 =	vld.idx.msk [tilespmem:v6+s26+$0x0], $0xffff  }
0x4de: {  	[tilespmem:s5+$0xD380] =	vst v4;
	v4 =	vadd.s32 $0xE0, v1;
	v16 =	vld.idx.msk [tilespmem:v16+s26+$0x0], $0xffff  }
0x4df: {  	v15 =	vadd.s32 $0x180, v0;
	v7 =	vld.idx.msk [tilespmem:v7+s26+$0x0], $0xffff;
	[tilespmem:s20+$0xD080] =	vst v10  }
0x4e0: {  	v18 =	vadd.s32 $0xE0, v8;
	[tilespmem:s15+$0xD280] =	vst v13;
	v11 =	vld.idx.msk [tilespmem:v11+s26+$0x0], $0xffff  }
0x4e1: {  	v10 =	vadd.s32 $0x40, v27;
	[tilespmem:s7+$0x9080] =	vst v9;
	v32 =	vld.idx.msk [tilespmem:v17+s26+$0x0], $0xffff  }
0x4e2: {  	v28 =	vadd.s32 $0x1E0, v3;
	v37 =	vadd.s32 $0x60, v27;
	v20 =	vld.idx.msk [tilespmem:v14+s26+$0x0], $0xffff;
	[tilespmem:s21+$0x9300] =	vst v12;
	v12 =	vadd.s32 $0x160, v5  }
0x4e3: {  	v26 =	vadd.s32 $0x80, v27;
	v24 =	vadd.s32 $0xA0, v27;
	v22 =	vadd.s32 $0x60, v2;
	v21 =	vld.idx.msk [tilespmem:v4+s26+$0x0], $0xffff;
	[tilespmem:s16+$0xD180] =	vst v6  }
0x4e4: {  	v23 =	vadd.s32 $0xC0, v27;
	v25 =	vadd.s32 $0x100, v27;
	v31 =	vadd.s32 $0x100, v1;
	[tilespmem:s6+$0x9300] =	vst v16;
	v30 =	vld.idx.msk [tilespmem:v15+s26+$0x0], $0xffff  }
0x4e5: {  	v35 =	vadd.s32 $0x1A0, v0;
	v19 =	vadd.s32 $0x100, v8;
	v3 =	vadd.s32 $0x1E0, v5;
	[tilespmem:s22+$0x9080] =	vst v7;
	v36 =	vld.idx.msk [tilespmem:v18+s26+$0x0], $0xffff  }
0x4e6: {  	v13 =	vadd.s32 $0x180, v8;
	v9 =	vadd.s32 $0x180, v5;
	v17 =	vadd.s32 $0x120, v8;
	v34 =	vld.idx.msk [tilespmem:v10+s26+$0x0], $0xffff;
	[tilespmem:s20+$0xD100] =	vst v11  }
0x4e7: {  	v14 =	vadd.s32 $0x160, v8;
	v6 =	vadd.s32 $0x1A0, v5;
	v4 =	vadd.s32 $0x1C0, v5;
	[tilespmem:s7+$0x9100] =	vst v20;
	v29 =	vld.idx.msk [tilespmem:v12+s26+$0x0], $0xffff  }
0x4e8: {  	v5 =	vadd.s32 $0x1E0, v8;
	v16 =	vadd.s32 $0x180, v27;
	v15 =	vadd.s32 $0x140, v8;
	v33 =	vld.idx.msk [tilespmem:v22+s26+$0x0], $0xffff;
	[tilespmem:s21+$0x9380] =	vst v21  }
0x4e9: {  	v7 =	vadd.s32 $0x1C0, v8;
	v18 =	vadd.s32 $0x160, v27;
	v10 =	vadd.s32 $0x1A0, v8;
	v31 =	vld.idx.msk [tilespmem:v31+s26+$0x0], $0xffff;
	[tilespmem:s16+$0xD200] =	vst v30  }
0x4ea: {  	v8 =	vadd.s32 $0x1E0, v27;
	[tilespmem:s15+$0xD300] =	vst v32;
	v11 =	vadd.s32 $0x1C0, v27;
	v30 =	vld.idx.msk [tilespmem:v35+s26+$0x0], $0xffff;
	v35 =	vadd.s32 $0x80, v2  }
0x4eb: {  	v32 =	vadd.s32 $0x120, v1;
	v20 =	vadd.s32 $0x140, v27;
	v12 =	vadd.s32 $0x1A0, v27;
	v28 =	vld.idx.msk [tilespmem:v28+s26+$0x0], $0xffff;
	[tilespmem:s22+$0x9100] =	vst v34  }
0x4ec: {  	s8 =	simm.s32 $0x890;
	s5 =	simm.s32 $0x6;
	v22 =	vadd.s32 $0xE0, v27;
	v21 =	vadd.s32 $0x120, v27;
	v27 =	vadd.s32 $0x1C0, v0;
	[tilespmem:s6+$0x9380] =	vst v36;
	v34 =	vld.idx.msk [tilespmem:v37+s26+$0x0], $0xffff  }
.LBB2_14:
0x4ed: {  	v36 =	vld [tilespmem:s8+$0x0];
	s5 =	sadd.s32 $0x2, s5;
	[tilespmem:s20+$0xD180] =	vst v29  }
0x4ee: {  	v29 =	vld [tilespmem:s8+$0xFFFFFFF0];
	p0 =	slt.u32 s5, $0x7E;
	[tilespmem:s7+$0x9180] =	vst v33  }
0x4ef: {  	v33 =	vld.idx.msk [tilespmem:v35+s26+$0x0], $0xffff;
	[tilespmem:s21+$0xD000] =	vst v31  }
0x4f0: {  	v31 =	vld.idx.msk [tilespmem:v32+s26+$0x0], $0xffff;
	[tilespmem:s16+$0xD280] =	vst v30  }
0x4f1: {  	v30 =	vadd.s32 $0xA0, v2;
	v32 =	vld.idx.msk [tilespmem:v27+s26+$0x0], $0xffff;
	[tilespmem:s15+$0xD380] =	vst v28;
	s15 =	smov.u32 s20;
	s20 =	smov.u32 s6;
	s6 =	smov.u32 s22  }
0x4f2: {  	[tilespmem:s6+$0x9180] =	vst v34;
	v28 =	vld.idx.msk [tilespmem:v19+s26+$0x0], $0xffff;
	v34 =	vadd.s32 $0x140, v1;
	v19 =	vmov v25  }
0x4f3: {  	v39 =	vadd.s32 $0x1E0, v0;
	v0 =	vmovc v1;
	v1 =	vmovc v2;
	v35 =	vadd.s32 $0x20, v29;
	v37 =	vadd.s32 $0x40, v29;
	v38 =	vld.idx.msk [tilespmem:v26+s26+$0x0], $0xffff  }
0x4f4: {  	v2 =	vmovc v36;
	v27 =	vadd.s32 $0x60, v29;
	v26 =	vadd.s32 $0x80, v29;
	v40 =	vadd.s32 $0xA0, v29;
	v41 =	vld.idx.msk [tilespmem:v9+s26+$0x0], $0xffff;
	v9 =	vmovc v13  }
0x4f5: {  	v42 =	vadd.s32 $0xC0, v29;
	v43 =	vadd.s32 $0xE0, v29;
	v25 =	vadd.s32 $0x100, v29;
	v13 =	vmovc v16;
	v36 =	vld.idx.msk [tilespmem:v36+s26+$0x0], $0xffff;
	[tilespmem:s7+$0x9200] =	vst v33  }
0x4f6: {  	v44 =	vadd.s32 $0x140, v29;
	v45 =	vadd.s32 $0x160, v29;
	v33 =	vadd.s32 $0x120, v29;
	v30 =	vld.idx.msk [tilespmem:v30+s26+$0x0], $0xffff;
	[tilespmem:s21+$0xD080] =	vst v31  }
0x4f7: {  	v46 =	vadd.s32 $0x20, v2;
	v16 =	vadd.s32 $0x180, v29;
	v31 =	vadd.s32 $0x1A0, v29;
	v34 =	vld.idx.msk [tilespmem:v34+s26+$0x0], $0xffff;
	[tilespmem:s16+$0xD300] =	vst v32  }
0x4f8: {  	s14 =	sadd.s32 $0x20, s14;
	s23 =	sadd.s32 $0x100, s23;
	v47 =	vadd.s32 $0x1E0, v29;
	v48 =	vadd.s32 $0xC0, v1;
	v32 =	vadd.s32 $0x1C0, v29;
	[tilespmem:s20+$0xD000] =	vst v28;
	v28 =	vld.idx.msk [tilespmem:v39+s26+$0x0], $0xffff  }
0x4f9: {  	s2 =	sand.u32 $0x3C00, s23;
	s24 =	sand.u32 $0x70, s14;
	s22 =	sadd.s32 $0xFFFFFFF0, s14;
	v29 =	vld.idx.msk [tilespmem:v29+s26+$0x0], $0xffff;
	[tilespmem:s6+$0x9200] =	vst v38;
	v38 =	vadd.s32 $0x160, v0  }
0x4fa: {  	s24 =	sor.u32 s2, s24;
	s22 =	sand.u32 $0x60, s22;
	v39 =	vld.idx.msk [tilespmem:v24+s26+$0x0], $0xffff;
	[tilespmem:s15+$0xD200] =	vst v41;
	v24 =	vmov v40  }
0x4fb: {  	s22 =	sor.u32 s22, s2;
	[tilespmem:s24+$0x9000] =	vst v36;
	v36 =	vld.idx.msk [tilespmem:v17+s26+$0x0], $0xffff;
	v17 =	vmov v21;
	v21 =	vmov v33  }
0x4fc: {  	v33 =	vld.idx.msk [tilespmem:v46+s26+$0x0], $0xffff;
	[tilespmem:s7+$0x9280] =	vst v30  }
0x4fd: {  	v30 =	vld.idx.msk [tilespmem:v48+s26+$0x0], $0xffff;
	[tilespmem:s21+$0xD100] =	vst v34  }
0x4fe: {  	v34 =	vadd.s32 $0x40, v2;
	v38 =	vld.idx.msk [tilespmem:v38+s26+$0x0], $0xffff;
	[tilespmem:s16+$0xD380] =	vst v28;
	s16 =	smov.u32 s21;
	s21 =	smov.u32 s7;
	s7 =	smov.u32 s24  }
0x4ff: {  	v28 =	vadd.s32 $0xE0, v1;
	[tilespmem:s22+$0x9000] =	vst v29;
	v29 =	vld.idx.msk [tilespmem:v6+s26+$0x0], $0xffff;
	v6 =	vmovc v10;
	v10 =	vmov v12;
	v12 =	vmov v31  }
0x500: {  	v31 =	vld.idx.msk [tilespmem:v35+s26+$0x0], $0xffff;
	[tilespmem:s6+$0x9280] =	vst v39;
	v35 =	vadd.s32 $0x180, v0  }
0x501: {  	v39 =	vld.idx.msk [tilespmem:v23+s26+$0x0], $0xffff;
	[tilespmem:s20+$0xD080] =	vst v36;
	v23 =	vmov v42  }
0x502: {  	[tilespmem:s7+$0x9080] =	vst v33;
	v33 =	vld.idx.msk [tilespmem:v15+s26+$0x0], $0xffff;
	v15 =	vmov v20;
	v20 =	vmov v44  }
0x503: {  	v34 =	vld.idx.msk [tilespmem:v34+s26+$0x0], $0xffff;
	[tilespmem:s21+$0x9300] =	vst v30  }
0x504: {  	v28 =	vld.idx.msk [tilespmem:v28+s26+$0x0], $0xffff;
	[tilespmem:s16+$0xD180] =	vst v38  }
0x505: {  	v30 =	vadd.s32 $0x60, v2;
	v35 =	vld.idx.msk [tilespmem:v35+s26+$0x0], $0xffff;
	[tilespmem:s15+$0xD280] =	vst v29  }
0x506: {  	[tilespmem:s22+$0x9080] =	vst v31;
	v31 =	vadd.s32 $0x100, v1;
	v36 =	vld.idx.msk [tilespmem:v4+s26+$0x0], $0xffff;
	v4 =	vmovc v7;
	v7 =	vmov v11;
	v11 =	vmov v32  }
0x507: {  	v32 =	vld.idx.msk [tilespmem:v37+s26+$0x0], $0xffff;
	[tilespmem:s6+$0x9300] =	vst v39;
	v37 =	vadd.s32 $0x1A0, v0  }
0x508: {  	v38 =	vld.idx.msk [tilespmem:v22+s26+$0x0], $0xffff;
	[tilespmem:s20+$0xD100] =	vst v33;
	v22 =	vmov v43  }
0x509: {  	[tilespmem:s7+$0x9100] =	vst v34;
	v29 =	vld.idx.msk [tilespmem:v14+s26+$0x0], $0xffff;
	v14 =	vmov v18;
	v18 =	vmov v45  }
.Ltmp6:
0x50a: {  	v33 =	vld.idx.msk [tilespmem:v30+s26+$0x0], $0xffff;
	[tilespmem:s21+$0x9380] =	vst v28;
	(pc) =	sbr.rel @p0 .LBB2_14-.Ltmp6, $4  }
0x50b: {  	v31 =	vld.idx.msk [tilespmem:v31+s26+$0x0], $0xffff;
	[tilespmem:s16+$0xD200] =	vst v35  }
0x50c: {  	v35 =	vadd.s32 $0x80, v2;
	v30 =	vld.idx.msk [tilespmem:v37+s26+$0x0], $0xffff;
	[tilespmem:s15+$0xD300] =	vst v36  }
0x50d: {  	[tilespmem:s22+$0x9100] =	vst v32;
	v32 =	vadd.s32 $0x120, v1;
	v28 =	vld.idx.msk [tilespmem:v3+s26+$0x0], $0xffff;
	v3 =	vmovc v5;
	v5 =	vmov v8;
	v8 =	vmov v47  }
0x50e: {  	s8 =	sadd.s32 $0x20, s8;
	v34 =	vld.idx.msk [tilespmem:v27+s26+$0x0], $0xffff;
	[tilespmem:s6+$0x9380] =	vst v38;
	v27 =	vadd.s32 $0x1C0, v0  }
0x50f: {  	_ =	sdelay $0x2  }
0x510: {  	[tilespmem:s7+$0x9180] =	vst v33  }
0x511: {  	v33 =	vld.idx.msk [tilespmem:v35+s26+$0x0], $0xffff;
	[tilespmem:s22+$0x9180] =	vst v34  }
0x512: {  	v60 =	vadd.s32 $0xA0, v2;
	v26 =	vld.idx.msk [tilespmem:v26+s26+$0x0], $0xffff;
	_ =	sdelay $0x3  }
0x513: {  	[tilespmem:s7+$0x9200] =	vst v33  }
0x514: {  	v33 =	vld.idx.msk [tilespmem:v60+s26+$0x0], $0xffff;
	[tilespmem:s22+$0x9200] =	vst v26  }
0x515: {  	v26 =	vadd.s32 $0xC0, v2;
	v24 =	vld.idx.msk [tilespmem:v24+s26+$0x0], $0xffff;
	_ =	sdelay $0x3  }
0x516: {  	[tilespmem:s7+$0x9280] =	vst v33  }
0x517: {  	v26 =	vld.idx.msk [tilespmem:v26+s26+$0x0], $0xffff;
	[tilespmem:s22+$0x9280] =	vst v24  }
0x518: {  	v24 =	vadd.s32 $0xE0, v2;
	v23 =	vld.idx.msk [tilespmem:v23+s26+$0x0], $0xffff;
	_ =	sdelay $0x3  }
0x519: {  	[tilespmem:s7+$0x9300] =	vst v26  }
0x51a: {  	v24 =	vld.idx.msk [tilespmem:v24+s26+$0x0], $0xffff;
	[tilespmem:s22+$0x9300] =	vst v23  }
0x51b: {  	v23 =	vadd.s32 $0x100, v2;
	v22 =	vld.idx.msk [tilespmem:v22+s26+$0x0], $0xffff;
	_ =	sdelay $0x2  }
0x51c: {  	v19 =	vld.idx.msk [tilespmem:v19+s26+$0x0], $0xffff  }
0x51d: {  	[tilespmem:s7+$0x9380] =	vst v24  }
0x51e: {  	v23 =	vld.idx.msk [tilespmem:v23+s26+$0x0], $0xffff;
	[tilespmem:s22+$0x9380] =	vst v22  }
0x51f: {  	v22 =	vadd.s32 $0x120, v2;
	v24 =	vld.idx.msk [tilespmem:v25+s26+$0x0], $0xffff;
	_ =	sdelay $0x1  }
0x520: {  	[tilespmem:s6+$0xD000] =	vst v19  }
0x521: {  	[tilespmem:s21+$0xD000] =	vst v31;
	v17 =	vld.idx.msk [tilespmem:v17+s26+$0x0], $0xffff  }
0x522: {  	v25 =	vld.idx.msk [tilespmem:v32+s26+$0x0], $0xffff;
	[tilespmem:s7+$0xD000] =	vst v23  }
0x523: {  	v19 =	vadd.s32 $0x140, v1;
	v22 =	vld.idx.msk [tilespmem:v22+s26+$0x0], $0xffff;
	[tilespmem:s22+$0xD000] =	vst v24  }
0x524: {  	v23 =	vadd.s32 $0x140, v2;
	v21 =	vld.idx.msk [tilespmem:v21+s26+$0x0], $0xffff;
	_ =	sdelay $0x1  }
0x525: {  	[tilespmem:s6+$0xD080] =	vst v17  }
0x526: {  	v15 =	vld.idx.msk [tilespmem:v15+s26+$0x0], $0xffff;
	[tilespmem:s21+$0xD080] =	vst v25  }
0x527: {  	v19 =	vld.idx.msk [tilespmem:v19+s26+$0x0], $0xffff;
	[tilespmem:s7+$0xD080] =	vst v22  }
0x528: {  	v17 =	vadd.s32 $0x160, v1;
	v22 =	vld.idx.msk [tilespmem:v23+s26+$0x0], $0xffff;
	[tilespmem:s22+$0xD080] =	vst v21  }
0x529: {  	v21 =	vadd.s32 $0x160, v2;
	v20 =	vld.idx.msk [tilespmem:v20+s26+$0x0], $0xffff;
	_ =	sdelay $0x1  }
0x52a: {  	[tilespmem:s6+$0xD100] =	vst v15  }
0x52b: {  	v14 =	vld.idx.msk [tilespmem:v14+s26+$0x0], $0xffff;
	[tilespmem:s21+$0xD100] =	vst v19  }
0x52c: {  	v17 =	vld.idx.msk [tilespmem:v17+s26+$0x0], $0xffff;
	[tilespmem:s7+$0xD100] =	vst v22  }
0x52d: {  	v15 =	vadd.s32 $0x180, v1;
	v19 =	vld.idx.msk [tilespmem:v21+s26+$0x0], $0xffff;
	[tilespmem:s22+$0xD100] =	vst v20  }
0x52e: {  	v20 =	vadd.s32 $0x180, v2;
	v18 =	vld.idx.msk [tilespmem:v18+s26+$0x0], $0xffff  }
0x52f: {  	[tilespmem:s20+$0xD180] =	vst v29  }
0x530: {  	v9 =	vld.idx.msk [tilespmem:v9+s26+$0x0], $0xffff;
	[tilespmem:s6+$0xD180] =	vst v14  }
0x531: {  	v13 =	vld.idx.msk [tilespmem:v13+s26+$0x0], $0xffff;
	[tilespmem:s21+$0xD180] =	vst v17  }
0x532: {  	v15 =	vld.idx.msk [tilespmem:v15+s26+$0x0], $0xffff;
	[tilespmem:s7+$0xD180] =	vst v19  }
0x533: {  	v14 =	vadd.s32 $0x1A0, v1;
	v17 =	vld.idx.msk [tilespmem:v20+s26+$0x0], $0xffff;
	[tilespmem:s22+$0xD180] =	vst v18  }
0x534: {  	[tilespmem:s16+$0xD280] =	vst v30;
	v18 =	vadd.s32 $0x1A0, v2;
	v16 =	vld.idx.msk [tilespmem:v16+s26+$0x0], $0xffff  }
0x535: {  	[tilespmem:s20+$0xD200] =	vst v9  }
0x536: {  	v6 =	vld.idx.msk [tilespmem:v6+s26+$0x0], $0xffff;
	[tilespmem:s6+$0xD200] =	vst v13  }
0x537: {  	v10 =	vld.idx.msk [tilespmem:v10+s26+$0x0], $0xffff;
	[tilespmem:s21+$0xD200] =	vst v15  }
0x538: {  	v9 =	vld.idx.msk [tilespmem:v14+s26+$0x0], $0xffff;
	[tilespmem:s7+$0xD200] =	vst v17  }
0x539: {  	v13 =	vadd.s32 $0x1C0, v1;
	v14 =	vld.idx.msk [tilespmem:v18+s26+$0x0], $0xffff;
	[tilespmem:s22+$0xD200] =	vst v16  }
0x53a: {  	[tilespmem:s15+$0xD380] =	vst v28;
	v15 =	vadd.s32 $0x1C0, v2;
	v12 =	vld.idx.msk [tilespmem:v12+s26+$0x0], $0xffff  }
0x53b: {  	[tilespmem:s20+$0xD280] =	vst v6;
	v16 =	vld.idx.msk [tilespmem:v27+s26+$0x0], $0xffff  }
0x53c: {  	v0 =	vadd.s32 $0x1E0, v0;
	v4 =	vld.idx.msk [tilespmem:v4+s26+$0x0], $0xffff;
	[tilespmem:s6+$0xD280] =	vst v10  }
0x53d: {  	v7 =	vld.idx.msk [tilespmem:v7+s26+$0x0], $0xffff;
	[tilespmem:s21+$0xD280] =	vst v9  }
0x53e: {  	v6 =	vld.idx.msk [tilespmem:v13+s26+$0x0], $0xffff;
	[tilespmem:s7+$0xD280] =	vst v14  }
0x53f: {  	v1 =	vadd.s32 $0x1E0, v1;
	v9 =	vld.idx.msk [tilespmem:v15+s26+$0x0], $0xffff;
	[tilespmem:s22+$0xD280] =	vst v12  }
0x540: {  	v2 =	vadd.s32 $0x1E0, v2;
	[tilespmem:s16+$0xD300] =	vst v16;
	v10 =	vld.idx.msk [tilespmem:v11+s26+$0x0], $0xffff  }
0x541: {  	[tilespmem:s20+$0xD300] =	vst v4;
	v0 =	vld.idx.msk [tilespmem:v0+s26+$0x0], $0xffff  }
0x542: {  	v3 =	vld.idx.msk [tilespmem:v3+s26+$0x0], $0xffff;
	[tilespmem:s6+$0xD300] =	vst v7  }
0x543: {  	v4 =	vld.idx.msk [tilespmem:v5+s26+$0x0], $0xffff;
	[tilespmem:s21+$0xD300] =	vst v6  }
0x544: {  	v1 =	vld.idx.msk [tilespmem:v1+s26+$0x0], $0xffff;
	[tilespmem:s7+$0xD300] =	vst v9  }
0x545: {  	v2 =	vld.idx.msk [tilespmem:v2+s26+$0x0], $0xffff;
	[tilespmem:s22+$0xD300] =	vst v10  }
0x546: {  	[tilespmem:s16+$0xD380] =	vst v0;
	v0 =	vld.idx.msk [tilespmem:v8+s26+$0x0], $0xffff  }
0x547: {  	[tilespmem:s20+$0xD380] =	vst v3  }
0x548: {  	[tilespmem:s6+$0xD380] =	vst v4  }
0x549: {  	[tilespmem:s21+$0xD380] =	vst v1  }
0x54a: {  	[tilespmem:s7+$0xD380] =	vst v2  }
0x54b: {  	[tilespmem:s22+$0xD380] =	vst v0  }
0x54c: {  	s2 =	simm.s32 $0x0;
	s7 =	simm.s32 $0x9000;
	s5 =	rddreg [dreg:$0x10]  }
0x54d: {  	[hbm4b:s5+s2] =	stream.linear.scatter [tilespmem:s7], [sflag:$0x5], $0x4000, $0x38;
	[tilespmem:$0x11200] =	vst v63  }
0x54e: {  	s14 =	simm.s32 $0xD000;
	s8 =	rddreg [dreg:$0x11]  }
0x54f: {  	[hbm4b:s8+s2] =	stream.linear.scatter [tilespmem:s14], [sflag:$0x6], $0x4000, $0x38;
	[tilespmem:$0x11200] =	vst v63  }
0x550: {  	_ =	swait.ge [sflag:s29], $0x800  }
0x551: {  	[sflag:s29] =	ssyncset.done $0x0  }
0x552: {  	[sflag:s29] =	ssyncadd.s32 $0xFFFFF800  }
0x553: {  	_ =	swait.ge [sflag:s9], $0x4000  }
0x554: {  	[sflag:s9] =	ssyncset.done $0x0  }
0x555: {  	[sflag:s9] =	ssyncadd.s32 $0xFFFFC000  }
0x556: {  	_ =	swait.ge [sflag:s10], $0x4000  }
0x557: {  	[sflag:s10] =	ssyncset.done $0x0  }
0x558: {  	s15 =	simm.s32 $0x10;
	[sflag:s10] =	ssyncadd.s32 $0xFFFFC000  }
0x559: {  	v4 =	vld [tilespmem:s15+$0x0];
	_ =	sdelay $0x3  }
0x55a: {  	v3 =	vld [tilespmem:s15+$0xFFFFFFF0];
	_ =	sdelay $0x3  }
0x55b: {  	v0 =	vld.idx.msk [tilespmem:v4+s26+$0x0], $0xffff  }
0x55c: {  	v1 =	vadd.s32 $0x20, v4;
	_ =	sdelay $0x1  }
0x55d: {  	s5 =	sand.u32 $0x70, s15;
	s2 =	sand.u32 $0x3C00, s2  }
0x55e: {  	s5 =	sor.u32 s2, s5;
	v2 =	vld.idx.msk [tilespmem:v3+s26+$0x0], $0xffff  }
0x55f: {  	v5 =	vadd.s32 $0x20, v3;
	[tilespmem:s5+$0x1000] =	vst v0  }
0x560: {  	s16 =	simm.s32 $0x0;
	v0 =	vld.idx.msk [tilespmem:v1+s26+$0x0], $0xffff  }
0x561: {  	s6 =	sand.u32 $0x60, s16;
	v1 =	vadd.s32 $0x40, v4  }
0x562: {  	s15 =	sor.u32 s6, s2  }
0x563: {  	[tilespmem:s15+$0x1000] =	vst v2  }
0x564: {  	v2 =	vld.idx.msk [tilespmem:v5+s26+$0x0], $0xffff  }
0x565: {  	v5 =	vadd.s32 $0x40, v3;
	[tilespmem:s5+$0x1080] =	vst v0  }
0x566: {  	v0 =	vld.idx.msk [tilespmem:v1+s26+$0x0], $0xffff  }
0x567: {  	v1 =	vadd.s32 $0x60, v4;
	_ =	sdelay $0x1  }
0x568: {  	[tilespmem:s15+$0x1080] =	vst v2  }
0x569: {  	v6 =	vld.idx.msk [tilespmem:v5+s26+$0x0], $0xffff  }
0x56a: {  	v7 =	vadd.s32 $0x60, v3;
	[tilespmem:s5+$0x1100] =	vst v0  }
0x56b: {  	v1 =	vld.idx.msk [tilespmem:v1+s26+$0x0], $0xffff  }
0x56c: {  	v2 =	vadd.s32 $0x80, v4  }
0x56d: {  	s20 =	simm.s32 $0x30  }
0x56e: {  	v0 =	vld [tilespmem:s20+$0x0];
	[tilespmem:s15+$0x1100] =	vst v6  }
0x56f: {  	v6 =	vld.idx.msk [tilespmem:v7+s26+$0x0], $0xffff  }
0x570: {  	v7 =	vadd.s32 $0x80, v3;
	[tilespmem:s5+$0x1180] =	vst v1  }
0x571: {  	v1 =	vld.idx.msk [tilespmem:v2+s26+$0x0], $0xffff  }
0x572: {  	v5 =	vld [tilespmem:s20+$0xFFFFFFF0];
	v2 =	vadd.s32 $0xA0, v4;
	_ =	sdelay $0x1  }
0x573: {  	[tilespmem:s15+$0x1180] =	vst v6  }
0x574: {  	v7 =	vld.idx.msk [tilespmem:v7+s26+$0x0], $0xffff  }
0x575: {  	v11 =	vadd.s32 $0xA0, v3;
	v8 =	vld.idx.msk [tilespmem:v0+s26+$0x0], $0xffff;
	[tilespmem:s5+$0x1200] =	vst v1  }
0x576: {  	v1 =	vld.idx.msk [tilespmem:v2+s26+$0x0], $0xffff;
	v2 =	vadd.s32 $0x20, v0  }
0x577: {  	s21 =	simm.s32 $0x100  }
0x578: {  	s6 =	sand.u32 $0x3C00, s21;
	s2 =	sand.u32 $0x70, s20;
	v9 =	vadd.s32 $0xC0, v4  }
0x579: {  	s16 =	sor.u32 s6, s2;
	v10 =	vld.idx.msk [tilespmem:v5+s26+$0x0], $0xffff;
	[tilespmem:s15+$0x1200] =	vst v7  }
0x57a: {  	v6 =	vadd.s32 $0x20, v5;
	[tilespmem:s16+$0x1000] =	vst v8;
	v7 =	vld.idx.msk [tilespmem:v11+s26+$0x0], $0xffff  }
0x57b: {  	s22 =	simm.s32 $0x20;
	v11 =	vadd.s32 $0xC0, v3;
	v2 =	vld.idx.msk [tilespmem:v2+s26+$0x0], $0xffff  }
0x57c: {  	s23 =	sand.u32 $0x60, s22;
	v8 =	vadd.s32 $0x40, v0;
	[tilespmem:s5+$0x1280] =	vst v1  }
0x57d: {  	s20 =	sor.u32 s23, s6;
	v1 =	vld.idx.msk [tilespmem:v9+s26+$0x0], $0xffff  }
0x57e: {  	[tilespmem:s20+$0x1000] =	vst v10;
	v9 =	vadd.s32 $0xE0, v4  }
0x57f: {  	v6 =	vld.idx.msk [tilespmem:v6+s26+$0x0], $0xffff;
	[tilespmem:s15+$0x1280] =	vst v7  }
0x580: {  	v10 =	vadd.s32 $0x40, v5;
	v7 =	vld.idx.msk [tilespmem:v11+s26+$0x0], $0xffff;
	[tilespmem:s16+$0x1080] =	vst v2  }
0x581: {  	v11 =	vadd.s32 $0xE0, v3;
	v2 =	vld.idx.msk [tilespmem:v8+s26+$0x0], $0xffff  }
0x582: {  	[tilespmem:s5+$0x1300] =	vst v1;
	v8 =	vadd.s32 $0x60, v0  }
0x583: {  	v1 =	vld.idx.msk [tilespmem:v9+s26+$0x0], $0xffff  }
0x584: {  	[tilespmem:s20+$0x1080] =	vst v6;
	v6 =	vadd.s32 $0x100, v4  }
0x585: {  	[tilespmem:s15+$0x1300] =	vst v7;
	v9 =	vld.idx.msk [tilespmem:v10+s26+$0x0], $0xffff  }
0x586: {  	v10 =	vadd.s32 $0x60, v5;
	v11 =	vld.idx.msk [tilespmem:v11+s26+$0x0], $0xffff;
	[tilespmem:s16+$0x1100] =	vst v2  }
0x587: {  	s24 =	simm.s32 $0x50;
	v2 =	vld.idx.msk [tilespmem:v8+s26+$0x0], $0xffff  }
0x588: {  	v12 =	vadd.s32 $0x80, v0;
	[tilespmem:s5+$0x1380] =	vst v1;
	v1 =	vld [tilespmem:s24+$0x0]  }
0x589: {  	v13 =	vadd.s32 $0x100, v3;
	v6 =	vld.idx.msk [tilespmem:v6+s26+$0x0], $0xffff  }
0x58a: {  	[tilespmem:s20+$0x1100] =	vst v9;
	v9 =	vadd.s32 $0x120, v4;
	v8 =	vld [tilespmem:s24+$0xFFFFFFF0]  }
0x58b: {  	v10 =	vld.idx.msk [tilespmem:v10+s26+$0x0], $0xffff  }
0x58c: {  	v7 =	vadd.s32 $0x80, v5;
	[tilespmem:s16+$0x1180] =	vst v2  }
0x58d: {  	[tilespmem:s15+$0x1380] =	vst v11;
	v2 =	vld.idx.msk [tilespmem:v12+s26+$0x0], $0xffff  }
0x58e: {  	[tilespmem:s5+$0x5000] =	vst v6;
	v12 =	vld.idx.msk [tilespmem:v13+s26+$0x0], $0xffff  }
0x58f: {  	v6 =	vld.idx.msk [tilespmem:v9+s26+$0x0], $0xffff;
	v9 =	vadd.s32 $0xA0, v0  }
0x590: {  	[tilespmem:s20+$0x1180] =	vst v10;
	v13 =	vadd.s32 $0x120, v3  }
0x591: {  	v10 =	vadd.s32 $0x140, v4;
	v7 =	vld.idx.msk [tilespmem:v7+s26+$0x0], $0xffff  }
0x592: {  	v11 =	vadd.s32 $0xA0, v5;
	v15 =	vld.idx.msk [tilespmem:v8+s26+$0x0], $0xffff;
	[tilespmem:s16+$0x1200] =	vst v2  }
0x593: {  	s25 =	simm.s32 $0x200;
	v16 =	vadd.s32 $0x20, v8;
	v14 =	vld.idx.msk [tilespmem:v1+s26+$0x0], $0xffff;
	[tilespmem:s15+$0x5000] =	vst v12  }
0x594: {  	s28 =	simm.s32 $0x40;
	s2 =	sand.u32 $0x70, s24;
	s6 =	sand.u32 $0x3C00, s25;
	v2 =	vld.idx.msk [tilespmem:v9+s26+$0x0], $0xffff;
	[tilespmem:s5+$0x5080] =	vst v6;
	v6 =	vadd.s32 $0x20, v1  }
0x595: {  	s21 =	sor.u32 s6, s2;
	s2 =	sand.u32 $0x60, s28;
	v13 =	vld.idx.msk [tilespmem:v13+s26+$0x0], $0xffff  }
0x596: {  	s6 =	sor.u32 s2, s6;
	[tilespmem:s20+$0x1200] =	vst v7;
	v9 =	vld.idx.msk [tilespmem:v10+s26+$0x0], $0xffff;
	v10 =	vadd.s32 $0xC0, v0  }
0x597: {  	v7 =	vadd.s32 $0x160, v4;
	v11 =	vld.idx.msk [tilespmem:v11+s26+$0x0], $0xffff;
	[tilespmem:s6+$0x1000] =	vst v15  }
0x598: {  	v12 =	vadd.s32 $0xC0, v5;
	[tilespmem:s21+$0x1000] =	vst v14;
	v15 =	vld.idx.msk [tilespmem:v16+s26+$0x0], $0xffff  }
0x599: {  	s22 =	simm.s32 $0x70;
	v14 =	vadd.s32 $0x140, v3;
	v6 =	vld.idx.msk [tilespmem:v6+s26+$0x0], $0xffff;
	[tilespmem:s16+$0x1280] =	vst v2  }
0x59a: {  	v27 =	vld [tilespmem:s22+$0xFFFFFFF0];
	v16 =	vadd.s32 $0x40, v8;
	[tilespmem:s15+$0x5080] =	vst v13  }
0x59b: {  	v2 =	vld.idx.msk [tilespmem:v10+s26+$0x0], $0xffff;
	[tilespmem:s5+$0x5100] =	vst v9;
	v9 =	vadd.s32 $0x40, v1  }
0x59c: {  	v10 =	vadd.s32 $0xE0, v0;
	[tilespmem:s20+$0x1280] =	vst v11;
	v7 =	vld.idx.msk [tilespmem:v7+s26+$0x0], $0xffff  }
0x59d: {  	v11 =	vadd.s32 $0x180, v4;
	v12 =	vld.idx.msk [tilespmem:v12+s26+$0x0], $0xffff;
	[tilespmem:s6+$0x1080] =	vst v15  }
0x59e: {  	v13 =	vadd.s32 $0xE0, v5;
	[tilespmem:s21+$0x1080] =	vst v6;
	v6 =	vld.idx.msk [tilespmem:v14+s26+$0x0], $0xffff  }
0x59f: {  	v15 =	vld.idx.msk [tilespmem:v16+s26+$0x0], $0xffff;
	v14 =	vadd.s32 $0x160, v3  }
0x5a0: {  	v16 =	vadd.s32 $0x60, v8;
	v9 =	vld.idx.msk [tilespmem:v9+s26+$0x0], $0xffff;
	[tilespmem:s16+$0x1300] =	vst v2  }
0x5a1: {  	v2 =	vld.idx.msk [tilespmem:v10+s26+$0x0], $0xffff;
	[tilespmem:s5+$0x5180] =	vst v7;
	v7 =	vadd.s32 $0x60, v1  }
0x5a2: {  	[tilespmem:s20+$0x1300] =	vst v12;
	v10 =	vld.idx.msk [tilespmem:v11+s26+$0x0], $0xffff  }
0x5a3: {  	v11 =	vadd.s32 $0x100, v0;
	v13 =	vld.idx.msk [tilespmem:v13+s26+$0x0], $0xffff;
	[tilespmem:s15+$0x5100] =	vst v6  }
0x5a4: {  	v12 =	vadd.s32 $0x1A0, v4;
	[tilespmem:s6+$0x1100] =	vst v15;
	v6 =	vld.idx.msk [tilespmem:v14+s26+$0x0], $0xffff  }
0x5a5: {  	[tilespmem:s21+$0x1100] =	vst v9;
	v14 =	vld.idx.msk [tilespmem:v16+s26+$0x0], $0xffff  }
0x5a6: {  	v16 =	vadd.s32 $0x100, v5;
	v7 =	vld.idx.msk [tilespmem:v7+s26+$0x0], $0xffff  }
0x5a7: {  	v17 =	vadd.s32 $0x80, v8;
	[tilespmem:s16+$0x1380] =	vst v2;
	v2 =	vld [tilespmem:s22+$0x0]  }
0x5a8: {  	v9 =	vld.idx.msk [tilespmem:v11+s26+$0x0], $0xffff;
	[tilespmem:s5+$0x5200] =	vst v10;
	v10 =	vadd.s32 $0x80, v1  }
0x5a9: {  	[tilespmem:s20+$0x1380] =	vst v13;
	v11 =	vld.idx.msk [tilespmem:v12+s26+$0x0], $0xffff;
	v12 =	vadd.s32 $0x120, v0  }
0x5aa: {  	v15 =	vadd.s32 $0x1C0, v4;
	[tilespmem:s6+$0x1180] =	vst v14  }
0x5ab: {  	v13 =	vld.idx.msk [tilespmem:v16+s26+$0x0], $0xffff;
	[tilespmem:s15+$0x5180] =	vst v6  }
0x5ac: {  	[tilespmem:s21+$0x1180] =	vst v7;
	v6 =	vld.idx.msk [tilespmem:v17+s26+$0x0], $0xffff  }
0x5ad: {  	v7 =	vadd.s32 $0x180, v3;
	v10 =	vld.idx.msk [tilespmem:v10+s26+$0x0], $0xffff;
	[tilespmem:s16+$0x5000] =	vst v9  }
0x5ae: {  	v9 =	vld.idx.msk [tilespmem:v12+s26+$0x0], $0xffff;
	[tilespmem:s5+$0x5280] =	vst v11;
	v11 =	vadd.s32 $0xA0, v1  }
0x5af: {  	v14 =	vadd.s32 $0x140, v0;
	v12 =	vld.idx.msk [tilespmem:v15+s26+$0x0], $0xffff  }
0x5b0: {  	v15 =	vadd.s32 $0xA0, v8;
	v16 =	vld.idx.msk [tilespmem:v2+s26+$0x0], $0xffff  }
0x5b1: {  	v4 =	vadd.s32 $0x1E0, v4;
	[tilespmem:s20+$0x5000] =	vst v13;
	v13 =	vld.idx.msk [tilespmem:v27+s26+$0x0], $0xffff  }
0x5b2: {  	v7 =	vld.idx.msk [tilespmem:v7+s26+$0x0], $0xffff;
	[tilespmem:s21+$0x1200] =	vst v10;
	v10 =	vadd.s32 $0x120, v5  }
0x5b3: {  	s14 =	simm.s32 $0x300;
	v17 =	vadd.s32 $0x1A0, v3;
	v11 =	vld.idx.msk [tilespmem:v11+s26+$0x0], $0xffff;
	[tilespmem:s16+$0x5080] =	vst v9  }
0x5b4: {  	s31 =	sand.u32 $0x70, s22;
	s30 =	sand.u32 $0x3C00, s14;
	[tilespmem:s6+$0x1200] =	vst v6;
	v9 =	vadd.s32 $0x20, v2;
	v14 =	vld.idx.msk [tilespmem:v14+s26+$0x0], $0xffff  }
0x5b5: {  	s8 =	simm.s32 $0x60;
	s7 =	sor.u32 s30, s31;
	[tilespmem:s5+$0x5300] =	vst v12;
	v12 =	vadd.s32 $0xC0, v1;
	v15 =	vld.idx.msk [tilespmem:v15+s26+$0x0], $0xffff  }
0x5b6: {  	s8 =	sand.u32 $0x60, s8;
	v6 =	vadd.s32 $0x160, v0;
	[tilespmem:s7+$0x1000] =	vst v16;
	v4 =	vld.idx.msk [tilespmem:v4+s26+$0x0], $0xffff  }
0x5b7: {  	s23 =	sor.u32 s8, s30;
	v16 =	vadd.s32 $0xC0, v8;
	[tilespmem:s15+$0x5200] =	vst v7;
	v10 =	vld.idx.msk [tilespmem:v10+s26+$0x0], $0xffff  }
0x5b8: {  	[tilespmem:s23+$0x1000] =	vst v13;
	v7 =	vadd.s32 $0x20, v27;
	v13 =	vld.idx.msk [tilespmem:v17+s26+$0x0], $0xffff  }
0x5b9: {  	v9 =	vld.idx.msk [tilespmem:v9+s26+$0x0], $0xffff;
	[tilespmem:s21+$0x1280] =	vst v11;
	v11 =	vadd.s32 $0x140, v5  }
0x5ba: {  	v17 =	vadd.s32 $0x1C0, v3;
	v12 =	vld.idx.msk [tilespmem:v12+s26+$0x0], $0xffff;
	[tilespmem:s16+$0x5100] =	vst v14  }
0x5bb: {  	v14 =	vadd.s32 $0x40, v2;
	[tilespmem:s6+$0x1280] =	vst v15;
	v6 =	vld.idx.msk [tilespmem:v6+s26+$0x0], $0xffff  }
0x5bc: {  	[tilespmem:s5+$0x5380] =	vst v4;
	v4 =	vadd.s32 $0xE0, v1;
	v16 =	vld.idx.msk [tilespmem:v16+s26+$0x0], $0xffff  }
0x5bd: {  	v15 =	vadd.s32 $0x180, v0;
	v7 =	vld.idx.msk [tilespmem:v7+s26+$0x0], $0xffff;
	[tilespmem:s20+$0x5080] =	vst v10  }
0x5be: {  	v18 =	vadd.s32 $0xE0, v8;
	[tilespmem:s15+$0x5280] =	vst v13;
	v11 =	vld.idx.msk [tilespmem:v11+s26+$0x0], $0xffff  }
0x5bf: {  	v10 =	vadd.s32 $0x40, v27;
	[tilespmem:s7+$0x1080] =	vst v9;
	v61 =	vld.idx.msk [tilespmem:v17+s26+$0x0], $0xffff  }
0x5c0: {  	v28 =	vadd.s32 $0x1E0, v3;
	v37 =	vadd.s32 $0x60, v27;
	v20 =	vld.idx.msk [tilespmem:v14+s26+$0x0], $0xffff;
	[tilespmem:s21+$0x1300] =	vst v12;
	v12 =	vadd.s32 $0x160, v5  }
0x5c1: {  	v26 =	vadd.s32 $0x80, v27;
	v24 =	vadd.s32 $0xA0, v27;
	v23 =	vadd.s32 $0xC0, v27;
	v21 =	vld.idx.msk [tilespmem:v4+s26+$0x0], $0xffff;
	[tilespmem:s16+$0x5180] =	vst v6  }
0x5c2: {  	v25 =	vadd.s32 $0x100, v27;
	v63 =	vadd.s32 $0x1A0, v0;
	v22 =	vadd.s32 $0x60, v2;
	[tilespmem:s6+$0x1300] =	vst v16;
	v30 =	vld.idx.msk [tilespmem:v15+s26+$0x0], $0xffff  }
0x5c3: {  	v19 =	vadd.s32 $0x100, v8;
	v31 =	vadd.s32 $0x100, v1;
	v32 =	vadd.s32 $0x120, v1;
	[tilespmem:s23+$0x1080] =	vst v7;
	v36 =	vld.idx.msk [tilespmem:v18+s26+$0x0], $0xffff  }
0x5c4: {  	v35 =	vadd.s32 $0x80, v2;
	v3 =	vadd.s32 $0x1E0, v5;
	v13 =	vadd.s32 $0x180, v8;
	v62 =	vld.idx.msk [tilespmem:v10+s26+$0x0], $0xffff;
	[tilespmem:s20+$0x5100] =	vst v11  }
0x5c5: {  	v9 =	vadd.s32 $0x180, v5;
	v17 =	vadd.s32 $0x120, v8;
	v14 =	vadd.s32 $0x160, v8;
	[tilespmem:s15+$0x5300] =	vst v61;
	v29 =	vld.idx.msk [tilespmem:v12+s26+$0x0], $0xffff  }
0x5c6: {  	v6 =	vadd.s32 $0x1A0, v5;
	v4 =	vadd.s32 $0x1C0, v5;
	v5 =	vadd.s32 $0x1E0, v8;
	[tilespmem:s7+$0x1100] =	vst v20;
	v28 =	vld.idx.msk [tilespmem:v28+s26+$0x0], $0xffff  }
0x5c7: {  	v16 =	vadd.s32 $0x180, v27;
	v15 =	vadd.s32 $0x140, v8;
	v7 =	vadd.s32 $0x1C0, v8;
	v33 =	vld.idx.msk [tilespmem:v22+s26+$0x0], $0xffff;
	[tilespmem:s21+$0x1380] =	vst v21  }
0x5c8: {  	v18 =	vadd.s32 $0x160, v27;
	v10 =	vadd.s32 $0x1A0, v8;
	v8 =	vadd.s32 $0x1E0, v27;
	v31 =	vld.idx.msk [tilespmem:v31+s26+$0x0], $0xffff;
	[tilespmem:s16+$0x5200] =	vst v30  }
0x5c9: {  	v11 =	vadd.s32 $0x1C0, v27;
	v20 =	vadd.s32 $0x140, v27;
	v12 =	vadd.s32 $0x1A0, v27;
	v30 =	vld.idx.msk [tilespmem:v63+s26+$0x0], $0xffff;
	[tilespmem:s23+$0x1100] =	vst v62  }
0x5ca: {  	s8 =	simm.s32 $0x90;
	s5 =	simm.s32 $0x6;
	v22 =	vadd.s32 $0xE0, v27;
	v21 =	vadd.s32 $0x120, v27;
	v27 =	vadd.s32 $0x1C0, v0;
	[tilespmem:s6+$0x1380] =	vst v36;
	v34 =	vld.idx.msk [tilespmem:v37+s26+$0x0], $0xffff  }
.LBB2_16:
0x5cb: {  	v36 =	vld [tilespmem:s8+$0x0];
	s5 =	sadd.s32 $0x2, s5;
	[tilespmem:s20+$0x5180] =	vst v29  }
0x5cc: {  	v29 =	vld [tilespmem:s8+$0xFFFFFFF0];
	p0 =	slt.u32 s5, $0x7E;
	[tilespmem:s7+$0x1180] =	vst v33  }
0x5cd: {  	v33 =	vld.idx.msk [tilespmem:v35+s26+$0x0], $0xffff;
	[tilespmem:s21+$0x5000] =	vst v31  }
0x5ce: {  	v31 =	vld.idx.msk [tilespmem:v32+s26+$0x0], $0xffff;
	[tilespmem:s16+$0x5280] =	vst v30  }
0x5cf: {  	v30 =	vadd.s32 $0xA0, v2;
	v32 =	vld.idx.msk [tilespmem:v27+s26+$0x0], $0xffff;
	[tilespmem:s15+$0x5380] =	vst v28;
	s15 =	smov.u32 s20;
	s20 =	smov.u32 s6;
	s6 =	smov.u32 s23  }
0x5d0: {  	[tilespmem:s6+$0x1180] =	vst v34;
	v28 =	vld.idx.msk [tilespmem:v19+s26+$0x0], $0xffff;
	v34 =	vadd.s32 $0x140, v1;
	v19 =	vmov v25  }
0x5d1: {  	v39 =	vadd.s32 $0x1E0, v0;
	v0 =	vmovc v1;
	v1 =	vmovc v2;
	v35 =	vadd.s32 $0x20, v29;
	v37 =	vadd.s32 $0x40, v29;
	v38 =	vld.idx.msk [tilespmem:v26+s26+$0x0], $0xffff  }
0x5d2: {  	v2 =	vmovc v36;
	v27 =	vadd.s32 $0x60, v29;
	v26 =	vadd.s32 $0x80, v29;
	v40 =	vadd.s32 $0xA0, v29;
	v41 =	vld.idx.msk [tilespmem:v9+s26+$0x0], $0xffff;
	v9 =	vmovc v13  }
0x5d3: {  	v42 =	vadd.s32 $0xC0, v29;
	v43 =	vadd.s32 $0xE0, v29;
	v25 =	vadd.s32 $0x100, v29;
	v13 =	vmovc v16;
	v36 =	vld.idx.msk [tilespmem:v36+s26+$0x0], $0xffff;
	[tilespmem:s7+$0x1200] =	vst v33  }
0x5d4: {  	v44 =	vadd.s32 $0x140, v29;
	v45 =	vadd.s32 $0x160, v29;
	v33 =	vadd.s32 $0x120, v29;
	v30 =	vld.idx.msk [tilespmem:v30+s26+$0x0], $0xffff;
	[tilespmem:s21+$0x5080] =	vst v31  }
0x5d5: {  	v46 =	vadd.s32 $0x20, v2;
	v16 =	vadd.s32 $0x180, v29;
	v31 =	vadd.s32 $0x1A0, v29;
	v34 =	vld.idx.msk [tilespmem:v34+s26+$0x0], $0xffff;
	[tilespmem:s16+$0x5300] =	vst v32  }
0x5d6: {  	s22 =	sadd.s32 $0x20, s22;
	s14 =	sadd.s32 $0x100, s14;
	v47 =	vadd.s32 $0x1E0, v29;
	v48 =	vadd.s32 $0xC0, v1;
	v32 =	vadd.s32 $0x1C0, v29;
	[tilespmem:s20+$0x5000] =	vst v28;
	v28 =	vld.idx.msk [tilespmem:v39+s26+$0x0], $0xffff  }
0x5d7: {  	s2 =	sand.u32 $0x3C00, s14;
	s24 =	sand.u32 $0x70, s22;
	s23 =	sadd.s32 $0xFFFFFFF0, s22;
	v29 =	vld.idx.msk [tilespmem:v29+s26+$0x0], $0xffff;
	[tilespmem:s6+$0x1200] =	vst v38;
	v38 =	vadd.s32 $0x160, v0  }
0x5d8: {  	s24 =	sor.u32 s2, s24;
	s23 =	sand.u32 $0x60, s23;
	v39 =	vld.idx.msk [tilespmem:v24+s26+$0x0], $0xffff;
	[tilespmem:s15+$0x5200] =	vst v41;
	v24 =	vmov v40  }
0x5d9: {  	s23 =	sor.u32 s23, s2;
	[tilespmem:s24+$0x1000] =	vst v36;
	v36 =	vld.idx.msk [tilespmem:v17+s26+$0x0], $0xffff;
	v17 =	vmov v21;
	v21 =	vmov v33  }
0x5da: {  	v33 =	vld.idx.msk [tilespmem:v46+s26+$0x0], $0xffff;
	[tilespmem:s7+$0x1280] =	vst v30  }
0x5db: {  	v30 =	vld.idx.msk [tilespmem:v48+s26+$0x0], $0xffff;
	[tilespmem:s21+$0x5100] =	vst v34  }
0x5dc: {  	v34 =	vadd.s32 $0x40, v2;
	v38 =	vld.idx.msk [tilespmem:v38+s26+$0x0], $0xffff;
	[tilespmem:s16+$0x5380] =	vst v28;
	s16 =	smov.u32 s21;
	s21 =	smov.u32 s7;
	s7 =	smov.u32 s24  }
0x5dd: {  	v28 =	vadd.s32 $0xE0, v1;
	[tilespmem:s23+$0x1000] =	vst v29;
	v29 =	vld.idx.msk [tilespmem:v6+s26+$0x0], $0xffff;
	v6 =	vmovc v10;
	v10 =	vmov v12;
	v12 =	vmov v31  }
0x5de: {  	v31 =	vld.idx.msk [tilespmem:v35+s26+$0x0], $0xffff;
	[tilespmem:s6+$0x1280] =	vst v39;
	v35 =	vadd.s32 $0x180, v0  }
0x5df: {  	v39 =	vld.idx.msk [tilespmem:v23+s26+$0x0], $0xffff;
	[tilespmem:s20+$0x5080] =	vst v36;
	v23 =	vmov v42  }
0x5e0: {  	[tilespmem:s7+$0x1080] =	vst v33;
	v33 =	vld.idx.msk [tilespmem:v15+s26+$0x0], $0xffff;
	v15 =	vmov v20;
	v20 =	vmov v44  }
0x5e1: {  	v34 =	vld.idx.msk [tilespmem:v34+s26+$0x0], $0xffff;
	[tilespmem:s21+$0x1300] =	vst v30  }
0x5e2: {  	v28 =	vld.idx.msk [tilespmem:v28+s26+$0x0], $0xffff;
	[tilespmem:s16+$0x5180] =	vst v38  }
0x5e3: {  	v30 =	vadd.s32 $0x60, v2;
	v35 =	vld.idx.msk [tilespmem:v35+s26+$0x0], $0xffff;
	[tilespmem:s15+$0x5280] =	vst v29  }
0x5e4: {  	[tilespmem:s23+$0x1080] =	vst v31;
	v31 =	vadd.s32 $0x100, v1;
	v36 =	vld.idx.msk [tilespmem:v4+s26+$0x0], $0xffff;
	v4 =	vmovc v7;
	v7 =	vmov v11;
	v11 =	vmov v32  }
0x5e5: {  	v32 =	vld.idx.msk [tilespmem:v37+s26+$0x0], $0xffff;
	[tilespmem:s6+$0x1300] =	vst v39;
	v37 =	vadd.s32 $0x1A0, v0  }
0x5e6: {  	v38 =	vld.idx.msk [tilespmem:v22+s26+$0x0], $0xffff;
	[tilespmem:s20+$0x5100] =	vst v33;
	v22 =	vmov v43  }
0x5e7: {  	[tilespmem:s7+$0x1100] =	vst v34;
	v29 =	vld.idx.msk [tilespmem:v14+s26+$0x0], $0xffff;
	v14 =	vmov v18;
	v18 =	vmov v45  }
.Ltmp7:
0x5e8: {  	v33 =	vld.idx.msk [tilespmem:v30+s26+$0x0], $0xffff;
	[tilespmem:s21+$0x1380] =	vst v28;
	(pc) =	sbr.rel @p0 .LBB2_16-.Ltmp7, $4  }
0x5e9: {  	v31 =	vld.idx.msk [tilespmem:v31+s26+$0x0], $0xffff;
	[tilespmem:s16+$0x5200] =	vst v35  }
0x5ea: {  	v35 =	vadd.s32 $0x80, v2;
	v30 =	vld.idx.msk [tilespmem:v37+s26+$0x0], $0xffff;
	[tilespmem:s15+$0x5300] =	vst v36  }
0x5eb: {  	[tilespmem:s23+$0x1100] =	vst v32;
	v32 =	vadd.s32 $0x120, v1;
	v28 =	vld.idx.msk [tilespmem:v3+s26+$0x0], $0xffff;
	v3 =	vmovc v5;
	v5 =	vmov v8;
	v8 =	vmov v47  }
0x5ec: {  	s8 =	sadd.s32 $0x20, s8;
	v34 =	vld.idx.msk [tilespmem:v27+s26+$0x0], $0xffff;
	[tilespmem:s6+$0x1380] =	vst v38;
	v27 =	vadd.s32 $0x1C0, v0  }
0x5ed: {  	_ =	sdelay $0x2  }
0x5ee: {  	[tilespmem:s7+$0x1180] =	vst v33  }
0x5ef: {  	v33 =	vld.idx.msk [tilespmem:v35+s26+$0x0], $0xffff;
	[tilespmem:s23+$0x1180] =	vst v34  }
0x5f0: {  	v63 =	vadd.s32 $0xA0, v2;
	v26 =	vld.idx.msk [tilespmem:v26+s26+$0x0], $0xffff;
	_ =	sdelay $0x3  }
0x5f1: {  	[tilespmem:s7+$0x1200] =	vst v33  }
0x5f2: {  	v33 =	vld.idx.msk [tilespmem:v63+s26+$0x0], $0xffff;
	[tilespmem:s23+$0x1200] =	vst v26  }
0x5f3: {  	v36 =	vadd.s32 $0xC0, v2;
	v24 =	vld.idx.msk [tilespmem:v24+s26+$0x0], $0xffff;
	_ =	sdelay $0x3  }
0x5f4: {  	[tilespmem:s7+$0x1280] =	vst v33  }
0x5f5: {  	v26 =	vld.idx.msk [tilespmem:v36+s26+$0x0], $0xffff;
	[tilespmem:s23+$0x1280] =	vst v24  }
0x5f6: {  	v37 =	vadd.s32 $0xE0, v2;
	v23 =	vld.idx.msk [tilespmem:v23+s26+$0x0], $0xffff;
	_ =	sdelay $0x3  }
0x5f7: {  	[tilespmem:s7+$0x1300] =	vst v26  }
0x5f8: {  	v24 =	vld.idx.msk [tilespmem:v37+s26+$0x0], $0xffff;
	[tilespmem:s23+$0x1300] =	vst v23  }
0x5f9: {  	v38 =	vadd.s32 $0x100, v2;
	v22 =	vld.idx.msk [tilespmem:v22+s26+$0x0], $0xffff;
	_ =	sdelay $0x3  }
0x5fa: {  	v19 =	vld.idx.msk [tilespmem:v19+s26+$0x0], $0xffff;
	[tilespmem:s7+$0x1380] =	vst v24  }
0x5fb: {  	v23 =	vld.idx.msk [tilespmem:v38+s26+$0x0], $0xffff;
	[tilespmem:s23+$0x1380] =	vst v22  }
0x5fc: {  	v39 =	vadd.s32 $0x120, v2;
	v40 =	vld.idx.msk [tilespmem:v25+s26+$0x0], $0xffff;
	_ =	sdelay $0x1  }
0x5fd: {  	[tilespmem:s21+$0x5000] =	vst v31  }
0x5fe: {  	v41 =	vld.idx.msk [tilespmem:v32+s26+$0x0], $0xffff;
	[tilespmem:s6+$0x5000] =	vst v19  }
0x5ff: {  	v42 =	vadd.s32 $0x140, v1;
	v17 =	vld.idx.msk [tilespmem:v17+s26+$0x0], $0xffff;
	[tilespmem:s7+$0x5000] =	vst v23  }
0x600: {  	v22 =	vld.idx.msk [tilespmem:v39+s26+$0x0], $0xffff;
	[tilespmem:s23+$0x5000] =	vst v40  }
0x601: {  	v43 =	vadd.s32 $0x140, v2;
	v21 =	vld.idx.msk [tilespmem:v21+s26+$0x0], $0xffff;
	_ =	sdelay $0x1  }
0x602: {  	[tilespmem:s21+$0x5080] =	vst v41  }
0x603: {  	v19 =	vld.idx.msk [tilespmem:v42+s26+$0x0], $0xffff;
	[tilespmem:s6+$0x5080] =	vst v17  }
0x604: {  	v44 =	vadd.s32 $0x160, v1;
	v15 =	vld.idx.msk [tilespmem:v15+s26+$0x0], $0xffff;
	[tilespmem:s7+$0x5080] =	vst v22  }
0x605: {  	v22 =	vld.idx.msk [tilespmem:v43+s26+$0x0], $0xffff;
	[tilespmem:s23+$0x5080] =	vst v21  }
0x606: {  	v45 =	vadd.s32 $0x160, v2;
	v20 =	vld.idx.msk [tilespmem:v20+s26+$0x0], $0xffff;
	_ =	sdelay $0x1  }
0x607: {  	[tilespmem:s21+$0x5100] =	vst v19  }
0x608: {  	v17 =	vld.idx.msk [tilespmem:v44+s26+$0x0], $0xffff;
	[tilespmem:s6+$0x5100] =	vst v15  }
0x609: {  	v46 =	vadd.s32 $0x180, v1;
	v14 =	vld.idx.msk [tilespmem:v14+s26+$0x0], $0xffff;
	[tilespmem:s7+$0x5100] =	vst v22  }
0x60a: {  	v47 =	vld.idx.msk [tilespmem:v45+s26+$0x0], $0xffff;
	[tilespmem:s23+$0x5100] =	vst v20  }
0x60b: {  	v48 =	vadd.s32 $0x180, v2;
	v18 =	vld.idx.msk [tilespmem:v18+s26+$0x0], $0xffff  }
0x60c: {  	[tilespmem:s20+$0x5180] =	vst v29  }
0x60d: {  	v9 =	vld.idx.msk [tilespmem:v9+s26+$0x0], $0xffff;
	[tilespmem:s21+$0x5180] =	vst v17  }
0x60e: {  	v15 =	vld.idx.msk [tilespmem:v46+s26+$0x0], $0xffff;
	[tilespmem:s6+$0x5180] =	vst v14  }
0x60f: {  	v49 =	vadd.s32 $0x1A0, v1;
	v13 =	vld.idx.msk [tilespmem:v13+s26+$0x0], $0xffff;
	[tilespmem:s7+$0x5180] =	vst v47  }
0x610: {  	v50 =	vld.idx.msk [tilespmem:v48+s26+$0x0], $0xffff;
	[tilespmem:s23+$0x5180] =	vst v18  }
0x611: {  	v51 =	vadd.s32 $0x1A0, v2;
	[tilespmem:s16+$0x5280] =	vst v30;
	v16 =	vld.idx.msk [tilespmem:v16+s26+$0x0], $0xffff  }
0x612: {  	[tilespmem:s20+$0x5200] =	vst v9  }
0x613: {  	v6 =	vld.idx.msk [tilespmem:v6+s26+$0x0], $0xffff;
	[tilespmem:s21+$0x5200] =	vst v15  }
0x614: {  	v52 =	vld.idx.msk [tilespmem:v49+s26+$0x0], $0xffff;
	[tilespmem:s6+$0x5200] =	vst v13  }
0x615: {  	v53 =	vadd.s32 $0x1C0, v1;
	v10 =	vld.idx.msk [tilespmem:v10+s26+$0x0], $0xffff;
	[tilespmem:s7+$0x5200] =	vst v50  }
0x616: {  	v54 =	vld.idx.msk [tilespmem:v51+s26+$0x0], $0xffff;
	[tilespmem:s23+$0x5200] =	vst v16  }
0x617: {  	v55 =	vadd.s32 $0x1C0, v2;
	[tilespmem:s15+$0x5380] =	vst v28;
	v12 =	vld.idx.msk [tilespmem:v12+s26+$0x0], $0xffff  }
0x618: {  	v56 =	vld.idx.msk [tilespmem:v27+s26+$0x0], $0xffff;
	[tilespmem:s20+$0x5280] =	vst v6  }
0x619: {  	v0 =	vadd.s32 $0x1E0, v0;
	v4 =	vld.idx.msk [tilespmem:v4+s26+$0x0], $0xffff;
	[tilespmem:s21+$0x5280] =	vst v52  }
0x61a: {  	v57 =	vld.idx.msk [tilespmem:v53+s26+$0x0], $0xffff;
	[tilespmem:s6+$0x5280] =	vst v10  }
0x61b: {  	v58 =	vadd.s32 $0x1E0, v1;
	v7 =	vld.idx.msk [tilespmem:v7+s26+$0x0], $0xffff;
	[tilespmem:s7+$0x5280] =	vst v54  }
0x61c: {  	v59 =	vld.idx.msk [tilespmem:v55+s26+$0x0], $0xffff;
	[tilespmem:s23+$0x5280] =	vst v12  }
0x61d: {  	v60 =	vadd.s32 $0x1E0, v2;
	[tilespmem:s16+$0x5300] =	vst v56;
	v61 =	vld.idx.msk [tilespmem:v11+s26+$0x0], $0xffff  }
0x61e: {  	v0 =	vld.idx.msk [tilespmem:v0+s26+$0x0], $0xffff;
	[tilespmem:s20+$0x5300] =	vst v4  }
0x61f: {  	v3 =	vld.idx.msk [tilespmem:v3+s26+$0x0], $0xffff;
	[tilespmem:s21+$0x5300] =	vst v57  }
0x620: {  	v1 =	vld.idx.msk [tilespmem:v58+s26+$0x0], $0xffff;
	[tilespmem:s6+$0x5300] =	vst v7  }
0x621: {  	v62 =	vld.idx.msk [tilespmem:v5+s26+$0x0], $0xffff;
	[tilespmem:s7+$0x5300] =	vst v59  }
0x622: {  	v2 =	vld.idx.msk [tilespmem:v60+s26+$0x0], $0xffff;
	[tilespmem:s23+$0x5300] =	vst v61  }
0x623: {  	[tilespmem:s16+$0x5380] =	vst v0;
	v63 =	vld.idx.msk [tilespmem:v8+s26+$0x0], $0xffff  }
0x624: {  	[tilespmem:s20+$0x5380] =	vst v3  }
0x625: {  	[tilespmem:s21+$0x5380] =	vst v1  }
0x626: {  	[tilespmem:s6+$0x5380] =	vst v62  }
0x627: {  	[tilespmem:s7+$0x5380] =	vst v2  }
0x628: {  	[tilespmem:s23+$0x5380] =	vst v63  }
0x629: {  	s5 =	simm.s32 $0x1000;
	s2 =	rddreg [dreg:$0x12]  }
0x62a: {  	[hbm4b:s2+s4] =	stream.linear.scatter [tilespmem:s5], [sflag:$0x3], $0x4000, $0x38;
	[tilespmem:$0x11200] =	vst v63  }
0x62b: {  	s28 =	simm.s32 $0x5000;
	s25 =	rddreg [dreg:$0x13]  }
0x62c: {  	[hbm4b:s25+s4] =	stream.linear.scatter [tilespmem:s28], [sflag:$0x4], $0x4000, $0x38;
	[tilespmem:$0x11200] =	vst v63  }
0x62d: {  	_ =	swait.ge [sflag:s12], $0x4000  }
0x62e: {  	[sflag:s12] =	ssyncset.done $0x0  }
0x62f: {  	[sflag:s12] =	ssyncadd.s32 $0xFFFFC000  }
0x630: {  	_ =	swait.ge [sflag:s13], $0x4000  }
0x631: {  	[sflag:s13] =	ssyncset.done $0x0  }
0x632: {  	[sflag:s13] =	ssyncadd.s32 $0xFFFFC000  }
0x633: {  	_ =	swait.ge [sflag:s9], $0x4000  }
0x634: {  	[sflag:s9] =	ssyncset.done $0x0  }
0x635: {  	[sflag:s9] =	ssyncadd.s32 $0xFFFFC000  }
0x636: {  	_ =	swait.ge [sflag:s10], $0x4000  }
0x637: {  	s30 =	rddreg [dreg:$0x15]  }
0x638: {  	s31 =	rddreg [dreg:$0x14];
	s5 =	sadd.s32 $0x1, s30  }
0x639: {  	p0 =	sne.s32 s5, s31  }
.Ltmp8:
0x63a: {  	_ = 	snop;
	(pc) =	sbr.rel @p0 .LBB2_1-.Ltmp8, $3  }
0x63b: {  	_ =	sdelay $0x1  }
0x63c: {  	[sflag:s10] =	ssyncset.done $0x0  }
0x63d: {  	[sflag:s10] =	ssyncadd.s32 $0xFFFFC000  }
0x63e: {  	_ =	sfence.sel $0x180000  }
0x63f: {  	[bflag:$0x0] =	sbarrier.arrive $0xFFFF  }
0x640: {  	_ =	strace $0x90000047  }
0x641: {  	s0 =	stileid.u32;
	[bflag:$0x2] =	sbarrier.arrive $0xFFFF  }
0x642: {  	p0 =	sne.s32 s0, $0x0;
	s0 =	rddreg [dreg:$0x3]  }
0x643: {  	s0 =	sadd.s32 @!p0 $0x100000, s0  }
0x644: {  	[sflag:s0] =	ssyncadd.tile.s32 @!p0 $0x1;
	_ =	shalt  }
.Lfunc_end2:
_tile_overlayer_lowered:
.L_overlay_start_2:
0x645: {  	(tag) =	ssettag $0x2  }
0x646: {  	s0 =	rddreg [dreg:$0x0];
	s2 =	stileid.u32  }
0x647: {  	s1 =	rddreg [dreg:$0x1];
	p0 =	sne.s32 s2, $0x0  }
0x648: {  	s3 =	rddreg [dreg:$0x2];
	[bflag:$0x3] =	sbarrier.arrive $0xFFFF;
	s2 =	simm.s32 @!p0 $0x1C07  }
0x649: {  	[timem:s3], [sflag:s2] =	dma.local @!p0 [hbm:s0], s1  }
0x64a: {  	s0 =	simm.s32 @!p0 $0x7  }
0x64b: {  	_ =	swait.ge @!p0 [sflag:s0], s1  }
0x64c: {  	s1 =	ssub.s32 @!p0 $0x0, s1;
	[sflag:s0] =	ssyncset.done @!p0 $0x0  }
0x64d: {  	[sflag:s0] =	ssyncadd.s32 @!p0 s1  }
0x64e: {  	[bflag:$0x3] =	sbarrier.arrive $0xFFFF  }
0x64f: {  	_ =	shalt  }

</sc_bundles>
